<compile_context>
chip_gen: v7x
topology: tpu7x:2x2x1
jax: 0.10.2.dev20260603
libtpu: 0.0.44.dev20260713+nightly
codegen_flags: <defaults>
</compile_context>

<pallas_src>
import functools

import jax
import jax.numpy as jnp
from jax import lax
from jax.experimental import pallas as pl
from jax.experimental.pallas import tpu as pltpu
from jax.experimental.pallas import tpu_sc as plsc

BATCH = 16384
DIM = 32
LANES = 16
NUM_CORES = 2
NUM_SUBCORES = 16
NUM_WORKERS = NUM_CORES * NUM_SUBCORES
B_PER_W = BATCH // NUM_WORKERS
DEPTH = 8

GROUP_ITERS = LANES // DEPTH

_MESH = plsc.VectorSubcoreMesh(core_axis_name="c", subcore_axis_name="s")
_CP = pltpu.CompilerParams(needs_layout_passes=False)


@functools.partial(
    pl.kernel,
    out_type=jax.ShapeDtypeStruct((BATCH,), jnp.float32),
    mesh=_MESH,
    compiler_params=_CP,
    scratch_types=[
        pltpu.VMEM((DEPTH, DIM, 128), jnp.float32),
        pltpu.VMEM((DEPTH, DIM, 128), jnp.float32),
        pltpu.VMEM((LANES, LANES), jnp.float32),
        pltpu.VMEM((B_PER_W,), jnp.float32),
        pltpu.VMEM((B_PER_W + LANES,), jnp.int32),
        pltpu.VMEM((B_PER_W + LANES,), jnp.int32),
    ] + [pltpu.SemaphoreType.DMA] * (2 * DEPTH),
)
def _two_tower_sc(uids_hbm, iids_hbm, utabT_hbm, itabT_hbm, out_hbm,
                  ublk_v, iblk_v, pbuf_v, out_v,
                  uids_v, iids_v, *sems):
    usem = sems[:DEPTH]
    isem = sems[DEPTH:]
    wid = lax.axis_index("s") * NUM_CORES + lax.axis_index("c")
    base = wid * B_PER_W

    pltpu.sync_copy(uids_hbm.at[pl.ds(base, B_PER_W)], uids_v.at[pl.ds(0, B_PER_W)])
    pltpu.sync_copy(iids_hbm.at[pl.ds(base, B_PER_W)], iids_v.at[pl.ds(0, B_PER_W)])

    def issue(j, r):
        uid = uids_v[pl.ds(j, LANES)][0]
        iid = iids_v[pl.ds(j, LANES)][0]
        ub = pl.multiple_of(uid & ~127, 128)
        ib = pl.multiple_of(iid & ~127, 128)
        for t in range(4):
            rows = pl.ds(8 * t, 8)
            pltpu.async_copy(utabT_hbm.at[rows, pl.ds(ub, 128)],
                             ublk_v.at[r, rows], usem[r])
            pltpu.async_copy(itabT_hbm.at[rows, pl.ds(ib, 128)],
                             iblk_v.at[r, rows], isem[r])

    for r in range(DEPTH):
        issue(r, r)

    iota = lax.iota(jnp.int32, LANES)
    niters = B_PER_W // DEPTH

    @pl.loop(0, niters)
    def _(jj):
        for r in range(DEPTH):
            j = jj * DEPTH + r
            pltpu.make_async_copy(
                utabT_hbm.at[:, pl.ds(0, 128)], ublk_v.at[r], usem[r]).wait()
            pltpu.make_async_copy(
                itabT_hbm.at[:, pl.ds(0, 128)], iblk_v.at[r], isem[r]).wait()

            ul = jnp.full((LANES,), uids_v[pl.ds(j, LANES)][0] & 127, jnp.int32)
            il = jnp.full((LANES,), iids_v[pl.ds(j, LANES)][0] & 127, jnp.int32)
            rr = jnp.full((LANES,), r, jnp.int32)
            u0 = plsc.load_gather(ublk_v, [rr, iota, ul])
            u1 = plsc.load_gather(ublk_v, [rr, iota + LANES, ul])
            i0 = plsc.load_gather(iblk_v, [rr, iota, il])
            i1 = plsc.load_gather(iblk_v, [rr, iota + LANES, il])
            p = u0 * i0 + u1 * i1

            row = (jj % GROUP_ITERS) * DEPTH + r
            pbuf_v[row] = p

            @pl.when(jj < niters - 1)
            def _():
                issue(j + DEPTH, r)

            if r == DEPTH - 1:
                @pl.when(jj % GROUP_ITERS == GROUP_ITERS - 1)
                def _():
                    acc = jnp.zeros((LANES,), jnp.float32)
                    for d in range(LANES):
                        acc = acc + plsc.load_gather(
                            pbuf_v, [iota, jnp.full((LANES,), d, jnp.int32)])
                    g0 = (jj - (GROUP_ITERS - 1)) * DEPTH
                    out_v[pl.ds(g0, LANES)] = acc

    pltpu.sync_copy(out_v, out_hbm.at[pl.ds(base, B_PER_W)])


def kernel(user_ids, item_ids, user_table, item_table):
    user_ids = user_ids.astype(jnp.int32)
    item_ids = item_ids.astype(jnp.int32)
    return _two_tower_sc(user_ids, item_ids, user_table.T, item_table.T)

# --- scband reference (transcript-rebuilt; emitter-appended) ---
"""Pipeline reference for scband-two-tower-model-32435593019851 (READ-ONLY COPY).

The authoritative reference and input builder live on the scoring server;
editing this copy changes nothing except your own understanding.
"""

import jax, jax.numpy as jnp
import numpy as np

NUM_USERS = 1000000
NUM_ITEMS = 1000000
EMBED_DIM = 32
BATCH = 16384

def setup_inputs(seed: int = 0) -> dict:
    key = jax.random.key(seed)
    k1, k2, k3, k4 = jax.random.split(key, 4)
    user_ids = jax.random.randint(k1, (BATCH,), 0, NUM_USERS, dtype=jnp.int64) if jax.config.jax_enable_x64 else jax.random.randint(k1, (BATCH,), 0, NUM_USERS, dtype=jnp.int32)
    item_ids = jax.random.randint(k2, (BATCH,), 0, NUM_ITEMS, dtype=jnp.int32)
    user_table = jax.random.normal(k3, (NUM_USERS, EMBED_DIM), dtype=jnp.float32) * 0.02
    item_table = jax.random.normal(k4, (NUM_ITEMS, EMBED_DIM), dtype=jnp.float32) * 0.02
    return {"user_ids": user_ids, "item_ids": item_ids, "user_table": user_table, "item_table": item_table}

def reference(user_ids, item_ids, user_table, item_table):
    u_emb = jnp.take(user_table, user_ids, axis=0)
    i_emb = jnp.take(item_table, item_ids, axis=0)
    logit = jnp.sum(u_emb * i_emb, axis=-1)
    return logit

if __name__ == "__main__":
    import jax
    _d = setup_inputs()
    print(jax.jit(kernel)(*tuple(_d.values())))

</pallas_src>

<mosaic_0001>
#map = affine_map<(d0, d1) -> (0)>
#map1 = affine_map<(d0, d1) -> (0, 0)>
module attributes {stable_mosaic.version = 14 : i64} {
  func.func @_two_tower_sc(%arg0: i32, %arg1: i32, %arg2: memref<16384xi32, #tpu.memory_space<hbm>>, %arg3: memref<16384xi32, #tpu.memory_space<hbm>>, %arg4: memref<32x1000000xf32, #tpu.memory_space<hbm>>, %arg5: memref<32x1000000xf32, #tpu.memory_space<hbm>>, %arg6: memref<16384xf32, #tpu.memory_space<hbm>>, %arg7: memref<8x32x128xf32, #tpu.memory_space<vmem>>, %arg8: memref<8x32x128xf32, #tpu.memory_space<vmem>>, %arg9: memref<16x16xf32, #tpu.memory_space<vmem>>, %arg10: memref<512xf32, #tpu.memory_space<vmem>>, %arg11: memref<528xi32, #tpu.memory_space<vmem>>, %arg12: memref<528xi32, #tpu.memory_space<vmem>>, %arg13: memref<!tpu.dma_semaphore, #tpu.memory_space<semaphore_mem>>, %arg14: memref<!tpu.dma_semaphore, #tpu.memory_space<semaphore_mem>>, %arg15: memref<!tpu.dma_semaphore, #tpu.memory_space<semaphore_mem>>, %arg16: memref<!tpu.dma_semaphore, #tpu.memory_space<semaphore_mem>>, %arg17: memref<!tpu.dma_semaphore, #tpu.memory_space<semaphore_mem>>, %arg18: memref<!tpu.dma_semaphore, #tpu.memory_space<semaphore_mem>>, %arg19: memref<!tpu.dma_semaphore, #tpu.memory_space<semaphore_mem>>, %arg20: memref<!tpu.dma_semaphore, #tpu.memory_space<semaphore_mem>>, %arg21: memref<!tpu.dma_semaphore, #tpu.memory_space<semaphore_mem>>, %arg22: memref<!tpu.dma_semaphore, #tpu.memory_space<semaphore_mem>>, %arg23: memref<!tpu.dma_semaphore, #tpu.memory_space<semaphore_mem>>, %arg24: memref<!tpu.dma_semaphore, #tpu.memory_space<semaphore_mem>>, %arg25: memref<!tpu.dma_semaphore, #tpu.memory_space<semaphore_mem>>, %arg26: memref<!tpu.dma_semaphore, #tpu.memory_space<semaphore_mem>>, %arg27: memref<!tpu.dma_semaphore, #tpu.memory_space<semaphore_mem>>, %arg28: memref<!tpu.dma_semaphore, #tpu.memory_space<semaphore_mem>>) attributes {dimension_semantics = [#tpu.dimension_semantics<core_parallel>, #tpu.dimension_semantics<subcore_parallel>], iteration_bounds = array<i64: 2, 16>, scalar_prefetch = 0 : i64, scratch_operands = 22 : i64, tpu.core_type = #tpu.core_type<sc_vector_subcore>, window_params = [{transform_indices = #map}, {transform_indices = #map}, {transform_indices = #map1}, {transform_indices = #map1}, {transform_indices = #map}]} {
    %mul3A = arith.constant 2 : i32
    %mul3A_0 = arith.muli %arg1, %mul3A : i32
    %add3A = arith.addi %mul3A_0, %arg0 : i32
    %mul3A_1 = arith.constant 512 : i32
    %mul3A_2 = arith.muli %add3A, %mul3A_1 : i32
    "tpu.region"() ({
      %run_scoped3A = tpu.sem_alloc : memref<!tpu.dma_semaphore, #tpu.memory_space<semaphore_mem>>
      %dma_start3A_945 = arith.constant 0 : i32
      %dma_start3A_946 = tpu.memref_slice %arg11[%dma_start3A_945] : memref<528xi32, #tpu.memory_space<vmem>> -> memref<512xi32, #tpu.memory_space<vmem>>
      %dma_start3A_947 = tpu.memref_slice %arg2[%mul3A_2] : memref<16384xi32, #tpu.memory_space<hbm>> -> memref<512xi32, #tpu.memory_space<hbm>>
      %dma_start3A_948 = arith.constant 0 : i32
      %dma_start3A_949 = tpu.memref_slice %arg11[%dma_start3A_948] : memref<528xi32, #tpu.memory_space<vmem>> -> memref<512xi32, #tpu.memory_space<vmem>>
      %dma_start3A_950 = tpu.memref_slice %arg2[%mul3A_2] : memref<16384xi32, #tpu.memory_space<hbm>> -> memref<512xi32, #tpu.memory_space<hbm>>
      tpu.enqueue_dma source(%dma_start3A_950 : memref<512xi32, #tpu.memory_space<hbm>>) target(%dma_start3A_949 : memref<512xi32, #tpu.memory_space<vmem>>) target_semaphore(%run_scoped3A : memref<!tpu.dma_semaphore, #tpu.memory_space<semaphore_mem>>)
      %dma_wait3A = arith.constant 0 : i32
      %dma_wait3A_951 = tpu.memref_slice %arg11[%dma_wait3A] : memref<528xi32, #tpu.memory_space<vmem>> -> memref<512xi32, #tpu.memory_space<vmem>>
      %dma_wait3A_952 = tpu.memref_slice %arg2[%mul3A_2] : memref<16384xi32, #tpu.memory_space<hbm>> -> memref<512xi32, #tpu.memory_space<hbm>>
      %dma_wait3A_953 = arith.constant 0 : i32
      %dma_wait3A_954 = tpu.memref_slice %arg11[%dma_wait3A_953] : memref<528xi32, #tpu.memory_space<vmem>> -> memref<512xi32, #tpu.memory_space<vmem>>
      %dma_wait3A_955 = tpu.memref_slice %arg2[%mul3A_2] : memref<16384xi32, #tpu.memory_space<hbm>> -> memref<512xi32, #tpu.memory_space<hbm>>
      tpu.wait_dma2 semaphore(%run_scoped3A : memref<!tpu.dma_semaphore, #tpu.memory_space<semaphore_mem>>) src(%dma_wait3A_955 : memref<512xi32, #tpu.memory_space<hbm>>) dst(%dma_wait3A_954 : memref<512xi32, #tpu.memory_space<vmem>>)
      tpu.yield
    }) : () -> ()
    "tpu.region"() ({
      %run_scoped3A = tpu.sem_alloc : memref<!tpu.dma_semaphore, #tpu.memory_space<semaphore_mem>>
      %dma_start3A_945 = arith.constant 0 : i32
      %dma_start3A_946 = tpu.memref_slice %arg12[%dma_start3A_945] : memref<528xi32, #tpu.memory_space<vmem>> -> memref<512xi32, #tpu.memory_space<vmem>>
      %dma_start3A_947 = tpu.memref_slice %arg3[%mul3A_2] : memref<16384xi32, #tpu.memory_space<hbm>> -> memref<512xi32, #tpu.memory_space<hbm>>
      %dma_start3A_948 = arith.constant 0 : i32
      %dma_start3A_949 = tpu.memref_slice %arg12[%dma_start3A_948] : memref<528xi32, #tpu.memory_space<vmem>> -> memref<512xi32, #tpu.memory_space<vmem>>
      %dma_start3A_950 = tpu.memref_slice %arg3[%mul3A_2] : memref<16384xi32, #tpu.memory_space<hbm>> -> memref<512xi32, #tpu.memory_space<hbm>>
      tpu.enqueue_dma source(%dma_start3A_950 : memref<512xi32, #tpu.memory_space<hbm>>) target(%dma_start3A_949 : memref<512xi32, #tpu.memory_space<vmem>>) target_semaphore(%run_scoped3A : memref<!tpu.dma_semaphore, #tpu.memory_space<semaphore_mem>>)
      %dma_wait3A = arith.constant 0 : i32
      %dma_wait3A_951 = tpu.memref_slice %arg12[%dma_wait3A] : memref<528xi32, #tpu.memory_space<vmem>> -> memref<512xi32, #tpu.memory_space<vmem>>
      %dma_wait3A_952 = tpu.memref_slice %arg3[%mul3A_2] : memref<16384xi32, #tpu.memory_space<hbm>> -> memref<512xi32, #tpu.memory_space<hbm>>
      %dma_wait3A_953 = arith.constant 0 : i32
      %dma_wait3A_954 = tpu.memref_slice %arg12[%dma_wait3A_953] : memref<528xi32, #tpu.memory_space<vmem>> -> memref<512xi32, #tpu.memory_space<vmem>>
      %dma_wait3A_955 = tpu.memref_slice %arg3[%mul3A_2] : memref<16384xi32, #tpu.memory_space<hbm>> -> memref<512xi32, #tpu.memory_space<hbm>>
      tpu.wait_dma2 semaphore(%run_scoped3A : memref<!tpu.dma_semaphore, #tpu.memory_space<semaphore_mem>>) src(%dma_wait3A_955 : memref<512xi32, #tpu.memory_space<hbm>>) dst(%dma_wait3A_954 : memref<512xi32, #tpu.memory_space<vmem>>)
      tpu.yield
    }) : () -> ()
    %get3A = arith.constant 0 : index
    %get3A_3 = tpu.vector_load %arg11[%get3A] {strides = array<i32>} : memref<528xi32, #tpu.memory_space<vmem>>, vector<16xi32>,
    %slice3A = vector.extract_strided_slice %get3A_3 {offsets = [0], sizes = [1], strides = [1]} : vector<16xi32> to vector<1xi32>
    %squeeze3A = vector.extract %slice3A[0] : i32 from vector<1xi32>
    %get3A_4 = arith.constant 0 : index
    %get3A_5 = tpu.vector_load %arg12[%get3A_4] {strides = array<i32>} : memref<528xi32, #tpu.memory_space<vmem>>, vector<16xi32>,
    %slice3A_6 = vector.extract_strided_slice %get3A_5 {offsets = [0], sizes = [1], strides = [1]} : vector<16xi32> to vector<1xi32>
    %squeeze3A_7 = vector.extract %slice3A_6[0] : i32 from vector<1xi32>
    %and3A = arith.constant -128 : i32
    %and3A_8 = arith.andi %squeeze3A, %and3A : i32
    %multiple_of3A = tpu.assume_multiple %and3A_8, 128 : i32
    %and3A_9 = arith.constant -128 : i32
    %and3A_10 = arith.andi %squeeze3A_7, %and3A_9 : i32
    %multiple_of3A_11 = tpu.assume_multiple %and3A_10, 128 : i32
    %dma_start3A = arith.constant 0 : i32
    %dma_start3A_12 = arith.constant 0 : i32
    %dma_start3A_13 = arith.constant 0 : i32
    %dma_start3A_14 = tpu.memref_slice %arg7[%dma_start3A, %dma_start3A_12, %dma_start3A_13] : memref<8x32x128xf32, #tpu.memory_space<vmem>> -> memref<1x8x128xf32, #tpu.memory_space<vmem>>
    %dma_start3A_15 = tpu.memref_squeeze %dma_start3A_14 : memref<1x8x128xf32, #tpu.memory_space<vmem>> -> memref<8x128xf32, #tpu.memory_space<vmem>>
    %dma_start3A_16 = arith.constant 0 : i32
    %dma_start3A_17 = tpu.memref_slice %arg4[%dma_start3A_16, %multiple_of3A] : memref<32x1000000xf32, #tpu.memory_space<hbm>> -> memref<8x128xf32, #tpu.memory_space<hbm>>
    %dma_start3A_18 = arith.constant 0 : i32
    %dma_start3A_19 = arith.constant 0 : i32
    %dma_start3A_20 = tpu.memref_slice %arg7[%dma_start3A, %dma_start3A_18, %dma_start3A_19] : memref<8x32x128xf32, #tpu.memory_space<vmem>> -> memref<1x8x128xf32, #tpu.memory_space<vmem>>
    %dma_start3A_21 = tpu.memref_squeeze %dma_start3A_20 : memref<1x8x128xf32, #tpu.memory_space<vmem>> -> memref<8x128xf32, #tpu.memory_space<vmem>>
    %dma_start3A_22 = arith.constant 0 : i32
    %dma_start3A_23 = tpu.memref_slice %arg4[%dma_start3A_22, %multiple_of3A] : memref<32x1000000xf32, #tpu.memory_space<hbm>> -> memref<8x128xf32, #tpu.memory_space<hbm>>
    tpu.enqueue_dma source(%dma_start3A_23 : memref<8x128xf32, #tpu.memory_space<hbm>>) target(%dma_start3A_21 : memref<8x128xf32, #tpu.memory_space<vmem>>) target_semaphore(%arg13 : memref<!tpu.dma_semaphore, #tpu.memory_space<semaphore_mem>>)
    %dma_start3A_24 = arith.constant 0 : i32
    %dma_start3A_25 = arith.constant 0 : i32
    %dma_start3A_26 = arith.constant 0 : i32
    %dma_start3A_27 = tpu.memref_slice %arg8[%dma_start3A_24, %dma_start3A_25, %dma_start3A_26] : memref<8x32x128xf32, #tpu.memory_space<vmem>> -> memref<1x8x128xf32, #tpu.memory_space<vmem>>
    %dma_start3A_28 = tpu.memref_squeeze %dma_start3A_27 : memref<1x8x128xf32, #tpu.memory_space<vmem>> -> memref<8x128xf32, #tpu.memory_space<vmem>>
    %dma_start3A_29 = arith.constant 0 : i32
    %dma_start3A_30 = tpu.memref_slice %arg5[%dma_start3A_29, %multiple_of3A_11] : memref<32x1000000xf32, #tpu.memory_space<hbm>> -> memref<8x128xf32, #tpu.memory_space<hbm>>
    %dma_start3A_31 = arith.constant 0 : i32
    %dma_start3A_32 = arith.constant 0 : i32
    %dma_start3A_33 = tpu.memref_slice %arg8[%dma_start3A_24, %dma_start3A_31, %dma_start3A_32] : memref<8x32x128xf32, #tpu.memory_space<vmem>> -> memref<1x8x128xf32, #tpu.memory_space<vmem>>
    %dma_start3A_34 = tpu.memref_squeeze %dma_start3A_33 : memref<1x8x128xf32, #tpu.memory_space<vmem>> -> memref<8x128xf32, #tpu.memory_space<vmem>>
    %dma_start3A_35 = arith.constant 0 : i32
    %dma_start3A_36 = tpu.memref_slice %arg5[%dma_start3A_35, %multiple_of3A_11] : memref<32x1000000xf32, #tpu.memory_space<hbm>> -> memref<8x128xf32, #tpu.memory_space<hbm>>
    tpu.enqueue_dma source(%dma_start3A_36 : memref<8x128xf32, #tpu.memory_space<hbm>>) target(%dma_start3A_34 : memref<8x128xf32, #tpu.memory_space<vmem>>) target_semaphore(%arg21 : memref<!tpu.dma_semaphore, #tpu.memory_space<semaphore_mem>>)
    %dma_start3A_37 = arith.constant 0 : i32
    %dma_start3A_38 = arith.constant 8 : i32
    %dma_start3A_39 = arith.constant 0 : i32
    %dma_start3A_40 = tpu.memref_slice %arg7[%dma_start3A_37, %dma_start3A_38, %dma_start3A_39] : memref<8x32x128xf32, #tpu.memory_space<vmem>> -> memref<1x8x128xf32, #tpu.memory_space<vmem>>
    %dma_start3A_41 = tpu.memref_squeeze %dma_start3A_40 : memref<1x8x128xf32, #tpu.memory_space<vmem>> -> memref<8x128xf32, #tpu.memory_space<vmem>>
    %dma_start3A_42 = arith.constant 8 : i32
    %dma_start3A_43 = tpu.memref_slice %arg4[%dma_start3A_42, %multiple_of3A] : memref<32x1000000xf32, #tpu.memory_space<hbm>> -> memref<8x128xf32, #tpu.memory_space<hbm>>
    %dma_start3A_44 = arith.constant 8 : i32
    %dma_start3A_45 = arith.constant 0 : i32
    %dma_start3A_46 = tpu.memref_slice %arg7[%dma_start3A_37, %dma_start3A_44, %dma_start3A_45] : memref<8x32x128xf32, #tpu.memory_space<vmem>> -> memref<1x8x128xf32, #tpu.memory_space<vmem>>
    %dma_start3A_47 = tpu.memref_squeeze %dma_start3A_46 : memref<1x8x128xf32, #tpu.memory_space<vmem>> -> memref<8x128xf32, #tpu.memory_space<vmem>>
    %dma_start3A_48 = arith.constant 8 : i32
    %dma_start3A_49 = tpu.memref_slice %arg4[%dma_start3A_48, %multiple_of3A] : memref<32x1000000xf32, #tpu.memory_space<hbm>> -> memref<8x128xf32, #tpu.memory_space<hbm>>
    tpu.enqueue_dma source(%dma_start3A_49 : memref<8x128xf32, #tpu.memory_space<hbm>>) target(%dma_start3A_47 : memref<8x128xf32, #tpu.memory_space<vmem>>) target_semaphore(%arg13 : memref<!tpu.dma_semaphore, #tpu.memory_space<semaphore_mem>>)
    %dma_start3A_50 = arith.constant 0 : i32
    %dma_start3A_51 = arith.constant 8 : i32
    %dma_start3A_52 = arith.constant 0 : i32
    %dma_start3A_53 = tpu.memref_slice %arg8[%dma_start3A_50, %dma_start3A_51, %dma_start3A_52] : memref<8x32x128xf32, #tpu.memory_space<vmem>> -> memref<1x8x128xf32, #tpu.memory_space<vmem>>
    %dma_start3A_54 = tpu.memref_squeeze %dma_start3A_53 : memref<1x8x128xf32, #tpu.memory_space<vmem>> -> memref<8x128xf32, #tpu.memory_space<vmem>>
    %dma_start3A_55 = arith.constant 8 : i32
    %dma_start3A_56 = tpu.memref_slice %arg5[%dma_start3A_55, %multiple_of3A_11] : memref<32x1000000xf32, #tpu.memory_space<hbm>> -> memref<8x128xf32, #tpu.memory_space<hbm>>
    %dma_start3A_57 = arith.constant 8 : i32
    %dma_start3A_58 = arith.constant 0 : i32
    %dma_start3A_59 = tpu.memref_slice %arg8[%dma_start3A_50, %dma_start3A_57, %dma_start3A_58] : memref<8x32x128xf32, #tpu.memory_space<vmem>> -> memref<1x8x128xf32, #tpu.memory_space<vmem>>
    %dma_start3A_60 = tpu.memref_squeeze %dma_start3A_59 : memref<1x8x128xf32, #tpu.memory_space<vmem>> -> memref<8x128xf32, #tpu.memory_space<vmem>>
    %dma_start3A_61 = arith.constant 8 : i32
    %dma_start3A_62 = tpu.memref_slice %arg5[%dma_start3A_61, %multiple_of3A_11] : memref<32x1000000xf32, #tpu.memory_space<hbm>> -> memref<8x128xf32, #tpu.memory_space<hbm>>
    tpu.enqueue_dma source(%dma_start3A_62 : memref<8x128xf32, #tpu.memory_space<hbm>>) target(%dma_start3A_60 : memref<8x128xf32, #tpu.memory_space<vmem>>) target_semaphore(%arg21 : memref<!tpu.dma_semaphore, #tpu.memory_space<semaphore_mem>>)
    %dma_start3A_63 = arith.constant 0 : i32
    %dma_start3A_64 = arith.constant 16 : i32
    %dma_start3A_65 = arith.constant 0 : i32
    %dma_start3A_66 = tpu.memref_slice %arg7[%dma_start3A_63, %dma_start3A_64, %dma_start3A_65] : memref<8x32x128xf32, #tpu.memory_space<vmem>> -> memref<1x8x128xf32, #tpu.memory_space<vmem>>
    %dma_start3A_67 = tpu.memref_squeeze %dma_start3A_66 : memref<1x8x128xf32, #tpu.memory_space<vmem>> -> memref<8x128xf32, #tpu.memory_space<vmem>>
    %dma_start3A_68 = arith.constant 16 : i32
    %dma_start3A_69 = tpu.memref_slice %arg4[%dma_start3A_68, %multiple_of3A] : memref<32x1000000xf32, #tpu.memory_space<hbm>> -> memref<8x128xf32, #tpu.memory_space<hbm>>
    %dma_start3A_70 = arith.constant 16 : i32
    %dma_start3A_71 = arith.constant 0 : i32
    %dma_start3A_72 = tpu.memref_slice %arg7[%dma_start3A_63, %dma_start3A_70, %dma_start3A_71] : memref<8x32x128xf32, #tpu.memory_space<vmem>> -> memref<1x8x128xf32, #tpu.memory_space<vmem>>
    %dma_start3A_73 = tpu.memref_squeeze %dma_start3A_72 : memref<1x8x128xf32, #tpu.memory_space<vmem>> -> memref<8x128xf32, #tpu.memory_space<vmem>>
    %dma_start3A_74 = arith.constant 16 : i32
    %dma_start3A_75 = tpu.memref_slice %arg4[%dma_start3A_74, %multiple_of3A] : memref<32x1000000xf32, #tpu.memory_space<hbm>> -> memref<8x128xf32, #tpu.memory_space<hbm>>
    tpu.enqueue_dma source(%dma_start3A_75 : memref<8x128xf32, #tpu.memory_space<hbm>>) target(%dma_start3A_73 : memref<8x128xf32, #tpu.memory_space<vmem>>) target_semaphore(%arg13 : memref<!tpu.dma_semaphore, #tpu.memory_space<semaphore_mem>>)
    %dma_start3A_76 = arith.constant 0 : i32
    %dma_start3A_77 = arith.constant 16 : i32
    %dma_start3A_78 = arith.constant 0 : i32
    %dma_start3A_79 = tpu.memref_slice %arg8[%dma_start3A_76, %dma_start3A_77, %dma_start3A_78] : memref<8x32x128xf32, #tpu.memory_space<vmem>> -> memref<1x8x128xf32, #tpu.memory_space<vmem>>
    %dma_start3A_80 = tpu.memref_squeeze %dma_start3A_79 : memref<1x8x128xf32, #tpu.memory_space<vmem>> -> memref<8x128xf32, #tpu.memory_space<vmem>>
    %dma_start3A_81 = arith.constant 16 : i32
    %dma_start3A_82 = tpu.memref_slice %arg5[%dma_start3A_81, %multiple_of3A_11] : memref<32x1000000xf32, #tpu.memory_space<hbm>> -> memref<8x128xf32, #tpu.memory_space<hbm>>
    %dma_start3A_83 = arith.constant 16 : i32
    %dma_start3A_84 = arith.constant 0 : i32
    %dma_start3A_85 = tpu.memref_slice %arg8[%dma_start3A_76, %dma_start3A_83, %dma_start3A_84] : memref<8x32x128xf32, #tpu.memory_space<vmem>> -> memref<1x8x128xf32, #tpu.memory_space<vmem>>
    %dma_start3A_86 = tpu.memref_squeeze %dma_start3A_85 : memref<1x8x128xf32, #tpu.memory_space<vmem>> -> memref<8x128xf32, #tpu.memory_space<vmem>>
    %dma_start3A_87 = arith.constant 16 : i32
    %dma_start3A_88 = tpu.memref_slice %arg5[%dma_start3A_87, %multiple_of3A_11] : memref<32x1000000xf32, #tpu.memory_space<hbm>> -> memref<8x128xf32, #tpu.memory_space<hbm>>
    tpu.enqueue_dma source(%dma_start3A_88 : memref<8x128xf32, #tpu.memory_space<hbm>>) target(%dma_start3A_86 : memref<8x128xf32, #tpu.memory_space<vmem>>) target_semaphore(%arg21 : memref<!tpu.dma_semaphore, #tpu.memory_space<semaphore_mem>>)
    %dma_start3A_89 = arith.constant 0 : i32
    %dma_start3A_90 = arith.constant 24 : i32
    %dma_start3A_91 = arith.constant 0 : i32
    %dma_start3A_92 = tpu.memref_slice %arg7[%dma_start3A_89, %dma_start3A_90, %dma_start3A_91] : memref<8x32x128xf32, #tpu.memory_space<vmem>> -> memref<1x8x128xf32, #tpu.memory_space<vmem>>
    %dma_start3A_93 = tpu.memref_squeeze %dma_start3A_92 : memref<1x8x128xf32, #tpu.memory_space<vmem>> -> memref<8x128xf32, #tpu.memory_space<vmem>>
    %dma_start3A_94 = arith.constant 24 : i32
    %dma_start3A_95 = tpu.memref_slice %arg4[%dma_start3A_94, %multiple_of3A] : memref<32x1000000xf32, #tpu.memory_space<hbm>> -> memref<8x128xf32, #tpu.memory_space<hbm>>
    %dma_start3A_96 = arith.constant 24 : i32
    %dma_start3A_97 = arith.constant 0 : i32
    %dma_start3A_98 = tpu.memref_slice %arg7[%dma_start3A_89, %dma_start3A_96, %dma_start3A_97] : memref<8x32x128xf32, #tpu.memory_space<vmem>> -> memref<1x8x128xf32, #tpu.memory_space<vmem>>
    %dma_start3A_99 = tpu.memref_squeeze %dma_start3A_98 : memref<1x8x128xf32, #tpu.memory_space<vmem>> -> memref<8x128xf32, #tpu.memory_space<vmem>>
    %dma_start3A_100 = arith.constant 24 : i32
    %dma_start3A_101 = tpu.memref_slice %arg4[%dma_start3A_100, %multiple_of3A] : memref<32x1000000xf32, #tpu.memory_space<hbm>> -> memref<8x128xf32, #tpu.memory_space<hbm>>
    tpu.enqueue_dma source(%dma_start3A_101 : memref<8x128xf32, #tpu.memory_space<hbm>>) target(%dma_start3A_99 : memref<8x128xf32, #tpu.memory_space<vmem>>) target_semaphore(%arg13 : memref<!tpu.dma_semaphore, #tpu.memory_space<semaphore_mem>>)
    %dma_start3A_102 = arith.constant 0 : i32
    %dma_start3A_103 = arith.constant 24 : i32
    %dma_start3A_104 = arith.constant 0 : i32
    %dma_start3A_105 = tpu.memref_slice %arg8[%dma_start3A_102, %dma_start3A_103, %dma_start3A_104] : memref<8x32x128xf32, #tpu.memory_space<vmem>> -> memref<1x8x128xf32, #tpu.memory_space<vmem>>
    %dma_start3A_106 = tpu.memref_squeeze %dma_start3A_105 : memref<1x8x128xf32, #tpu.memory_space<vmem>> -> memref<8x128xf32, #tpu.memory_space<vmem>>
    %dma_start3A_107 = arith.constant 24 : i32
    %dma_start3A_108 = tpu.memref_slice %arg5[%dma_start3A_107, %multiple_of3A_11] : memref<32x1000000xf32, #tpu.memory_space<hbm>> -> memref<8x128xf32, #tpu.memory_space<hbm>>
    %dma_start3A_109 = arith.constant 24 : i32
    %dma_start3A_110 = arith.constant 0 : i32
    %dma_start3A_111 = tpu.memref_slice %arg8[%dma_start3A_102, %dma_start3A_109, %dma_start3A_110] : memref<8x32x128xf32, #tpu.memory_space<vmem>> -> memref<1x8x128xf32, #tpu.memory_space<vmem>>
    %dma_start3A_112 = tpu.memref_squeeze %dma_start3A_111 : memref<1x8x128xf32, #tpu.memory_space<vmem>> -> memref<8x128xf32, #tpu.memory_space<vmem>>
    %dma_start3A_113 = arith.constant 24 : i32
    %dma_start3A_114 = tpu.memref_slice %arg5[%dma_start3A_113, %multiple_of3A_11] : memref<32x1000000xf32, #tpu.memory_space<hbm>> -> memref<8x128xf32, #tpu.memory_space<hbm>>
    tpu.enqueue_dma source(%dma_start3A_114 : memref<8x128xf32, #tpu.memory_space<hbm>>) target(%dma_start3A_112 : memref<8x128xf32, #tpu.memory_space<vmem>>) target_semaphore(%arg21 : memref<!tpu.dma_semaphore, #tpu.memory_space<semaphore_mem>>)
    %get3A_115 = arith.constant 1 : index
    %get3A_116 = tpu.vector_load %arg11[%get3A_115] {strides = array<i32>} : memref<528xi32, #tpu.memory_space<vmem>>, vector<16xi32>,
    %slice3A_117 = vector.extract_strided_slice %get3A_116 {offsets = [0], sizes = [1], strides = [1]} : vector<16xi32> to vector<1xi32>
    %squeeze3A_118 = vector.extract %slice3A_117[0] : i32 from vector<1xi32>
    %get3A_119 = arith.constant 1 : index
    %get3A_120 = tpu.vector_load %arg12[%get3A_119] {strides = array<i32>} : memref<528xi32, #tpu.memory_space<vmem>>, vector<16xi32>,
    %slice3A_121 = vector.extract_strided_slice %get3A_120 {offsets = [0], sizes = [1], strides = [1]} : vector<16xi32> to vector<1xi32>
    %squeeze3A_122 = vector.extract %slice3A_121[0] : i32 from vector<1xi32>
    %and3A_123 = arith.constant -128 : i32
    %and3A_124 = arith.andi %squeeze3A_118, %and3A_123 : i32
    %multiple_of3A_125 = tpu.assume_multiple %and3A_124, 128 : i32
    %and3A_126 = arith.constant -128 : i32
    %and3A_127 = arith.andi %squeeze3A_122, %and3A_126 : i32
    %multiple_of3A_128 = tpu.assume_multiple %and3A_127, 128 : i32
    %dma_start3A_129 = arith.constant 1 : i32
    %dma_start3A_130 = arith.constant 0 : i32
    %dma_start3A_131 = arith.constant 0 : i32
    %dma_start3A_132 = tpu.memref_slice %arg7[%dma_start3A_129, %dma_start3A_130, %dma_start3A_131] : memref<8x32x128xf32, #tpu.memory_space<vmem>> -> memref<1x8x128xf32, #tpu.memory_space<vmem>>
    %dma_start3A_133 = tpu.memref_squeeze %dma_start3A_132 : memref<1x8x128xf32, #tpu.memory_space<vmem>> -> memref<8x128xf32, #tpu.memory_space<vmem>>
    %dma_start3A_134 = arith.constant 0 : i32
    %dma_start3A_135 = tpu.memref_slice %arg4[%dma_start3A_134, %multiple_of3A_125] : memref<32x1000000xf32, #tpu.memory_space<hbm>> -> memref<8x128xf32, #tpu.memory_space<hbm>>
    %dma_start3A_136 = arith.constant 0 : i32
    %dma_start3A_137 = arith.constant 0 : i32
    %dma_start3A_138 = tpu.memref_slice %arg7[%dma_start3A_129, %dma_start3A_136, %dma_start3A_137] : memref<8x32x128xf32, #tpu.memory_space<vmem>> -> memref<1x8x128xf32, #tpu.memory_space<vmem>>
    %dma_start3A_139 = tpu.memref_squeeze %dma_start3A_138 : memref<1x8x128xf32, #tpu.memory_space<vmem>> -> memref<8x128xf32, #tpu.memory_space<vmem>>
    %dma_start3A_140 = arith.constant 0 : i32
    %dma_start3A_141 = tpu.memref_slice %arg4[%dma_start3A_140, %multiple_of3A_125] : memref<32x1000000xf32, #tpu.memory_space<hbm>> -> memref<8x128xf32, #tpu.memory_space<hbm>>
    tpu.enqueue_dma source(%dma_start3A_141 : memref<8x128xf32, #tpu.memory_space<hbm>>) target(%dma_start3A_139 : memref<8x128xf32, #tpu.memory_space<vmem>>) target_semaphore(%arg14 : memref<!tpu.dma_semaphore, #tpu.memory_space<semaphore_mem>>)
    %dma_start3A_142 = arith.constant 1 : i32
    %dma_start3A_143 = arith.constant 0 : i32
    %dma_start3A_144 = arith.constant 0 : i32
    %dma_start3A_145 = tpu.memref_slice %arg8[%dma_start3A_142, %dma_start3A_143, %dma_start3A_144] : memref<8x32x128xf32, #tpu.memory_space<vmem>> -> memref<1x8x128xf32, #tpu.memory_space<vmem>>
    %dma_start3A_146 = tpu.memref_squeeze %dma_start3A_145 : memref<1x8x128xf32, #tpu.memory_space<vmem>> -> memref<8x128xf32, #tpu.memory_space<vmem>>
    %dma_start3A_147 = arith.constant 0 : i32
    %dma_start3A_148 = tpu.memref_slice %arg5[%dma_start3A_147, %multiple_of3A_128] : memref<32x1000000xf32, #tpu.memory_space<hbm>> -> memref<8x128xf32, #tpu.memory_space<hbm>>
    %dma_start3A_149 = arith.constant 0 : i32
    %dma_start3A_150 = arith.constant 0 : i32
    %dma_start3A_151 = tpu.memref_slice %arg8[%dma_start3A_142, %dma_start3A_149, %dma_start3A_150] : memref<8x32x128xf32, #tpu.memory_space<vmem>> -> memref<1x8x128xf32, #tpu.memory_space<vmem>>
    %dma_start3A_152 = tpu.memref_squeeze %dma_start3A_151 : memref<1x8x128xf32, #tpu.memory_space<vmem>> -> memref<8x128xf32, #tpu.memory_space<vmem>>
    %dma_start3A_153 = arith.constant 0 : i32
    %dma_start3A_154 = tpu.memref_slice %arg5[%dma_start3A_153, %multiple_of3A_128] : memref<32x1000000xf32, #tpu.memory_space<hbm>> -> memref<8x128xf32, #tpu.memory_space<hbm>>
    tpu.enqueue_dma source(%dma_start3A_154 : memref<8x128xf32, #tpu.memory_space<hbm>>) target(%dma_start3A_152 : memref<8x128xf32, #tpu.memory_space<vmem>>) target_semaphore(%arg22 : memref<!tpu.dma_semaphore, #tpu.memory_space<semaphore_mem>>)
    %dma_start3A_155 = arith.constant 1 : i32
    %dma_start3A_156 = arith.constant 8 : i32
    %dma_start3A_157 = arith.constant 0 : i32
    %dma_start3A_158 = tpu.memref_slice %arg7[%dma_start3A_155, %dma_start3A_156, %dma_start3A_157] : memref<8x32x128xf32, #tpu.memory_space<vmem>> -> memref<1x8x128xf32, #tpu.memory_space<vmem>>
    %dma_start3A_159 = tpu.memref_squeeze %dma_start3A_158 : memref<1x8x128xf32, #tpu.memory_space<vmem>> -> memref<8x128xf32, #tpu.memory_space<vmem>>
    %dma_start3A_160 = arith.constant 8 : i32
    %dma_start3A_161 = tpu.memref_slice %arg4[%dma_start3A_160, %multiple_of3A_125] : memref<32x1000000xf32, #tpu.memory_space<hbm>> -> memref<8x128xf32, #tpu.memory_space<hbm>>
    %dma_start3A_162 = arith.constant 8 : i32
    %dma_start3A_163 = arith.constant 0 : i32
    %dma_start3A_164 = tpu.memref_slice %arg7[%dma_start3A_155, %dma_start3A_162, %dma_start3A_163] : memref<8x32x128xf32, #tpu.memory_space<vmem>> -> memref<1x8x128xf32, #tpu.memory_space<vmem>>
    %dma_start3A_165 = tpu.memref_squeeze %dma_start3A_164 : memref<1x8x128xf32, #tpu.memory_space<vmem>> -> memref<8x128xf32, #tpu.memory_space<vmem>>
    %dma_start3A_166 = arith.constant 8 : i32
    %dma_start3A_167 = tpu.memref_slice %arg4[%dma_start3A_166, %multiple_of3A_125] : memref<32x1000000xf32, #tpu.memory_space<hbm>> -> memref<8x128xf32, #tpu.memory_space<hbm>>
    tpu.enqueue_dma source(%dma_start3A_167 : memref<8x128xf32, #tpu.memory_space<hbm>>) target(%dma_start3A_165 : memref<8x128xf32, #tpu.memory_space<vmem>>) target_semaphore(%arg14 : memref<!tpu.dma_semaphore, #tpu.memory_space<semaphore_mem>>)
    %dma_start3A_168 = arith.constant 1 : i32
    %dma_start3A_169 = arith.constant 8 : i32
    %dma_start3A_170 = arith.constant 0 : i32
    %dma_start3A_171 = tpu.memref_slice %arg8[%dma_start3A_168, %dma_start3A_169, %dma_start3A_170] : memref<8x32x128xf32, #tpu.memory_space<vmem>> -> memref<1x8x128xf32, #tpu.memory_space<vmem>>
    %dma_start3A_172 = tpu.memref_squeeze %dma_start3A_171 : memref<1x8x128xf32, #tpu.memory_space<vmem>> -> memref<8x128xf32, #tpu.memory_space<vmem>>
    %dma_start3A_173 = arith.constant 8 : i32
    %dma_start3A_174 = tpu.memref_slice %arg5[%dma_start3A_173, %multiple_of3A_128] : memref<32x1000000xf32, #tpu.memory_space<hbm>> -> memref<8x128xf32, #tpu.memory_space<hbm>>
    %dma_start3A_175 = arith.constant 8 : i32
    %dma_start3A_176 = arith.constant 0 : i32
    %dma_start3A_177 = tpu.memref_slice %arg8[%dma_start3A_168, %dma_start3A_175, %dma_start3A_176] : memref<8x32x128xf32, #tpu.memory_space<vmem>> -> memref<1x8x128xf32, #tpu.memory_space<vmem>>
    %dma_start3A_178 = tpu.memref_squeeze %dma_start3A_177 : memref<1x8x128xf32, #tpu.memory_space<vmem>> -> memref<8x128xf32, #tpu.memory_space<vmem>>
    %dma_start3A_179 = arith.constant 8 : i32
    %dma_start3A_180 = tpu.memref_slice %arg5[%dma_start3A_179, %multiple_of3A_128] : memref<32x1000000xf32, #tpu.memory_space<hbm>> -> memref<8x128xf32, #tpu.memory_space<hbm>>
    tpu.enqueue_dma source(%dma_start3A_180 : memref<8x128xf32, #tpu.memory_space<hbm>>) target(%dma_start3A_178 : memref<8x128xf32, #tpu.memory_space<vmem>>) target_semaphore(%arg22 : memref<!tpu.dma_semaphore, #tpu.memory_space<semaphore_mem>>)
    %dma_start3A_181 = arith.constant 1 : i32
    %dma_start3A_182 = arith.constant 16 : i32
    %dma_start3A_183 = arith.constant 0 : i32
    %dma_start3A_184 = tpu.memref_slice %arg7[%dma_start3A_181, %dma_start3A_182, %dma_start3A_183] : memref<8x32x128xf32, #tpu.memory_space<vmem>> -> memref<1x8x128xf32, #tpu.memory_space<vmem>>
    %dma_start3A_185 = tpu.memref_squeeze %dma_start3A_184 : memref<1x8x128xf32, #tpu.memory_space<vmem>> -> memref<8x128xf32, #tpu.memory_space<vmem>>
    %dma_start3A_186 = arith.constant 16 : i32
    %dma_start3A_187 = tpu.memref_slice %arg4[%dma_start3A_186, %multiple_of3A_125] : memref<32x1000000xf32, #tpu.memory_space<hbm>> -> memref<8x128xf32, #tpu.memory_space<hbm>>
    %dma_start3A_188 = arith.constant 16 : i32
    %dma_start3A_189 = arith.constant 0 : i32
    %dma_start3A_190 = tpu.memref_slice %arg7[%dma_start3A_181, %dma_start3A_188, %dma_start3A_189] : memref<8x32x128xf32, #tpu.memory_space<vmem>> -> memref<1x8x128xf32, #tpu.memory_space<vmem>>
    %dma_start3A_191 = tpu.memref_squeeze %dma_start3A_190 : memref<1x8x128xf32, #tpu.memory_space<vmem>> -> memref<8x128xf32, #tpu.memory_space<vmem>>
    %dma_start3A_192 = arith.constant 16 : i32
    %dma_start3A_193 = tpu.memref_slice %arg4[%dma_start3A_192, %multiple_of3A_125] : memref<32x1000000xf32, #tpu.memory_space<hbm>> -> memref<8x128xf32, #tpu.memory_space<hbm>>
    tpu.enqueue_dma source(%dma_start3A_193 : memref<8x128xf32, #tpu.memory_space<hbm>>) target(%dma_start3A_191 : memref<8x128xf32, #tpu.memory_space<vmem>>) target_semaphore(%arg14 : memref<!tpu.dma_semaphore, #tpu.memory_space<semaphore_mem>>)
    %dma_start3A_194 = arith.constant 1 : i32
    %dma_start3A_195 = arith.constant 16 : i32
    %dma_start3A_196 = arith.constant 0 : i32
    %dma_start3A_197 = tpu.memref_slice %arg8[%dma_start3A_194, %dma_start3A_195, %dma_start3A_196] : memref<8x32x128xf32, #tpu.memory_space<vmem>> -> memref<1x8x128xf32, #tpu.memory_space<vmem>>
    %dma_start3A_198 = tpu.memref_squeeze %dma_start3A_197 : memref<1x8x128xf32, #tpu.memory_space<vmem>> -> memref<8x128xf32, #tpu.memory_space<vmem>>
    %dma_start3A_199 = arith.constant 16 : i32
    %dma_start3A_200 = tpu.memref_slice %arg5[%dma_start3A_199, %multiple_of3A_128] : memref<32x1000000xf32, #tpu.memory_space<hbm>> -> memref<8x128xf32, #tpu.memory_space<hbm>>
    %dma_start3A_201 = arith.constant 16 : i32
    %dma_start3A_202 = arith.constant 0 : i32
    %dma_start3A_203 = tpu.memref_slice %arg8[%dma_start3A_194, %dma_start3A_201, %dma_start3A_202] : memref<8x32x128xf32, #tpu.memory_space<vmem>> -> memref<1x8x128xf32, #tpu.memory_space<vmem>>
    %dma_start3A_204 = tpu.memref_squeeze %dma_start3A_203 : memref<1x8x128xf32, #tpu.memory_space<vmem>> -> memref<8x128xf32, #tpu.memory_space<vmem>>
    %dma_start3A_205 = arith.constant 16 : i32
    %dma_start3A_206 = tpu.memref_slice %arg5[%dma_start3A_205, %multiple_of3A_128] : memref<32x1000000xf32, #tpu.memory_space<hbm>> -> memref<8x128xf32, #tpu.memory_space<hbm>>
    tpu.enqueue_dma source(%dma_start3A_206 : memref<8x128xf32, #tpu.memory_space<hbm>>) target(%dma_start3A_204 : memref<8x128xf32, #tpu.memory_space<vmem>>) target_semaphore(%arg22 : memref<!tpu.dma_semaphore, #tpu.memory_space<semaphore_mem>>)
    %dma_start3A_207 = arith.constant 1 : i32
    %dma_start3A_208 = arith.constant 24 : i32
    %dma_start3A_209 = arith.constant 0 : i32
    %dma_start3A_210 = tpu.memref_slice %arg7[%dma_start3A_207, %dma_start3A_208, %dma_start3A_209] : memref<8x32x128xf32, #tpu.memory_space<vmem>> -> memref<1x8x128xf32, #tpu.memory_space<vmem>>
    %dma_start3A_211 = tpu.memref_squeeze %dma_start3A_210 : memref<1x8x128xf32, #tpu.memory_space<vmem>> -> memref<8x128xf32, #tpu.memory_space<vmem>>
    %dma_start3A_212 = arith.constant 24 : i32
    %dma_start3A_213 = tpu.memref_slice %arg4[%dma_start3A_212, %multiple_of3A_125] : memref<32x1000000xf32, #tpu.memory_space<hbm>> -> memref<8x128xf32, #tpu.memory_space<hbm>>
    %dma_start3A_214 = arith.constant 24 : i32
    %dma_start3A_215 = arith.constant 0 : i32
    %dma_start3A_216 = tpu.memref_slice %arg7[%dma_start3A_207, %dma_start3A_214, %dma_start3A_215] : memref<8x32x128xf32, #tpu.memory_space<vmem>> -> memref<1x8x128xf32, #tpu.memory_space<vmem>>
    %dma_start3A_217 = tpu.memref_squeeze %dma_start3A_216 : memref<1x8x128xf32, #tpu.memory_space<vmem>> -> memref<8x128xf32, #tpu.memory_space<vmem>>
    %dma_start3A_218 = arith.constant 24 : i32
    %dma_start3A_219 = tpu.memref_slice %arg4[%dma_start3A_218, %multiple_of3A_125] : memref<32x1000000xf32, #tpu.memory_space<hbm>> -> memref<8x128xf32, #tpu.memory_space<hbm>>
    tpu.enqueue_dma source(%dma_start3A_219 : memref<8x128xf32, #tpu.memory_space<hbm>>) target(%dma_start3A_217 : memref<8x128xf32, #tpu.memory_space<vmem>>) target_semaphore(%arg14 : memref<!tpu.dma_semaphore, #tpu.memory_space<semaphore_mem>>)
    %dma_start3A_220 = arith.constant 1 : i32
    %dma_start3A_221 = arith.constant 24 : i32
    %dma_start3A_222 = arith.constant 0 : i32
    %dma_start3A_223 = tpu.memref_slice %arg8[%dma_start3A_220, %dma_start3A_221, %dma_start3A_222] : memref<8x32x128xf32, #tpu.memory_space<vmem>> -> memref<1x8x128xf32, #tpu.memory_space<vmem>>
    %dma_start3A_224 = tpu.memref_squeeze %dma_start3A_223 : memref<1x8x128xf32, #tpu.memory_space<vmem>> -> memref<8x128xf32, #tpu.memory_space<vmem>>
    %dma_start3A_225 = arith.constant 24 : i32
    %dma_start3A_226 = tpu.memref_slice %arg5[%dma_start3A_225, %multiple_of3A_128] : memref<32x1000000xf32, #tpu.memory_space<hbm>> -> memref<8x128xf32, #tpu.memory_space<hbm>>
    %dma_start3A_227 = arith.constant 24 : i32
    %dma_start3A_228 = arith.constant 0 : i32
    %dma_start3A_229 = tpu.memref_slice %arg8[%dma_start3A_220, %dma_start3A_227, %dma_start3A_228] : memref<8x32x128xf32, #tpu.memory_space<vmem>> -> memref<1x8x128xf32, #tpu.memory_space<vmem>>
    %dma_start3A_230 = tpu.memref_squeeze %dma_start3A_229 : memref<1x8x128xf32, #tpu.memory_space<vmem>> -> memref<8x128xf32, #tpu.memory_space<vmem>>
    %dma_start3A_231 = arith.constant 24 : i32
    %dma_start3A_232 = tpu.memref_slice %arg5[%dma_start3A_231, %multiple_of3A_128] : memref<32x1000000xf32, #tpu.memory_space<hbm>> -> memref<8x128xf32, #tpu.memory_space<hbm>>
    tpu.enqueue_dma source(%dma_start3A_232 : memref<8x128xf32, #tpu.memory_space<hbm>>) target(%dma_start3A_230 : memref<8x128xf32, #tpu.memory_space<vmem>>) target_semaphore(%arg22 : memref<!tpu.dma_semaphore, #tpu.memory_space<semaphore_mem>>)
    %get3A_233 = arith.constant 2 : index
    %get3A_234 = tpu.vector_load %arg11[%get3A_233] {strides = array<i32>} : memref<528xi32, #tpu.memory_space<vmem>>, vector<16xi32>,
    %slice3A_235 = vector.extract_strided_slice %get3A_234 {offsets = [0], sizes = [1], strides = [1]} : vector<16xi32> to vector<1xi32>
    %squeeze3A_236 = vector.extract %slice3A_235[0] : i32 from vector<1xi32>
    %get3A_237 = arith.constant 2 : index
    %get3A_238 = tpu.vector_load %arg12[%get3A_237] {strides = array<i32>} : memref<528xi32, #tpu.memory_space<vmem>>, vector<16xi32>,
    %slice3A_239 = vector.extract_strided_slice %get3A_238 {offsets = [0], sizes = [1], strides = [1]} : vector<16xi32> to vector<1xi32>
    %squeeze3A_240 = vector.extract %slice3A_239[0] : i32 from vector<1xi32>
    %and3A_241 = arith.constant -128 : i32
    %and3A_242 = arith.andi %squeeze3A_236, %and3A_241 : i32
    %multiple_of3A_243 = tpu.assume_multiple %and3A_242, 128 : i32
    %and3A_244 = arith.constant -128 : i32
    %and3A_245 = arith.andi %squeeze3A_240, %and3A_244 : i32
    %multiple_of3A_246 = tpu.assume_multiple %and3A_245, 128 : i32
    %dma_start3A_247 = arith.constant 2 : i32
    %dma_start3A_248 = arith.constant 0 : i32
    %dma_start3A_249 = arith.constant 0 : i32
    %dma_start3A_250 = tpu.memref_slice %arg7[%dma_start3A_247, %dma_start3A_248, %dma_start3A_249] : memref<8x32x128xf32, #tpu.memory_space<vmem>> -> memref<1x8x128xf32, #tpu.memory_space<vmem>>
    %dma_start3A_251 = tpu.memref_squeeze %dma_start3A_250 : memref<1x8x128xf32, #tpu.memory_space<vmem>> -> memref<8x128xf32, #tpu.memory_space<vmem>>
    %dma_start3A_252 = arith.constant 0 : i32
    %dma_start3A_253 = tpu.memref_slice %arg4[%dma_start3A_252, %multiple_of3A_243] : memref<32x1000000xf32, #tpu.memory_space<hbm>> -> memref<8x128xf32, #tpu.memory_space<hbm>>
    %dma_start3A_254 = arith.constant 0 : i32
    %dma_start3A_255 = arith.constant 0 : i32
    %dma_start3A_256 = tpu.memref_slice %arg7[%dma_start3A_247, %dma_start3A_254, %dma_start3A_255] : memref<8x32x128xf32, #tpu.memory_space<vmem>> -> memref<1x8x128xf32, #tpu.memory_space<vmem>>
    %dma_start3A_257 = tpu.memref_squeeze %dma_start3A_256 : memref<1x8x128xf32, #tpu.memory_space<vmem>> -> memref<8x128xf32, #tpu.memory_space<vmem>>
    %dma_start3A_258 = arith.constant 0 : i32
    %dma_start3A_259 = tpu.memref_slice %arg4[%dma_start3A_258, %multiple_of3A_243] : memref<32x1000000xf32, #tpu.memory_space<hbm>> -> memref<8x128xf32, #tpu.memory_space<hbm>>
    tpu.enqueue_dma source(%dma_start3A_259 : memref<8x128xf32, #tpu.memory_space<hbm>>) target(%dma_start3A_257 : memref<8x128xf32, #tpu.memory_space<vmem>>) target_semaphore(%arg15 : memref<!tpu.dma_semaphore, #tpu.memory_space<semaphore_mem>>)
    %dma_start3A_260 = arith.constant 2 : i32
    %dma_start3A_261 = arith.constant 0 : i32
    %dma_start3A_262 = arith.constant 0 : i32
    %dma_start3A_263 = tpu.memref_slice %arg8[%dma_start3A_260, %dma_start3A_261, %dma_start3A_262] : memref<8x32x128xf32, #tpu.memory_space<vmem>> -> memref<1x8x128xf32, #tpu.memory_space<vmem>>
    %dma_start3A_264 = tpu.memref_squeeze %dma_start3A_263 : memref<1x8x128xf32, #tpu.memory_space<vmem>> -> memref<8x128xf32, #tpu.memory_space<vmem>>
    %dma_start3A_265 = arith.constant 0 : i32
    %dma_start3A_266 = tpu.memref_slice %arg5[%dma_start3A_265, %multiple_of3A_246] : memref<32x1000000xf32, #tpu.memory_space<hbm>> -> memref<8x128xf32, #tpu.memory_space<hbm>>
    %dma_start3A_267 = arith.constant 0 : i32
    %dma_start3A_268 = arith.constant 0 : i32
    %dma_start3A_269 = tpu.memref_slice %arg8[%dma_start3A_260, %dma_start3A_267, %dma_start3A_268] : memref<8x32x128xf32, #tpu.memory_space<vmem>> -> memref<1x8x128xf32, #tpu.memory_space<vmem>>
    %dma_start3A_270 = tpu.memref_squeeze %dma_start3A_269 : memref<1x8x128xf32, #tpu.memory_space<vmem>> -> memref<8x128xf32, #tpu.memory_space<vmem>>
    %dma_start3A_271 = arith.constant 0 : i32
    %dma_start3A_272 = tpu.memref_slice %arg5[%dma_start3A_271, %multiple_of3A_246] : memref<32x1000000xf32, #tpu.memory_space<hbm>> -> memref<8x128xf32, #tpu.memory_space<hbm>>
    tpu.enqueue_dma source(%dma_start3A_272 : memref<8x128xf32, #tpu.memory_space<hbm>>) target(%dma_start3A_270 : memref<8x128xf32, #tpu.memory_space<vmem>>) target_semaphore(%arg23 : memref<!tpu.dma_semaphore, #tpu.memory_space<semaphore_mem>>)
    %dma_start3A_273 = arith.constant 2 : i32
    %dma_start3A_274 = arith.constant 8 : i32
    %dma_start3A_275 = arith.constant 0 : i32
    %dma_start3A_276 = tpu.memref_slice %arg7[%dma_start3A_273, %dma_start3A_274, %dma_start3A_275] : memref<8x32x128xf32, #tpu.memory_space<vmem>> -> memref<1x8x128xf32, #tpu.memory_space<vmem>>
    %dma_start3A_277 = tpu.memref_squeeze %dma_start3A_276 : memref<1x8x128xf32, #tpu.memory_space<vmem>> -> memref<8x128xf32, #tpu.memory_space<vmem>>
    %dma_start3A_278 = arith.constant 8 : i32
    %dma_start3A_279 = tpu.memref_slice %arg4[%dma_start3A_278, %multiple_of3A_243] : memref<32x1000000xf32, #tpu.memory_space<hbm>> -> memref<8x128xf32, #tpu.memory_space<hbm>>
    %dma_start3A_280 = arith.constant 8 : i32
    %dma_start3A_281 = arith.constant 0 : i32
    %dma_start3A_282 = tpu.memref_slice %arg7[%dma_start3A_273, %dma_start3A_280, %dma_start3A_281] : memref<8x32x128xf32, #tpu.memory_space<vmem>> -> memref<1x8x128xf32, #tpu.memory_space<vmem>>
    %dma_start3A_283 = tpu.memref_squeeze %dma_start3A_282 : memref<1x8x128xf32, #tpu.memory_space<vmem>> -> memref<8x128xf32, #tpu.memory_space<vmem>>
    %dma_start3A_284 = arith.constant 8 : i32
    %dma_start3A_285 = tpu.memref_slice %arg4[%dma_start3A_284, %multiple_of3A_243] : memref<32x1000000xf32, #tpu.memory_space<hbm>> -> memref<8x128xf32, #tpu.memory_space<hbm>>
    tpu.enqueue_dma source(%dma_start3A_285 : memref<8x128xf32, #tpu.memory_space<hbm>>) target(%dma_start3A_283 : memref<8x128xf32, #tpu.memory_space<vmem>>) target_semaphore(%arg15 : memref<!tpu.dma_semaphore, #tpu.memory_space<semaphore_mem>>)
    %dma_start3A_286 = arith.constant 2 : i32
    %dma_start3A_287 = arith.constant 8 : i32
    %dma_start3A_288 = arith.constant 0 : i32
    %dma_start3A_289 = tpu.memref_slice %arg8[%dma_start3A_286, %dma_start3A_287, %dma_start3A_288] : memref<8x32x128xf32, #tpu.memory_space<vmem>> -> memref<1x8x128xf32, #tpu.memory_space<vmem>>
    %dma_start3A_290 = tpu.memref_squeeze %dma_start3A_289 : memref<1x8x128xf32, #tpu.memory_space<vmem>> -> memref<8x128xf32, #tpu.memory_space<vmem>>
    %dma_start3A_291 = arith.constant 8 : i32
    %dma_start3A_292 = tpu.memref_slice %arg5[%dma_start3A_291, %multiple_of3A_246] : memref<32x1000000xf32, #tpu.memory_space<hbm>> -> memref<8x128xf32, #tpu.memory_space<hbm>>
    %dma_start3A_293 = arith.constant 8 : i32
    %dma_start3A_294 = arith.constant 0 : i32
    %dma_start3A_295 = tpu.memref_slice %arg8[%dma_start3A_286, %dma_start3A_293, %dma_start3A_294] : memref<8x32x128xf32, #tpu.memory_space<vmem>> -> memref<1x8x128xf32, #tpu.memory_space<vmem>>
    %dma_start3A_296 = tpu.memref_squeeze %dma_start3A_295 : memref<1x8x128xf32, #tpu.memory_space<vmem>> -> memref<8x128xf32, #tpu.memory_space<vmem>>
    %dma_start3A_297 = arith.constant 8 : i32
    %dma_start3A_298 = tpu.memref_slice %arg5[%dma_start3A_297, %multiple_of3A_246] : memref<32x1000000xf32, #tpu.memory_space<hbm>> -> memref<8x128xf32, #tpu.memory_space<hbm>>
    tpu.enqueue_dma source(%dma_start3A_298 : memref<8x128xf32, #tpu.memory_space<hbm>>) target(%dma_start3A_296 : memref<8x128xf32, #tpu.memory_space<vmem>>) target_semaphore(%arg23 : memref<!tpu.dma_semaphore, #tpu.memory_space<semaphore_mem>>)
    %dma_start3A_299 = arith.constant 2 : i32
    %dma_start3A_300 = arith.constant 16 : i32
    %dma_start3A_301 = arith.constant 0 : i32
    %dma_start3A_302 = tpu.memref_slice %arg7[%dma_start3A_299, %dma_start3A_300, %dma_start3A_301] : memref<8x32x128xf32, #tpu.memory_space<vmem>> -> memref<1x8x128xf32, #tpu.memory_space<vmem>>
    %dma_start3A_303 = tpu.memref_squeeze %dma_start3A_302 : memref<1x8x128xf32, #tpu.memory_space<vmem>> -> memref<8x128xf32, #tpu.memory_space<vmem>>
    %dma_start3A_304 = arith.constant 16 : i32
    %dma_start3A_305 = tpu.memref_slice %arg4[%dma_start3A_304, %multiple_of3A_243] : memref<32x1000000xf32, #tpu.memory_space<hbm>> -> memref<8x128xf32, #tpu.memory_space<hbm>>
    %dma_start3A_306 = arith.constant 16 : i32
    %dma_start3A_307 = arith.constant 0 : i32
    %dma_start3A_308 = tpu.memref_slice %arg7[%dma_start3A_299, %dma_start3A_306, %dma_start3A_307] : memref<8x32x128xf32, #tpu.memory_space<vmem>> -> memref<1x8x128xf32, #tpu.memory_space<vmem>>
    %dma_start3A_309 = tpu.memref_squeeze %dma_start3A_308 : memref<1x8x128xf32, #tpu.memory_space<vmem>> -> memref<8x128xf32, #tpu.memory_space<vmem>>
    %dma_start3A_310 = arith.constant 16 : i32
    %dma_start3A_311 = tpu.memref_slice %arg4[%dma_start3A_310, %multiple_of3A_243] : memref<32x1000000xf32, #tpu.memory_space<hbm>> -> memref<8x128xf32, #tpu.memory_space<hbm>>
    tpu.enqueue_dma source(%dma_start3A_311 : memref<8x128xf32, #tpu.memory_space<hbm>>) target(%dma_start3A_309 : memref<8x128xf32, #tpu.memory_space<vmem>>) target_semaphore(%arg15 : memref<!tpu.dma_semaphore, #tpu.memory_space<semaphore_mem>>)
    %dma_start3A_312 = arith.constant 2 : i32
    %dma_start3A_313 = arith.constant 16 : i32
    %dma_start3A_314 = arith.constant 0 : i32
    %dma_start3A_315 = tpu.memref_slice %arg8[%dma_start3A_312, %dma_start3A_313, %dma_start3A_314] : memref<8x32x128xf32, #tpu.memory_space<vmem>> -> memref<1x8x128xf32, #tpu.memory_space<vmem>>
    %dma_start3A_316 = tpu.memref_squeeze %dma_start3A_315 : memref<1x8x128xf32, #tpu.memory_space<vmem>> -> memref<8x128xf32, #tpu.memory_space<vmem>>
    %dma_start3A_317 = arith.constant 16 : i32
    %dma_start3A_318 = tpu.memref_slice %arg5[%dma_start3A_317, %multiple_of3A_246] : memref<32x1000000xf32, #tpu.memory_space<hbm>> -> memref<8x128xf32, #tpu.memory_space<hbm>>
    %dma_start3A_319 = arith.constant 16 : i32
    %dma_start3A_320 = arith.constant 0 : i32
    %dma_start3A_321 = tpu.memref_slice %arg8[%dma_start3A_312, %dma_start3A_319, %dma_start3A_320] : memref<8x32x128xf32, #tpu.memory_space<vmem>> -> memref<1x8x128xf32, #tpu.memory_space<vmem>>
    %dma_start3A_322 = tpu.memref_squeeze %dma_start3A_321 : memref<1x8x128xf32, #tpu.memory_space<vmem>> -> memref<8x128xf32, #tpu.memory_space<vmem>>
    %dma_start3A_323 = arith.constant 16 : i32
    %dma_start3A_324 = tpu.memref_slice %arg5[%dma_start3A_323, %multiple_of3A_246] : memref<32x1000000xf32, #tpu.memory_space<hbm>> -> memref<8x128xf32, #tpu.memory_space<hbm>>
    tpu.enqueue_dma source(%dma_start3A_324 : memref<8x128xf32, #tpu.memory_space<hbm>>) target(%dma_start3A_322 : memref<8x128xf32, #tpu.memory_space<vmem>>) target_semaphore(%arg23 : memref<!tpu.dma_semaphore, #tpu.memory_space<semaphore_mem>>)
    %dma_start3A_325 = arith.constant 2 : i32
    %dma_start3A_326 = arith.constant 24 : i32
    %dma_start3A_327 = arith.constant 0 : i32
    %dma_start3A_328 = tpu.memref_slice %arg7[%dma_start3A_325, %dma_start3A_326, %dma_start3A_327] : memref<8x32x128xf32, #tpu.memory_space<vmem>> -> memref<1x8x128xf32, #tpu.memory_space<vmem>>
    %dma_start3A_329 = tpu.memref_squeeze %dma_start3A_328 : memref<1x8x128xf32, #tpu.memory_space<vmem>> -> memref<8x128xf32, #tpu.memory_space<vmem>>
    %dma_start3A_330 = arith.constant 24 : i32
    %dma_start3A_331 = tpu.memref_slice %arg4[%dma_start3A_330, %multiple_of3A_243] : memref<32x1000000xf32, #tpu.memory_space<hbm>> -> memref<8x128xf32, #tpu.memory_space<hbm>>
    %dma_start3A_332 = arith.constant 24 : i32
    %dma_start3A_333 = arith.constant 0 : i32
    %dma_start3A_334 = tpu.memref_slice %arg7[%dma_start3A_325, %dma_start3A_332, %dma_start3A_333] : memref<8x32x128xf32, #tpu.memory_space<vmem>> -> memref<1x8x128xf32, #tpu.memory_space<vmem>>
    %dma_start3A_335 = tpu.memref_squeeze %dma_start3A_334 : memref<1x8x128xf32, #tpu.memory_space<vmem>> -> memref<8x128xf32, #tpu.memory_space<vmem>>
    %dma_start3A_336 = arith.constant 24 : i32
    %dma_start3A_337 = tpu.memref_slice %arg4[%dma_start3A_336, %multiple_of3A_243] : memref<32x1000000xf32, #tpu.memory_space<hbm>> -> memref<8x128xf32, #tpu.memory_space<hbm>>
    tpu.enqueue_dma source(%dma_start3A_337 : memref<8x128xf32, #tpu.memory_space<hbm>>) target(%dma_start3A_335 : memref<8x128xf32, #tpu.memory_space<vmem>>) target_semaphore(%arg15 : memref<!tpu.dma_semaphore, #tpu.memory_space<semaphore_mem>>)
    %dma_start3A_338 = arith.constant 2 : i32
    %dma_start3A_339 = arith.constant 24 : i32
    %dma_start3A_340 = arith.constant 0 : i32
    %dma_start3A_341 = tpu.memref_slice %arg8[%dma_start3A_338, %dma_start3A_339, %dma_start3A_340] : memref<8x32x128xf32, #tpu.memory_space<vmem>> -> memref<1x8x128xf32, #tpu.memory_space<vmem>>
    %dma_start3A_342 = tpu.memref_squeeze %dma_start3A_341 : memref<1x8x128xf32, #tpu.memory_space<vmem>> -> memref<8x128xf32, #tpu.memory_space<vmem>>
    %dma_start3A_343 = arith.constant 24 : i32
    %dma_start3A_344 = tpu.memref_slice %arg5[%dma_start3A_343, %multiple_of3A_246] : memref<32x1000000xf32, #tpu.memory_space<hbm>> -> memref<8x128xf32, #tpu.memory_space<hbm>>
    %dma_start3A_345 = arith.constant 24 : i32
    %dma_start3A_346 = arith.constant 0 : i32
    %dma_start3A_347 = tpu.memref_slice %arg8[%dma_start3A_338, %dma_start3A_345, %dma_start3A_346] : memref<8x32x128xf32, #tpu.memory_space<vmem>> -> memref<1x8x128xf32, #tpu.memory_space<vmem>>
    %dma_start3A_348 = tpu.memref_squeeze %dma_start3A_347 : memref<1x8x128xf32, #tpu.memory_space<vmem>> -> memref<8x128xf32, #tpu.memory_space<vmem>>
    %dma_start3A_349 = arith.constant 24 : i32
    %dma_start3A_350 = tpu.memref_slice %arg5[%dma_start3A_349, %multiple_of3A_246] : memref<32x1000000xf32, #tpu.memory_space<hbm>> -> memref<8x128xf32, #tpu.memory_space<hbm>>
    tpu.enqueue_dma source(%dma_start3A_350 : memref<8x128xf32, #tpu.memory_space<hbm>>) target(%dma_start3A_348 : memref<8x128xf32, #tpu.memory_space<vmem>>) target_semaphore(%arg23 : memref<!tpu.dma_semaphore, #tpu.memory_space<semaphore_mem>>)
    %get3A_351 = arith.constant 3 : index
    %get3A_352 = tpu.vector_load %arg11[%get3A_351] {strides = array<i32>} : memref<528xi32, #tpu.memory_space<vmem>>, vector<16xi32>,
    %slice3A_353 = vector.extract_strided_slice %get3A_352 {offsets = [0], sizes = [1], strides = [1]} : vector<16xi32> to vector<1xi32>
    %squeeze3A_354 = vector.extract %slice3A_353[0] : i32 from vector<1xi32>
    %get3A_355 = arith.constant 3 : index
    %get3A_356 = tpu.vector_load %arg12[%get3A_355] {strides = array<i32>} : memref<528xi32, #tpu.memory_space<vmem>>, vector<16xi32>,
    %slice3A_357 = vector.extract_strided_slice %get3A_356 {offsets = [0], sizes = [1], strides = [1]} : vector<16xi32> to vector<1xi32>
    %squeeze3A_358 = vector.extract %slice3A_357[0] : i32 from vector<1xi32>
    %and3A_359 = arith.constant -128 : i32
    %and3A_360 = arith.andi %squeeze3A_354, %and3A_359 : i32
    %multiple_of3A_361 = tpu.assume_multiple %and3A_360, 128 : i32
    %and3A_362 = arith.constant -128 : i32
    %and3A_363 = arith.andi %squeeze3A_358, %and3A_362 : i32
    %multiple_of3A_364 = tpu.assume_multiple %and3A_363, 128 : i32
    %dma_start3A_365 = arith.constant 3 : i32
    %dma_start3A_366 = arith.constant 0 : i32
    %dma_start3A_367 = arith.constant 0 : i32
    %dma_start3A_368 = tpu.memref_slice %arg7[%dma_start3A_365, %dma_start3A_366, %dma_start3A_367] : memref<8x32x128xf32, #tpu.memory_space<vmem>> -> memref<1x8x128xf32, #tpu.memory_space<vmem>>
    %dma_start3A_369 = tpu.memref_squeeze %dma_start3A_368 : memref<1x8x128xf32, #tpu.memory_space<vmem>> -> memref<8x128xf32, #tpu.memory_space<vmem>>
    %dma_start3A_370 = arith.constant 0 : i32
    %dma_start3A_371 = tpu.memref_slice %arg4[%dma_start3A_370, %multiple_of3A_361] : memref<32x1000000xf32, #tpu.memory_space<hbm>> -> memref<8x128xf32, #tpu.memory_space<hbm>>
    %dma_start3A_372 = arith.constant 0 : i32
    %dma_start3A_373 = arith.constant 0 : i32
    %dma_start3A_374 = tpu.memref_slice %arg7[%dma_start3A_365, %dma_start3A_372, %dma_start3A_373] : memref<8x32x128xf32, #tpu.memory_space<vmem>> -> memref<1x8x128xf32, #tpu.memory_space<vmem>>
    %dma_start3A_375 = tpu.memref_squeeze %dma_start3A_374 : memref<1x8x128xf32, #tpu.memory_space<vmem>> -> memref<8x128xf32, #tpu.memory_space<vmem>>
    %dma_start3A_376 = arith.constant 0 : i32
    %dma_start3A_377 = tpu.memref_slice %arg4[%dma_start3A_376, %multiple_of3A_361] : memref<32x1000000xf32, #tpu.memory_space<hbm>> -> memref<8x128xf32, #tpu.memory_space<hbm>>
    tpu.enqueue_dma source(%dma_start3A_377 : memref<8x128xf32, #tpu.memory_space<hbm>>) target(%dma_start3A_375 : memref<8x128xf32, #tpu.memory_space<vmem>>) target_semaphore(%arg16 : memref<!tpu.dma_semaphore, #tpu.memory_space<semaphore_mem>>)
    %dma_start3A_378 = arith.constant 3 : i32
    %dma_start3A_379 = arith.constant 0 : i32
    %dma_start3A_380 = arith.constant 0 : i32
    %dma_start3A_381 = tpu.memref_slice %arg8[%dma_start3A_378, %dma_start3A_379, %dma_start3A_380] : memref<8x32x128xf32, #tpu.memory_space<vmem>> -> memref<1x8x128xf32, #tpu.memory_space<vmem>>
    %dma_start3A_382 = tpu.memref_squeeze %dma_start3A_381 : memref<1x8x128xf32, #tpu.memory_space<vmem>> -> memref<8x128xf32, #tpu.memory_space<vmem>>
    %dma_start3A_383 = arith.constant 0 : i32
    %dma_start3A_384 = tpu.memref_slice %arg5[%dma_start3A_383, %multiple_of3A_364] : memref<32x1000000xf32, #tpu.memory_space<hbm>> -> memref<8x128xf32, #tpu.memory_space<hbm>>
    %dma_start3A_385 = arith.constant 0 : i32
    %dma_start3A_386 = arith.constant 0 : i32
    %dma_start3A_387 = tpu.memref_slice %arg8[%dma_start3A_378, %dma_start3A_385, %dma_start3A_386] : memref<8x32x128xf32, #tpu.memory_space<vmem>> -> memref<1x8x128xf32, #tpu.memory_space<vmem>>
    %dma_start3A_388 = tpu.memref_squeeze %dma_start3A_387 : memref<1x8x128xf32, #tpu.memory_space<vmem>> -> memref<8x128xf32, #tpu.memory_space<vmem>>
    %dma_start3A_389 = arith.constant 0 : i32
    %dma_start3A_390 = tpu.memref_slice %arg5[%dma_start3A_389, %multiple_of3A_364] : memref<32x1000000xf32, #tpu.memory_space<hbm>> -> memref<8x128xf32, #tpu.memory_space<hbm>>
    tpu.enqueue_dma source(%dma_start3A_390 : memref<8x128xf32, #tpu.memory_space<hbm>>) target(%dma_start3A_388 : memref<8x128xf32, #tpu.memory_space<vmem>>) target_semaphore(%arg24 : memref<!tpu.dma_semaphore, #tpu.memory_space<semaphore_mem>>)
    %dma_start3A_391 = arith.constant 3 : i32
    %dma_start3A_392 = arith.constant 8 : i32
    %dma_start3A_393 = arith.constant 0 : i32
    %dma_start3A_394 = tpu.memref_slice %arg7[%dma_start3A_391, %dma_start3A_392, %dma_start3A_393] : memref<8x32x128xf32, #tpu.memory_space<vmem>> -> memref<1x8x128xf32, #tpu.memory_space<vmem>>
    %dma_start3A_395 = tpu.memref_squeeze %dma_start3A_394 : memref<1x8x128xf32, #tpu.memory_space<vmem>> -> memref<8x128xf32, #tpu.memory_space<vmem>>
    %dma_start3A_396 = arith.constant 8 : i32
    %dma_start3A_397 = tpu.memref_slice %arg4[%dma_start3A_396, %multiple_of3A_361] : memref<32x1000000xf32, #tpu.memory_space<hbm>> -> memref<8x128xf32, #tpu.memory_space<hbm>>
    %dma_start3A_398 = arith.constant 8 : i32
    %dma_start3A_399 = arith.constant 0 : i32
    %dma_start3A_400 = tpu.memref_slice %arg7[%dma_start3A_391, %dma_start3A_398, %dma_start3A_399] : memref<8x32x128xf32, #tpu.memory_space<vmem>> -> memref<1x8x128xf32, #tpu.memory_space<vmem>>
    %dma_start3A_401 = tpu.memref_squeeze %dma_start3A_400 : memref<1x8x128xf32, #tpu.memory_space<vmem>> -> memref<8x128xf32, #tpu.memory_space<vmem>>
    %dma_start3A_402 = arith.constant 8 : i32
    %dma_start3A_403 = tpu.memref_slice %arg4[%dma_start3A_402, %multiple_of3A_361] : memref<32x1000000xf32, #tpu.memory_space<hbm>> -> memref<8x128xf32, #tpu.memory_space<hbm>>
    tpu.enqueue_dma source(%dma_start3A_403 : memref<8x128xf32, #tpu.memory_space<hbm>>) target(%dma_start3A_401 : memref<8x128xf32, #tpu.memory_space<vmem>>) target_semaphore(%arg16 : memref<!tpu.dma_semaphore, #tpu.memory_space<semaphore_mem>>)
    %dma_start3A_404 = arith.constant 3 : i32
    %dma_start3A_405 = arith.constant 8 : i32
    %dma_start3A_406 = arith.constant 0 : i32
    %dma_start3A_407 = tpu.memref_slice %arg8[%dma_start3A_404, %dma_start3A_405, %dma_start3A_406] : memref<8x32x128xf32, #tpu.memory_space<vmem>> -> memref<1x8x128xf32, #tpu.memory_space<vmem>>
    %dma_start3A_408 = tpu.memref_squeeze %dma_start3A_407 : memref<1x8x128xf32, #tpu.memory_space<vmem>> -> memref<8x128xf32, #tpu.memory_space<vmem>>
    %dma_start3A_409 = arith.constant 8 : i32
    %dma_start3A_410 = tpu.memref_slice %arg5[%dma_start3A_409, %multiple_of3A_364] : memref<32x1000000xf32, #tpu.memory_space<hbm>> -> memref<8x128xf32, #tpu.memory_space<hbm>>
    %dma_start3A_411 = arith.constant 8 : i32
    %dma_start3A_412 = arith.constant 0 : i32
    %dma_start3A_413 = tpu.memref_slice %arg8[%dma_start3A_404, %dma_start3A_411, %dma_start3A_412] : memref<8x32x128xf32, #tpu.memory_space<vmem>> -> memref<1x8x128xf32, #tpu.memory_space<vmem>>
    %dma_start3A_414 = tpu.memref_squeeze %dma_start3A_413 : memref<1x8x128xf32, #tpu.memory_space<vmem>> -> memref<8x128xf32, #tpu.memory_space<vmem>>
    %dma_start3A_415 = arith.constant 8 : i32
    %dma_start3A_416 = tpu.memref_slice %arg5[%dma_start3A_415, %multiple_of3A_364] : memref<32x1000000xf32, #tpu.memory_space<hbm>> -> memref<8x128xf32, #tpu.memory_space<hbm>>
    tpu.enqueue_dma source(%dma_start3A_416 : memref<8x128xf32, #tpu.memory_space<hbm>>) target(%dma_start3A_414 : memref<8x128xf32, #tpu.memory_space<vmem>>) target_semaphore(%arg24 : memref<!tpu.dma_semaphore, #tpu.memory_space<semaphore_mem>>)
    %dma_start3A_417 = arith.constant 3 : i32
    %dma_start3A_418 = arith.constant 16 : i32
    %dma_start3A_419 = arith.constant 0 : i32
    %dma_start3A_420 = tpu.memref_slice %arg7[%dma_start3A_417, %dma_start3A_418, %dma_start3A_419] : memref<8x32x128xf32, #tpu.memory_space<vmem>> -> memref<1x8x128xf32, #tpu.memory_space<vmem>>
    %dma_start3A_421 = tpu.memref_squeeze %dma_start3A_420 : memref<1x8x128xf32, #tpu.memory_space<vmem>> -> memref<8x128xf32, #tpu.memory_space<vmem>>
    %dma_start3A_422 = arith.constant 16 : i32
    %dma_start3A_423 = tpu.memref_slice %arg4[%dma_start3A_422, %multiple_of3A_361] : memref<32x1000000xf32, #tpu.memory_space<hbm>> -> memref<8x128xf32, #tpu.memory_space<hbm>>
    %dma_start3A_424 = arith.constant 16 : i32
    %dma_start3A_425 = arith.constant 0 : i32
    %dma_start3A_426 = tpu.memref_slice %arg7[%dma_start3A_417, %dma_start3A_424, %dma_start3A_425] : memref<8x32x128xf32, #tpu.memory_space<vmem>> -> memref<1x8x128xf32, #tpu.memory_space<vmem>>
    %dma_start3A_427 = tpu.memref_squeeze %dma_start3A_426 : memref<1x8x128xf32, #tpu.memory_space<vmem>> -> memref<8x128xf32, #tpu.memory_space<vmem>>
    %dma_start3A_428 = arith.constant 16 : i32
    %dma_start3A_429 = tpu.memref_slice %arg4[%dma_start3A_428, %multiple_of3A_361] : memref<32x1000000xf32, #tpu.memory_space<hbm>> -> memref<8x128xf32, #tpu.memory_space<hbm>>
    tpu.enqueue_dma source(%dma_start3A_429 : memref<8x128xf32, #tpu.memory_space<hbm>>) target(%dma_start3A_427 : memref<8x128xf32, #tpu.memory_space<vmem>>) target_semaphore(%arg16 : memref<!tpu.dma_semaphore, #tpu.memory_space<semaphore_mem>>)
    %dma_start3A_430 = arith.constant 3 : i32
    %dma_start3A_431 = arith.constant 16 : i32
    %dma_start3A_432 = arith.constant 0 : i32
    %dma_start3A_433 = tpu.memref_slice %arg8[%dma_start3A_430, %dma_start3A_431, %dma_start3A_432] : memref<8x32x128xf32, #tpu.memory_space<vmem>> -> memref<1x8x128xf32, #tpu.memory_space<vmem>>
    %dma_start3A_434 = tpu.memref_squeeze %dma_start3A_433 : memref<1x8x128xf32, #tpu.memory_space<vmem>> -> memref<8x128xf32, #tpu.memory_space<vmem>>
    %dma_start3A_435 = arith.constant 16 : i32
    %dma_start3A_436 = tpu.memref_slice %arg5[%dma_start3A_435, %multiple_of3A_364] : memref<32x1000000xf32, #tpu.memory_space<hbm>> -> memref<8x128xf32, #tpu.memory_space<hbm>>
    %dma_start3A_437 = arith.constant 16 : i32
    %dma_start3A_438 = arith.constant 0 : i32
    %dma_start3A_439 = tpu.memref_slice %arg8[%dma_start3A_430, %dma_start3A_437, %dma_start3A_438] : memref<8x32x128xf32, #tpu.memory_space<vmem>> -> memref<1x8x128xf32, #tpu.memory_space<vmem>>
    %dma_start3A_440 = tpu.memref_squeeze %dma_start3A_439 : memref<1x8x128xf32, #tpu.memory_space<vmem>> -> memref<8x128xf32, #tpu.memory_space<vmem>>
    %dma_start3A_441 = arith.constant 16 : i32
    %dma_start3A_442 = tpu.memref_slice %arg5[%dma_start3A_441, %multiple_of3A_364] : memref<32x1000000xf32, #tpu.memory_space<hbm>> -> memref<8x128xf32, #tpu.memory_space<hbm>>
    tpu.enqueue_dma source(%dma_start3A_442 : memref<8x128xf32, #tpu.memory_space<hbm>>) target(%dma_start3A_440 : memref<8x128xf32, #tpu.memory_space<vmem>>) target_semaphore(%arg24 : memref<!tpu.dma_semaphore, #tpu.memory_space<semaphore_mem>>)
    %dma_start3A_443 = arith.constant 3 : i32
    %dma_start3A_444 = arith.constant 24 : i32
    %dma_start3A_445 = arith.constant 0 : i32
    %dma_start3A_446 = tpu.memref_slice %arg7[%dma_start3A_443, %dma_start3A_444, %dma_start3A_445] : memref<8x32x128xf32, #tpu.memory_space<vmem>> -> memref<1x8x128xf32, #tpu.memory_space<vmem>>
    %dma_start3A_447 = tpu.memref_squeeze %dma_start3A_446 : memref<1x8x128xf32, #tpu.memory_space<vmem>> -> memref<8x128xf32, #tpu.memory_space<vmem>>
    %dma_start3A_448 = arith.constant 24 : i32
    %dma_start3A_449 = tpu.memref_slice %arg4[%dma_start3A_448, %multiple_of3A_361] : memref<32x1000000xf32, #tpu.memory_space<hbm>> -> memref<8x128xf32, #tpu.memory_space<hbm>>
    %dma_start3A_450 = arith.constant 24 : i32
    %dma_start3A_451 = arith.constant 0 : i32
    %dma_start3A_452 = tpu.memref_slice %arg7[%dma_start3A_443, %dma_start3A_450, %dma_start3A_451] : memref<8x32x128xf32, #tpu.memory_space<vmem>> -> memref<1x8x128xf32, #tpu.memory_space<vmem>>
    %dma_start3A_453 = tpu.memref_squeeze %dma_start3A_452 : memref<1x8x128xf32, #tpu.memory_space<vmem>> -> memref<8x128xf32, #tpu.memory_space<vmem>>
    %dma_start3A_454 = arith.constant 24 : i32
    %dma_start3A_455 = tpu.memref_slice %arg4[%dma_start3A_454, %multiple_of3A_361] : memref<32x1000000xf32, #tpu.memory_space<hbm>> -> memref<8x128xf32, #tpu.memory_space<hbm>>
    tpu.enqueue_dma source(%dma_start3A_455 : memref<8x128xf32, #tpu.memory_space<hbm>>) target(%dma_start3A_453 : memref<8x128xf32, #tpu.memory_space<vmem>>) target_semaphore(%arg16 : memref<!tpu.dma_semaphore, #tpu.memory_space<semaphore_mem>>)
    %dma_start3A_456 = arith.constant 3 : i32
    %dma_start3A_457 = arith.constant 24 : i32
    %dma_start3A_458 = arith.constant 0 : i32
    %dma_start3A_459 = tpu.memref_slice %arg8[%dma_start3A_456, %dma_start3A_457, %dma_start3A_458] : memref<8x32x128xf32, #tpu.memory_space<vmem>> -> memref<1x8x128xf32, #tpu.memory_space<vmem>>
    %dma_start3A_460 = tpu.memref_squeeze %dma_start3A_459 : memref<1x8x128xf32, #tpu.memory_space<vmem>> -> memref<8x128xf32, #tpu.memory_space<vmem>>
    %dma_start3A_461 = arith.constant 24 : i32
    %dma_start3A_462 = tpu.memref_slice %arg5[%dma_start3A_461, %multiple_of3A_364] : memref<32x1000000xf32, #tpu.memory_space<hbm>> -> memref<8x128xf32, #tpu.memory_space<hbm>>
    %dma_start3A_463 = arith.constant 24 : i32
    %dma_start3A_464 = arith.constant 0 : i32
    %dma_start3A_465 = tpu.memref_slice %arg8[%dma_start3A_456, %dma_start3A_463, %dma_start3A_464] : memref<8x32x128xf32, #tpu.memory_space<vmem>> -> memref<1x8x128xf32, #tpu.memory_space<vmem>>
    %dma_start3A_466 = tpu.memref_squeeze %dma_start3A_465 : memref<1x8x128xf32, #tpu.memory_space<vmem>> -> memref<8x128xf32, #tpu.memory_space<vmem>>
    %dma_start3A_467 = arith.constant 24 : i32
    %dma_start3A_468 = tpu.memref_slice %arg5[%dma_start3A_467, %multiple_of3A_364] : memref<32x1000000xf32, #tpu.memory_space<hbm>> -> memref<8x128xf32, #tpu.memory_space<hbm>>
    tpu.enqueue_dma source(%dma_start3A_468 : memref<8x128xf32, #tpu.memory_space<hbm>>) target(%dma_start3A_466 : memref<8x128xf32, #tpu.memory_space<vmem>>) target_semaphore(%arg24 : memref<!tpu.dma_semaphore, #tpu.memory_space<semaphore_mem>>)
    %get3A_469 = arith.constant 4 : index
    %get3A_470 = tpu.vector_load %arg11[%get3A_469] {strides = array<i32>} : memref<528xi32, #tpu.memory_space<vmem>>, vector<16xi32>,
    %slice3A_471 = vector.extract_strided_slice %get3A_470 {offsets = [0], sizes = [1], strides = [1]} : vector<16xi32> to vector<1xi32>
    %squeeze3A_472 = vector.extract %slice3A_471[0] : i32 from vector<1xi32>
    %get3A_473 = arith.constant 4 : index
    %get3A_474 = tpu.vector_load %arg12[%get3A_473] {strides = array<i32>} : memref<528xi32, #tpu.memory_space<vmem>>, vector<16xi32>,
    %slice3A_475 = vector.extract_strided_slice %get3A_474 {offsets = [0], sizes = [1], strides = [1]} : vector<16xi32> to vector<1xi32>
    %squeeze3A_476 = vector.extract %slice3A_475[0] : i32 from vector<1xi32>
    %and3A_477 = arith.constant -128 : i32
    %and3A_478 = arith.andi %squeeze3A_472, %and3A_477 : i32
    %multiple_of3A_479 = tpu.assume_multiple %and3A_478, 128 : i32
    %and3A_480 = arith.constant -128 : i32
    %and3A_481 = arith.andi %squeeze3A_476, %and3A_480 : i32
    %multiple_of3A_482 = tpu.assume_multiple %and3A_481, 128 : i32
    %dma_start3A_483 = arith.constant 4 : i32
    %dma_start3A_484 = arith.constant 0 : i32
    %dma_start3A_485 = arith.constant 0 : i32
    %dma_start3A_486 = tpu.memref_slice %arg7[%dma_start3A_483, %dma_start3A_484, %dma_start3A_485] : memref<8x32x128xf32, #tpu.memory_space<vmem>> -> memref<1x8x128xf32, #tpu.memory_space<vmem>>
    %dma_start3A_487 = tpu.memref_squeeze %dma_start3A_486 : memref<1x8x128xf32, #tpu.memory_space<vmem>> -> memref<8x128xf32, #tpu.memory_space<vmem>>
    %dma_start3A_488 = arith.constant 0 : i32
    %dma_start3A_489 = tpu.memref_slice %arg4[%dma_start3A_488, %multiple_of3A_479] : memref<32x1000000xf32, #tpu.memory_space<hbm>> -> memref<8x128xf32, #tpu.memory_space<hbm>>
    %dma_start3A_490 = arith.constant 0 : i32
    %dma_start3A_491 = arith.constant 0 : i32
    %dma_start3A_492 = tpu.memref_slice %arg7[%dma_start3A_483, %dma_start3A_490, %dma_start3A_491] : memref<8x32x128xf32, #tpu.memory_space<vmem>> -> memref<1x8x128xf32, #tpu.memory_space<vmem>>
    %dma_start3A_493 = tpu.memref_squeeze %dma_start3A_492 : memref<1x8x128xf32, #tpu.memory_space<vmem>> -> memref<8x128xf32, #tpu.memory_space<vmem>>
    %dma_start3A_494 = arith.constant 0 : i32
    %dma_start3A_495 = tpu.memref_slice %arg4[%dma_start3A_494, %multiple_of3A_479] : memref<32x1000000xf32, #tpu.memory_space<hbm>> -> memref<8x128xf32, #tpu.memory_space<hbm>>
    tpu.enqueue_dma source(%dma_start3A_495 : memref<8x128xf32, #tpu.memory_space<hbm>>) target(%dma_start3A_493 : memref<8x128xf32, #tpu.memory_space<vmem>>) target_semaphore(%arg17 : memref<!tpu.dma_semaphore, #tpu.memory_space<semaphore_mem>>)
    %dma_start3A_496 = arith.constant 4 : i32
    %dma_start3A_497 = arith.constant 0 : i32
    %dma_start3A_498 = arith.constant 0 : i32
    %dma_start3A_499 = tpu.memref_slice %arg8[%dma_start3A_496, %dma_start3A_497, %dma_start3A_498] : memref<8x32x128xf32, #tpu.memory_space<vmem>> -> memref<1x8x128xf32, #tpu.memory_space<vmem>>
    %dma_start3A_500 = tpu.memref_squeeze %dma_start3A_499 : memref<1x8x128xf32, #tpu.memory_space<vmem>> -> memref<8x128xf32, #tpu.memory_space<vmem>>
    %dma_start3A_501 = arith.constant 0 : i32
    %dma_start3A_502 = tpu.memref_slice %arg5[%dma_start3A_501, %multiple_of3A_482] : memref<32x1000000xf32, #tpu.memory_space<hbm>> -> memref<8x128xf32, #tpu.memory_space<hbm>>
    %dma_start3A_503 = arith.constant 0 : i32
    %dma_start3A_504 = arith.constant 0 : i32
    %dma_start3A_505 = tpu.memref_slice %arg8[%dma_start3A_496, %dma_start3A_503, %dma_start3A_504] : memref<8x32x128xf32, #tpu.memory_space<vmem>> -> memref<1x8x128xf32, #tpu.memory_space<vmem>>
    %dma_start3A_506 = tpu.memref_squeeze %dma_start3A_505 : memref<1x8x128xf32, #tpu.memory_space<vmem>> -> memref<8x128xf32, #tpu.memory_space<vmem>>
    %dma_start3A_507 = arith.constant 0 : i32
    %dma_start3A_508 = tpu.memref_slice %arg5[%dma_start3A_507, %multiple_of3A_482] : memref<32x1000000xf32, #tpu.memory_space<hbm>> -> memref<8x128xf32, #tpu.memory_space<hbm>>
    tpu.enqueue_dma source(%dma_start3A_508 : memref<8x128xf32, #tpu.memory_space<hbm>>) target(%dma_start3A_506 : memref<8x128xf32, #tpu.memory_space<vmem>>) target_semaphore(%arg25 : memref<!tpu.dma_semaphore, #tpu.memory_space<semaphore_mem>>)
    %dma_start3A_509 = arith.constant 4 : i32
    %dma_start3A_510 = arith.constant 8 : i32
    %dma_start3A_511 = arith.constant 0 : i32
    %dma_start3A_512 = tpu.memref_slice %arg7[%dma_start3A_509, %dma_start3A_510, %dma_start3A_511] : memref<8x32x128xf32, #tpu.memory_space<vmem>> -> memref<1x8x128xf32, #tpu.memory_space<vmem>>
    %dma_start3A_513 = tpu.memref_squeeze %dma_start3A_512 : memref<1x8x128xf32, #tpu.memory_space<vmem>> -> memref<8x128xf32, #tpu.memory_space<vmem>>
    %dma_start3A_514 = arith.constant 8 : i32
    %dma_start3A_515 = tpu.memref_slice %arg4[%dma_start3A_514, %multiple_of3A_479] : memref<32x1000000xf32, #tpu.memory_space<hbm>> -> memref<8x128xf32, #tpu.memory_space<hbm>>
    %dma_start3A_516 = arith.constant 8 : i32
    %dma_start3A_517 = arith.constant 0 : i32
    %dma_start3A_518 = tpu.memref_slice %arg7[%dma_start3A_509, %dma_start3A_516, %dma_start3A_517] : memref<8x32x128xf32, #tpu.memory_space<vmem>> -> memref<1x8x128xf32, #tpu.memory_space<vmem>>
    %dma_start3A_519 = tpu.memref_squeeze %dma_start3A_518 : memref<1x8x128xf32, #tpu.memory_space<vmem>> -> memref<8x128xf32, #tpu.memory_space<vmem>>
    %dma_start3A_520 = arith.constant 8 : i32
    %dma_start3A_521 = tpu.memref_slice %arg4[%dma_start3A_520, %multiple_of3A_479] : memref<32x1000000xf32, #tpu.memory_space<hbm>> -> memref<8x128xf32, #tpu.memory_space<hbm>>
    tpu.enqueue_dma source(%dma_start3A_521 : memref<8x128xf32, #tpu.memory_space<hbm>>) target(%dma_start3A_519 : memref<8x128xf32, #tpu.memory_space<vmem>>) target_semaphore(%arg17 : memref<!tpu.dma_semaphore, #tpu.memory_space<semaphore_mem>>)
    %dma_start3A_522 = arith.constant 4 : i32
    %dma_start3A_523 = arith.constant 8 : i32
    %dma_start3A_524 = arith.constant 0 : i32
    %dma_start3A_525 = tpu.memref_slice %arg8[%dma_start3A_522, %dma_start3A_523, %dma_start3A_524] : memref<8x32x128xf32, #tpu.memory_space<vmem>> -> memref<1x8x128xf32, #tpu.memory_space<vmem>>
    %dma_start3A_526 = tpu.memref_squeeze %dma_start3A_525 : memref<1x8x128xf32, #tpu.memory_space<vmem>> -> memref<8x128xf32, #tpu.memory_space<vmem>>
    %dma_start3A_527 = arith.constant 8 : i32
    %dma_start3A_528 = tpu.memref_slice %arg5[%dma_start3A_527, %multiple_of3A_482] : memref<32x1000000xf32, #tpu.memory_space<hbm>> -> memref<8x128xf32, #tpu.memory_space<hbm>>
    %dma_start3A_529 = arith.constant 8 : i32
    %dma_start3A_530 = arith.constant 0 : i32
    %dma_start3A_531 = tpu.memref_slice %arg8[%dma_start3A_522, %dma_start3A_529, %dma_start3A_530] : memref<8x32x128xf32, #tpu.memory_space<vmem>> -> memref<1x8x128xf32, #tpu.memory_space<vmem>>
    %dma_start3A_532 = tpu.memref_squeeze %dma_start3A_531 : memref<1x8x128xf32, #tpu.memory_space<vmem>> -> memref<8x128xf32, #tpu.memory_space<vmem>>
    %dma_start3A_533 = arith.constant 8 : i32
    %dma_start3A_534 = tpu.memref_slice %arg5[%dma_start3A_533, %multiple_of3A_482] : memref<32x1000000xf32, #tpu.memory_space<hbm>> -> memref<8x128xf32, #tpu.memory_space<hbm>>
    tpu.enqueue_dma source(%dma_start3A_534 : memref<8x128xf32, #tpu.memory_space<hbm>>) target(%dma_start3A_532 : memref<8x128xf32, #tpu.memory_space<vmem>>) target_semaphore(%arg25 : memref<!tpu.dma_semaphore, #tpu.memory_space<semaphore_mem>>)
    %dma_start3A_535 = arith.constant 4 : i32
    %dma_start3A_536 = arith.constant 16 : i32
    %dma_start3A_537 = arith.constant 0 : i32
    %dma_start3A_538 = tpu.memref_slice %arg7[%dma_start3A_535, %dma_start3A_536, %dma_start3A_537] : memref<8x32x128xf32, #tpu.memory_space<vmem>> -> memref<1x8x128xf32, #tpu.memory_space<vmem>>
    %dma_start3A_539 = tpu.memref_squeeze %dma_start3A_538 : memref<1x8x128xf32, #tpu.memory_space<vmem>> -> memref<8x128xf32, #tpu.memory_space<vmem>>
    %dma_start3A_540 = arith.constant 16 : i32
    %dma_start3A_541 = tpu.memref_slice %arg4[%dma_start3A_540, %multiple_of3A_479] : memref<32x1000000xf32, #tpu.memory_space<hbm>> -> memref<8x128xf32, #tpu.memory_space<hbm>>
    %dma_start3A_542 = arith.constant 16 : i32
    %dma_start3A_543 = arith.constant 0 : i32
    %dma_start3A_544 = tpu.memref_slice %arg7[%dma_start3A_535, %dma_start3A_542, %dma_start3A_543] : memref<8x32x128xf32, #tpu.memory_space<vmem>> -> memref<1x8x128xf32, #tpu.memory_space<vmem>>
    %dma_start3A_545 = tpu.memref_squeeze %dma_start3A_544 : memref<1x8x128xf32, #tpu.memory_space<vmem>> -> memref<8x128xf32, #tpu.memory_space<vmem>>
    %dma_start3A_546 = arith.constant 16 : i32
    %dma_start3A_547 = tpu.memref_slice %arg4[%dma_start3A_546, %multiple_of3A_479] : memref<32x1000000xf32, #tpu.memory_space<hbm>> -> memref<8x128xf32, #tpu.memory_space<hbm>>
    tpu.enqueue_dma source(%dma_start3A_547 : memref<8x128xf32, #tpu.memory_space<hbm>>) target(%dma_start3A_545 : memref<8x128xf32, #tpu.memory_space<vmem>>) target_semaphore(%arg17 : memref<!tpu.dma_semaphore, #tpu.memory_space<semaphore_mem>>)
    %dma_start3A_548 = arith.constant 4 : i32
    %dma_start3A_549 = arith.constant 16 : i32
    %dma_start3A_550 = arith.constant 0 : i32
    %dma_start3A_551 = tpu.memref_slice %arg8[%dma_start3A_548, %dma_start3A_549, %dma_start3A_550] : memref<8x32x128xf32, #tpu.memory_space<vmem>> -> memref<1x8x128xf32, #tpu.memory_space<vmem>>
    %dma_start3A_552 = tpu.memref_squeeze %dma_start3A_551 : memref<1x8x128xf32, #tpu.memory_space<vmem>> -> memref<8x128xf32, #tpu.memory_space<vmem>>
    %dma_start3A_553 = arith.constant 16 : i32
    %dma_start3A_554 = tpu.memref_slice %arg5[%dma_start3A_553, %multiple_of3A_482] : memref<32x1000000xf32, #tpu.memory_space<hbm>> -> memref<8x128xf32, #tpu.memory_space<hbm>>
    %dma_start3A_555 = arith.constant 16 : i32
    %dma_start3A_556 = arith.constant 0 : i32
    %dma_start3A_557 = tpu.memref_slice %arg8[%dma_start3A_548, %dma_start3A_555, %dma_start3A_556] : memref<8x32x128xf32, #tpu.memory_space<vmem>> -> memref<1x8x128xf32, #tpu.memory_space<vmem>>
    %dma_start3A_558 = tpu.memref_squeeze %dma_start3A_557 : memref<1x8x128xf32, #tpu.memory_space<vmem>> -> memref<8x128xf32, #tpu.memory_space<vmem>>
    %dma_start3A_559 = arith.constant 16 : i32
    %dma_start3A_560 = tpu.memref_slice %arg5[%dma_start3A_559, %multiple_of3A_482] : memref<32x1000000xf32, #tpu.memory_space<hbm>> -> memref<8x128xf32, #tpu.memory_space<hbm>>
    tpu.enqueue_dma source(%dma_start3A_560 : memref<8x128xf32, #tpu.memory_space<hbm>>) target(%dma_start3A_558 : memref<8x128xf32, #tpu.memory_space<vmem>>) target_semaphore(%arg25 : memref<!tpu.dma_semaphore, #tpu.memory_space<semaphore_mem>>)
    %dma_start3A_561 = arith.constant 4 : i32
    %dma_start3A_562 = arith.constant 24 : i32
    %dma_start3A_563 = arith.constant 0 : i32
    %dma_start3A_564 = tpu.memref_slice %arg7[%dma_start3A_561, %dma_start3A_562, %dma_start3A_563] : memref<8x32x128xf32, #tpu.memory_space<vmem>> -> memref<1x8x128xf32, #tpu.memory_space<vmem>>
    %dma_start3A_565 = tpu.memref_squeeze %dma_start3A_564 : memref<1x8x128xf32, #tpu.memory_space<vmem>> -> memref<8x128xf32, #tpu.memory_space<vmem>>
    %dma_start3A_566 = arith.constant 24 : i32
    %dma_start3A_567 = tpu.memref_slice %arg4[%dma_start3A_566, %multiple_of3A_479] : memref<32x1000000xf32, #tpu.memory_space<hbm>> -> memref<8x128xf32, #tpu.memory_space<hbm>>
    %dma_start3A_568 = arith.constant 24 : i32
    %dma_start3A_569 = arith.constant 0 : i32
    %dma_start3A_570 = tpu.memref_slice %arg7[%dma_start3A_561, %dma_start3A_568, %dma_start3A_569] : memref<8x32x128xf32, #tpu.memory_space<vmem>> -> memref<1x8x128xf32, #tpu.memory_space<vmem>>
    %dma_start3A_571 = tpu.memref_squeeze %dma_start3A_570 : memref<1x8x128xf32, #tpu.memory_space<vmem>> -> memref<8x128xf32, #tpu.memory_space<vmem>>
    %dma_start3A_572 = arith.constant 24 : i32
    %dma_start3A_573 = tpu.memref_slice %arg4[%dma_start3A_572, %multiple_of3A_479] : memref<32x1000000xf32, #tpu.memory_space<hbm>> -> memref<8x128xf32, #tpu.memory_space<hbm>>
    tpu.enqueue_dma source(%dma_start3A_573 : memref<8x128xf32, #tpu.memory_space<hbm>>) target(%dma_start3A_571 : memref<8x128xf32, #tpu.memory_space<vmem>>) target_semaphore(%arg17 : memref<!tpu.dma_semaphore, #tpu.memory_space<semaphore_mem>>)
    %dma_start3A_574 = arith.constant 4 : i32
    %dma_start3A_575 = arith.constant 24 : i32
    %dma_start3A_576 = arith.constant 0 : i32
    %dma_start3A_577 = tpu.memref_slice %arg8[%dma_start3A_574, %dma_start3A_575, %dma_start3A_576] : memref<8x32x128xf32, #tpu.memory_space<vmem>> -> memref<1x8x128xf32, #tpu.memory_space<vmem>>
    %dma_start3A_578 = tpu.memref_squeeze %dma_start3A_577 : memref<1x8x128xf32, #tpu.memory_space<vmem>> -> memref<8x128xf32, #tpu.memory_space<vmem>>
    %dma_start3A_579 = arith.constant 24 : i32
    %dma_start3A_580 = tpu.memref_slice %arg5[%dma_start3A_579, %multiple_of3A_482] : memref<32x1000000xf32, #tpu.memory_space<hbm>> -> memref<8x128xf32, #tpu.memory_space<hbm>>
    %dma_start3A_581 = arith.constant 24 : i32
    %dma_start3A_582 = arith.constant 0 : i32
    %dma_start3A_583 = tpu.memref_slice %arg8[%dma_start3A_574, %dma_start3A_581, %dma_start3A_582] : memref<8x32x128xf32, #tpu.memory_space<vmem>> -> memref<1x8x128xf32, #tpu.memory_space<vmem>>
    %dma_start3A_584 = tpu.memref_squeeze %dma_start3A_583 : memref<1x8x128xf32, #tpu.memory_space<vmem>> -> memref<8x128xf32, #tpu.memory_space<vmem>>
    %dma_start3A_585 = arith.constant 24 : i32
    %dma_start3A_586 = tpu.memref_slice %arg5[%dma_start3A_585, %multiple_of3A_482] : memref<32x1000000xf32, #tpu.memory_space<hbm>> -> memref<8x128xf32, #tpu.memory_space<hbm>>
    tpu.enqueue_dma source(%dma_start3A_586 : memref<8x128xf32, #tpu.memory_space<hbm>>) target(%dma_start3A_584 : memref<8x128xf32, #tpu.memory_space<vmem>>) target_semaphore(%arg25 : memref<!tpu.dma_semaphore, #tpu.memory_space<semaphore_mem>>)
    %get3A_587 = arith.constant 5 : index
    %get3A_588 = tpu.vector_load %arg11[%get3A_587] {strides = array<i32>} : memref<528xi32, #tpu.memory_space<vmem>>, vector<16xi32>,
    %slice3A_589 = vector.extract_strided_slice %get3A_588 {offsets = [0], sizes = [1], strides = [1]} : vector<16xi32> to vector<1xi32>
    %squeeze3A_590 = vector.extract %slice3A_589[0] : i32 from vector<1xi32>
    %get3A_591 = arith.constant 5 : index
    %get3A_592 = tpu.vector_load %arg12[%get3A_591] {strides = array<i32>} : memref<528xi32, #tpu.memory_space<vmem>>, vector<16xi32>,
    %slice3A_593 = vector.extract_strided_slice %get3A_592 {offsets = [0], sizes = [1], strides = [1]} : vector<16xi32> to vector<1xi32>
    %squeeze3A_594 = vector.extract %slice3A_593[0] : i32 from vector<1xi32>
    %and3A_595 = arith.constant -128 : i32
    %and3A_596 = arith.andi %squeeze3A_590, %and3A_595 : i32
    %multiple_of3A_597 = tpu.assume_multiple %and3A_596, 128 : i32
    %and3A_598 = arith.constant -128 : i32
    %and3A_599 = arith.andi %squeeze3A_594, %and3A_598 : i32
    %multiple_of3A_600 = tpu.assume_multiple %and3A_599, 128 : i32
    %dma_start3A_601 = arith.constant 5 : i32
    %dma_start3A_602 = arith.constant 0 : i32
    %dma_start3A_603 = arith.constant 0 : i32
    %dma_start3A_604 = tpu.memref_slice %arg7[%dma_start3A_601, %dma_start3A_602, %dma_start3A_603] : memref<8x32x128xf32, #tpu.memory_space<vmem>> -> memref<1x8x128xf32, #tpu.memory_space<vmem>>
    %dma_start3A_605 = tpu.memref_squeeze %dma_start3A_604 : memref<1x8x128xf32, #tpu.memory_space<vmem>> -> memref<8x128xf32, #tpu.memory_space<vmem>>
    %dma_start3A_606 = arith.constant 0 : i32
    %dma_start3A_607 = tpu.memref_slice %arg4[%dma_start3A_606, %multiple_of3A_597] : memref<32x1000000xf32, #tpu.memory_space<hbm>> -> memref<8x128xf32, #tpu.memory_space<hbm>>
    %dma_start3A_608 = arith.constant 0 : i32
    %dma_start3A_609 = arith.constant 0 : i32
    %dma_start3A_610 = tpu.memref_slice %arg7[%dma_start3A_601, %dma_start3A_608, %dma_start3A_609] : memref<8x32x128xf32, #tpu.memory_space<vmem>> -> memref<1x8x128xf32, #tpu.memory_space<vmem>>
    %dma_start3A_611 = tpu.memref_squeeze %dma_start3A_610 : memref<1x8x128xf32, #tpu.memory_space<vmem>> -> memref<8x128xf32, #tpu.memory_space<vmem>>
    %dma_start3A_612 = arith.constant 0 : i32
    %dma_start3A_613 = tpu.memref_slice %arg4[%dma_start3A_612, %multiple_of3A_597] : memref<32x1000000xf32, #tpu.memory_space<hbm>> -> memref<8x128xf32, #tpu.memory_space<hbm>>
    tpu.enqueue_dma source(%dma_start3A_613 : memref<8x128xf32, #tpu.memory_space<hbm>>) target(%dma_start3A_611 : memref<8x128xf32, #tpu.memory_space<vmem>>) target_semaphore(%arg18 : memref<!tpu.dma_semaphore, #tpu.memory_space<semaphore_mem>>)
    %dma_start3A_614 = arith.constant 5 : i32
    %dma_start3A_615 = arith.constant 0 : i32
    %dma_start3A_616 = arith.constant 0 : i32
    %dma_start3A_617 = tpu.memref_slice %arg8[%dma_start3A_614, %dma_start3A_615, %dma_start3A_616] : memref<8x32x128xf32, #tpu.memory_space<vmem>> -> memref<1x8x128xf32, #tpu.memory_space<vmem>>
    %dma_start3A_618 = tpu.memref_squeeze %dma_start3A_617 : memref<1x8x128xf32, #tpu.memory_space<vmem>> -> memref<8x128xf32, #tpu.memory_space<vmem>>
    %dma_start3A_619 = arith.constant 0 : i32
    %dma_start3A_620 = tpu.memref_slice %arg5[%dma_start3A_619, %multiple_of3A_600] : memref<32x1000000xf32, #tpu.memory_space<hbm>> -> memref<8x128xf32, #tpu.memory_space<hbm>>
    %dma_start3A_621 = arith.constant 0 : i32
    %dma_start3A_622 = arith.constant 0 : i32
    %dma_start3A_623 = tpu.memref_slice %arg8[%dma_start3A_614, %dma_start3A_621, %dma_start3A_622] : memref<8x32x128xf32, #tpu.memory_space<vmem>> -> memref<1x8x128xf32, #tpu.memory_space<vmem>>
    %dma_start3A_624 = tpu.memref_squeeze %dma_start3A_623 : memref<1x8x128xf32, #tpu.memory_space<vmem>> -> memref<8x128xf32, #tpu.memory_space<vmem>>
    %dma_start3A_625 = arith.constant 0 : i32
    %dma_start3A_626 = tpu.memref_slice %arg5[%dma_start3A_625, %multiple_of3A_600] : memref<32x1000000xf32, #tpu.memory_space<hbm>> -> memref<8x128xf32, #tpu.memory_space<hbm>>
    tpu.enqueue_dma source(%dma_start3A_626 : memref<8x128xf32, #tpu.memory_space<hbm>>) target(%dma_start3A_624 : memref<8x128xf32, #tpu.memory_space<vmem>>) target_semaphore(%arg26 : memref<!tpu.dma_semaphore, #tpu.memory_space<semaphore_mem>>)
    %dma_start3A_627 = arith.constant 5 : i32
    %dma_start3A_628 = arith.constant 8 : i32
    %dma_start3A_629 = arith.constant 0 : i32
    %dma_start3A_630 = tpu.memref_slice %arg7[%dma_start3A_627, %dma_start3A_628, %dma_start3A_629] : memref<8x32x128xf32, #tpu.memory_space<vmem>> -> memref<1x8x128xf32, #tpu.memory_space<vmem>>
    %dma_start3A_631 = tpu.memref_squeeze %dma_start3A_630 : memref<1x8x128xf32, #tpu.memory_space<vmem>> -> memref<8x128xf32, #tpu.memory_space<vmem>>
    %dma_start3A_632 = arith.constant 8 : i32
    %dma_start3A_633 = tpu.memref_slice %arg4[%dma_start3A_632, %multiple_of3A_597] : memref<32x1000000xf32, #tpu.memory_space<hbm>> -> memref<8x128xf32, #tpu.memory_space<hbm>>
    %dma_start3A_634 = arith.constant 8 : i32
    %dma_start3A_635 = arith.constant 0 : i32
    %dma_start3A_636 = tpu.memref_slice %arg7[%dma_start3A_627, %dma_start3A_634, %dma_start3A_635] : memref<8x32x128xf32, #tpu.memory_space<vmem>> -> memref<1x8x128xf32, #tpu.memory_space<vmem>>
    %dma_start3A_637 = tpu.memref_squeeze %dma_start3A_636 : memref<1x8x128xf32, #tpu.memory_space<vmem>> -> memref<8x128xf32, #tpu.memory_space<vmem>>
    %dma_start3A_638 = arith.constant 8 : i32
    %dma_start3A_639 = tpu.memref_slice %arg4[%dma_start3A_638, %multiple_of3A_597] : memref<32x1000000xf32, #tpu.memory_space<hbm>> -> memref<8x128xf32, #tpu.memory_space<hbm>>
    tpu.enqueue_dma source(%dma_start3A_639 : memref<8x128xf32, #tpu.memory_space<hbm>>) target(%dma_start3A_637 : memref<8x128xf32, #tpu.memory_space<vmem>>) target_semaphore(%arg18 : memref<!tpu.dma_semaphore, #tpu.memory_space<semaphore_mem>>)
    %dma_start3A_640 = arith.constant 5 : i32
    %dma_start3A_641 = arith.constant 8 : i32
    %dma_start3A_642 = arith.constant 0 : i32
    %dma_start3A_643 = tpu.memref_slice %arg8[%dma_start3A_640, %dma_start3A_641, %dma_start3A_642] : memref<8x32x128xf32, #tpu.memory_space<vmem>> -> memref<1x8x128xf32, #tpu.memory_space<vmem>>
    %dma_start3A_644 = tpu.memref_squeeze %dma_start3A_643 : memref<1x8x128xf32, #tpu.memory_space<vmem>> -> memref<8x128xf32, #tpu.memory_space<vmem>>
    %dma_start3A_645 = arith.constant 8 : i32
    %dma_start3A_646 = tpu.memref_slice %arg5[%dma_start3A_645, %multiple_of3A_600] : memref<32x1000000xf32, #tpu.memory_space<hbm>> -> memref<8x128xf32, #tpu.memory_space<hbm>>
    %dma_start3A_647 = arith.constant 8 : i32
    %dma_start3A_648 = arith.constant 0 : i32
    %dma_start3A_649 = tpu.memref_slice %arg8[%dma_start3A_640, %dma_start3A_647, %dma_start3A_648] : memref<8x32x128xf32, #tpu.memory_space<vmem>> -> memref<1x8x128xf32, #tpu.memory_space<vmem>>
    %dma_start3A_650 = tpu.memref_squeeze %dma_start3A_649 : memref<1x8x128xf32, #tpu.memory_space<vmem>> -> memref<8x128xf32, #tpu.memory_space<vmem>>
    %dma_start3A_651 = arith.constant 8 : i32
    %dma_start3A_652 = tpu.memref_slice %arg5[%dma_start3A_651, %multiple_of3A_600] : memref<32x1000000xf32, #tpu.memory_space<hbm>> -> memref<8x128xf32, #tpu.memory_space<hbm>>
    tpu.enqueue_dma source(%dma_start3A_652 : memref<8x128xf32, #tpu.memory_space<hbm>>) target(%dma_start3A_650 : memref<8x128xf32, #tpu.memory_space<vmem>>) target_semaphore(%arg26 : memref<!tpu.dma_semaphore, #tpu.memory_space<semaphore_mem>>)
    %dma_start3A_653 = arith.constant 5 : i32
    %dma_start3A_654 = arith.constant 16 : i32
    %dma_start3A_655 = arith.constant 0 : i32
    %dma_start3A_656 = tpu.memref_slice %arg7[%dma_start3A_653, %dma_start3A_654, %dma_start3A_655] : memref<8x32x128xf32, #tpu.memory_space<vmem>> -> memref<1x8x128xf32, #tpu.memory_space<vmem>>
    %dma_start3A_657 = tpu.memref_squeeze %dma_start3A_656 : memref<1x8x128xf32, #tpu.memory_space<vmem>> -> memref<8x128xf32, #tpu.memory_space<vmem>>
    %dma_start3A_658 = arith.constant 16 : i32
    %dma_start3A_659 = tpu.memref_slice %arg4[%dma_start3A_658, %multiple_of3A_597] : memref<32x1000000xf32, #tpu.memory_space<hbm>> -> memref<8x128xf32, #tpu.memory_space<hbm>>
    %dma_start3A_660 = arith.constant 16 : i32
    %dma_start3A_661 = arith.constant 0 : i32
    %dma_start3A_662 = tpu.memref_slice %arg7[%dma_start3A_653, %dma_start3A_660, %dma_start3A_661] : memref<8x32x128xf32, #tpu.memory_space<vmem>> -> memref<1x8x128xf32, #tpu.memory_space<vmem>>
    %dma_start3A_663 = tpu.memref_squeeze %dma_start3A_662 : memref<1x8x128xf32, #tpu.memory_space<vmem>> -> memref<8x128xf32, #tpu.memory_space<vmem>>
    %dma_start3A_664 = arith.constant 16 : i32
    %dma_start3A_665 = tpu.memref_slice %arg4[%dma_start3A_664, %multiple_of3A_597] : memref<32x1000000xf32, #tpu.memory_space<hbm>> -> memref<8x128xf32, #tpu.memory_space<hbm>>
    tpu.enqueue_dma source(%dma_start3A_665 : memref<8x128xf32, #tpu.memory_space<hbm>>) target(%dma_start3A_663 : memref<8x128xf32, #tpu.memory_space<vmem>>) target_semaphore(%arg18 : memref<!tpu.dma_semaphore, #tpu.memory_space<semaphore_mem>>)
    %dma_start3A_666 = arith.constant 5 : i32
    %dma_start3A_667 = arith.constant 16 : i32
    %dma_start3A_668 = arith.constant 0 : i32
    %dma_start3A_669 = tpu.memref_slice %arg8[%dma_start3A_666, %dma_start3A_667, %dma_start3A_668] : memref<8x32x128xf32, #tpu.memory_space<vmem>> -> memref<1x8x128xf32, #tpu.memory_space<vmem>>
    %dma_start3A_670 = tpu.memref_squeeze %dma_start3A_669 : memref<1x8x128xf32, #tpu.memory_space<vmem>> -> memref<8x128xf32, #tpu.memory_space<vmem>>
    %dma_start3A_671 = arith.constant 16 : i32
    %dma_start3A_672 = tpu.memref_slice %arg5[%dma_start3A_671, %multiple_of3A_600] : memref<32x1000000xf32, #tpu.memory_space<hbm>> -> memref<8x128xf32, #tpu.memory_space<hbm>>
    %dma_start3A_673 = arith.constant 16 : i32
    %dma_start3A_674 = arith.constant 0 : i32
    %dma_start3A_675 = tpu.memref_slice %arg8[%dma_start3A_666, %dma_start3A_673, %dma_start3A_674] : memref<8x32x128xf32, #tpu.memory_space<vmem>> -> memref<1x8x128xf32, #tpu.memory_space<vmem>>
    %dma_start3A_676 = tpu.memref_squeeze %dma_start3A_675 : memref<1x8x128xf32, #tpu.memory_space<vmem>> -> memref<8x128xf32, #tpu.memory_space<vmem>>
    %dma_start3A_677 = arith.constant 16 : i32
    %dma_start3A_678 = tpu.memref_slice %arg5[%dma_start3A_677, %multiple_of3A_600] : memref<32x1000000xf32, #tpu.memory_space<hbm>> -> memref<8x128xf32, #tpu.memory_space<hbm>>
    tpu.enqueue_dma source(%dma_start3A_678 : memref<8x128xf32, #tpu.memory_space<hbm>>) target(%dma_start3A_676 : memref<8x128xf32, #tpu.memory_space<vmem>>) target_semaphore(%arg26 : memref<!tpu.dma_semaphore, #tpu.memory_space<semaphore_mem>>)
    %dma_start3A_679 = arith.constant 5 : i32
    %dma_start3A_680 = arith.constant 24 : i32
    %dma_start3A_681 = arith.constant 0 : i32
    %dma_start3A_682 = tpu.memref_slice %arg7[%dma_start3A_679, %dma_start3A_680, %dma_start3A_681] : memref<8x32x128xf32, #tpu.memory_space<vmem>> -> memref<1x8x128xf32, #tpu.memory_space<vmem>>
    %dma_start3A_683 = tpu.memref_squeeze %dma_start3A_682 : memref<1x8x128xf32, #tpu.memory_space<vmem>> -> memref<8x128xf32, #tpu.memory_space<vmem>>
    %dma_start3A_684 = arith.constant 24 : i32
    %dma_start3A_685 = tpu.memref_slice %arg4[%dma_start3A_684, %multiple_of3A_597] : memref<32x1000000xf32, #tpu.memory_space<hbm>> -> memref<8x128xf32, #tpu.memory_space<hbm>>
    %dma_start3A_686 = arith.constant 24 : i32
    %dma_start3A_687 = arith.constant 0 : i32
    %dma_start3A_688 = tpu.memref_slice %arg7[%dma_start3A_679, %dma_start3A_686, %dma_start3A_687] : memref<8x32x128xf32, #tpu.memory_space<vmem>> -> memref<1x8x128xf32, #tpu.memory_space<vmem>>
    %dma_start3A_689 = tpu.memref_squeeze %dma_start3A_688 : memref<1x8x128xf32, #tpu.memory_space<vmem>> -> memref<8x128xf32, #tpu.memory_space<vmem>>
    %dma_start3A_690 = arith.constant 24 : i32
    %dma_start3A_691 = tpu.memref_slice %arg4[%dma_start3A_690, %multiple_of3A_597] : memref<32x1000000xf32, #tpu.memory_space<hbm>> -> memref<8x128xf32, #tpu.memory_space<hbm>>
    tpu.enqueue_dma source(%dma_start3A_691 : memref<8x128xf32, #tpu.memory_space<hbm>>) target(%dma_start3A_689 : memref<8x128xf32, #tpu.memory_space<vmem>>) target_semaphore(%arg18 : memref<!tpu.dma_semaphore, #tpu.memory_space<semaphore_mem>>)
    %dma_start3A_692 = arith.constant 5 : i32
    %dma_start3A_693 = arith.constant 24 : i32
    %dma_start3A_694 = arith.constant 0 : i32
    %dma_start3A_695 = tpu.memref_slice %arg8[%dma_start3A_692, %dma_start3A_693, %dma_start3A_694] : memref<8x32x128xf32, #tpu.memory_space<vmem>> -> memref<1x8x128xf32, #tpu.memory_space<vmem>>
    %dma_start3A_696 = tpu.memref_squeeze %dma_start3A_695 : memref<1x8x128xf32, #tpu.memory_space<vmem>> -> memref<8x128xf32, #tpu.memory_space<vmem>>
    %dma_start3A_697 = arith.constant 24 : i32
    %dma_start3A_698 = tpu.memref_slice %arg5[%dma_start3A_697, %multiple_of3A_600] : memref<32x1000000xf32, #tpu.memory_space<hbm>> -> memref<8x128xf32, #tpu.memory_space<hbm>>
    %dma_start3A_699 = arith.constant 24 : i32
    %dma_start3A_700 = arith.constant 0 : i32
    %dma_start3A_701 = tpu.memref_slice %arg8[%dma_start3A_692, %dma_start3A_699, %dma_start3A_700] : memref<8x32x128xf32, #tpu.memory_space<vmem>> -> memref<1x8x128xf32, #tpu.memory_space<vmem>>
    %dma_start3A_702 = tpu.memref_squeeze %dma_start3A_701 : memref<1x8x128xf32, #tpu.memory_space<vmem>> -> memref<8x128xf32, #tpu.memory_space<vmem>>
    %dma_start3A_703 = arith.constant 24 : i32
    %dma_start3A_704 = tpu.memref_slice %arg5[%dma_start3A_703, %multiple_of3A_600] : memref<32x1000000xf32, #tpu.memory_space<hbm>> -> memref<8x128xf32, #tpu.memory_space<hbm>>
    tpu.enqueue_dma source(%dma_start3A_704 : memref<8x128xf32, #tpu.memory_space<hbm>>) target(%dma_start3A_702 : memref<8x128xf32, #tpu.memory_space<vmem>>) target_semaphore(%arg26 : memref<!tpu.dma_semaphore, #tpu.memory_space<semaphore_mem>>)
    %get3A_705 = arith.constant 6 : index
    %get3A_706 = tpu.vector_load %arg11[%get3A_705] {strides = array<i32>} : memref<528xi32, #tpu.memory_space<vmem>>, vector<16xi32>,
    %slice3A_707 = vector.extract_strided_slice %get3A_706 {offsets = [0], sizes = [1], strides = [1]} : vector<16xi32> to vector<1xi32>
    %squeeze3A_708 = vector.extract %slice3A_707[0] : i32 from vector<1xi32>
    %get3A_709 = arith.constant 6 : index
    %get3A_710 = tpu.vector_load %arg12[%get3A_709] {strides = array<i32>} : memref<528xi32, #tpu.memory_space<vmem>>, vector<16xi32>,
    %slice3A_711 = vector.extract_strided_slice %get3A_710 {offsets = [0], sizes = [1], strides = [1]} : vector<16xi32> to vector<1xi32>
    %squeeze3A_712 = vector.extract %slice3A_711[0] : i32 from vector<1xi32>
    %and3A_713 = arith.constant -128 : i32
    %and3A_714 = arith.andi %squeeze3A_708, %and3A_713 : i32
    %multiple_of3A_715 = tpu.assume_multiple %and3A_714, 128 : i32
    %and3A_716 = arith.constant -128 : i32
    %and3A_717 = arith.andi %squeeze3A_712, %and3A_716 : i32
    %multiple_of3A_718 = tpu.assume_multiple %and3A_717, 128 : i32
    %dma_start3A_719 = arith.constant 6 : i32
    %dma_start3A_720 = arith.constant 0 : i32
    %dma_start3A_721 = arith.constant 0 : i32
    %dma_start3A_722 = tpu.memref_slice %arg7[%dma_start3A_719, %dma_start3A_720, %dma_start3A_721] : memref<8x32x128xf32, #tpu.memory_space<vmem>> -> memref<1x8x128xf32, #tpu.memory_space<vmem>>
    %dma_start3A_723 = tpu.memref_squeeze %dma_start3A_722 : memref<1x8x128xf32, #tpu.memory_space<vmem>> -> memref<8x128xf32, #tpu.memory_space<vmem>>
    %dma_start3A_724 = arith.constant 0 : i32
    %dma_start3A_725 = tpu.memref_slice %arg4[%dma_start3A_724, %multiple_of3A_715] : memref<32x1000000xf32, #tpu.memory_space<hbm>> -> memref<8x128xf32, #tpu.memory_space<hbm>>
    %dma_start3A_726 = arith.constant 0 : i32
    %dma_start3A_727 = arith.constant 0 : i32
    %dma_start3A_728 = tpu.memref_slice %arg7[%dma_start3A_719, %dma_start3A_726, %dma_start3A_727] : memref<8x32x128xf32, #tpu.memory_space<vmem>> -> memref<1x8x128xf32, #tpu.memory_space<vmem>>
    %dma_start3A_729 = tpu.memref_squeeze %dma_start3A_728 : memref<1x8x128xf32, #tpu.memory_space<vmem>> -> memref<8x128xf32, #tpu.memory_space<vmem>>
    %dma_start3A_730 = arith.constant 0 : i32
    %dma_start3A_731 = tpu.memref_slice %arg4[%dma_start3A_730, %multiple_of3A_715] : memref<32x1000000xf32, #tpu.memory_space<hbm>> -> memref<8x128xf32, #tpu.memory_space<hbm>>
    tpu.enqueue_dma source(%dma_start3A_731 : memref<8x128xf32, #tpu.memory_space<hbm>>) target(%dma_start3A_729 : memref<8x128xf32, #tpu.memory_space<vmem>>) target_semaphore(%arg19 : memref<!tpu.dma_semaphore, #tpu.memory_space<semaphore_mem>>)
    %dma_start3A_732 = arith.constant 6 : i32
    %dma_start3A_733 = arith.constant 0 : i32
    %dma_start3A_734 = arith.constant 0 : i32
    %dma_start3A_735 = tpu.memref_slice %arg8[%dma_start3A_732, %dma_start3A_733, %dma_start3A_734] : memref<8x32x128xf32, #tpu.memory_space<vmem>> -> memref<1x8x128xf32, #tpu.memory_space<vmem>>
    %dma_start3A_736 = tpu.memref_squeeze %dma_start3A_735 : memref<1x8x128xf32, #tpu.memory_space<vmem>> -> memref<8x128xf32, #tpu.memory_space<vmem>>
    %dma_start3A_737 = arith.constant 0 : i32
    %dma_start3A_738 = tpu.memref_slice %arg5[%dma_start3A_737, %multiple_of3A_718] : memref<32x1000000xf32, #tpu.memory_space<hbm>> -> memref<8x128xf32, #tpu.memory_space<hbm>>
    %dma_start3A_739 = arith.constant 0 : i32
    %dma_start3A_740 = arith.constant 0 : i32
    %dma_start3A_741 = tpu.memref_slice %arg8[%dma_start3A_732, %dma_start3A_739, %dma_start3A_740] : memref<8x32x128xf32, #tpu.memory_space<vmem>> -> memref<1x8x128xf32, #tpu.memory_space<vmem>>
    %dma_start3A_742 = tpu.memref_squeeze %dma_start3A_741 : memref<1x8x128xf32, #tpu.memory_space<vmem>> -> memref<8x128xf32, #tpu.memory_space<vmem>>
    %dma_start3A_743 = arith.constant 0 : i32
    %dma_start3A_744 = tpu.memref_slice %arg5[%dma_start3A_743, %multiple_of3A_718] : memref<32x1000000xf32, #tpu.memory_space<hbm>> -> memref<8x128xf32, #tpu.memory_space<hbm>>
    tpu.enqueue_dma source(%dma_start3A_744 : memref<8x128xf32, #tpu.memory_space<hbm>>) target(%dma_start3A_742 : memref<8x128xf32, #tpu.memory_space<vmem>>) target_semaphore(%arg27 : memref<!tpu.dma_semaphore, #tpu.memory_space<semaphore_mem>>)
    %dma_start3A_745 = arith.constant 6 : i32
    %dma_start3A_746 = arith.constant 8 : i32
    %dma_start3A_747 = arith.constant 0 : i32
    %dma_start3A_748 = tpu.memref_slice %arg7[%dma_start3A_745, %dma_start3A_746, %dma_start3A_747] : memref<8x32x128xf32, #tpu.memory_space<vmem>> -> memref<1x8x128xf32, #tpu.memory_space<vmem>>
    %dma_start3A_749 = tpu.memref_squeeze %dma_start3A_748 : memref<1x8x128xf32, #tpu.memory_space<vmem>> -> memref<8x128xf32, #tpu.memory_space<vmem>>
    %dma_start3A_750 = arith.constant 8 : i32
    %dma_start3A_751 = tpu.memref_slice %arg4[%dma_start3A_750, %multiple_of3A_715] : memref<32x1000000xf32, #tpu.memory_space<hbm>> -> memref<8x128xf32, #tpu.memory_space<hbm>>
    %dma_start3A_752 = arith.constant 8 : i32
    %dma_start3A_753 = arith.constant 0 : i32
    %dma_start3A_754 = tpu.memref_slice %arg7[%dma_start3A_745, %dma_start3A_752, %dma_start3A_753] : memref<8x32x128xf32, #tpu.memory_space<vmem>> -> memref<1x8x128xf32, #tpu.memory_space<vmem>>
    %dma_start3A_755 = tpu.memref_squeeze %dma_start3A_754 : memref<1x8x128xf32, #tpu.memory_space<vmem>> -> memref<8x128xf32, #tpu.memory_space<vmem>>
    %dma_start3A_756 = arith.constant 8 : i32
    %dma_start3A_757 = tpu.memref_slice %arg4[%dma_start3A_756, %multiple_of3A_715] : memref<32x1000000xf32, #tpu.memory_space<hbm>> -> memref<8x128xf32, #tpu.memory_space<hbm>>
    tpu.enqueue_dma source(%dma_start3A_757 : memref<8x128xf32, #tpu.memory_space<hbm>>) target(%dma_start3A_755 : memref<8x128xf32, #tpu.memory_space<vmem>>) target_semaphore(%arg19 : memref<!tpu.dma_semaphore, #tpu.memory_space<semaphore_mem>>)
    %dma_start3A_758 = arith.constant 6 : i32
    %dma_start3A_759 = arith.constant 8 : i32
    %dma_start3A_760 = arith.constant 0 : i32
    %dma_start3A_761 = tpu.memref_slice %arg8[%dma_start3A_758, %dma_start3A_759, %dma_start3A_760] : memref<8x32x128xf32, #tpu.memory_space<vmem>> -> memref<1x8x128xf32, #tpu.memory_space<vmem>>
    %dma_start3A_762 = tpu.memref_squeeze %dma_start3A_761 : memref<1x8x128xf32, #tpu.memory_space<vmem>> -> memref<8x128xf32, #tpu.memory_space<vmem>>
    %dma_start3A_763 = arith.constant 8 : i32
    %dma_start3A_764 = tpu.memref_slice %arg5[%dma_start3A_763, %multiple_of3A_718] : memref<32x1000000xf32, #tpu.memory_space<hbm>> -> memref<8x128xf32, #tpu.memory_space<hbm>>
    %dma_start3A_765 = arith.constant 8 : i32
    %dma_start3A_766 = arith.constant 0 : i32
    %dma_start3A_767 = tpu.memref_slice %arg8[%dma_start3A_758, %dma_start3A_765, %dma_start3A_766] : memref<8x32x128xf32, #tpu.memory_space<vmem>> -> memref<1x8x128xf32, #tpu.memory_space<vmem>>
    %dma_start3A_768 = tpu.memref_squeeze %dma_start3A_767 : memref<1x8x128xf32, #tpu.memory_space<vmem>> -> memref<8x128xf32, #tpu.memory_space<vmem>>
    %dma_start3A_769 = arith.constant 8 : i32
    %dma_start3A_770 = tpu.memref_slice %arg5[%dma_start3A_769, %multiple_of3A_718] : memref<32x1000000xf32, #tpu.memory_space<hbm>> -> memref<8x128xf32, #tpu.memory_space<hbm>>
    tpu.enqueue_dma source(%dma_start3A_770 : memref<8x128xf32, #tpu.memory_space<hbm>>) target(%dma_start3A_768 : memref<8x128xf32, #tpu.memory_space<vmem>>) target_semaphore(%arg27 : memref<!tpu.dma_semaphore, #tpu.memory_space<semaphore_mem>>)
    %dma_start3A_771 = arith.constant 6 : i32
    %dma_start3A_772 = arith.constant 16 : i32
    %dma_start3A_773 = arith.constant 0 : i32
    %dma_start3A_774 = tpu.memref_slice %arg7[%dma_start3A_771, %dma_start3A_772, %dma_start3A_773] : memref<8x32x128xf32, #tpu.memory_space<vmem>> -> memref<1x8x128xf32, #tpu.memory_space<vmem>>
    %dma_start3A_775 = tpu.memref_squeeze %dma_start3A_774 : memref<1x8x128xf32, #tpu.memory_space<vmem>> -> memref<8x128xf32, #tpu.memory_space<vmem>>
    %dma_start3A_776 = arith.constant 16 : i32
    %dma_start3A_777 = tpu.memref_slice %arg4[%dma_start3A_776, %multiple_of3A_715] : memref<32x1000000xf32, #tpu.memory_space<hbm>> -> memref<8x128xf32, #tpu.memory_space<hbm>>
    %dma_start3A_778 = arith.constant 16 : i32
    %dma_start3A_779 = arith.constant 0 : i32
    %dma_start3A_780 = tpu.memref_slice %arg7[%dma_start3A_771, %dma_start3A_778, %dma_start3A_779] : memref<8x32x128xf32, #tpu.memory_space<vmem>> -> memref<1x8x128xf32, #tpu.memory_space<vmem>>
    %dma_start3A_781 = tpu.memref_squeeze %dma_start3A_780 : memref<1x8x128xf32, #tpu.memory_space<vmem>> -> memref<8x128xf32, #tpu.memory_space<vmem>>
    %dma_start3A_782 = arith.constant 16 : i32
    %dma_start3A_783 = tpu.memref_slice %arg4[%dma_start3A_782, %multiple_of3A_715] : memref<32x1000000xf32, #tpu.memory_space<hbm>> -> memref<8x128xf32, #tpu.memory_space<hbm>>
    tpu.enqueue_dma source(%dma_start3A_783 : memref<8x128xf32, #tpu.memory_space<hbm>>) target(%dma_start3A_781 : memref<8x128xf32, #tpu.memory_space<vmem>>) target_semaphore(%arg19 : memref<!tpu.dma_semaphore, #tpu.memory_space<semaphore_mem>>)
    %dma_start3A_784 = arith.constant 6 : i32
    %dma_start3A_785 = arith.constant 16 : i32
    %dma_start3A_786 = arith.constant 0 : i32
    %dma_start3A_787 = tpu.memref_slice %arg8[%dma_start3A_784, %dma_start3A_785, %dma_start3A_786] : memref<8x32x128xf32, #tpu.memory_space<vmem>> -> memref<1x8x128xf32, #tpu.memory_space<vmem>>
    %dma_start3A_788 = tpu.memref_squeeze %dma_start3A_787 : memref<1x8x128xf32, #tpu.memory_space<vmem>> -> memref<8x128xf32, #tpu.memory_space<vmem>>
    %dma_start3A_789 = arith.constant 16 : i32
    %dma_start3A_790 = tpu.memref_slice %arg5[%dma_start3A_789, %multiple_of3A_718] : memref<32x1000000xf32, #tpu.memory_space<hbm>> -> memref<8x128xf32, #tpu.memory_space<hbm>>
    %dma_start3A_791 = arith.constant 16 : i32
    %dma_start3A_792 = arith.constant 0 : i32
    %dma_start3A_793 = tpu.memref_slice %arg8[%dma_start3A_784, %dma_start3A_791, %dma_start3A_792] : memref<8x32x128xf32, #tpu.memory_space<vmem>> -> memref<1x8x128xf32, #tpu.memory_space<vmem>>
    %dma_start3A_794 = tpu.memref_squeeze %dma_start3A_793 : memref<1x8x128xf32, #tpu.memory_space<vmem>> -> memref<8x128xf32, #tpu.memory_space<vmem>>
    %dma_start3A_795 = arith.constant 16 : i32
    %dma_start3A_796 = tpu.memref_slice %arg5[%dma_start3A_795, %multiple_of3A_718] : memref<32x1000000xf32, #tpu.memory_space<hbm>> -> memref<8x128xf32, #tpu.memory_space<hbm>>
    tpu.enqueue_dma source(%dma_start3A_796 : memref<8x128xf32, #tpu.memory_space<hbm>>) target(%dma_start3A_794 : memref<8x128xf32, #tpu.memory_space<vmem>>) target_semaphore(%arg27 : memref<!tpu.dma_semaphore, #tpu.memory_space<semaphore_mem>>)
    %dma_start3A_797 = arith.constant 6 : i32
    %dma_start3A_798 = arith.constant 24 : i32
    %dma_start3A_799 = arith.constant 0 : i32
    %dma_start3A_800 = tpu.memref_slice %arg7[%dma_start3A_797, %dma_start3A_798, %dma_start3A_799] : memref<8x32x128xf32, #tpu.memory_space<vmem>> -> memref<1x8x128xf32, #tpu.memory_space<vmem>>
    %dma_start3A_801 = tpu.memref_squeeze %dma_start3A_800 : memref<1x8x128xf32, #tpu.memory_space<vmem>> -> memref<8x128xf32, #tpu.memory_space<vmem>>
    %dma_start3A_802 = arith.constant 24 : i32
    %dma_start3A_803 = tpu.memref_slice %arg4[%dma_start3A_802, %multiple_of3A_715] : memref<32x1000000xf32, #tpu.memory_space<hbm>> -> memref<8x128xf32, #tpu.memory_space<hbm>>
    %dma_start3A_804 = arith.constant 24 : i32
    %dma_start3A_805 = arith.constant 0 : i32
    %dma_start3A_806 = tpu.memref_slice %arg7[%dma_start3A_797, %dma_start3A_804, %dma_start3A_805] : memref<8x32x128xf32, #tpu.memory_space<vmem>> -> memref<1x8x128xf32, #tpu.memory_space<vmem>>
    %dma_start3A_807 = tpu.memref_squeeze %dma_start3A_806 : memref<1x8x128xf32, #tpu.memory_space<vmem>> -> memref<8x128xf32, #tpu.memory_space<vmem>>
    %dma_start3A_808 = arith.constant 24 : i32
    %dma_start3A_809 = tpu.memref_slice %arg4[%dma_start3A_808, %multiple_of3A_715] : memref<32x1000000xf32, #tpu.memory_space<hbm>> -> memref<8x128xf32, #tpu.memory_space<hbm>>
    tpu.enqueue_dma source(%dma_start3A_809 : memref<8x128xf32, #tpu.memory_space<hbm>>) target(%dma_start3A_807 : memref<8x128xf32, #tpu.memory_space<vmem>>) target_semaphore(%arg19 : memref<!tpu.dma_semaphore, #tpu.memory_space<semaphore_mem>>)
    %dma_start3A_810 = arith.constant 6 : i32
    %dma_start3A_811 = arith.constant 24 : i32
    %dma_start3A_812 = arith.constant 0 : i32
    %dma_start3A_813 = tpu.memref_slice %arg8[%dma_start3A_810, %dma_start3A_811, %dma_start3A_812] : memref<8x32x128xf32, #tpu.memory_space<vmem>> -> memref<1x8x128xf32, #tpu.memory_space<vmem>>
    %dma_start3A_814 = tpu.memref_squeeze %dma_start3A_813 : memref<1x8x128xf32, #tpu.memory_space<vmem>> -> memref<8x128xf32, #tpu.memory_space<vmem>>
    %dma_start3A_815 = arith.constant 24 : i32
    %dma_start3A_816 = tpu.memref_slice %arg5[%dma_start3A_815, %multiple_of3A_718] : memref<32x1000000xf32, #tpu.memory_space<hbm>> -> memref<8x128xf32, #tpu.memory_space<hbm>>
    %dma_start3A_817 = arith.constant 24 : i32
    %dma_start3A_818 = arith.constant 0 : i32
    %dma_start3A_819 = tpu.memref_slice %arg8[%dma_start3A_810, %dma_start3A_817, %dma_start3A_818] : memref<8x32x128xf32, #tpu.memory_space<vmem>> -> memref<1x8x128xf32, #tpu.memory_space<vmem>>
    %dma_start3A_820 = tpu.memref_squeeze %dma_start3A_819 : memref<1x8x128xf32, #tpu.memory_space<vmem>> -> memref<8x128xf32, #tpu.memory_space<vmem>>
    %dma_start3A_821 = arith.constant 24 : i32
    %dma_start3A_822 = tpu.memref_slice %arg5[%dma_start3A_821, %multiple_of3A_718] : memref<32x1000000xf32, #tpu.memory_space<hbm>> -> memref<8x128xf32, #tpu.memory_space<hbm>>
    tpu.enqueue_dma source(%dma_start3A_822 : memref<8x128xf32, #tpu.memory_space<hbm>>) target(%dma_start3A_820 : memref<8x128xf32, #tpu.memory_space<vmem>>) target_semaphore(%arg27 : memref<!tpu.dma_semaphore, #tpu.memory_space<semaphore_mem>>)
    %get3A_823 = arith.constant 7 : index
    %get3A_824 = tpu.vector_load %arg11[%get3A_823] {strides = array<i32>} : memref<528xi32, #tpu.memory_space<vmem>>, vector<16xi32>,
    %slice3A_825 = vector.extract_strided_slice %get3A_824 {offsets = [0], sizes = [1], strides = [1]} : vector<16xi32> to vector<1xi32>
    %squeeze3A_826 = vector.extract %slice3A_825[0] : i32 from vector<1xi32>
    %get3A_827 = arith.constant 7 : index
    %get3A_828 = tpu.vector_load %arg12[%get3A_827] {strides = array<i32>} : memref<528xi32, #tpu.memory_space<vmem>>, vector<16xi32>,
    %slice3A_829 = vector.extract_strided_slice %get3A_828 {offsets = [0], sizes = [1], strides = [1]} : vector<16xi32> to vector<1xi32>
    %squeeze3A_830 = vector.extract %slice3A_829[0] : i32 from vector<1xi32>
    %and3A_831 = arith.constant -128 : i32
    %and3A_832 = arith.andi %squeeze3A_826, %and3A_831 : i32
    %multiple_of3A_833 = tpu.assume_multiple %and3A_832, 128 : i32
    %and3A_834 = arith.constant -128 : i32
    %and3A_835 = arith.andi %squeeze3A_830, %and3A_834 : i32
    %multiple_of3A_836 = tpu.assume_multiple %and3A_835, 128 : i32
    %dma_start3A_837 = arith.constant 7 : i32
    %dma_start3A_838 = arith.constant 0 : i32
    %dma_start3A_839 = arith.constant 0 : i32
    %dma_start3A_840 = tpu.memref_slice %arg7[%dma_start3A_837, %dma_start3A_838, %dma_start3A_839] : memref<8x32x128xf32, #tpu.memory_space<vmem>> -> memref<1x8x128xf32, #tpu.memory_space<vmem>>
    %dma_start3A_841 = tpu.memref_squeeze %dma_start3A_840 : memref<1x8x128xf32, #tpu.memory_space<vmem>> -> memref<8x128xf32, #tpu.memory_space<vmem>>
    %dma_start3A_842 = arith.constant 0 : i32
    %dma_start3A_843 = tpu.memref_slice %arg4[%dma_start3A_842, %multiple_of3A_833] : memref<32x1000000xf32, #tpu.memory_space<hbm>> -> memref<8x128xf32, #tpu.memory_space<hbm>>
    %dma_start3A_844 = arith.constant 0 : i32
    %dma_start3A_845 = arith.constant 0 : i32
    %dma_start3A_846 = tpu.memref_slice %arg7[%dma_start3A_837, %dma_start3A_844, %dma_start3A_845] : memref<8x32x128xf32, #tpu.memory_space<vmem>> -> memref<1x8x128xf32, #tpu.memory_space<vmem>>
    %dma_start3A_847 = tpu.memref_squeeze %dma_start3A_846 : memref<1x8x128xf32, #tpu.memory_space<vmem>> -> memref<8x128xf32, #tpu.memory_space<vmem>>
    %dma_start3A_848 = arith.constant 0 : i32
    %dma_start3A_849 = tpu.memref_slice %arg4[%dma_start3A_848, %multiple_of3A_833] : memref<32x1000000xf32, #tpu.memory_space<hbm>> -> memref<8x128xf32, #tpu.memory_space<hbm>>
    tpu.enqueue_dma source(%dma_start3A_849 : memref<8x128xf32, #tpu.memory_space<hbm>>) target(%dma_start3A_847 : memref<8x128xf32, #tpu.memory_space<vmem>>) target_semaphore(%arg20 : memref<!tpu.dma_semaphore, #tpu.memory_space<semaphore_mem>>)
    %dma_start3A_850 = arith.constant 7 : i32
    %dma_start3A_851 = arith.constant 0 : i32
    %dma_start3A_852 = arith.constant 0 : i32
    %dma_start3A_853 = tpu.memref_slice %arg8[%dma_start3A_850, %dma_start3A_851, %dma_start3A_852] : memref<8x32x128xf32, #tpu.memory_space<vmem>> -> memref<1x8x128xf32, #tpu.memory_space<vmem>>
    %dma_start3A_854 = tpu.memref_squeeze %dma_start3A_853 : memref<1x8x128xf32, #tpu.memory_space<vmem>> -> memref<8x128xf32, #tpu.memory_space<vmem>>
    %dma_start3A_855 = arith.constant 0 : i32
    %dma_start3A_856 = tpu.memref_slice %arg5[%dma_start3A_855, %multiple_of3A_836] : memref<32x1000000xf32, #tpu.memory_space<hbm>> -> memref<8x128xf32, #tpu.memory_space<hbm>>
    %dma_start3A_857 = arith.constant 0 : i32
    %dma_start3A_858 = arith.constant 0 : i32
    %dma_start3A_859 = tpu.memref_slice %arg8[%dma_start3A_850, %dma_start3A_857, %dma_start3A_858] : memref<8x32x128xf32, #tpu.memory_space<vmem>> -> memref<1x8x128xf32, #tpu.memory_space<vmem>>
    %dma_start3A_860 = tpu.memref_squeeze %dma_start3A_859 : memref<1x8x128xf32, #tpu.memory_space<vmem>> -> memref<8x128xf32, #tpu.memory_space<vmem>>
    %dma_start3A_861 = arith.constant 0 : i32
    %dma_start3A_862 = tpu.memref_slice %arg5[%dma_start3A_861, %multiple_of3A_836] : memref<32x1000000xf32, #tpu.memory_space<hbm>> -> memref<8x128xf32, #tpu.memory_space<hbm>>
    tpu.enqueue_dma source(%dma_start3A_862 : memref<8x128xf32, #tpu.memory_space<hbm>>) target(%dma_start3A_860 : memref<8x128xf32, #tpu.memory_space<vmem>>) target_semaphore(%arg28 : memref<!tpu.dma_semaphore, #tpu.memory_space<semaphore_mem>>)
    %dma_start3A_863 = arith.constant 7 : i32
    %dma_start3A_864 = arith.constant 8 : i32
    %dma_start3A_865 = arith.constant 0 : i32
    %dma_start3A_866 = tpu.memref_slice %arg7[%dma_start3A_863, %dma_start3A_864, %dma_start3A_865] : memref<8x32x128xf32, #tpu.memory_space<vmem>> -> memref<1x8x128xf32, #tpu.memory_space<vmem>>
    %dma_start3A_867 = tpu.memref_squeeze %dma_start3A_866 : memref<1x8x128xf32, #tpu.memory_space<vmem>> -> memref<8x128xf32, #tpu.memory_space<vmem>>
    %dma_start3A_868 = arith.constant 8 : i32
    %dma_start3A_869 = tpu.memref_slice %arg4[%dma_start3A_868, %multiple_of3A_833] : memref<32x1000000xf32, #tpu.memory_space<hbm>> -> memref<8x128xf32, #tpu.memory_space<hbm>>
    %dma_start3A_870 = arith.constant 8 : i32
    %dma_start3A_871 = arith.constant 0 : i32
    %dma_start3A_872 = tpu.memref_slice %arg7[%dma_start3A_863, %dma_start3A_870, %dma_start3A_871] : memref<8x32x128xf32, #tpu.memory_space<vmem>> -> memref<1x8x128xf32, #tpu.memory_space<vmem>>
    %dma_start3A_873 = tpu.memref_squeeze %dma_start3A_872 : memref<1x8x128xf32, #tpu.memory_space<vmem>> -> memref<8x128xf32, #tpu.memory_space<vmem>>
    %dma_start3A_874 = arith.constant 8 : i32
    %dma_start3A_875 = tpu.memref_slice %arg4[%dma_start3A_874, %multiple_of3A_833] : memref<32x1000000xf32, #tpu.memory_space<hbm>> -> memref<8x128xf32, #tpu.memory_space<hbm>>
    tpu.enqueue_dma source(%dma_start3A_875 : memref<8x128xf32, #tpu.memory_space<hbm>>) target(%dma_start3A_873 : memref<8x128xf32, #tpu.memory_space<vmem>>) target_semaphore(%arg20 : memref<!tpu.dma_semaphore, #tpu.memory_space<semaphore_mem>>)
    %dma_start3A_876 = arith.constant 7 : i32
    %dma_start3A_877 = arith.constant 8 : i32
    %dma_start3A_878 = arith.constant 0 : i32
    %dma_start3A_879 = tpu.memref_slice %arg8[%dma_start3A_876, %dma_start3A_877, %dma_start3A_878] : memref<8x32x128xf32, #tpu.memory_space<vmem>> -> memref<1x8x128xf32, #tpu.memory_space<vmem>>
    %dma_start3A_880 = tpu.memref_squeeze %dma_start3A_879 : memref<1x8x128xf32, #tpu.memory_space<vmem>> -> memref<8x128xf32, #tpu.memory_space<vmem>>
    %dma_start3A_881 = arith.constant 8 : i32
    %dma_start3A_882 = tpu.memref_slice %arg5[%dma_start3A_881, %multiple_of3A_836] : memref<32x1000000xf32, #tpu.memory_space<hbm>> -> memref<8x128xf32, #tpu.memory_space<hbm>>
    %dma_start3A_883 = arith.constant 8 : i32
    %dma_start3A_884 = arith.constant 0 : i32
    %dma_start3A_885 = tpu.memref_slice %arg8[%dma_start3A_876, %dma_start3A_883, %dma_start3A_884] : memref<8x32x128xf32, #tpu.memory_space<vmem>> -> memref<1x8x128xf32, #tpu.memory_space<vmem>>
    %dma_start3A_886 = tpu.memref_squeeze %dma_start3A_885 : memref<1x8x128xf32, #tpu.memory_space<vmem>> -> memref<8x128xf32, #tpu.memory_space<vmem>>
    %dma_start3A_887 = arith.constant 8 : i32
    %dma_start3A_888 = tpu.memref_slice %arg5[%dma_start3A_887, %multiple_of3A_836] : memref<32x1000000xf32, #tpu.memory_space<hbm>> -> memref<8x128xf32, #tpu.memory_space<hbm>>
    tpu.enqueue_dma source(%dma_start3A_888 : memref<8x128xf32, #tpu.memory_space<hbm>>) target(%dma_start3A_886 : memref<8x128xf32, #tpu.memory_space<vmem>>) target_semaphore(%arg28 : memref<!tpu.dma_semaphore, #tpu.memory_space<semaphore_mem>>)
    %dma_start3A_889 = arith.constant 7 : i32
    %dma_start3A_890 = arith.constant 16 : i32
    %dma_start3A_891 = arith.constant 0 : i32
    %dma_start3A_892 = tpu.memref_slice %arg7[%dma_start3A_889, %dma_start3A_890, %dma_start3A_891] : memref<8x32x128xf32, #tpu.memory_space<vmem>> -> memref<1x8x128xf32, #tpu.memory_space<vmem>>
    %dma_start3A_893 = tpu.memref_squeeze %dma_start3A_892 : memref<1x8x128xf32, #tpu.memory_space<vmem>> -> memref<8x128xf32, #tpu.memory_space<vmem>>
    %dma_start3A_894 = arith.constant 16 : i32
    %dma_start3A_895 = tpu.memref_slice %arg4[%dma_start3A_894, %multiple_of3A_833] : memref<32x1000000xf32, #tpu.memory_space<hbm>> -> memref<8x128xf32, #tpu.memory_space<hbm>>
    %dma_start3A_896 = arith.constant 16 : i32
    %dma_start3A_897 = arith.constant 0 : i32
    %dma_start3A_898 = tpu.memref_slice %arg7[%dma_start3A_889, %dma_start3A_896, %dma_start3A_897] : memref<8x32x128xf32, #tpu.memory_space<vmem>> -> memref<1x8x128xf32, #tpu.memory_space<vmem>>
    %dma_start3A_899 = tpu.memref_squeeze %dma_start3A_898 : memref<1x8x128xf32, #tpu.memory_space<vmem>> -> memref<8x128xf32, #tpu.memory_space<vmem>>
    %dma_start3A_900 = arith.constant 16 : i32
    %dma_start3A_901 = tpu.memref_slice %arg4[%dma_start3A_900, %multiple_of3A_833] : memref<32x1000000xf32, #tpu.memory_space<hbm>> -> memref<8x128xf32, #tpu.memory_space<hbm>>
    tpu.enqueue_dma source(%dma_start3A_901 : memref<8x128xf32, #tpu.memory_space<hbm>>) target(%dma_start3A_899 : memref<8x128xf32, #tpu.memory_space<vmem>>) target_semaphore(%arg20 : memref<!tpu.dma_semaphore, #tpu.memory_space<semaphore_mem>>)
    %dma_start3A_902 = arith.constant 7 : i32
    %dma_start3A_903 = arith.constant 16 : i32
    %dma_start3A_904 = arith.constant 0 : i32
    %dma_start3A_905 = tpu.memref_slice %arg8[%dma_start3A_902, %dma_start3A_903, %dma_start3A_904] : memref<8x32x128xf32, #tpu.memory_space<vmem>> -> memref<1x8x128xf32, #tpu.memory_space<vmem>>
    %dma_start3A_906 = tpu.memref_squeeze %dma_start3A_905 : memref<1x8x128xf32, #tpu.memory_space<vmem>> -> memref<8x128xf32, #tpu.memory_space<vmem>>
    %dma_start3A_907 = arith.constant 16 : i32
    %dma_start3A_908 = tpu.memref_slice %arg5[%dma_start3A_907, %multiple_of3A_836] : memref<32x1000000xf32, #tpu.memory_space<hbm>> -> memref<8x128xf32, #tpu.memory_space<hbm>>
    %dma_start3A_909 = arith.constant 16 : i32
    %dma_start3A_910 = arith.constant 0 : i32
    %dma_start3A_911 = tpu.memref_slice %arg8[%dma_start3A_902, %dma_start3A_909, %dma_start3A_910] : memref<8x32x128xf32, #tpu.memory_space<vmem>> -> memref<1x8x128xf32, #tpu.memory_space<vmem>>
    %dma_start3A_912 = tpu.memref_squeeze %dma_start3A_911 : memref<1x8x128xf32, #tpu.memory_space<vmem>> -> memref<8x128xf32, #tpu.memory_space<vmem>>
    %dma_start3A_913 = arith.constant 16 : i32
    %dma_start3A_914 = tpu.memref_slice %arg5[%dma_start3A_913, %multiple_of3A_836] : memref<32x1000000xf32, #tpu.memory_space<hbm>> -> memref<8x128xf32, #tpu.memory_space<hbm>>
    tpu.enqueue_dma source(%dma_start3A_914 : memref<8x128xf32, #tpu.memory_space<hbm>>) target(%dma_start3A_912 : memref<8x128xf32, #tpu.memory_space<vmem>>) target_semaphore(%arg28 : memref<!tpu.dma_semaphore, #tpu.memory_space<semaphore_mem>>)
    %dma_start3A_915 = arith.constant 7 : i32
    %dma_start3A_916 = arith.constant 24 : i32
    %dma_start3A_917 = arith.constant 0 : i32
    %dma_start3A_918 = tpu.memref_slice %arg7[%dma_start3A_915, %dma_start3A_916, %dma_start3A_917] : memref<8x32x128xf32, #tpu.memory_space<vmem>> -> memref<1x8x128xf32, #tpu.memory_space<vmem>>
    %dma_start3A_919 = tpu.memref_squeeze %dma_start3A_918 : memref<1x8x128xf32, #tpu.memory_space<vmem>> -> memref<8x128xf32, #tpu.memory_space<vmem>>
    %dma_start3A_920 = arith.constant 24 : i32
    %dma_start3A_921 = tpu.memref_slice %arg4[%dma_start3A_920, %multiple_of3A_833] : memref<32x1000000xf32, #tpu.memory_space<hbm>> -> memref<8x128xf32, #tpu.memory_space<hbm>>
    %dma_start3A_922 = arith.constant 24 : i32
    %dma_start3A_923 = arith.constant 0 : i32
    %dma_start3A_924 = tpu.memref_slice %arg7[%dma_start3A_915, %dma_start3A_922, %dma_start3A_923] : memref<8x32x128xf32, #tpu.memory_space<vmem>> -> memref<1x8x128xf32, #tpu.memory_space<vmem>>
    %dma_start3A_925 = tpu.memref_squeeze %dma_start3A_924 : memref<1x8x128xf32, #tpu.memory_space<vmem>> -> memref<8x128xf32, #tpu.memory_space<vmem>>
    %dma_start3A_926 = arith.constant 24 : i32
    %dma_start3A_927 = tpu.memref_slice %arg4[%dma_start3A_926, %multiple_of3A_833] : memref<32x1000000xf32, #tpu.memory_space<hbm>> -> memref<8x128xf32, #tpu.memory_space<hbm>>
    tpu.enqueue_dma source(%dma_start3A_927 : memref<8x128xf32, #tpu.memory_space<hbm>>) target(%dma_start3A_925 : memref<8x128xf32, #tpu.memory_space<vmem>>) target_semaphore(%arg20 : memref<!tpu.dma_semaphore, #tpu.memory_space<semaphore_mem>>)
    %dma_start3A_928 = arith.constant 7 : i32
    %dma_start3A_929 = arith.constant 24 : i32
    %dma_start3A_930 = arith.constant 0 : i32
    %dma_start3A_931 = tpu.memref_slice %arg8[%dma_start3A_928, %dma_start3A_929, %dma_start3A_930] : memref<8x32x128xf32, #tpu.memory_space<vmem>> -> memref<1x8x128xf32, #tpu.memory_space<vmem>>
    %dma_start3A_932 = tpu.memref_squeeze %dma_start3A_931 : memref<1x8x128xf32, #tpu.memory_space<vmem>> -> memref<8x128xf32, #tpu.memory_space<vmem>>
    %dma_start3A_933 = arith.constant 24 : i32
    %dma_start3A_934 = tpu.memref_slice %arg5[%dma_start3A_933, %multiple_of3A_836] : memref<32x1000000xf32, #tpu.memory_space<hbm>> -> memref<8x128xf32, #tpu.memory_space<hbm>>
    %dma_start3A_935 = arith.constant 24 : i32
    %dma_start3A_936 = arith.constant 0 : i32
    %dma_start3A_937 = tpu.memref_slice %arg8[%dma_start3A_928, %dma_start3A_935, %dma_start3A_936] : memref<8x32x128xf32, #tpu.memory_space<vmem>> -> memref<1x8x128xf32, #tpu.memory_space<vmem>>
    %dma_start3A_938 = tpu.memref_squeeze %dma_start3A_937 : memref<1x8x128xf32, #tpu.memory_space<vmem>> -> memref<8x128xf32, #tpu.memory_space<vmem>>
    %dma_start3A_939 = arith.constant 24 : i32
    %dma_start3A_940 = tpu.memref_slice %arg5[%dma_start3A_939, %multiple_of3A_836] : memref<32x1000000xf32, #tpu.memory_space<hbm>> -> memref<8x128xf32, #tpu.memory_space<hbm>>
    tpu.enqueue_dma source(%dma_start3A_940 : memref<8x128xf32, #tpu.memory_space<hbm>>) target(%dma_start3A_938 : memref<8x128xf32, #tpu.memory_space<vmem>>) target_semaphore(%arg28 : memref<!tpu.dma_semaphore, #tpu.memory_space<semaphore_mem>>)
    %iota3A = tpu.iota {dimensions = array<i32: 0>} : vector<16xi32>
    %scan3A = arith.constant 0 : i32
    %scan3A_941 = arith.constant 64 : i32
    %scan3A_942 = arith.addi %scan3A, %scan3A_941 : i32
    %scan3A_943 = arith.constant 1 : i32
    scf.for %scan3A_945 = %scan3A to %scan3A_942 step %scan3A_943  : i32 {
      %mul3A_946 = arith.constant 1 : i32
      %mul3A_947 = arith.muli %scan3A_945, %mul3A_946 : i32
      %add3A_948 = arith.constant 0 : i32
      %add3A_949 = arith.addi %add3A_948, %mul3A_947 : i32
      %mul3A_950 = arith.constant 8 : i32
      %mul3A_951 = arith.muli %add3A_949, %mul3A_950 : i32
      %add3A_952 = arith.constant 0 : i32
      %add3A_953 = arith.addi %mul3A_951, %add3A_952 : i32
      %dma_wait3A = arith.constant 0 : i32
      %dma_wait3A_954 = arith.constant 0 : i32
      %dma_wait3A_955 = arith.constant 0 : i32
      %dma_wait3A_956 = tpu.memref_slice %arg7[%dma_wait3A, %dma_wait3A_954, %dma_wait3A_955] : memref<8x32x128xf32, #tpu.memory_space<vmem>> -> memref<1x32x128xf32, #tpu.memory_space<vmem>>
      %dma_wait3A_957 = tpu.memref_squeeze %dma_wait3A_956 : memref<1x32x128xf32, #tpu.memory_space<vmem>> -> memref<32x128xf32, #tpu.memory_space<vmem>>
      %dma_wait3A_958 = arith.constant 0 : i32
      %dma_wait3A_959 = arith.constant 0 : i32
      %dma_wait3A_960 = tpu.memref_slice %arg4[%dma_wait3A_958, %dma_wait3A_959] : memref<32x1000000xf32, #tpu.memory_space<hbm>> -> memref<32x128xf32, #tpu.memory_space<hbm>>
      %dma_wait3A_961 = arith.constant 0 : i32
      %dma_wait3A_962 = arith.constant 0 : i32
      %dma_wait3A_963 = tpu.memref_slice %arg7[%dma_wait3A, %dma_wait3A_961, %dma_wait3A_962] : memref<8x32x128xf32, #tpu.memory_space<vmem>> -> memref<1x32x128xf32, #tpu.memory_space<vmem>>
      %dma_wait3A_964 = tpu.memref_squeeze %dma_wait3A_963 : memref<1x32x128xf32, #tpu.memory_space<vmem>> -> memref<32x128xf32, #tpu.memory_space<vmem>>
      %dma_wait3A_965 = arith.constant 0 : i32
      %dma_wait3A_966 = arith.constant 0 : i32
      %dma_wait3A_967 = tpu.memref_slice %arg4[%dma_wait3A_965, %dma_wait3A_966] : memref<32x1000000xf32, #tpu.memory_space<hbm>> -> memref<32x128xf32, #tpu.memory_space<hbm>>
      tpu.wait_dma2 semaphore(%arg13 : memref<!tpu.dma_semaphore, #tpu.memory_space<semaphore_mem>>) src(%dma_wait3A_967 : memref<32x128xf32, #tpu.memory_space<hbm>>) dst(%dma_wait3A_964 : memref<32x128xf32, #tpu.memory_space<vmem>>)
      %dma_wait3A_968 = arith.constant 0 : i32
      %dma_wait3A_969 = arith.constant 0 : i32
      %dma_wait3A_970 = arith.constant 0 : i32
      %dma_wait3A_971 = tpu.memref_slice %arg8[%dma_wait3A_968, %dma_wait3A_969, %dma_wait3A_970] : memref<8x32x128xf32, #tpu.memory_space<vmem>> -> memref<1x32x128xf32, #tpu.memory_space<vmem>>
      %dma_wait3A_972 = tpu.memref_squeeze %dma_wait3A_971 : memref<1x32x128xf32, #tpu.memory_space<vmem>> -> memref<32x128xf32, #tpu.memory_space<vmem>>
      %dma_wait3A_973 = arith.constant 0 : i32
      %dma_wait3A_974 = arith.constant 0 : i32
      %dma_wait3A_975 = tpu.memref_slice %arg5[%dma_wait3A_973, %dma_wait3A_974] : memref<32x1000000xf32, #tpu.memory_space<hbm>> -> memref<32x128xf32, #tpu.memory_space<hbm>>
      %dma_wait3A_976 = arith.constant 0 : i32
      %dma_wait3A_977 = arith.constant 0 : i32
      %dma_wait3A_978 = tpu.memref_slice %arg8[%dma_wait3A_968, %dma_wait3A_976, %dma_wait3A_977] : memref<8x32x128xf32, #tpu.memory_space<vmem>> -> memref<1x32x128xf32, #tpu.memory_space<vmem>>
      %dma_wait3A_979 = tpu.memref_squeeze %dma_wait3A_978 : memref<1x32x128xf32, #tpu.memory_space<vmem>> -> memref<32x128xf32, #tpu.memory_space<vmem>>
      %dma_wait3A_980 = arith.constant 0 : i32
      %dma_wait3A_981 = arith.constant 0 : i32
      %dma_wait3A_982 = tpu.memref_slice %arg5[%dma_wait3A_980, %dma_wait3A_981] : memref<32x1000000xf32, #tpu.memory_space<hbm>> -> memref<32x128xf32, #tpu.memory_space<hbm>>
      tpu.wait_dma2 semaphore(%arg21 : memref<!tpu.dma_semaphore, #tpu.memory_space<semaphore_mem>>) src(%dma_wait3A_982 : memref<32x128xf32, #tpu.memory_space<hbm>>) dst(%dma_wait3A_979 : memref<32x128xf32, #tpu.memory_space<vmem>>)
      %get3A_983 = arith.index_cast %add3A_953 : i32 to index
      %get3A_984 = tpu.vector_load %arg11[%get3A_983] {strides = array<i32>} : memref<528xi32, #tpu.memory_space<vmem>>, vector<16xi32>,
      %slice3A_985 = vector.extract_strided_slice %get3A_984 {offsets = [0], sizes = [1], strides = [1]} : vector<16xi32> to vector<1xi32>
      %squeeze3A_986 = vector.extract %slice3A_985[0] : i32 from vector<1xi32>
      %and3A_987 = arith.constant 127 : i32
      %and3A_988 = arith.andi %squeeze3A_986, %and3A_987 : i32
      %broadcast_in_dim3A = vector.broadcast %and3A_988 : i32 to vector<16xi32>
      %get3A_989 = arith.index_cast %add3A_953 : i32 to index
      %get3A_990 = tpu.vector_load %arg12[%get3A_989] {strides = array<i32>} : memref<528xi32, #tpu.memory_space<vmem>>, vector<16xi32>,
      %slice3A_991 = vector.extract_strided_slice %get3A_990 {offsets = [0], sizes = [1], strides = [1]} : vector<16xi32> to vector<1xi32>
      %squeeze3A_992 = vector.extract %slice3A_991[0] : i32 from vector<1xi32>
      %and3A_993 = arith.constant 127 : i32
      %and3A_994 = arith.andi %squeeze3A_992, %and3A_993 : i32
      %broadcast_in_dim3A_995 = vector.broadcast %and3A_994 : i32 to vector<16xi32>
      %broadcast_in_dim3A_996 = arith.constant 0 : i32
      %broadcast_in_dim3A_997 = vector.broadcast %broadcast_in_dim3A_996 : i32 to vector<16xi32>
      %gather3A = tpu.vector_load_idx %arg7[%broadcast_in_dim3A_997, %iota3A, %broadcast_in_dim3A] : memref<8x32x128xf32, #tpu.memory_space<vmem>>[vector<16xi32>, vector<16xi32>, vector<16xi32>], vector<16xf32>,
      %add3A_998 = arith.constant 16 : i32
      %add3A_999 = vector.broadcast %add3A_998 : i32 to vector<16xi32>
      %add3A_1000 = arith.addi %iota3A, %add3A_999 : vector<16xi32>
      %gather3A_1001 = tpu.vector_load_idx %arg7[%broadcast_in_dim3A_997, %add3A_1000, %broadcast_in_dim3A] : memref<8x32x128xf32, #tpu.memory_space<vmem>>[vector<16xi32>, vector<16xi32>, vector<16xi32>], vector<16xf32>,
      %gather3A_1002 = tpu.vector_load_idx %arg8[%broadcast_in_dim3A_997, %iota3A, %broadcast_in_dim3A_995] : memref<8x32x128xf32, #tpu.memory_space<vmem>>[vector<16xi32>, vector<16xi32>, vector<16xi32>], vector<16xf32>,
      %add3A_1003 = arith.constant 16 : i32
      %add3A_1004 = vector.broadcast %add3A_1003 : i32 to vector<16xi32>
      %add3A_1005 = arith.addi %iota3A, %add3A_1004 : vector<16xi32>
      %gather3A_1006 = tpu.vector_load_idx %arg8[%broadcast_in_dim3A_997, %add3A_1005, %broadcast_in_dim3A_995] : memref<8x32x128xf32, #tpu.memory_space<vmem>>[vector<16xi32>, vector<16xi32>, vector<16xi32>], vector<16xf32>,
      %mul3A_1007 = arith.mulf %gather3A, %gather3A_1002 : vector<16xf32>
      %mul3A_1008 = arith.mulf %gather3A_1001, %gather3A_1006 : vector<16xf32>
      %add3A_1009 = arith.addf %mul3A_1007, %mul3A_1008 : vector<16xf32>
      %jit3A = arith.constant 2 : i32
      %eq3A = arith.constant 0 : i32
      %eq3A_1010 = arith.cmpi eq, %jit3A, %eq3A : i32
      %jit3A_1011 = arith.constant 1 : i32
      %select_n3A = arith.select %eq3A_1010, %jit3A_1011, %jit3A : i32
      %rem3A = arith.remsi %add3A_949, %select_n3A : i32
      %ne3A = arith.constant 0 : i32
      %ne3A_1012 = arith.cmpi ne, %rem3A, %ne3A : i32
      %lt3A = arith.constant 0 : i32
      %lt3A_1013 = arith.cmpi slt, %rem3A, %lt3A : i32
      %lt3A_1014 = arith.constant 0 : i32
      %lt3A_1015 = arith.cmpi slt, %select_n3A, %lt3A_1014 : i32
      %ne3A_1016 = arith.xori %lt3A_1013, %lt3A_1015 : i1
      %and3A_1017 = arith.andi %ne3A_1016, %ne3A_1012 : i1
      %add3A_1018 = arith.addi %rem3A, %select_n3A : i32
      %select_n3A_1019 = arith.select %and3A_1017, %add3A_1018, %rem3A : i32
      %mul3A_1020 = arith.constant 8 : i32
      %mul3A_1021 = arith.muli %select_n3A_1019, %mul3A_1020 : i32
      %add3A_1022 = arith.constant 0 : i32
      %add3A_1023 = arith.addi %mul3A_1021, %add3A_1022 : i32
      %swap3A = arith.index_cast %add3A_1023 : i32 to index
      %swap3A_1024 = arith.constant 0 : index
      %swap3A_1025 = tpu.vector_load %arg9[%swap3A, %swap3A_1024] {strides = array<i32>} : memref<16x16xf32, #tpu.memory_space<vmem>>, vector<16xf32>,
      tpu.vector_store %arg9[%swap3A, %swap3A_1024], %add3A_1009 {strides = array<i32>} : memref<16x16xf32, #tpu.memory_space<vmem>>, vector<16xf32>,
      %lt3A_1026 = arith.constant 63 : i32
      %lt3A_1027 = arith.cmpi slt, %add3A_949, %lt3A_1026 : i32
      %convert_element_type3A = arith.extui %lt3A_1027 : i1 to i32
      %cond3A = arith.constant 0 : i32
      %cond3A_1028 = arith.cmpi ne, %convert_element_type3A, %cond3A : i32
      scf.if %cond3A_1028 {
        %add3A_1687 = arith.constant 8 : i32
        %add3A_1688 = arith.addi %add3A_953, %add3A_1687 : i32
        %get3A_1689 = arith.index_cast %add3A_1688 : i32 to index
        %get3A_1690 = tpu.vector_load %arg11[%get3A_1689] {strides = array<i32>} : memref<528xi32, #tpu.memory_space<vmem>>, vector<16xi32>,
        %slice3A_1691 = vector.extract_strided_slice %get3A_1690 {offsets = [0], sizes = [1], strides = [1]} : vector<16xi32> to vector<1xi32>
        %squeeze3A_1692 = vector.extract %slice3A_1691[0] : i32 from vector<1xi32>
        %get3A_1693 = arith.index_cast %add3A_1688 : i32 to index
        %get3A_1694 = tpu.vector_load %arg12[%get3A_1693] {strides = array<i32>} : memref<528xi32, #tpu.memory_space<vmem>>, vector<16xi32>,
        %slice3A_1695 = vector.extract_strided_slice %get3A_1694 {offsets = [0], sizes = [1], strides = [1]} : vector<16xi32> to vector<1xi32>
        %squeeze3A_1696 = vector.extract %slice3A_1695[0] : i32 from vector<1xi32>
        %and3A_1697 = arith.constant -128 : i32
        %and3A_1698 = arith.andi %squeeze3A_1692, %and3A_1697 : i32
        %multiple_of3A_1699 = tpu.assume_multiple %and3A_1698, 128 : i32
        %and3A_1700 = arith.constant -128 : i32
        %and3A_1701 = arith.andi %squeeze3A_1696, %and3A_1700 : i32
        %multiple_of3A_1702 = tpu.assume_multiple %and3A_1701, 128 : i32
        %dma_start3A_1703 = arith.constant 0 : i32
        %dma_start3A_1704 = arith.constant 0 : i32
        %dma_start3A_1705 = arith.constant 0 : i32
        %dma_start3A_1706 = tpu.memref_slice %arg7[%dma_start3A_1703, %dma_start3A_1704, %dma_start3A_1705] : memref<8x32x128xf32, #tpu.memory_space<vmem>> -> memref<1x8x128xf32, #tpu.memory_space<vmem>>
        %dma_start3A_1707 = tpu.memref_squeeze %dma_start3A_1706 : memref<1x8x128xf32, #tpu.memory_space<vmem>> -> memref<8x128xf32, #tpu.memory_space<vmem>>
        %dma_start3A_1708 = arith.constant 0 : i32
        %dma_start3A_1709 = tpu.memref_slice %arg4[%dma_start3A_1708, %multiple_of3A_1699] : memref<32x1000000xf32, #tpu.memory_space<hbm>> -> memref<8x128xf32, #tpu.memory_space<hbm>>
        %dma_start3A_1710 = arith.constant 0 : i32
        %dma_start3A_1711 = arith.constant 0 : i32
        %dma_start3A_1712 = tpu.memref_slice %arg7[%dma_start3A_1703, %dma_start3A_1710, %dma_start3A_1711] : memref<8x32x128xf32, #tpu.memory_space<vmem>> -> memref<1x8x128xf32, #tpu.memory_space<vmem>>
        %dma_start3A_1713 = tpu.memref_squeeze %dma_start3A_1712 : memref<1x8x128xf32, #tpu.memory_space<vmem>> -> memref<8x128xf32, #tpu.memory_space<vmem>>
        %dma_start3A_1714 = arith.constant 0 : i32
        %dma_start3A_1715 = tpu.memref_slice %arg4[%dma_start3A_1714, %multiple_of3A_1699] : memref<32x1000000xf32, #tpu.memory_space<hbm>> -> memref<8x128xf32, #tpu.memory_space<hbm>>
        tpu.enqueue_dma source(%dma_start3A_1715 : memref<8x128xf32, #tpu.memory_space<hbm>>) target(%dma_start3A_1713 : memref<8x128xf32, #tpu.memory_space<vmem>>) target_semaphore(%arg13 : memref<!tpu.dma_semaphore, #tpu.memory_space<semaphore_mem>>)
        %dma_start3A_1716 = arith.constant 0 : i32
        %dma_start3A_1717 = arith.constant 0 : i32
        %dma_start3A_1718 = arith.constant 0 : i32
        %dma_start3A_1719 = tpu.memref_slice %arg8[%dma_start3A_1716, %dma_start3A_1717, %dma_start3A_1718] : memref<8x32x128xf32, #tpu.memory_space<vmem>> -> memref<1x8x128xf32, #tpu.memory_space<vmem>>
        %dma_start3A_1720 = tpu.memref_squeeze %dma_start3A_1719 : memref<1x8x128xf32, #tpu.memory_space<vmem>> -> memref<8x128xf32, #tpu.memory_space<vmem>>
        %dma_start3A_1721 = arith.constant 0 : i32
        %dma_start3A_1722 = tpu.memref_slice %arg5[%dma_start3A_1721, %multiple_of3A_1702] : memref<32x1000000xf32, #tpu.memory_space<hbm>> -> memref<8x128xf32, #tpu.memory_space<hbm>>
        %dma_start3A_1723 = arith.constant 0 : i32
        %dma_start3A_1724 = arith.constant 0 : i32
        %dma_start3A_1725 = tpu.memref_slice %arg8[%dma_start3A_1716, %dma_start3A_1723, %dma_start3A_1724] : memref<8x32x128xf32, #tpu.memory_space<vmem>> -> memref<1x8x128xf32, #tpu.memory_space<vmem>>
        %dma_start3A_1726 = tpu.memref_squeeze %dma_start3A_1725 : memref<1x8x128xf32, #tpu.memory_space<vmem>> -> memref<8x128xf32, #tpu.memory_space<vmem>>
        %dma_start3A_1727 = arith.constant 0 : i32
        %dma_start3A_1728 = tpu.memref_slice %arg5[%dma_start3A_1727, %multiple_of3A_1702] : memref<32x1000000xf32, #tpu.memory_space<hbm>> -> memref<8x128xf32, #tpu.memory_space<hbm>>
        tpu.enqueue_dma source(%dma_start3A_1728 : memref<8x128xf32, #tpu.memory_space<hbm>>) target(%dma_start3A_1726 : memref<8x128xf32, #tpu.memory_space<vmem>>) target_semaphore(%arg21 : memref<!tpu.dma_semaphore, #tpu.memory_space<semaphore_mem>>)
        %dma_start3A_1729 = arith.constant 0 : i32
        %dma_start3A_1730 = arith.constant 8 : i32
        %dma_start3A_1731 = arith.constant 0 : i32
        %dma_start3A_1732 = tpu.memref_slice %arg7[%dma_start3A_1729, %dma_start3A_1730, %dma_start3A_1731] : memref<8x32x128xf32, #tpu.memory_space<vmem>> -> memref<1x8x128xf32, #tpu.memory_space<vmem>>
        %dma_start3A_1733 = tpu.memref_squeeze %dma_start3A_1732 : memref<1x8x128xf32, #tpu.memory_space<vmem>> -> memref<8x128xf32, #tpu.memory_space<vmem>>
        %dma_start3A_1734 = arith.constant 8 : i32
        %dma_start3A_1735 = tpu.memref_slice %arg4[%dma_start3A_1734, %multiple_of3A_1699] : memref<32x1000000xf32, #tpu.memory_space<hbm>> -> memref<8x128xf32, #tpu.memory_space<hbm>>
        %dma_start3A_1736 = arith.constant 8 : i32
        %dma_start3A_1737 = arith.constant 0 : i32
        %dma_start3A_1738 = tpu.memref_slice %arg7[%dma_start3A_1729, %dma_start3A_1736, %dma_start3A_1737] : memref<8x32x128xf32, #tpu.memory_space<vmem>> -> memref<1x8x128xf32, #tpu.memory_space<vmem>>
        %dma_start3A_1739 = tpu.memref_squeeze %dma_start3A_1738 : memref<1x8x128xf32, #tpu.memory_space<vmem>> -> memref<8x128xf32, #tpu.memory_space<vmem>>
        %dma_start3A_1740 = arith.constant 8 : i32
        %dma_start3A_1741 = tpu.memref_slice %arg4[%dma_start3A_1740, %multiple_of3A_1699] : memref<32x1000000xf32, #tpu.memory_space<hbm>> -> memref<8x128xf32, #tpu.memory_space<hbm>>
        tpu.enqueue_dma source(%dma_start3A_1741 : memref<8x128xf32, #tpu.memory_space<hbm>>) target(%dma_start3A_1739 : memref<8x128xf32, #tpu.memory_space<vmem>>) target_semaphore(%arg13 : memref<!tpu.dma_semaphore, #tpu.memory_space<semaphore_mem>>)
        %dma_start3A_1742 = arith.constant 0 : i32
        %dma_start3A_1743 = arith.constant 8 : i32
        %dma_start3A_1744 = arith.constant 0 : i32
        %dma_start3A_1745 = tpu.memref_slice %arg8[%dma_start3A_1742, %dma_start3A_1743, %dma_start3A_1744] : memref<8x32x128xf32, #tpu.memory_space<vmem>> -> memref<1x8x128xf32, #tpu.memory_space<vmem>>
        %dma_start3A_1746 = tpu.memref_squeeze %dma_start3A_1745 : memref<1x8x128xf32, #tpu.memory_space<vmem>> -> memref<8x128xf32, #tpu.memory_space<vmem>>
        %dma_start3A_1747 = arith.constant 8 : i32
        %dma_start3A_1748 = tpu.memref_slice %arg5[%dma_start3A_1747, %multiple_of3A_1702] : memref<32x1000000xf32, #tpu.memory_space<hbm>> -> memref<8x128xf32, #tpu.memory_space<hbm>>
        %dma_start3A_1749 = arith.constant 8 : i32
        %dma_start3A_1750 = arith.constant 0 : i32
        %dma_start3A_1751 = tpu.memref_slice %arg8[%dma_start3A_1742, %dma_start3A_1749, %dma_start3A_1750] : memref<8x32x128xf32, #tpu.memory_space<vmem>> -> memref<1x8x128xf32, #tpu.memory_space<vmem>>
        %dma_start3A_1752 = tpu.memref_squeeze %dma_start3A_1751 : memref<1x8x128xf32, #tpu.memory_space<vmem>> -> memref<8x128xf32, #tpu.memory_space<vmem>>
        %dma_start3A_1753 = arith.constant 8 : i32
        %dma_start3A_1754 = tpu.memref_slice %arg5[%dma_start3A_1753, %multiple_of3A_1702] : memref<32x1000000xf32, #tpu.memory_space<hbm>> -> memref<8x128xf32, #tpu.memory_space<hbm>>
        tpu.enqueue_dma source(%dma_start3A_1754 : memref<8x128xf32, #tpu.memory_space<hbm>>) target(%dma_start3A_1752 : memref<8x128xf32, #tpu.memory_space<vmem>>) target_semaphore(%arg21 : memref<!tpu.dma_semaphore, #tpu.memory_space<semaphore_mem>>)
        %dma_start3A_1755 = arith.constant 0 : i32
        %dma_start3A_1756 = arith.constant 16 : i32
        %dma_start3A_1757 = arith.constant 0 : i32
        %dma_start3A_1758 = tpu.memref_slice %arg7[%dma_start3A_1755, %dma_start3A_1756, %dma_start3A_1757] : memref<8x32x128xf32, #tpu.memory_space<vmem>> -> memref<1x8x128xf32, #tpu.memory_space<vmem>>
        %dma_start3A_1759 = tpu.memref_squeeze %dma_start3A_1758 : memref<1x8x128xf32, #tpu.memory_space<vmem>> -> memref<8x128xf32, #tpu.memory_space<vmem>>
        %dma_start3A_1760 = arith.constant 16 : i32
        %dma_start3A_1761 = tpu.memref_slice %arg4[%dma_start3A_1760, %multiple_of3A_1699] : memref<32x1000000xf32, #tpu.memory_space<hbm>> -> memref<8x128xf32, #tpu.memory_space<hbm>>
        %dma_start3A_1762 = arith.constant 16 : i32
        %dma_start3A_1763 = arith.constant 0 : i32
        %dma_start3A_1764 = tpu.memref_slice %arg7[%dma_start3A_1755, %dma_start3A_1762, %dma_start3A_1763] : memref<8x32x128xf32, #tpu.memory_space<vmem>> -> memref<1x8x128xf32, #tpu.memory_space<vmem>>
        %dma_start3A_1765 = tpu.memref_squeeze %dma_start3A_1764 : memref<1x8x128xf32, #tpu.memory_space<vmem>> -> memref<8x128xf32, #tpu.memory_space<vmem>>
        %dma_start3A_1766 = arith.constant 16 : i32
        %dma_start3A_1767 = tpu.memref_slice %arg4[%dma_start3A_1766, %multiple_of3A_1699] : memref<32x1000000xf32, #tpu.memory_space<hbm>> -> memref<8x128xf32, #tpu.memory_space<hbm>>
        tpu.enqueue_dma source(%dma_start3A_1767 : memref<8x128xf32, #tpu.memory_space<hbm>>) target(%dma_start3A_1765 : memref<8x128xf32, #tpu.memory_space<vmem>>) target_semaphore(%arg13 : memref<!tpu.dma_semaphore, #tpu.memory_space<semaphore_mem>>)
        %dma_start3A_1768 = arith.constant 0 : i32
        %dma_start3A_1769 = arith.constant 16 : i32
        %dma_start3A_1770 = arith.constant 0 : i32
        %dma_start3A_1771 = tpu.memref_slice %arg8[%dma_start3A_1768, %dma_start3A_1769, %dma_start3A_1770] : memref<8x32x128xf32, #tpu.memory_space<vmem>> -> memref<1x8x128xf32, #tpu.memory_space<vmem>>
        %dma_start3A_1772 = tpu.memref_squeeze %dma_start3A_1771 : memref<1x8x128xf32, #tpu.memory_space<vmem>> -> memref<8x128xf32, #tpu.memory_space<vmem>>
        %dma_start3A_1773 = arith.constant 16 : i32
        %dma_start3A_1774 = tpu.memref_slice %arg5[%dma_start3A_1773, %multiple_of3A_1702] : memref<32x1000000xf32, #tpu.memory_space<hbm>> -> memref<8x128xf32, #tpu.memory_space<hbm>>
        %dma_start3A_1775 = arith.constant 16 : i32
        %dma_start3A_1776 = arith.constant 0 : i32
        %dma_start3A_1777 = tpu.memref_slice %arg8[%dma_start3A_1768, %dma_start3A_1775, %dma_start3A_1776] : memref<8x32x128xf32, #tpu.memory_space<vmem>> -> memref<1x8x128xf32, #tpu.memory_space<vmem>>
        %dma_start3A_1778 = tpu.memref_squeeze %dma_start3A_1777 : memref<1x8x128xf32, #tpu.memory_space<vmem>> -> memref<8x128xf32, #tpu.memory_space<vmem>>
        %dma_start3A_1779 = arith.constant 16 : i32
        %dma_start3A_1780 = tpu.memref_slice %arg5[%dma_start3A_1779, %multiple_of3A_1702] : memref<32x1000000xf32, #tpu.memory_space<hbm>> -> memref<8x128xf32, #tpu.memory_space<hbm>>
        tpu.enqueue_dma source(%dma_start3A_1780 : memref<8x128xf32, #tpu.memory_space<hbm>>) target(%dma_start3A_1778 : memref<8x128xf32, #tpu.memory_space<vmem>>) target_semaphore(%arg21 : memref<!tpu.dma_semaphore, #tpu.memory_space<semaphore_mem>>)
        %dma_start3A_1781 = arith.constant 0 : i32
        %dma_start3A_1782 = arith.constant 24 : i32
        %dma_start3A_1783 = arith.constant 0 : i32
        %dma_start3A_1784 = tpu.memref_slice %arg7[%dma_start3A_1781, %dma_start3A_1782, %dma_start3A_1783] : memref<8x32x128xf32, #tpu.memory_space<vmem>> -> memref<1x8x128xf32, #tpu.memory_space<vmem>>
        %dma_start3A_1785 = tpu.memref_squeeze %dma_start3A_1784 : memref<1x8x128xf32, #tpu.memory_space<vmem>> -> memref<8x128xf32, #tpu.memory_space<vmem>>
        %dma_start3A_1786 = arith.constant 24 : i32
        %dma_start3A_1787 = tpu.memref_slice %arg4[%dma_start3A_1786, %multiple_of3A_1699] : memref<32x1000000xf32, #tpu.memory_space<hbm>> -> memref<8x128xf32, #tpu.memory_space<hbm>>
        %dma_start3A_1788 = arith.constant 24 : i32
        %dma_start3A_1789 = arith.constant 0 : i32
        %dma_start3A_1790 = tpu.memref_slice %arg7[%dma_start3A_1781, %dma_start3A_1788, %dma_start3A_1789] : memref<8x32x128xf32, #tpu.memory_space<vmem>> -> memref<1x8x128xf32, #tpu.memory_space<vmem>>
        %dma_start3A_1791 = tpu.memref_squeeze %dma_start3A_1790 : memref<1x8x128xf32, #tpu.memory_space<vmem>> -> memref<8x128xf32, #tpu.memory_space<vmem>>
        %dma_start3A_1792 = arith.constant 24 : i32
        %dma_start3A_1793 = tpu.memref_slice %arg4[%dma_start3A_1792, %multiple_of3A_1699] : memref<32x1000000xf32, #tpu.memory_space<hbm>> -> memref<8x128xf32, #tpu.memory_space<hbm>>
        tpu.enqueue_dma source(%dma_start3A_1793 : memref<8x128xf32, #tpu.memory_space<hbm>>) target(%dma_start3A_1791 : memref<8x128xf32, #tpu.memory_space<vmem>>) target_semaphore(%arg13 : memref<!tpu.dma_semaphore, #tpu.memory_space<semaphore_mem>>)
        %dma_start3A_1794 = arith.constant 0 : i32
        %dma_start3A_1795 = arith.constant 24 : i32
        %dma_start3A_1796 = arith.constant 0 : i32
        %dma_start3A_1797 = tpu.memref_slice %arg8[%dma_start3A_1794, %dma_start3A_1795, %dma_start3A_1796] : memref<8x32x128xf32, #tpu.memory_space<vmem>> -> memref<1x8x128xf32, #tpu.memory_space<vmem>>
        %dma_start3A_1798 = tpu.memref_squeeze %dma_start3A_1797 : memref<1x8x128xf32, #tpu.memory_space<vmem>> -> memref<8x128xf32, #tpu.memory_space<vmem>>
        %dma_start3A_1799 = arith.constant 24 : i32
        %dma_start3A_1800 = tpu.memref_slice %arg5[%dma_start3A_1799, %multiple_of3A_1702] : memref<32x1000000xf32, #tpu.memory_space<hbm>> -> memref<8x128xf32, #tpu.memory_space<hbm>>
        %dma_start3A_1801 = arith.constant 24 : i32
        %dma_start3A_1802 = arith.constant 0 : i32
        %dma_start3A_1803 = tpu.memref_slice %arg8[%dma_start3A_1794, %dma_start3A_1801, %dma_start3A_1802] : memref<8x32x128xf32, #tpu.memory_space<vmem>> -> memref<1x8x128xf32, #tpu.memory_space<vmem>>
        %dma_start3A_1804 = tpu.memref_squeeze %dma_start3A_1803 : memref<1x8x128xf32, #tpu.memory_space<vmem>> -> memref<8x128xf32, #tpu.memory_space<vmem>>
        %dma_start3A_1805 = arith.constant 24 : i32
        %dma_start3A_1806 = tpu.memref_slice %arg5[%dma_start3A_1805, %multiple_of3A_1702] : memref<32x1000000xf32, #tpu.memory_space<hbm>> -> memref<8x128xf32, #tpu.memory_space<hbm>>
        tpu.enqueue_dma source(%dma_start3A_1806 : memref<8x128xf32, #tpu.memory_space<hbm>>) target(%dma_start3A_1804 : memref<8x128xf32, #tpu.memory_space<vmem>>) target_semaphore(%arg21 : memref<!tpu.dma_semaphore, #tpu.memory_space<semaphore_mem>>)
      } else {
      }
      %mul3A_1029 = arith.constant 8 : i32
      %mul3A_1030 = arith.muli %add3A_949, %mul3A_1029 : i32
      %add3A_1031 = arith.constant 1 : i32
      %add3A_1032 = arith.addi %mul3A_1030, %add3A_1031 : i32
      %dma_wait3A_1033 = arith.constant 1 : i32
      %dma_wait3A_1034 = arith.constant 0 : i32
      %dma_wait3A_1035 = arith.constant 0 : i32
      %dma_wait3A_1036 = tpu.memref_slice %arg7[%dma_wait3A_1033, %dma_wait3A_1034, %dma_wait3A_1035] : memref<8x32x128xf32, #tpu.memory_space<vmem>> -> memref<1x32x128xf32, #tpu.memory_space<vmem>>
      %dma_wait3A_1037 = tpu.memref_squeeze %dma_wait3A_1036 : memref<1x32x128xf32, #tpu.memory_space<vmem>> -> memref<32x128xf32, #tpu.memory_space<vmem>>
      %dma_wait3A_1038 = arith.constant 0 : i32
      %dma_wait3A_1039 = arith.constant 0 : i32
      %dma_wait3A_1040 = tpu.memref_slice %arg4[%dma_wait3A_1038, %dma_wait3A_1039] : memref<32x1000000xf32, #tpu.memory_space<hbm>> -> memref<32x128xf32, #tpu.memory_space<hbm>>
      %dma_wait3A_1041 = arith.constant 0 : i32
      %dma_wait3A_1042 = arith.constant 0 : i32
      %dma_wait3A_1043 = tpu.memref_slice %arg7[%dma_wait3A_1033, %dma_wait3A_1041, %dma_wait3A_1042] : memref<8x32x128xf32, #tpu.memory_space<vmem>> -> memref<1x32x128xf32, #tpu.memory_space<vmem>>
      %dma_wait3A_1044 = tpu.memref_squeeze %dma_wait3A_1043 : memref<1x32x128xf32, #tpu.memory_space<vmem>> -> memref<32x128xf32, #tpu.memory_space<vmem>>
      %dma_wait3A_1045 = arith.constant 0 : i32
      %dma_wait3A_1046 = arith.constant 0 : i32
      %dma_wait3A_1047 = tpu.memref_slice %arg4[%dma_wait3A_1045, %dma_wait3A_1046] : memref<32x1000000xf32, #tpu.memory_space<hbm>> -> memref<32x128xf32, #tpu.memory_space<hbm>>
      tpu.wait_dma2 semaphore(%arg14 : memref<!tpu.dma_semaphore, #tpu.memory_space<semaphore_mem>>) src(%dma_wait3A_1047 : memref<32x128xf32, #tpu.memory_space<hbm>>) dst(%dma_wait3A_1044 : memref<32x128xf32, #tpu.memory_space<vmem>>)
      %dma_wait3A_1048 = arith.constant 1 : i32
      %dma_wait3A_1049 = arith.constant 0 : i32
      %dma_wait3A_1050 = arith.constant 0 : i32
      %dma_wait3A_1051 = tpu.memref_slice %arg8[%dma_wait3A_1048, %dma_wait3A_1049, %dma_wait3A_1050] : memref<8x32x128xf32, #tpu.memory_space<vmem>> -> memref<1x32x128xf32, #tpu.memory_space<vmem>>
      %dma_wait3A_1052 = tpu.memref_squeeze %dma_wait3A_1051 : memref<1x32x128xf32, #tpu.memory_space<vmem>> -> memref<32x128xf32, #tpu.memory_space<vmem>>
      %dma_wait3A_1053 = arith.constant 0 : i32
      %dma_wait3A_1054 = arith.constant 0 : i32
      %dma_wait3A_1055 = tpu.memref_slice %arg5[%dma_wait3A_1053, %dma_wait3A_1054] : memref<32x1000000xf32, #tpu.memory_space<hbm>> -> memref<32x128xf32, #tpu.memory_space<hbm>>
      %dma_wait3A_1056 = arith.constant 0 : i32
      %dma_wait3A_1057 = arith.constant 0 : i32
      %dma_wait3A_1058 = tpu.memref_slice %arg8[%dma_wait3A_1048, %dma_wait3A_1056, %dma_wait3A_1057] : memref<8x32x128xf32, #tpu.memory_space<vmem>> -> memref<1x32x128xf32, #tpu.memory_space<vmem>>
      %dma_wait3A_1059 = tpu.memref_squeeze %dma_wait3A_1058 : memref<1x32x128xf32, #tpu.memory_space<vmem>> -> memref<32x128xf32, #tpu.memory_space<vmem>>
      %dma_wait3A_1060 = arith.constant 0 : i32
      %dma_wait3A_1061 = arith.constant 0 : i32
      %dma_wait3A_1062 = tpu.memref_slice %arg5[%dma_wait3A_1060, %dma_wait3A_1061] : memref<32x1000000xf32, #tpu.memory_space<hbm>> -> memref<32x128xf32, #tpu.memory_space<hbm>>
      tpu.wait_dma2 semaphore(%arg22 : memref<!tpu.dma_semaphore, #tpu.memory_space<semaphore_mem>>) src(%dma_wait3A_1062 : memref<32x128xf32, #tpu.memory_space<hbm>>) dst(%dma_wait3A_1059 : memref<32x128xf32, #tpu.memory_space<vmem>>)
      %get3A_1063 = arith.index_cast %add3A_1032 : i32 to index
      %get3A_1064 = tpu.vector_load %arg11[%get3A_1063] {strides = array<i32>} : memref<528xi32, #tpu.memory_space<vmem>>, vector<16xi32>,
      %slice3A_1065 = vector.extract_strided_slice %get3A_1064 {offsets = [0], sizes = [1], strides = [1]} : vector<16xi32> to vector<1xi32>
      %squeeze3A_1066 = vector.extract %slice3A_1065[0] : i32 from vector<1xi32>
      %and3A_1067 = arith.constant 127 : i32
      %and3A_1068 = arith.andi %squeeze3A_1066, %and3A_1067 : i32
      %broadcast_in_dim3A_1069 = vector.broadcast %and3A_1068 : i32 to vector<16xi32>
      %get3A_1070 = arith.index_cast %add3A_1032 : i32 to index
      %get3A_1071 = tpu.vector_load %arg12[%get3A_1070] {strides = array<i32>} : memref<528xi32, #tpu.memory_space<vmem>>, vector<16xi32>,
      %slice3A_1072 = vector.extract_strided_slice %get3A_1071 {offsets = [0], sizes = [1], strides = [1]} : vector<16xi32> to vector<1xi32>
      %squeeze3A_1073 = vector.extract %slice3A_1072[0] : i32 from vector<1xi32>
      %and3A_1074 = arith.constant 127 : i32
      %and3A_1075 = arith.andi %squeeze3A_1073, %and3A_1074 : i32
      %broadcast_in_dim3A_1076 = vector.broadcast %and3A_1075 : i32 to vector<16xi32>
      %broadcast_in_dim3A_1077 = arith.constant 1 : i32
      %broadcast_in_dim3A_1078 = vector.broadcast %broadcast_in_dim3A_1077 : i32 to vector<16xi32>
      %gather3A_1079 = tpu.vector_load_idx %arg7[%broadcast_in_dim3A_1078, %iota3A, %broadcast_in_dim3A_1069] : memref<8x32x128xf32, #tpu.memory_space<vmem>>[vector<16xi32>, vector<16xi32>, vector<16xi32>], vector<16xf32>,
      %add3A_1080 = arith.constant 16 : i32
      %add3A_1081 = vector.broadcast %add3A_1080 : i32 to vector<16xi32>
      %add3A_1082 = arith.addi %iota3A, %add3A_1081 : vector<16xi32>
      %gather3A_1083 = tpu.vector_load_idx %arg7[%broadcast_in_dim3A_1078, %add3A_1082, %broadcast_in_dim3A_1069] : memref<8x32x128xf32, #tpu.memory_space<vmem>>[vector<16xi32>, vector<16xi32>, vector<16xi32>], vector<16xf32>,
      %gather3A_1084 = tpu.vector_load_idx %arg8[%broadcast_in_dim3A_1078, %iota3A, %broadcast_in_dim3A_1076] : memref<8x32x128xf32, #tpu.memory_space<vmem>>[vector<16xi32>, vector<16xi32>, vector<16xi32>], vector<16xf32>,
      %add3A_1085 = arith.constant 16 : i32
      %add3A_1086 = vector.broadcast %add3A_1085 : i32 to vector<16xi32>
      %add3A_1087 = arith.addi %iota3A, %add3A_1086 : vector<16xi32>
      %gather3A_1088 = tpu.vector_load_idx %arg8[%broadcast_in_dim3A_1078, %add3A_1087, %broadcast_in_dim3A_1076] : memref<8x32x128xf32, #tpu.memory_space<vmem>>[vector<16xi32>, vector<16xi32>, vector<16xi32>], vector<16xf32>,
      %mul3A_1089 = arith.mulf %gather3A_1079, %gather3A_1084 : vector<16xf32>
      %mul3A_1090 = arith.mulf %gather3A_1083, %gather3A_1088 : vector<16xf32>
      %add3A_1091 = arith.addf %mul3A_1089, %mul3A_1090 : vector<16xf32>
      %jit3A_1092 = arith.constant 2 : i32
      %eq3A_1093 = arith.constant 0 : i32
      %eq3A_1094 = arith.cmpi eq, %jit3A_1092, %eq3A_1093 : i32
      %jit3A_1095 = arith.constant 1 : i32
      %select_n3A_1096 = arith.select %eq3A_1094, %jit3A_1095, %jit3A_1092 : i32
      %rem3A_1097 = arith.remsi %add3A_949, %select_n3A_1096 : i32
      %ne3A_1098 = arith.constant 0 : i32
      %ne3A_1099 = arith.cmpi ne, %rem3A_1097, %ne3A_1098 : i32
      %lt3A_1100 = arith.constant 0 : i32
      %lt3A_1101 = arith.cmpi slt, %rem3A_1097, %lt3A_1100 : i32
      %lt3A_1102 = arith.constant 0 : i32
      %lt3A_1103 = arith.cmpi slt, %select_n3A_1096, %lt3A_1102 : i32
      %ne3A_1104 = arith.xori %lt3A_1101, %lt3A_1103 : i1
      %and3A_1105 = arith.andi %ne3A_1104, %ne3A_1099 : i1
      %add3A_1106 = arith.addi %rem3A_1097, %select_n3A_1096 : i32
      %select_n3A_1107 = arith.select %and3A_1105, %add3A_1106, %rem3A_1097 : i32
      %mul3A_1108 = arith.constant 8 : i32
      %mul3A_1109 = arith.muli %select_n3A_1107, %mul3A_1108 : i32
      %add3A_1110 = arith.constant 1 : i32
      %add3A_1111 = arith.addi %mul3A_1109, %add3A_1110 : i32
      %swap3A_1112 = arith.index_cast %add3A_1111 : i32 to index
      %swap3A_1113 = arith.constant 0 : index
      %swap3A_1114 = tpu.vector_load %arg9[%swap3A_1112, %swap3A_1113] {strides = array<i32>} : memref<16x16xf32, #tpu.memory_space<vmem>>, vector<16xf32>,
      tpu.vector_store %arg9[%swap3A_1112, %swap3A_1113], %add3A_1091 {strides = array<i32>} : memref<16x16xf32, #tpu.memory_space<vmem>>, vector<16xf32>,
      %lt3A_1115 = arith.constant 63 : i32
      %lt3A_1116 = arith.cmpi slt, %add3A_949, %lt3A_1115 : i32
      %convert_element_type3A_1117 = arith.extui %lt3A_1116 : i1 to i32
      %cond3A_1118 = arith.constant 0 : i32
      %cond3A_1119 = arith.cmpi ne, %convert_element_type3A_1117, %cond3A_1118 : i32
      scf.if %cond3A_1119 {
        %add3A_1687 = arith.constant 8 : i32
        %add3A_1688 = arith.addi %add3A_1032, %add3A_1687 : i32
        %get3A_1689 = arith.index_cast %add3A_1688 : i32 to index
        %get3A_1690 = tpu.vector_load %arg11[%get3A_1689] {strides = array<i32>} : memref<528xi32, #tpu.memory_space<vmem>>, vector<16xi32>,
        %slice3A_1691 = vector.extract_strided_slice %get3A_1690 {offsets = [0], sizes = [1], strides = [1]} : vector<16xi32> to vector<1xi32>
        %squeeze3A_1692 = vector.extract %slice3A_1691[0] : i32 from vector<1xi32>
        %get3A_1693 = arith.index_cast %add3A_1688 : i32 to index
        %get3A_1694 = tpu.vector_load %arg12[%get3A_1693] {strides = array<i32>} : memref<528xi32, #tpu.memory_space<vmem>>, vector<16xi32>,
        %slice3A_1695 = vector.extract_strided_slice %get3A_1694 {offsets = [0], sizes = [1], strides = [1]} : vector<16xi32> to vector<1xi32>
        %squeeze3A_1696 = vector.extract %slice3A_1695[0] : i32 from vector<1xi32>
        %and3A_1697 = arith.constant -128 : i32
        %and3A_1698 = arith.andi %squeeze3A_1692, %and3A_1697 : i32
        %multiple_of3A_1699 = tpu.assume_multiple %and3A_1698, 128 : i32
        %and3A_1700 = arith.constant -128 : i32
        %and3A_1701 = arith.andi %squeeze3A_1696, %and3A_1700 : i32
        %multiple_of3A_1702 = tpu.assume_multiple %and3A_1701, 128 : i32
        %dma_start3A_1703 = arith.constant 1 : i32
        %dma_start3A_1704 = arith.constant 0 : i32
        %dma_start3A_1705 = arith.constant 0 : i32
        %dma_start3A_1706 = tpu.memref_slice %arg7[%dma_start3A_1703, %dma_start3A_1704, %dma_start3A_1705] : memref<8x32x128xf32, #tpu.memory_space<vmem>> -> memref<1x8x128xf32, #tpu.memory_space<vmem>>
        %dma_start3A_1707 = tpu.memref_squeeze %dma_start3A_1706 : memref<1x8x128xf32, #tpu.memory_space<vmem>> -> memref<8x128xf32, #tpu.memory_space<vmem>>
        %dma_start3A_1708 = arith.constant 0 : i32
        %dma_start3A_1709 = tpu.memref_slice %arg4[%dma_start3A_1708, %multiple_of3A_1699] : memref<32x1000000xf32, #tpu.memory_space<hbm>> -> memref<8x128xf32, #tpu.memory_space<hbm>>
        %dma_start3A_1710 = arith.constant 0 : i32
        %dma_start3A_1711 = arith.constant 0 : i32
        %dma_start3A_1712 = tpu.memref_slice %arg7[%dma_start3A_1703, %dma_start3A_1710, %dma_start3A_1711] : memref<8x32x128xf32, #tpu.memory_space<vmem>> -> memref<1x8x128xf32, #tpu.memory_space<vmem>>
        %dma_start3A_1713 = tpu.memref_squeeze %dma_start3A_1712 : memref<1x8x128xf32, #tpu.memory_space<vmem>> -> memref<8x128xf32, #tpu.memory_space<vmem>>
        %dma_start3A_1714 = arith.constant 0 : i32
        %dma_start3A_1715 = tpu.memref_slice %arg4[%dma_start3A_1714, %multiple_of3A_1699] : memref<32x1000000xf32, #tpu.memory_space<hbm>> -> memref<8x128xf32, #tpu.memory_space<hbm>>
        tpu.enqueue_dma source(%dma_start3A_1715 : memref<8x128xf32, #tpu.memory_space<hbm>>) target(%dma_start3A_1713 : memref<8x128xf32, #tpu.memory_space<vmem>>) target_semaphore(%arg14 : memref<!tpu.dma_semaphore, #tpu.memory_space<semaphore_mem>>)
        %dma_start3A_1716 = arith.constant 1 : i32
        %dma_start3A_1717 = arith.constant 0 : i32
        %dma_start3A_1718 = arith.constant 0 : i32
        %dma_start3A_1719 = tpu.memref_slice %arg8[%dma_start3A_1716, %dma_start3A_1717, %dma_start3A_1718] : memref<8x32x128xf32, #tpu.memory_space<vmem>> -> memref<1x8x128xf32, #tpu.memory_space<vmem>>
        %dma_start3A_1720 = tpu.memref_squeeze %dma_start3A_1719 : memref<1x8x128xf32, #tpu.memory_space<vmem>> -> memref<8x128xf32, #tpu.memory_space<vmem>>
        %dma_start3A_1721 = arith.constant 0 : i32
        %dma_start3A_1722 = tpu.memref_slice %arg5[%dma_start3A_1721, %multiple_of3A_1702] : memref<32x1000000xf32, #tpu.memory_space<hbm>> -> memref<8x128xf32, #tpu.memory_space<hbm>>
        %dma_start3A_1723 = arith.constant 0 : i32
        %dma_start3A_1724 = arith.constant 0 : i32
        %dma_start3A_1725 = tpu.memref_slice %arg8[%dma_start3A_1716, %dma_start3A_1723, %dma_start3A_1724] : memref<8x32x128xf32, #tpu.memory_space<vmem>> -> memref<1x8x128xf32, #tpu.memory_space<vmem>>
        %dma_start3A_1726 = tpu.memref_squeeze %dma_start3A_1725 : memref<1x8x128xf32, #tpu.memory_space<vmem>> -> memref<8x128xf32, #tpu.memory_space<vmem>>
        %dma_start3A_1727 = arith.constant 0 : i32
        %dma_start3A_1728 = tpu.memref_slice %arg5[%dma_start3A_1727, %multiple_of3A_1702] : memref<32x1000000xf32, #tpu.memory_space<hbm>> -> memref<8x128xf32, #tpu.memory_space<hbm>>
        tpu.enqueue_dma source(%dma_start3A_1728 : memref<8x128xf32, #tpu.memory_space<hbm>>) target(%dma_start3A_1726 : memref<8x128xf32, #tpu.memory_space<vmem>>) target_semaphore(%arg22 : memref<!tpu.dma_semaphore, #tpu.memory_space<semaphore_mem>>)
        %dma_start3A_1729 = arith.constant 1 : i32
        %dma_start3A_1730 = arith.constant 8 : i32
        %dma_start3A_1731 = arith.constant 0 : i32
        %dma_start3A_1732 = tpu.memref_slice %arg7[%dma_start3A_1729, %dma_start3A_1730, %dma_start3A_1731] : memref<8x32x128xf32, #tpu.memory_space<vmem>> -> memref<1x8x128xf32, #tpu.memory_space<vmem>>
        %dma_start3A_1733 = tpu.memref_squeeze %dma_start3A_1732 : memref<1x8x128xf32, #tpu.memory_space<vmem>> -> memref<8x128xf32, #tpu.memory_space<vmem>>
        %dma_start3A_1734 = arith.constant 8 : i32
        %dma_start3A_1735 = tpu.memref_slice %arg4[%dma_start3A_1734, %multiple_of3A_1699] : memref<32x1000000xf32, #tpu.memory_space<hbm>> -> memref<8x128xf32, #tpu.memory_space<hbm>>
        %dma_start3A_1736 = arith.constant 8 : i32
        %dma_start3A_1737 = arith.constant 0 : i32
        %dma_start3A_1738 = tpu.memref_slice %arg7[%dma_start3A_1729, %dma_start3A_1736, %dma_start3A_1737] : memref<8x32x128xf32, #tpu.memory_space<vmem>> -> memref<1x8x128xf32, #tpu.memory_space<vmem>>
        %dma_start3A_1739 = tpu.memref_squeeze %dma_start3A_1738 : memref<1x8x128xf32, #tpu.memory_space<vmem>> -> memref<8x128xf32, #tpu.memory_space<vmem>>
        %dma_start3A_1740 = arith.constant 8 : i32
        %dma_start3A_1741 = tpu.memref_slice %arg4[%dma_start3A_1740, %multiple_of3A_1699] : memref<32x1000000xf32, #tpu.memory_space<hbm>> -> memref<8x128xf32, #tpu.memory_space<hbm>>
        tpu.enqueue_dma source(%dma_start3A_1741 : memref<8x128xf32, #tpu.memory_space<hbm>>) target(%dma_start3A_1739 : memref<8x128xf32, #tpu.memory_space<vmem>>) target_semaphore(%arg14 : memref<!tpu.dma_semaphore, #tpu.memory_space<semaphore_mem>>)
        %dma_start3A_1742 = arith.constant 1 : i32
        %dma_start3A_1743 = arith.constant 8 : i32
        %dma_start3A_1744 = arith.constant 0 : i32
        %dma_start3A_1745 = tpu.memref_slice %arg8[%dma_start3A_1742, %dma_start3A_1743, %dma_start3A_1744] : memref<8x32x128xf32, #tpu.memory_space<vmem>> -> memref<1x8x128xf32, #tpu.memory_space<vmem>>
        %dma_start3A_1746 = tpu.memref_squeeze %dma_start3A_1745 : memref<1x8x128xf32, #tpu.memory_space<vmem>> -> memref<8x128xf32, #tpu.memory_space<vmem>>
        %dma_start3A_1747 = arith.constant 8 : i32
        %dma_start3A_1748 = tpu.memref_slice %arg5[%dma_start3A_1747, %multiple_of3A_1702] : memref<32x1000000xf32, #tpu.memory_space<hbm>> -> memref<8x128xf32, #tpu.memory_space<hbm>>
        %dma_start3A_1749 = arith.constant 8 : i32
        %dma_start3A_1750 = arith.constant 0 : i32
        %dma_start3A_1751 = tpu.memref_slice %arg8[%dma_start3A_1742, %dma_start3A_1749, %dma_start3A_1750] : memref<8x32x128xf32, #tpu.memory_space<vmem>> -> memref<1x8x128xf32, #tpu.memory_space<vmem>>
        %dma_start3A_1752 = tpu.memref_squeeze %dma_start3A_1751 : memref<1x8x128xf32, #tpu.memory_space<vmem>> -> memref<8x128xf32, #tpu.memory_space<vmem>>
        %dma_start3A_1753 = arith.constant 8 : i32
        %dma_start3A_1754 = tpu.memref_slice %arg5[%dma_start3A_1753, %multiple_of3A_1702] : memref<32x1000000xf32, #tpu.memory_space<hbm>> -> memref<8x128xf32, #tpu.memory_space<hbm>>
        tpu.enqueue_dma source(%dma_start3A_1754 : memref<8x128xf32, #tpu.memory_space<hbm>>) target(%dma_start3A_1752 : memref<8x128xf32, #tpu.memory_space<vmem>>) target_semaphore(%arg22 : memref<!tpu.dma_semaphore, #tpu.memory_space<semaphore_mem>>)
        %dma_start3A_1755 = arith.constant 1 : i32
        %dma_start3A_1756 = arith.constant 16 : i32
        %dma_start3A_1757 = arith.constant 0 : i32
        %dma_start3A_1758 = tpu.memref_slice %arg7[%dma_start3A_1755, %dma_start3A_1756, %dma_start3A_1757] : memref<8x32x128xf32, #tpu.memory_space<vmem>> -> memref<1x8x128xf32, #tpu.memory_space<vmem>>
        %dma_start3A_1759 = tpu.memref_squeeze %dma_start3A_1758 : memref<1x8x128xf32, #tpu.memory_space<vmem>> -> memref<8x128xf32, #tpu.memory_space<vmem>>
        %dma_start3A_1760 = arith.constant 16 : i32
        %dma_start3A_1761 = tpu.memref_slice %arg4[%dma_start3A_1760, %multiple_of3A_1699] : memref<32x1000000xf32, #tpu.memory_space<hbm>> -> memref<8x128xf32, #tpu.memory_space<hbm>>
        %dma_start3A_1762 = arith.constant 16 : i32
        %dma_start3A_1763 = arith.constant 0 : i32
        %dma_start3A_1764 = tpu.memref_slice %arg7[%dma_start3A_1755, %dma_start3A_1762, %dma_start3A_1763] : memref<8x32x128xf32, #tpu.memory_space<vmem>> -> memref<1x8x128xf32, #tpu.memory_space<vmem>>
        %dma_start3A_1765 = tpu.memref_squeeze %dma_start3A_1764 : memref<1x8x128xf32, #tpu.memory_space<vmem>> -> memref<8x128xf32, #tpu.memory_space<vmem>>
        %dma_start3A_1766 = arith.constant 16 : i32
        %dma_start3A_1767 = tpu.memref_slice %arg4[%dma_start3A_1766, %multiple_of3A_1699] : memref<32x1000000xf32, #tpu.memory_space<hbm>> -> memref<8x128xf32, #tpu.memory_space<hbm>>
        tpu.enqueue_dma source(%dma_start3A_1767 : memref<8x128xf32, #tpu.memory_space<hbm>>) target(%dma_start3A_1765 : memref<8x128xf32, #tpu.memory_space<vmem>>) target_semaphore(%arg14 : memref<!tpu.dma_semaphore, #tpu.memory_space<semaphore_mem>>)
        %dma_start3A_1768 = arith.constant 1 : i32
        %dma_start3A_1769 = arith.constant 16 : i32
        %dma_start3A_1770 = arith.constant 0 : i32
        %dma_start3A_1771 = tpu.memref_slice %arg8[%dma_start3A_1768, %dma_start3A_1769, %dma_start3A_1770] : memref<8x32x128xf32, #tpu.memory_space<vmem>> -> memref<1x8x128xf32, #tpu.memory_space<vmem>>
        %dma_start3A_1772 = tpu.memref_squeeze %dma_start3A_1771 : memref<1x8x128xf32, #tpu.memory_space<vmem>> -> memref<8x128xf32, #tpu.memory_space<vmem>>
        %dma_start3A_1773 = arith.constant 16 : i32
        %dma_start3A_1774 = tpu.memref_slice %arg5[%dma_start3A_1773, %multiple_of3A_1702] : memref<32x1000000xf32, #tpu.memory_space<hbm>> -> memref<8x128xf32, #tpu.memory_space<hbm>>
        %dma_start3A_1775 = arith.constant 16 : i32
        %dma_start3A_1776 = arith.constant 0 : i32
        %dma_start3A_1777 = tpu.memref_slice %arg8[%dma_start3A_1768, %dma_start3A_1775, %dma_start3A_1776] : memref<8x32x128xf32, #tpu.memory_space<vmem>> -> memref<1x8x128xf32, #tpu.memory_space<vmem>>
        %dma_start3A_1778 = tpu.memref_squeeze %dma_start3A_1777 : memref<1x8x128xf32, #tpu.memory_space<vmem>> -> memref<8x128xf32, #tpu.memory_space<vmem>>
        %dma_start3A_1779 = arith.constant 16 : i32
        %dma_start3A_1780 = tpu.memref_slice %arg5[%dma_start3A_1779, %multiple_of3A_1702] : memref<32x1000000xf32, #tpu.memory_space<hbm>> -> memref<8x128xf32, #tpu.memory_space<hbm>>
        tpu.enqueue_dma source(%dma_start3A_1780 : memref<8x128xf32, #tpu.memory_space<hbm>>) target(%dma_start3A_1778 : memref<8x128xf32, #tpu.memory_space<vmem>>) target_semaphore(%arg22 : memref<!tpu.dma_semaphore, #tpu.memory_space<semaphore_mem>>)
        %dma_start3A_1781 = arith.constant 1 : i32
        %dma_start3A_1782 = arith.constant 24 : i32
        %dma_start3A_1783 = arith.constant 0 : i32
        %dma_start3A_1784 = tpu.memref_slice %arg7[%dma_start3A_1781, %dma_start3A_1782, %dma_start3A_1783] : memref<8x32x128xf32, #tpu.memory_space<vmem>> -> memref<1x8x128xf32, #tpu.memory_space<vmem>>
        %dma_start3A_1785 = tpu.memref_squeeze %dma_start3A_1784 : memref<1x8x128xf32, #tpu.memory_space<vmem>> -> memref<8x128xf32, #tpu.memory_space<vmem>>
        %dma_start3A_1786 = arith.constant 24 : i32
        %dma_start3A_1787 = tpu.memref_slice %arg4[%dma_start3A_1786, %multiple_of3A_1699] : memref<32x1000000xf32, #tpu.memory_space<hbm>> -> memref<8x128xf32, #tpu.memory_space<hbm>>
        %dma_start3A_1788 = arith.constant 24 : i32
        %dma_start3A_1789 = arith.constant 0 : i32
        %dma_start3A_1790 = tpu.memref_slice %arg7[%dma_start3A_1781, %dma_start3A_1788, %dma_start3A_1789] : memref<8x32x128xf32, #tpu.memory_space<vmem>> -> memref<1x8x128xf32, #tpu.memory_space<vmem>>
        %dma_start3A_1791 = tpu.memref_squeeze %dma_start3A_1790 : memref<1x8x128xf32, #tpu.memory_space<vmem>> -> memref<8x128xf32, #tpu.memory_space<vmem>>
        %dma_start3A_1792 = arith.constant 24 : i32
        %dma_start3A_1793 = tpu.memref_slice %arg4[%dma_start3A_1792, %multiple_of3A_1699] : memref<32x1000000xf32, #tpu.memory_space<hbm>> -> memref<8x128xf32, #tpu.memory_space<hbm>>
        tpu.enqueue_dma source(%dma_start3A_1793 : memref<8x128xf32, #tpu.memory_space<hbm>>) target(%dma_start3A_1791 : memref<8x128xf32, #tpu.memory_space<vmem>>) target_semaphore(%arg14 : memref<!tpu.dma_semaphore, #tpu.memory_space<semaphore_mem>>)
        %dma_start3A_1794 = arith.constant 1 : i32
        %dma_start3A_1795 = arith.constant 24 : i32
        %dma_start3A_1796 = arith.constant 0 : i32
        %dma_start3A_1797 = tpu.memref_slice %arg8[%dma_start3A_1794, %dma_start3A_1795, %dma_start3A_1796] : memref<8x32x128xf32, #tpu.memory_space<vmem>> -> memref<1x8x128xf32, #tpu.memory_space<vmem>>
        %dma_start3A_1798 = tpu.memref_squeeze %dma_start3A_1797 : memref<1x8x128xf32, #tpu.memory_space<vmem>> -> memref<8x128xf32, #tpu.memory_space<vmem>>
        %dma_start3A_1799 = arith.constant 24 : i32
        %dma_start3A_1800 = tpu.memref_slice %arg5[%dma_start3A_1799, %multiple_of3A_1702] : memref<32x1000000xf32, #tpu.memory_space<hbm>> -> memref<8x128xf32, #tpu.memory_space<hbm>>
        %dma_start3A_1801 = arith.constant 24 : i32
        %dma_start3A_1802 = arith.constant 0 : i32
        %dma_start3A_1803 = tpu.memref_slice %arg8[%dma_start3A_1794, %dma_start3A_1801, %dma_start3A_1802] : memref<8x32x128xf32, #tpu.memory_space<vmem>> -> memref<1x8x128xf32, #tpu.memory_space<vmem>>
        %dma_start3A_1804 = tpu.memref_squeeze %dma_start3A_1803 : memref<1x8x128xf32, #tpu.memory_space<vmem>> -> memref<8x128xf32, #tpu.memory_space<vmem>>
        %dma_start3A_1805 = arith.constant 24 : i32
        %dma_start3A_1806 = tpu.memref_slice %arg5[%dma_start3A_1805, %multiple_of3A_1702] : memref<32x1000000xf32, #tpu.memory_space<hbm>> -> memref<8x128xf32, #tpu.memory_space<hbm>>
        tpu.enqueue_dma source(%dma_start3A_1806 : memref<8x128xf32, #tpu.memory_space<hbm>>) target(%dma_start3A_1804 : memref<8x128xf32, #tpu.memory_space<vmem>>) target_semaphore(%arg22 : memref<!tpu.dma_semaphore, #tpu.memory_space<semaphore_mem>>)
      } else {
      }
      %mul3A_1120 = arith.constant 8 : i32
      %mul3A_1121 = arith.muli %add3A_949, %mul3A_1120 : i32
      %add3A_1122 = arith.constant 2 : i32
      %add3A_1123 = arith.addi %mul3A_1121, %add3A_1122 : i32
      %dma_wait3A_1124 = arith.constant 2 : i32
      %dma_wait3A_1125 = arith.constant 0 : i32
      %dma_wait3A_1126 = arith.constant 0 : i32
      %dma_wait3A_1127 = tpu.memref_slice %arg7[%dma_wait3A_1124, %dma_wait3A_1125, %dma_wait3A_1126] : memref<8x32x128xf32, #tpu.memory_space<vmem>> -> memref<1x32x128xf32, #tpu.memory_space<vmem>>
      %dma_wait3A_1128 = tpu.memref_squeeze %dma_wait3A_1127 : memref<1x32x128xf32, #tpu.memory_space<vmem>> -> memref<32x128xf32, #tpu.memory_space<vmem>>
      %dma_wait3A_1129 = arith.constant 0 : i32
      %dma_wait3A_1130 = arith.constant 0 : i32
      %dma_wait3A_1131 = tpu.memref_slice %arg4[%dma_wait3A_1129, %dma_wait3A_1130] : memref<32x1000000xf32, #tpu.memory_space<hbm>> -> memref<32x128xf32, #tpu.memory_space<hbm>>
      %dma_wait3A_1132 = arith.constant 0 : i32
      %dma_wait3A_1133 = arith.constant 0 : i32
      %dma_wait3A_1134 = tpu.memref_slice %arg7[%dma_wait3A_1124, %dma_wait3A_1132, %dma_wait3A_1133] : memref<8x32x128xf32, #tpu.memory_space<vmem>> -> memref<1x32x128xf32, #tpu.memory_space<vmem>>
      %dma_wait3A_1135 = tpu.memref_squeeze %dma_wait3A_1134 : memref<1x32x128xf32, #tpu.memory_space<vmem>> -> memref<32x128xf32, #tpu.memory_space<vmem>>
      %dma_wait3A_1136 = arith.constant 0 : i32
      %dma_wait3A_1137 = arith.constant 0 : i32
      %dma_wait3A_1138 = tpu.memref_slice %arg4[%dma_wait3A_1136, %dma_wait3A_1137] : memref<32x1000000xf32, #tpu.memory_space<hbm>> -> memref<32x128xf32, #tpu.memory_space<hbm>>
      tpu.wait_dma2 semaphore(%arg15 : memref<!tpu.dma_semaphore, #tpu.memory_space<semaphore_mem>>) src(%dma_wait3A_1138 : memref<32x128xf32, #tpu.memory_space<hbm>>) dst(%dma_wait3A_1135 : memref<32x128xf32, #tpu.memory_space<vmem>>)
      %dma_wait3A_1139 = arith.constant 2 : i32
      %dma_wait3A_1140 = arith.constant 0 : i32
      %dma_wait3A_1141 = arith.constant 0 : i32
      %dma_wait3A_1142 = tpu.memref_slice %arg8[%dma_wait3A_1139, %dma_wait3A_1140, %dma_wait3A_1141] : memref<8x32x128xf32, #tpu.memory_space<vmem>> -> memref<1x32x128xf32, #tpu.memory_space<vmem>>
      %dma_wait3A_1143 = tpu.memref_squeeze %dma_wait3A_1142 : memref<1x32x128xf32, #tpu.memory_space<vmem>> -> memref<32x128xf32, #tpu.memory_space<vmem>>
      %dma_wait3A_1144 = arith.constant 0 : i32
      %dma_wait3A_1145 = arith.constant 0 : i32
      %dma_wait3A_1146 = tpu.memref_slice %arg5[%dma_wait3A_1144, %dma_wait3A_1145] : memref<32x1000000xf32, #tpu.memory_space<hbm>> -> memref<32x128xf32, #tpu.memory_space<hbm>>
      %dma_wait3A_1147 = arith.constant 0 : i32
      %dma_wait3A_1148 = arith.constant 0 : i32
      %dma_wait3A_1149 = tpu.memref_slice %arg8[%dma_wait3A_1139, %dma_wait3A_1147, %dma_wait3A_1148] : memref<8x32x128xf32, #tpu.memory_space<vmem>> -> memref<1x32x128xf32, #tpu.memory_space<vmem>>
      %dma_wait3A_1150 = tpu.memref_squeeze %dma_wait3A_1149 : memref<1x32x128xf32, #tpu.memory_space<vmem>> -> memref<32x128xf32, #tpu.memory_space<vmem>>
      %dma_wait3A_1151 = arith.constant 0 : i32
      %dma_wait3A_1152 = arith.constant 0 : i32
      %dma_wait3A_1153 = tpu.memref_slice %arg5[%dma_wait3A_1151, %dma_wait3A_1152] : memref<32x1000000xf32, #tpu.memory_space<hbm>> -> memref<32x128xf32, #tpu.memory_space<hbm>>
      tpu.wait_dma2 semaphore(%arg23 : memref<!tpu.dma_semaphore, #tpu.memory_space<semaphore_mem>>) src(%dma_wait3A_1153 : memref<32x128xf32, #tpu.memory_space<hbm>>) dst(%dma_wait3A_1150 : memref<32x128xf32, #tpu.memory_space<vmem>>)
      %get3A_1154 = arith.index_cast %add3A_1123 : i32 to index
      %get3A_1155 = tpu.vector_load %arg11[%get3A_1154] {strides = array<i32>} : memref<528xi32, #tpu.memory_space<vmem>>, vector<16xi32>,
      %slice3A_1156 = vector.extract_strided_slice %get3A_1155 {offsets = [0], sizes = [1], strides = [1]} : vector<16xi32> to vector<1xi32>
      %squeeze3A_1157 = vector.extract %slice3A_1156[0] : i32 from vector<1xi32>
      %and3A_1158 = arith.constant 127 : i32
      %and3A_1159 = arith.andi %squeeze3A_1157, %and3A_1158 : i32
      %broadcast_in_dim3A_1160 = vector.broadcast %and3A_1159 : i32 to vector<16xi32>
      %get3A_1161 = arith.index_cast %add3A_1123 : i32 to index
      %get3A_1162 = tpu.vector_load %arg12[%get3A_1161] {strides = array<i32>} : memref<528xi32, #tpu.memory_space<vmem>>, vector<16xi32>,
      %slice3A_1163 = vector.extract_strided_slice %get3A_1162 {offsets = [0], sizes = [1], strides = [1]} : vector<16xi32> to vector<1xi32>
      %squeeze3A_1164 = vector.extract %slice3A_1163[0] : i32 from vector<1xi32>
      %and3A_1165 = arith.constant 127 : i32
      %and3A_1166 = arith.andi %squeeze3A_1164, %and3A_1165 : i32
      %broadcast_in_dim3A_1167 = vector.broadcast %and3A_1166 : i32 to vector<16xi32>
      %broadcast_in_dim3A_1168 = arith.constant 2 : i32
      %broadcast_in_dim3A_1169 = vector.broadcast %broadcast_in_dim3A_1168 : i32 to vector<16xi32>
      %gather3A_1170 = tpu.vector_load_idx %arg7[%broadcast_in_dim3A_1169, %iota3A, %broadcast_in_dim3A_1160] : memref<8x32x128xf32, #tpu.memory_space<vmem>>[vector<16xi32>, vector<16xi32>, vector<16xi32>], vector<16xf32>,
      %add3A_1171 = arith.constant 16 : i32
      %add3A_1172 = vector.broadcast %add3A_1171 : i32 to vector<16xi32>
      %add3A_1173 = arith.addi %iota3A, %add3A_1172 : vector<16xi32>
      %gather3A_1174 = tpu.vector_load_idx %arg7[%broadcast_in_dim3A_1169, %add3A_1173, %broadcast_in_dim3A_1160] : memref<8x32x128xf32, #tpu.memory_space<vmem>>[vector<16xi32>, vector<16xi32>, vector<16xi32>], vector<16xf32>,
      %gather3A_1175 = tpu.vector_load_idx %arg8[%broadcast_in_dim3A_1169, %iota3A, %broadcast_in_dim3A_1167] : memref<8x32x128xf32, #tpu.memory_space<vmem>>[vector<16xi32>, vector<16xi32>, vector<16xi32>], vector<16xf32>,
      %add3A_1176 = arith.constant 16 : i32
      %add3A_1177 = vector.broadcast %add3A_1176 : i32 to vector<16xi32>
      %add3A_1178 = arith.addi %iota3A, %add3A_1177 : vector<16xi32>
      %gather3A_1179 = tpu.vector_load_idx %arg8[%broadcast_in_dim3A_1169, %add3A_1178, %broadcast_in_dim3A_1167] : memref<8x32x128xf32, #tpu.memory_space<vmem>>[vector<16xi32>, vector<16xi32>, vector<16xi32>], vector<16xf32>,
      %mul3A_1180 = arith.mulf %gather3A_1170, %gather3A_1175 : vector<16xf32>
      %mul3A_1181 = arith.mulf %gather3A_1174, %gather3A_1179 : vector<16xf32>
      %add3A_1182 = arith.addf %mul3A_1180, %mul3A_1181 : vector<16xf32>
      %jit3A_1183 = arith.constant 2 : i32
      %eq3A_1184 = arith.constant 0 : i32
      %eq3A_1185 = arith.cmpi eq, %jit3A_1183, %eq3A_1184 : i32
      %jit3A_1186 = arith.constant 1 : i32
      %select_n3A_1187 = arith.select %eq3A_1185, %jit3A_1186, %jit3A_1183 : i32
      %rem3A_1188 = arith.remsi %add3A_949, %select_n3A_1187 : i32
      %ne3A_1189 = arith.constant 0 : i32
      %ne3A_1190 = arith.cmpi ne, %rem3A_1188, %ne3A_1189 : i32
      %lt3A_1191 = arith.constant 0 : i32
      %lt3A_1192 = arith.cmpi slt, %rem3A_1188, %lt3A_1191 : i32
      %lt3A_1193 = arith.constant 0 : i32
      %lt3A_1194 = arith.cmpi slt, %select_n3A_1187, %lt3A_1193 : i32
      %ne3A_1195 = arith.xori %lt3A_1192, %lt3A_1194 : i1
      %and3A_1196 = arith.andi %ne3A_1195, %ne3A_1190 : i1
      %add3A_1197 = arith.addi %rem3A_1188, %select_n3A_1187 : i32
      %select_n3A_1198 = arith.select %and3A_1196, %add3A_1197, %rem3A_1188 : i32
      %mul3A_1199 = arith.constant 8 : i32
      %mul3A_1200 = arith.muli %select_n3A_1198, %mul3A_1199 : i32
      %add3A_1201 = arith.constant 2 : i32
      %add3A_1202 = arith.addi %mul3A_1200, %add3A_1201 : i32
      %swap3A_1203 = arith.index_cast %add3A_1202 : i32 to index
      %swap3A_1204 = arith.constant 0 : index
      %swap3A_1205 = tpu.vector_load %arg9[%swap3A_1203, %swap3A_1204] {strides = array<i32>} : memref<16x16xf32, #tpu.memory_space<vmem>>, vector<16xf32>,
      tpu.vector_store %arg9[%swap3A_1203, %swap3A_1204], %add3A_1182 {strides = array<i32>} : memref<16x16xf32, #tpu.memory_space<vmem>>, vector<16xf32>,
      %lt3A_1206 = arith.constant 63 : i32
      %lt3A_1207 = arith.cmpi slt, %add3A_949, %lt3A_1206 : i32
      %convert_element_type3A_1208 = arith.extui %lt3A_1207 : i1 to i32
      %cond3A_1209 = arith.constant 0 : i32
      %cond3A_1210 = arith.cmpi ne, %convert_element_type3A_1208, %cond3A_1209 : i32
      scf.if %cond3A_1210 {
        %add3A_1687 = arith.constant 8 : i32
        %add3A_1688 = arith.addi %add3A_1123, %add3A_1687 : i32
        %get3A_1689 = arith.index_cast %add3A_1688 : i32 to index
        %get3A_1690 = tpu.vector_load %arg11[%get3A_1689] {strides = array<i32>} : memref<528xi32, #tpu.memory_space<vmem>>, vector<16xi32>,
        %slice3A_1691 = vector.extract_strided_slice %get3A_1690 {offsets = [0], sizes = [1], strides = [1]} : vector<16xi32> to vector<1xi32>
        %squeeze3A_1692 = vector.extract %slice3A_1691[0] : i32 from vector<1xi32>
        %get3A_1693 = arith.index_cast %add3A_1688 : i32 to index
        %get3A_1694 = tpu.vector_load %arg12[%get3A_1693] {strides = array<i32>} : memref<528xi32, #tpu.memory_space<vmem>>, vector<16xi32>,
        %slice3A_1695 = vector.extract_strided_slice %get3A_1694 {offsets = [0], sizes = [1], strides = [1]} : vector<16xi32> to vector<1xi32>
        %squeeze3A_1696 = vector.extract %slice3A_1695[0] : i32 from vector<1xi32>
        %and3A_1697 = arith.constant -128 : i32
        %and3A_1698 = arith.andi %squeeze3A_1692, %and3A_1697 : i32
        %multiple_of3A_1699 = tpu.assume_multiple %and3A_1698, 128 : i32
        %and3A_1700 = arith.constant -128 : i32
        %and3A_1701 = arith.andi %squeeze3A_1696, %and3A_1700 : i32
        %multiple_of3A_1702 = tpu.assume_multiple %and3A_1701, 128 : i32
        %dma_start3A_1703 = arith.constant 2 : i32
        %dma_start3A_1704 = arith.constant 0 : i32
        %dma_start3A_1705 = arith.constant 0 : i32
        %dma_start3A_1706 = tpu.memref_slice %arg7[%dma_start3A_1703, %dma_start3A_1704, %dma_start3A_1705] : memref<8x32x128xf32, #tpu.memory_space<vmem>> -> memref<1x8x128xf32, #tpu.memory_space<vmem>>
        %dma_start3A_1707 = tpu.memref_squeeze %dma_start3A_1706 : memref<1x8x128xf32, #tpu.memory_space<vmem>> -> memref<8x128xf32, #tpu.memory_space<vmem>>
        %dma_start3A_1708 = arith.constant 0 : i32
        %dma_start3A_1709 = tpu.memref_slice %arg4[%dma_start3A_1708, %multiple_of3A_1699] : memref<32x1000000xf32, #tpu.memory_space<hbm>> -> memref<8x128xf32, #tpu.memory_space<hbm>>
        %dma_start3A_1710 = arith.constant 0 : i32
        %dma_start3A_1711 = arith.constant 0 : i32
        %dma_start3A_1712 = tpu.memref_slice %arg7[%dma_start3A_1703, %dma_start3A_1710, %dma_start3A_1711] : memref<8x32x128xf32, #tpu.memory_space<vmem>> -> memref<1x8x128xf32, #tpu.memory_space<vmem>>
        %dma_start3A_1713 = tpu.memref_squeeze %dma_start3A_1712 : memref<1x8x128xf32, #tpu.memory_space<vmem>> -> memref<8x128xf32, #tpu.memory_space<vmem>>
        %dma_start3A_1714 = arith.constant 0 : i32
        %dma_start3A_1715 = tpu.memref_slice %arg4[%dma_start3A_1714, %multiple_of3A_1699] : memref<32x1000000xf32, #tpu.memory_space<hbm>> -> memref<8x128xf32, #tpu.memory_space<hbm>>
        tpu.enqueue_dma source(%dma_start3A_1715 : memref<8x128xf32, #tpu.memory_space<hbm>>) target(%dma_start3A_1713 : memref<8x128xf32, #tpu.memory_space<vmem>>) target_semaphore(%arg15 : memref<!tpu.dma_semaphore, #tpu.memory_space<semaphore_mem>>)
        %dma_start3A_1716 = arith.constant 2 : i32
        %dma_start3A_1717 = arith.constant 0 : i32
        %dma_start3A_1718 = arith.constant 0 : i32
        %dma_start3A_1719 = tpu.memref_slice %arg8[%dma_start3A_1716, %dma_start3A_1717, %dma_start3A_1718] : memref<8x32x128xf32, #tpu.memory_space<vmem>> -> memref<1x8x128xf32, #tpu.memory_space<vmem>>
        %dma_start3A_1720 = tpu.memref_squeeze %dma_start3A_1719 : memref<1x8x128xf32, #tpu.memory_space<vmem>> -> memref<8x128xf32, #tpu.memory_space<vmem>>
        %dma_start3A_1721 = arith.constant 0 : i32
        %dma_start3A_1722 = tpu.memref_slice %arg5[%dma_start3A_1721, %multiple_of3A_1702] : memref<32x1000000xf32, #tpu.memory_space<hbm>> -> memref<8x128xf32, #tpu.memory_space<hbm>>
        %dma_start3A_1723 = arith.constant 0 : i32
        %dma_start3A_1724 = arith.constant 0 : i32
        %dma_start3A_1725 = tpu.memref_slice %arg8[%dma_start3A_1716, %dma_start3A_1723, %dma_start3A_1724] : memref<8x32x128xf32, #tpu.memory_space<vmem>> -> memref<1x8x128xf32, #tpu.memory_space<vmem>>
        %dma_start3A_1726 = tpu.memref_squeeze %dma_start3A_1725 : memref<1x8x128xf32, #tpu.memory_space<vmem>> -> memref<8x128xf32, #tpu.memory_space<vmem>>
        %dma_start3A_1727 = arith.constant 0 : i32
        %dma_start3A_1728 = tpu.memref_slice %arg5[%dma_start3A_1727, %multiple_of3A_1702] : memref<32x1000000xf32, #tpu.memory_space<hbm>> -> memref<8x128xf32, #tpu.memory_space<hbm>>
        tpu.enqueue_dma source(%dma_start3A_1728 : memref<8x128xf32, #tpu.memory_space<hbm>>) target(%dma_start3A_1726 : memref<8x128xf32, #tpu.memory_space<vmem>>) target_semaphore(%arg23 : memref<!tpu.dma_semaphore, #tpu.memory_space<semaphore_mem>>)
        %dma_start3A_1729 = arith.constant 2 : i32
        %dma_start3A_1730 = arith.constant 8 : i32
        %dma_start3A_1731 = arith.constant 0 : i32
        %dma_start3A_1732 = tpu.memref_slice %arg7[%dma_start3A_1729, %dma_start3A_1730, %dma_start3A_1731] : memref<8x32x128xf32, #tpu.memory_space<vmem>> -> memref<1x8x128xf32, #tpu.memory_space<vmem>>
        %dma_start3A_1733 = tpu.memref_squeeze %dma_start3A_1732 : memref<1x8x128xf32, #tpu.memory_space<vmem>> -> memref<8x128xf32, #tpu.memory_space<vmem>>
        %dma_start3A_1734 = arith.constant 8 : i32
        %dma_start3A_1735 = tpu.memref_slice %arg4[%dma_start3A_1734, %multiple_of3A_1699] : memref<32x1000000xf32, #tpu.memory_space<hbm>> -> memref<8x128xf32, #tpu.memory_space<hbm>>
        %dma_start3A_1736 = arith.constant 8 : i32
        %dma_start3A_1737 = arith.constant 0 : i32
        %dma_start3A_1738 = tpu.memref_slice %arg7[%dma_start3A_1729, %dma_start3A_1736, %dma_start3A_1737] : memref<8x32x128xf32, #tpu.memory_space<vmem>> -> memref<1x8x128xf32, #tpu.memory_space<vmem>>
        %dma_start3A_1739 = tpu.memref_squeeze %dma_start3A_1738 : memref<1x8x128xf32, #tpu.memory_space<vmem>> -> memref<8x128xf32, #tpu.memory_space<vmem>>
        %dma_start3A_1740 = arith.constant 8 : i32
        %dma_start3A_1741 = tpu.memref_slice %arg4[%dma_start3A_1740, %multiple_of3A_1699] : memref<32x1000000xf32, #tpu.memory_space<hbm>> -> memref<8x128xf32, #tpu.memory_space<hbm>>
        tpu.enqueue_dma source(%dma_start3A_1741 : memref<8x128xf32, #tpu.memory_space<hbm>>) target(%dma_start3A_1739 : memref<8x128xf32, #tpu.memory_space<vmem>>) target_semaphore(%arg15 : memref<!tpu.dma_semaphore, #tpu.memory_space<semaphore_mem>>)
        %dma_start3A_1742 = arith.constant 2 : i32
        %dma_start3A_1743 = arith.constant 8 : i32
        %dma_start3A_1744 = arith.constant 0 : i32
        %dma_start3A_1745 = tpu.memref_slice %arg8[%dma_start3A_1742, %dma_start3A_1743, %dma_start3A_1744] : memref<8x32x128xf32, #tpu.memory_space<vmem>> -> memref<1x8x128xf32, #tpu.memory_space<vmem>>
        %dma_start3A_1746 = tpu.memref_squeeze %dma_start3A_1745 : memref<1x8x128xf32, #tpu.memory_space<vmem>> -> memref<8x128xf32, #tpu.memory_space<vmem>>
        %dma_start3A_1747 = arith.constant 8 : i32
        %dma_start3A_1748 = tpu.memref_slice %arg5[%dma_start3A_1747, %multiple_of3A_1702] : memref<32x1000000xf32, #tpu.memory_space<hbm>> -> memref<8x128xf32, #tpu.memory_space<hbm>>
        %dma_start3A_1749 = arith.constant 8 : i32
        %dma_start3A_1750 = arith.constant 0 : i32
        %dma_start3A_1751 = tpu.memref_slice %arg8[%dma_start3A_1742, %dma_start3A_1749, %dma_start3A_1750] : memref<8x32x128xf32, #tpu.memory_space<vmem>> -> memref<1x8x128xf32, #tpu.memory_space<vmem>>
        %dma_start3A_1752 = tpu.memref_squeeze %dma_start3A_1751 : memref<1x8x128xf32, #tpu.memory_space<vmem>> -> memref<8x128xf32, #tpu.memory_space<vmem>>
        %dma_start3A_1753 = arith.constant 8 : i32
        %dma_start3A_1754 = tpu.memref_slice %arg5[%dma_start3A_1753, %multiple_of3A_1702] : memref<32x1000000xf32, #tpu.memory_space<hbm>> -> memref<8x128xf32, #tpu.memory_space<hbm>>
        tpu.enqueue_dma source(%dma_start3A_1754 : memref<8x128xf32, #tpu.memory_space<hbm>>) target(%dma_start3A_1752 : memref<8x128xf32, #tpu.memory_space<vmem>>) target_semaphore(%arg23 : memref<!tpu.dma_semaphore, #tpu.memory_space<semaphore_mem>>)
        %dma_start3A_1755 = arith.constant 2 : i32
        %dma_start3A_1756 = arith.constant 16 : i32
        %dma_start3A_1757 = arith.constant 0 : i32
        %dma_start3A_1758 = tpu.memref_slice %arg7[%dma_start3A_1755, %dma_start3A_1756, %dma_start3A_1757] : memref<8x32x128xf32, #tpu.memory_space<vmem>> -> memref<1x8x128xf32, #tpu.memory_space<vmem>>
        %dma_start3A_1759 = tpu.memref_squeeze %dma_start3A_1758 : memref<1x8x128xf32, #tpu.memory_space<vmem>> -> memref<8x128xf32, #tpu.memory_space<vmem>>
        %dma_start3A_1760 = arith.constant 16 : i32
        %dma_start3A_1761 = tpu.memref_slice %arg4[%dma_start3A_1760, %multiple_of3A_1699] : memref<32x1000000xf32, #tpu.memory_space<hbm>> -> memref<8x128xf32, #tpu.memory_space<hbm>>
        %dma_start3A_1762 = arith.constant 16 : i32
        %dma_start3A_1763 = arith.constant 0 : i32
        %dma_start3A_1764 = tpu.memref_slice %arg7[%dma_start3A_1755, %dma_start3A_1762, %dma_start3A_1763] : memref<8x32x128xf32, #tpu.memory_space<vmem>> -> memref<1x8x128xf32, #tpu.memory_space<vmem>>
        %dma_start3A_1765 = tpu.memref_squeeze %dma_start3A_1764 : memref<1x8x128xf32, #tpu.memory_space<vmem>> -> memref<8x128xf32, #tpu.memory_space<vmem>>
        %dma_start3A_1766 = arith.constant 16 : i32
        %dma_start3A_1767 = tpu.memref_slice %arg4[%dma_start3A_1766, %multiple_of3A_1699] : memref<32x1000000xf32, #tpu.memory_space<hbm>> -> memref<8x128xf32, #tpu.memory_space<hbm>>
        tpu.enqueue_dma source(%dma_start3A_1767 : memref<8x128xf32, #tpu.memory_space<hbm>>) target(%dma_start3A_1765 : memref<8x128xf32, #tpu.memory_space<vmem>>) target_semaphore(%arg15 : memref<!tpu.dma_semaphore, #tpu.memory_space<semaphore_mem>>)
        %dma_start3A_1768 = arith.constant 2 : i32
        %dma_start3A_1769 = arith.constant 16 : i32
        %dma_start3A_1770 = arith.constant 0 : i32
        %dma_start3A_1771 = tpu.memref_slice %arg8[%dma_start3A_1768, %dma_start3A_1769, %dma_start3A_1770] : memref<8x32x128xf32, #tpu.memory_space<vmem>> -> memref<1x8x128xf32, #tpu.memory_space<vmem>>
        %dma_start3A_1772 = tpu.memref_squeeze %dma_start3A_1771 : memref<1x8x128xf32, #tpu.memory_space<vmem>> -> memref<8x128xf32, #tpu.memory_space<vmem>>
        %dma_start3A_1773 = arith.constant 16 : i32
        %dma_start3A_1774 = tpu.memref_slice %arg5[%dma_start3A_1773, %multiple_of3A_1702] : memref<32x1000000xf32, #tpu.memory_space<hbm>> -> memref<8x128xf32, #tpu.memory_space<hbm>>
        %dma_start3A_1775 = arith.constant 16 : i32
        %dma_start3A_1776 = arith.constant 0 : i32
        %dma_start3A_1777 = tpu.memref_slice %arg8[%dma_start3A_1768, %dma_start3A_1775, %dma_start3A_1776] : memref<8x32x128xf32, #tpu.memory_space<vmem>> -> memref<1x8x128xf32, #tpu.memory_space<vmem>>
        %dma_start3A_1778 = tpu.memref_squeeze %dma_start3A_1777 : memref<1x8x128xf32, #tpu.memory_space<vmem>> -> memref<8x128xf32, #tpu.memory_space<vmem>>
        %dma_start3A_1779 = arith.constant 16 : i32
        %dma_start3A_1780 = tpu.memref_slice %arg5[%dma_start3A_1779, %multiple_of3A_1702] : memref<32x1000000xf32, #tpu.memory_space<hbm>> -> memref<8x128xf32, #tpu.memory_space<hbm>>
        tpu.enqueue_dma source(%dma_start3A_1780 : memref<8x128xf32, #tpu.memory_space<hbm>>) target(%dma_start3A_1778 : memref<8x128xf32, #tpu.memory_space<vmem>>) target_semaphore(%arg23 : memref<!tpu.dma_semaphore, #tpu.memory_space<semaphore_mem>>)
        %dma_start3A_1781 = arith.constant 2 : i32
        %dma_start3A_1782 = arith.constant 24 : i32
        %dma_start3A_1783 = arith.constant 0 : i32
        %dma_start3A_1784 = tpu.memref_slice %arg7[%dma_start3A_1781, %dma_start3A_1782, %dma_start3A_1783] : memref<8x32x128xf32, #tpu.memory_space<vmem>> -> memref<1x8x128xf32, #tpu.memory_space<vmem>>
        %dma_start3A_1785 = tpu.memref_squeeze %dma_start3A_1784 : memref<1x8x128xf32, #tpu.memory_space<vmem>> -> memref<8x128xf32, #tpu.memory_space<vmem>>
        %dma_start3A_1786 = arith.constant 24 : i32
        %dma_start3A_1787 = tpu.memref_slice %arg4[%dma_start3A_1786, %multiple_of3A_1699] : memref<32x1000000xf32, #tpu.memory_space<hbm>> -> memref<8x128xf32, #tpu.memory_space<hbm>>
        %dma_start3A_1788 = arith.constant 24 : i32
        %dma_start3A_1789 = arith.constant 0 : i32
        %dma_start3A_1790 = tpu.memref_slice %arg7[%dma_start3A_1781, %dma_start3A_1788, %dma_start3A_1789] : memref<8x32x128xf32, #tpu.memory_space<vmem>> -> memref<1x8x128xf32, #tpu.memory_space<vmem>>
        %dma_start3A_1791 = tpu.memref_squeeze %dma_start3A_1790 : memref<1x8x128xf32, #tpu.memory_space<vmem>> -> memref<8x128xf32, #tpu.memory_space<vmem>>
        %dma_start3A_1792 = arith.constant 24 : i32
        %dma_start3A_1793 = tpu.memref_slice %arg4[%dma_start3A_1792, %multiple_of3A_1699] : memref<32x1000000xf32, #tpu.memory_space<hbm>> -> memref<8x128xf32, #tpu.memory_space<hbm>>
        tpu.enqueue_dma source(%dma_start3A_1793 : memref<8x128xf32, #tpu.memory_space<hbm>>) target(%dma_start3A_1791 : memref<8x128xf32, #tpu.memory_space<vmem>>) target_semaphore(%arg15 : memref<!tpu.dma_semaphore, #tpu.memory_space<semaphore_mem>>)
        %dma_start3A_1794 = arith.constant 2 : i32
        %dma_start3A_1795 = arith.constant 24 : i32
        %dma_start3A_1796 = arith.constant 0 : i32
        %dma_start3A_1797 = tpu.memref_slice %arg8[%dma_start3A_1794, %dma_start3A_1795, %dma_start3A_1796] : memref<8x32x128xf32, #tpu.memory_space<vmem>> -> memref<1x8x128xf32, #tpu.memory_space<vmem>>
        %dma_start3A_1798 = tpu.memref_squeeze %dma_start3A_1797 : memref<1x8x128xf32, #tpu.memory_space<vmem>> -> memref<8x128xf32, #tpu.memory_space<vmem>>
        %dma_start3A_1799 = arith.constant 24 : i32
        %dma_start3A_1800 = tpu.memref_slice %arg5[%dma_start3A_1799, %multiple_of3A_1702] : memref<32x1000000xf32, #tpu.memory_space<hbm>> -> memref<8x128xf32, #tpu.memory_space<hbm>>
        %dma_start3A_1801 = arith.constant 24 : i32
        %dma_start3A_1802 = arith.constant 0 : i32
        %dma_start3A_1803 = tpu.memref_slice %arg8[%dma_start3A_1794, %dma_start3A_1801, %dma_start3A_1802] : memref<8x32x128xf32, #tpu.memory_space<vmem>> -> memref<1x8x128xf32, #tpu.memory_space<vmem>>
        %dma_start3A_1804 = tpu.memref_squeeze %dma_start3A_1803 : memref<1x8x128xf32, #tpu.memory_space<vmem>> -> memref<8x128xf32, #tpu.memory_space<vmem>>
        %dma_start3A_1805 = arith.constant 24 : i32
        %dma_start3A_1806 = tpu.memref_slice %arg5[%dma_start3A_1805, %multiple_of3A_1702] : memref<32x1000000xf32, #tpu.memory_space<hbm>> -> memref<8x128xf32, #tpu.memory_space<hbm>>
        tpu.enqueue_dma source(%dma_start3A_1806 : memref<8x128xf32, #tpu.memory_space<hbm>>) target(%dma_start3A_1804 : memref<8x128xf32, #tpu.memory_space<vmem>>) target_semaphore(%arg23 : memref<!tpu.dma_semaphore, #tpu.memory_space<semaphore_mem>>)
      } else {
      }
      %mul3A_1211 = arith.constant 8 : i32
      %mul3A_1212 = arith.muli %add3A_949, %mul3A_1211 : i32
      %add3A_1213 = arith.constant 3 : i32
      %add3A_1214 = arith.addi %mul3A_1212, %add3A_1213 : i32
      %dma_wait3A_1215 = arith.constant 3 : i32
      %dma_wait3A_1216 = arith.constant 0 : i32
      %dma_wait3A_1217 = arith.constant 0 : i32
      %dma_wait3A_1218 = tpu.memref_slice %arg7[%dma_wait3A_1215, %dma_wait3A_1216, %dma_wait3A_1217] : memref<8x32x128xf32, #tpu.memory_space<vmem>> -> memref<1x32x128xf32, #tpu.memory_space<vmem>>
      %dma_wait3A_1219 = tpu.memref_squeeze %dma_wait3A_1218 : memref<1x32x128xf32, #tpu.memory_space<vmem>> -> memref<32x128xf32, #tpu.memory_space<vmem>>
      %dma_wait3A_1220 = arith.constant 0 : i32
      %dma_wait3A_1221 = arith.constant 0 : i32
      %dma_wait3A_1222 = tpu.memref_slice %arg4[%dma_wait3A_1220, %dma_wait3A_1221] : memref<32x1000000xf32, #tpu.memory_space<hbm>> -> memref<32x128xf32, #tpu.memory_space<hbm>>
      %dma_wait3A_1223 = arith.constant 0 : i32
      %dma_wait3A_1224 = arith.constant 0 : i32
      %dma_wait3A_1225 = tpu.memref_slice %arg7[%dma_wait3A_1215, %dma_wait3A_1223, %dma_wait3A_1224] : memref<8x32x128xf32, #tpu.memory_space<vmem>> -> memref<1x32x128xf32, #tpu.memory_space<vmem>>
      %dma_wait3A_1226 = tpu.memref_squeeze %dma_wait3A_1225 : memref<1x32x128xf32, #tpu.memory_space<vmem>> -> memref<32x128xf32, #tpu.memory_space<vmem>>
      %dma_wait3A_1227 = arith.constant 0 : i32
      %dma_wait3A_1228 = arith.constant 0 : i32
      %dma_wait3A_1229 = tpu.memref_slice %arg4[%dma_wait3A_1227, %dma_wait3A_1228] : memref<32x1000000xf32, #tpu.memory_space<hbm>> -> memref<32x128xf32, #tpu.memory_space<hbm>>
      tpu.wait_dma2 semaphore(%arg16 : memref<!tpu.dma_semaphore, #tpu.memory_space<semaphore_mem>>) src(%dma_wait3A_1229 : memref<32x128xf32, #tpu.memory_space<hbm>>) dst(%dma_wait3A_1226 : memref<32x128xf32, #tpu.memory_space<vmem>>)
      %dma_wait3A_1230 = arith.constant 3 : i32
      %dma_wait3A_1231 = arith.constant 0 : i32
      %dma_wait3A_1232 = arith.constant 0 : i32
      %dma_wait3A_1233 = tpu.memref_slice %arg8[%dma_wait3A_1230, %dma_wait3A_1231, %dma_wait3A_1232] : memref<8x32x128xf32, #tpu.memory_space<vmem>> -> memref<1x32x128xf32, #tpu.memory_space<vmem>>
      %dma_wait3A_1234 = tpu.memref_squeeze %dma_wait3A_1233 : memref<1x32x128xf32, #tpu.memory_space<vmem>> -> memref<32x128xf32, #tpu.memory_space<vmem>>
      %dma_wait3A_1235 = arith.constant 0 : i32
      %dma_wait3A_1236 = arith.constant 0 : i32
      %dma_wait3A_1237 = tpu.memref_slice %arg5[%dma_wait3A_1235, %dma_wait3A_1236] : memref<32x1000000xf32, #tpu.memory_space<hbm>> -> memref<32x128xf32, #tpu.memory_space<hbm>>
      %dma_wait3A_1238 = arith.constant 0 : i32
      %dma_wait3A_1239 = arith.constant 0 : i32
      %dma_wait3A_1240 = tpu.memref_slice %arg8[%dma_wait3A_1230, %dma_wait3A_1238, %dma_wait3A_1239] : memref<8x32x128xf32, #tpu.memory_space<vmem>> -> memref<1x32x128xf32, #tpu.memory_space<vmem>>
      %dma_wait3A_1241 = tpu.memref_squeeze %dma_wait3A_1240 : memref<1x32x128xf32, #tpu.memory_space<vmem>> -> memref<32x128xf32, #tpu.memory_space<vmem>>
      %dma_wait3A_1242 = arith.constant 0 : i32
      %dma_wait3A_1243 = arith.constant 0 : i32
      %dma_wait3A_1244 = tpu.memref_slice %arg5[%dma_wait3A_1242, %dma_wait3A_1243] : memref<32x1000000xf32, #tpu.memory_space<hbm>> -> memref<32x128xf32, #tpu.memory_space<hbm>>
      tpu.wait_dma2 semaphore(%arg24 : memref<!tpu.dma_semaphore, #tpu.memory_space<semaphore_mem>>) src(%dma_wait3A_1244 : memref<32x128xf32, #tpu.memory_space<hbm>>) dst(%dma_wait3A_1241 : memref<32x128xf32, #tpu.memory_space<vmem>>)
      %get3A_1245 = arith.index_cast %add3A_1214 : i32 to index
      %get3A_1246 = tpu.vector_load %arg11[%get3A_1245] {strides = array<i32>} : memref<528xi32, #tpu.memory_space<vmem>>, vector<16xi32>,
      %slice3A_1247 = vector.extract_strided_slice %get3A_1246 {offsets = [0], sizes = [1], strides = [1]} : vector<16xi32> to vector<1xi32>
      %squeeze3A_1248 = vector.extract %slice3A_1247[0] : i32 from vector<1xi32>
      %and3A_1249 = arith.constant 127 : i32
      %and3A_1250 = arith.andi %squeeze3A_1248, %and3A_1249 : i32
      %broadcast_in_dim3A_1251 = vector.broadcast %and3A_1250 : i32 to vector<16xi32>
      %get3A_1252 = arith.index_cast %add3A_1214 : i32 to index
      %get3A_1253 = tpu.vector_load %arg12[%get3A_1252] {strides = array<i32>} : memref<528xi32, #tpu.memory_space<vmem>>, vector<16xi32>,
      %slice3A_1254 = vector.extract_strided_slice %get3A_1253 {offsets = [0], sizes = [1], strides = [1]} : vector<16xi32> to vector<1xi32>
      %squeeze3A_1255 = vector.extract %slice3A_1254[0] : i32 from vector<1xi32>
      %and3A_1256 = arith.constant 127 : i32
      %and3A_1257 = arith.andi %squeeze3A_1255, %and3A_1256 : i32
      %broadcast_in_dim3A_1258 = vector.broadcast %and3A_1257 : i32 to vector<16xi32>
      %broadcast_in_dim3A_1259 = arith.constant 3 : i32
      %broadcast_in_dim3A_1260 = vector.broadcast %broadcast_in_dim3A_1259 : i32 to vector<16xi32>
      %gather3A_1261 = tpu.vector_load_idx %arg7[%broadcast_in_dim3A_1260, %iota3A, %broadcast_in_dim3A_1251] : memref<8x32x128xf32, #tpu.memory_space<vmem>>[vector<16xi32>, vector<16xi32>, vector<16xi32>], vector<16xf32>,
      %add3A_1262 = arith.constant 16 : i32
      %add3A_1263 = vector.broadcast %add3A_1262 : i32 to vector<16xi32>
      %add3A_1264 = arith.addi %iota3A, %add3A_1263 : vector<16xi32>
      %gather3A_1265 = tpu.vector_load_idx %arg7[%broadcast_in_dim3A_1260, %add3A_1264, %broadcast_in_dim3A_1251] : memref<8x32x128xf32, #tpu.memory_space<vmem>>[vector<16xi32>, vector<16xi32>, vector<16xi32>], vector<16xf32>,
      %gather3A_1266 = tpu.vector_load_idx %arg8[%broadcast_in_dim3A_1260, %iota3A, %broadcast_in_dim3A_1258] : memref<8x32x128xf32, #tpu.memory_space<vmem>>[vector<16xi32>, vector<16xi32>, vector<16xi32>], vector<16xf32>,
      %add3A_1267 = arith.constant 16 : i32
      %add3A_1268 = vector.broadcast %add3A_1267 : i32 to vector<16xi32>
      %add3A_1269 = arith.addi %iota3A, %add3A_1268 : vector<16xi32>
      %gather3A_1270 = tpu.vector_load_idx %arg8[%broadcast_in_dim3A_1260, %add3A_1269, %broadcast_in_dim3A_1258] : memref<8x32x128xf32, #tpu.memory_space<vmem>>[vector<16xi32>, vector<16xi32>, vector<16xi32>], vector<16xf32>,
      %mul3A_1271 = arith.mulf %gather3A_1261, %gather3A_1266 : vector<16xf32>
      %mul3A_1272 = arith.mulf %gather3A_1265, %gather3A_1270 : vector<16xf32>
      %add3A_1273 = arith.addf %mul3A_1271, %mul3A_1272 : vector<16xf32>
      %jit3A_1274 = arith.constant 2 : i32
      %eq3A_1275 = arith.constant 0 : i32
      %eq3A_1276 = arith.cmpi eq, %jit3A_1274, %eq3A_1275 : i32
      %jit3A_1277 = arith.constant 1 : i32
      %select_n3A_1278 = arith.select %eq3A_1276, %jit3A_1277, %jit3A_1274 : i32
      %rem3A_1279 = arith.remsi %add3A_949, %select_n3A_1278 : i32
      %ne3A_1280 = arith.constant 0 : i32
      %ne3A_1281 = arith.cmpi ne, %rem3A_1279, %ne3A_1280 : i32
      %lt3A_1282 = arith.constant 0 : i32
      %lt3A_1283 = arith.cmpi slt, %rem3A_1279, %lt3A_1282 : i32
      %lt3A_1284 = arith.constant 0 : i32
      %lt3A_1285 = arith.cmpi slt, %select_n3A_1278, %lt3A_1284 : i32
      %ne3A_1286 = arith.xori %lt3A_1283, %lt3A_1285 : i1
      %and3A_1287 = arith.andi %ne3A_1286, %ne3A_1281 : i1
      %add3A_1288 = arith.addi %rem3A_1279, %select_n3A_1278 : i32
      %select_n3A_1289 = arith.select %and3A_1287, %add3A_1288, %rem3A_1279 : i32
      %mul3A_1290 = arith.constant 8 : i32
      %mul3A_1291 = arith.muli %select_n3A_1289, %mul3A_1290 : i32
      %add3A_1292 = arith.constant 3 : i32
      %add3A_1293 = arith.addi %mul3A_1291, %add3A_1292 : i32
      %swap3A_1294 = arith.index_cast %add3A_1293 : i32 to index
      %swap3A_1295 = arith.constant 0 : index
      %swap3A_1296 = tpu.vector_load %arg9[%swap3A_1294, %swap3A_1295] {strides = array<i32>} : memref<16x16xf32, #tpu.memory_space<vmem>>, vector<16xf32>,
      tpu.vector_store %arg9[%swap3A_1294, %swap3A_1295], %add3A_1273 {strides = array<i32>} : memref<16x16xf32, #tpu.memory_space<vmem>>, vector<16xf32>,
      %lt3A_1297 = arith.constant 63 : i32
      %lt3A_1298 = arith.cmpi slt, %add3A_949, %lt3A_1297 : i32
      %convert_element_type3A_1299 = arith.extui %lt3A_1298 : i1 to i32
      %cond3A_1300 = arith.constant 0 : i32
      %cond3A_1301 = arith.cmpi ne, %convert_element_type3A_1299, %cond3A_1300 : i32
      scf.if %cond3A_1301 {
        %add3A_1687 = arith.constant 8 : i32
        %add3A_1688 = arith.addi %add3A_1214, %add3A_1687 : i32
        %get3A_1689 = arith.index_cast %add3A_1688 : i32 to index
        %get3A_1690 = tpu.vector_load %arg11[%get3A_1689] {strides = array<i32>} : memref<528xi32, #tpu.memory_space<vmem>>, vector<16xi32>,
        %slice3A_1691 = vector.extract_strided_slice %get3A_1690 {offsets = [0], sizes = [1], strides = [1]} : vector<16xi32> to vector<1xi32>
        %squeeze3A_1692 = vector.extract %slice3A_1691[0] : i32 from vector<1xi32>
        %get3A_1693 = arith.index_cast %add3A_1688 : i32 to index
        %get3A_1694 = tpu.vector_load %arg12[%get3A_1693] {strides = array<i32>} : memref<528xi32, #tpu.memory_space<vmem>>, vector<16xi32>,
        %slice3A_1695 = vector.extract_strided_slice %get3A_1694 {offsets = [0], sizes = [1], strides = [1]} : vector<16xi32> to vector<1xi32>
        %squeeze3A_1696 = vector.extract %slice3A_1695[0] : i32 from vector<1xi32>
        %and3A_1697 = arith.constant -128 : i32
        %and3A_1698 = arith.andi %squeeze3A_1692, %and3A_1697 : i32
        %multiple_of3A_1699 = tpu.assume_multiple %and3A_1698, 128 : i32
        %and3A_1700 = arith.constant -128 : i32
        %and3A_1701 = arith.andi %squeeze3A_1696, %and3A_1700 : i32
        %multiple_of3A_1702 = tpu.assume_multiple %and3A_1701, 128 : i32
        %dma_start3A_1703 = arith.constant 3 : i32
        %dma_start3A_1704 = arith.constant 0 : i32
        %dma_start3A_1705 = arith.constant 0 : i32
        %dma_start3A_1706 = tpu.memref_slice %arg7[%dma_start3A_1703, %dma_start3A_1704, %dma_start3A_1705] : memref<8x32x128xf32, #tpu.memory_space<vmem>> -> memref<1x8x128xf32, #tpu.memory_space<vmem>>
        %dma_start3A_1707 = tpu.memref_squeeze %dma_start3A_1706 : memref<1x8x128xf32, #tpu.memory_space<vmem>> -> memref<8x128xf32, #tpu.memory_space<vmem>>
        %dma_start3A_1708 = arith.constant 0 : i32
        %dma_start3A_1709 = tpu.memref_slice %arg4[%dma_start3A_1708, %multiple_of3A_1699] : memref<32x1000000xf32, #tpu.memory_space<hbm>> -> memref<8x128xf32, #tpu.memory_space<hbm>>
        %dma_start3A_1710 = arith.constant 0 : i32
        %dma_start3A_1711 = arith.constant 0 : i32
        %dma_start3A_1712 = tpu.memref_slice %arg7[%dma_start3A_1703, %dma_start3A_1710, %dma_start3A_1711] : memref<8x32x128xf32, #tpu.memory_space<vmem>> -> memref<1x8x128xf32, #tpu.memory_space<vmem>>
        %dma_start3A_1713 = tpu.memref_squeeze %dma_start3A_1712 : memref<1x8x128xf32, #tpu.memory_space<vmem>> -> memref<8x128xf32, #tpu.memory_space<vmem>>
        %dma_start3A_1714 = arith.constant 0 : i32
        %dma_start3A_1715 = tpu.memref_slice %arg4[%dma_start3A_1714, %multiple_of3A_1699] : memref<32x1000000xf32, #tpu.memory_space<hbm>> -> memref<8x128xf32, #tpu.memory_space<hbm>>
        tpu.enqueue_dma source(%dma_start3A_1715 : memref<8x128xf32, #tpu.memory_space<hbm>>) target(%dma_start3A_1713 : memref<8x128xf32, #tpu.memory_space<vmem>>) target_semaphore(%arg16 : memref<!tpu.dma_semaphore, #tpu.memory_space<semaphore_mem>>)
        %dma_start3A_1716 = arith.constant 3 : i32
        %dma_start3A_1717 = arith.constant 0 : i32
        %dma_start3A_1718 = arith.constant 0 : i32
        %dma_start3A_1719 = tpu.memref_slice %arg8[%dma_start3A_1716, %dma_start3A_1717, %dma_start3A_1718] : memref<8x32x128xf32, #tpu.memory_space<vmem>> -> memref<1x8x128xf32, #tpu.memory_space<vmem>>
        %dma_start3A_1720 = tpu.memref_squeeze %dma_start3A_1719 : memref<1x8x128xf32, #tpu.memory_space<vmem>> -> memref<8x128xf32, #tpu.memory_space<vmem>>
        %dma_start3A_1721 = arith.constant 0 : i32
        %dma_start3A_1722 = tpu.memref_slice %arg5[%dma_start3A_1721, %multiple_of3A_1702] : memref<32x1000000xf32, #tpu.memory_space<hbm>> -> memref<8x128xf32, #tpu.memory_space<hbm>>
        %dma_start3A_1723 = arith.constant 0 : i32
        %dma_start3A_1724 = arith.constant 0 : i32
        %dma_start3A_1725 = tpu.memref_slice %arg8[%dma_start3A_1716, %dma_start3A_1723, %dma_start3A_1724] : memref<8x32x128xf32, #tpu.memory_space<vmem>> -> memref<1x8x128xf32, #tpu.memory_space<vmem>>
        %dma_start3A_1726 = tpu.memref_squeeze %dma_start3A_1725 : memref<1x8x128xf32, #tpu.memory_space<vmem>> -> memref<8x128xf32, #tpu.memory_space<vmem>>
        %dma_start3A_1727 = arith.constant 0 : i32
        %dma_start3A_1728 = tpu.memref_slice %arg5[%dma_start3A_1727, %multiple_of3A_1702] : memref<32x1000000xf32, #tpu.memory_space<hbm>> -> memref<8x128xf32, #tpu.memory_space<hbm>>
        tpu.enqueue_dma source(%dma_start3A_1728 : memref<8x128xf32, #tpu.memory_space<hbm>>) target(%dma_start3A_1726 : memref<8x128xf32, #tpu.memory_space<vmem>>) target_semaphore(%arg24 : memref<!tpu.dma_semaphore, #tpu.memory_space<semaphore_mem>>)
        %dma_start3A_1729 = arith.constant 3 : i32
        %dma_start3A_1730 = arith.constant 8 : i32
        %dma_start3A_1731 = arith.constant 0 : i32
        %dma_start3A_1732 = tpu.memref_slice %arg7[%dma_start3A_1729, %dma_start3A_1730, %dma_start3A_1731] : memref<8x32x128xf32, #tpu.memory_space<vmem>> -> memref<1x8x128xf32, #tpu.memory_space<vmem>>
        %dma_start3A_1733 = tpu.memref_squeeze %dma_start3A_1732 : memref<1x8x128xf32, #tpu.memory_space<vmem>> -> memref<8x128xf32, #tpu.memory_space<vmem>>
        %dma_start3A_1734 = arith.constant 8 : i32
        %dma_start3A_1735 = tpu.memref_slice %arg4[%dma_start3A_1734, %multiple_of3A_1699] : memref<32x1000000xf32, #tpu.memory_space<hbm>> -> memref<8x128xf32, #tpu.memory_space<hbm>>
        %dma_start3A_1736 = arith.constant 8 : i32
        %dma_start3A_1737 = arith.constant 0 : i32
        %dma_start3A_1738 = tpu.memref_slice %arg7[%dma_start3A_1729, %dma_start3A_1736, %dma_start3A_1737] : memref<8x32x128xf32, #tpu.memory_space<vmem>> -> memref<1x8x128xf32, #tpu.memory_space<vmem>>
        %dma_start3A_1739 = tpu.memref_squeeze %dma_start3A_1738 : memref<1x8x128xf32, #tpu.memory_space<vmem>> -> memref<8x128xf32, #tpu.memory_space<vmem>>
        %dma_start3A_1740 = arith.constant 8 : i32
        %dma_start3A_1741 = tpu.memref_slice %arg4[%dma_start3A_1740, %multiple_of3A_1699] : memref<32x1000000xf32, #tpu.memory_space<hbm>> -> memref<8x128xf32, #tpu.memory_space<hbm>>
        tpu.enqueue_dma source(%dma_start3A_1741 : memref<8x128xf32, #tpu.memory_space<hbm>>) target(%dma_start3A_1739 : memref<8x128xf32, #tpu.memory_space<vmem>>) target_semaphore(%arg16 : memref<!tpu.dma_semaphore, #tpu.memory_space<semaphore_mem>>)
        %dma_start3A_1742 = arith.constant 3 : i32
        %dma_start3A_1743 = arith.constant 8 : i32
        %dma_start3A_1744 = arith.constant 0 : i32
        %dma_start3A_1745 = tpu.memref_slice %arg8[%dma_start3A_1742, %dma_start3A_1743, %dma_start3A_1744] : memref<8x32x128xf32, #tpu.memory_space<vmem>> -> memref<1x8x128xf32, #tpu.memory_space<vmem>>
        %dma_start3A_1746 = tpu.memref_squeeze %dma_start3A_1745 : memref<1x8x128xf32, #tpu.memory_space<vmem>> -> memref<8x128xf32, #tpu.memory_space<vmem>>
        %dma_start3A_1747 = arith.constant 8 : i32
        %dma_start3A_1748 = tpu.memref_slice %arg5[%dma_start3A_1747, %multiple_of3A_1702] : memref<32x1000000xf32, #tpu.memory_space<hbm>> -> memref<8x128xf32, #tpu.memory_space<hbm>>
        %dma_start3A_1749 = arith.constant 8 : i32
        %dma_start3A_1750 = arith.constant 0 : i32
        %dma_start3A_1751 = tpu.memref_slice %arg8[%dma_start3A_1742, %dma_start3A_1749, %dma_start3A_1750] : memref<8x32x128xf32, #tpu.memory_space<vmem>> -> memref<1x8x128xf32, #tpu.memory_space<vmem>>
        %dma_start3A_1752 = tpu.memref_squeeze %dma_start3A_1751 : memref<1x8x128xf32, #tpu.memory_space<vmem>> -> memref<8x128xf32, #tpu.memory_space<vmem>>
        %dma_start3A_1753 = arith.constant 8 : i32
        %dma_start3A_1754 = tpu.memref_slice %arg5[%dma_start3A_1753, %multiple_of3A_1702] : memref<32x1000000xf32, #tpu.memory_space<hbm>> -> memref<8x128xf32, #tpu.memory_space<hbm>>
        tpu.enqueue_dma source(%dma_start3A_1754 : memref<8x128xf32, #tpu.memory_space<hbm>>) target(%dma_start3A_1752 : memref<8x128xf32, #tpu.memory_space<vmem>>) target_semaphore(%arg24 : memref<!tpu.dma_semaphore, #tpu.memory_space<semaphore_mem>>)
        %dma_start3A_1755 = arith.constant 3 : i32
        %dma_start3A_1756 = arith.constant 16 : i32
        %dma_start3A_1757 = arith.constant 0 : i32
        %dma_start3A_1758 = tpu.memref_slice %arg7[%dma_start3A_1755, %dma_start3A_1756, %dma_start3A_1757] : memref<8x32x128xf32, #tpu.memory_space<vmem>> -> memref<1x8x128xf32, #tpu.memory_space<vmem>>
        %dma_start3A_1759 = tpu.memref_squeeze %dma_start3A_1758 : memref<1x8x128xf32, #tpu.memory_space<vmem>> -> memref<8x128xf32, #tpu.memory_space<vmem>>
        %dma_start3A_1760 = arith.constant 16 : i32
        %dma_start3A_1761 = tpu.memref_slice %arg4[%dma_start3A_1760, %multiple_of3A_1699] : memref<32x1000000xf32, #tpu.memory_space<hbm>> -> memref<8x128xf32, #tpu.memory_space<hbm>>
        %dma_start3A_1762 = arith.constant 16 : i32
        %dma_start3A_1763 = arith.constant 0 : i32
        %dma_start3A_1764 = tpu.memref_slice %arg7[%dma_start3A_1755, %dma_start3A_1762, %dma_start3A_1763] : memref<8x32x128xf32, #tpu.memory_space<vmem>> -> memref<1x8x128xf32, #tpu.memory_space<vmem>>
        %dma_start3A_1765 = tpu.memref_squeeze %dma_start3A_1764 : memref<1x8x128xf32, #tpu.memory_space<vmem>> -> memref<8x128xf32, #tpu.memory_space<vmem>>
        %dma_start3A_1766 = arith.constant 16 : i32
        %dma_start3A_1767 = tpu.memref_slice %arg4[%dma_start3A_1766, %multiple_of3A_1699] : memref<32x1000000xf32, #tpu.memory_space<hbm>> -> memref<8x128xf32, #tpu.memory_space<hbm>>
        tpu.enqueue_dma source(%dma_start3A_1767 : memref<8x128xf32, #tpu.memory_space<hbm>>) target(%dma_start3A_1765 : memref<8x128xf32, #tpu.memory_space<vmem>>) target_semaphore(%arg16 : memref<!tpu.dma_semaphore, #tpu.memory_space<semaphore_mem>>)
        %dma_start3A_1768 = arith.constant 3 : i32
        %dma_start3A_1769 = arith.constant 16 : i32
        %dma_start3A_1770 = arith.constant 0 : i32
        %dma_start3A_1771 = tpu.memref_slice %arg8[%dma_start3A_1768, %dma_start3A_1769, %dma_start3A_1770] : memref<8x32x128xf32, #tpu.memory_space<vmem>> -> memref<1x8x128xf32, #tpu.memory_space<vmem>>
        %dma_start3A_1772 = tpu.memref_squeeze %dma_start3A_1771 : memref<1x8x128xf32, #tpu.memory_space<vmem>> -> memref<8x128xf32, #tpu.memory_space<vmem>>
        %dma_start3A_1773 = arith.constant 16 : i32
        %dma_start3A_1774 = tpu.memref_slice %arg5[%dma_start3A_1773, %multiple_of3A_1702] : memref<32x1000000xf32, #tpu.memory_space<hbm>> -> memref<8x128xf32, #tpu.memory_space<hbm>>
        %dma_start3A_1775 = arith.constant 16 : i32
        %dma_start3A_1776 = arith.constant 0 : i32
        %dma_start3A_1777 = tpu.memref_slice %arg8[%dma_start3A_1768, %dma_start3A_1775, %dma_start3A_1776] : memref<8x32x128xf32, #tpu.memory_space<vmem>> -> memref<1x8x128xf32, #tpu.memory_space<vmem>>
        %dma_start3A_1778 = tpu.memref_squeeze %dma_start3A_1777 : memref<1x8x128xf32, #tpu.memory_space<vmem>> -> memref<8x128xf32, #tpu.memory_space<vmem>>
        %dma_start3A_1779 = arith.constant 16 : i32
        %dma_start3A_1780 = tpu.memref_slice %arg5[%dma_start3A_1779, %multiple_of3A_1702] : memref<32x1000000xf32, #tpu.memory_space<hbm>> -> memref<8x128xf32, #tpu.memory_space<hbm>>
        tpu.enqueue_dma source(%dma_start3A_1780 : memref<8x128xf32, #tpu.memory_space<hbm>>) target(%dma_start3A_1778 : memref<8x128xf32, #tpu.memory_space<vmem>>) target_semaphore(%arg24 : memref<!tpu.dma_semaphore, #tpu.memory_space<semaphore_mem>>)
        %dma_start3A_1781 = arith.constant 3 : i32
        %dma_start3A_1782 = arith.constant 24 : i32
        %dma_start3A_1783 = arith.constant 0 : i32
        %dma_start3A_1784 = tpu.memref_slice %arg7[%dma_start3A_1781, %dma_start3A_1782, %dma_start3A_1783] : memref<8x32x128xf32, #tpu.memory_space<vmem>> -> memref<1x8x128xf32, #tpu.memory_space<vmem>>
        %dma_start3A_1785 = tpu.memref_squeeze %dma_start3A_1784 : memref<1x8x128xf32, #tpu.memory_space<vmem>> -> memref<8x128xf32, #tpu.memory_space<vmem>>
        %dma_start3A_1786 = arith.constant 24 : i32
        %dma_start3A_1787 = tpu.memref_slice %arg4[%dma_start3A_1786, %multiple_of3A_1699] : memref<32x1000000xf32, #tpu.memory_space<hbm>> -> memref<8x128xf32, #tpu.memory_space<hbm>>
        %dma_start3A_1788 = arith.constant 24 : i32
        %dma_start3A_1789 = arith.constant 0 : i32
        %dma_start3A_1790 = tpu.memref_slice %arg7[%dma_start3A_1781, %dma_start3A_1788, %dma_start3A_1789] : memref<8x32x128xf32, #tpu.memory_space<vmem>> -> memref<1x8x128xf32, #tpu.memory_space<vmem>>
        %dma_start3A_1791 = tpu.memref_squeeze %dma_start3A_1790 : memref<1x8x128xf32, #tpu.memory_space<vmem>> -> memref<8x128xf32, #tpu.memory_space<vmem>>
        %dma_start3A_1792 = arith.constant 24 : i32
        %dma_start3A_1793 = tpu.memref_slice %arg4[%dma_start3A_1792, %multiple_of3A_1699] : memref<32x1000000xf32, #tpu.memory_space<hbm>> -> memref<8x128xf32, #tpu.memory_space<hbm>>
        tpu.enqueue_dma source(%dma_start3A_1793 : memref<8x128xf32, #tpu.memory_space<hbm>>) target(%dma_start3A_1791 : memref<8x128xf32, #tpu.memory_space<vmem>>) target_semaphore(%arg16 : memref<!tpu.dma_semaphore, #tpu.memory_space<semaphore_mem>>)
        %dma_start3A_1794 = arith.constant 3 : i32
        %dma_start3A_1795 = arith.constant 24 : i32
        %dma_start3A_1796 = arith.constant 0 : i32
        %dma_start3A_1797 = tpu.memref_slice %arg8[%dma_start3A_1794, %dma_start3A_1795, %dma_start3A_1796] : memref<8x32x128xf32, #tpu.memory_space<vmem>> -> memref<1x8x128xf32, #tpu.memory_space<vmem>>
        %dma_start3A_1798 = tpu.memref_squeeze %dma_start3A_1797 : memref<1x8x128xf32, #tpu.memory_space<vmem>> -> memref<8x128xf32, #tpu.memory_space<vmem>>
        %dma_start3A_1799 = arith.constant 24 : i32
        %dma_start3A_1800 = tpu.memref_slice %arg5[%dma_start3A_1799, %multiple_of3A_1702] : memref<32x1000000xf32, #tpu.memory_space<hbm>> -> memref<8x128xf32, #tpu.memory_space<hbm>>
        %dma_start3A_1801 = arith.constant 24 : i32
        %dma_start3A_1802 = arith.constant 0 : i32
        %dma_start3A_1803 = tpu.memref_slice %arg8[%dma_start3A_1794, %dma_start3A_1801, %dma_start3A_1802] : memref<8x32x128xf32, #tpu.memory_space<vmem>> -> memref<1x8x128xf32, #tpu.memory_space<vmem>>
        %dma_start3A_1804 = tpu.memref_squeeze %dma_start3A_1803 : memref<1x8x128xf32, #tpu.memory_space<vmem>> -> memref<8x128xf32, #tpu.memory_space<vmem>>
        %dma_start3A_1805 = arith.constant 24 : i32
        %dma_start3A_1806 = tpu.memref_slice %arg5[%dma_start3A_1805, %multiple_of3A_1702] : memref<32x1000000xf32, #tpu.memory_space<hbm>> -> memref<8x128xf32, #tpu.memory_space<hbm>>
        tpu.enqueue_dma source(%dma_start3A_1806 : memref<8x128xf32, #tpu.memory_space<hbm>>) target(%dma_start3A_1804 : memref<8x128xf32, #tpu.memory_space<vmem>>) target_semaphore(%arg24 : memref<!tpu.dma_semaphore, #tpu.memory_space<semaphore_mem>>)
      } else {
      }
      %mul3A_1302 = arith.constant 8 : i32
      %mul3A_1303 = arith.muli %add3A_949, %mul3A_1302 : i32
      %add3A_1304 = arith.constant 4 : i32
      %add3A_1305 = arith.addi %mul3A_1303, %add3A_1304 : i32
      %dma_wait3A_1306 = arith.constant 4 : i32
      %dma_wait3A_1307 = arith.constant 0 : i32
      %dma_wait3A_1308 = arith.constant 0 : i32
      %dma_wait3A_1309 = tpu.memref_slice %arg7[%dma_wait3A_1306, %dma_wait3A_1307, %dma_wait3A_1308] : memref<8x32x128xf32, #tpu.memory_space<vmem>> -> memref<1x32x128xf32, #tpu.memory_space<vmem>>
      %dma_wait3A_1310 = tpu.memref_squeeze %dma_wait3A_1309 : memref<1x32x128xf32, #tpu.memory_space<vmem>> -> memref<32x128xf32, #tpu.memory_space<vmem>>
      %dma_wait3A_1311 = arith.constant 0 : i32
      %dma_wait3A_1312 = arith.constant 0 : i32
      %dma_wait3A_1313 = tpu.memref_slice %arg4[%dma_wait3A_1311, %dma_wait3A_1312] : memref<32x1000000xf32, #tpu.memory_space<hbm>> -> memref<32x128xf32, #tpu.memory_space<hbm>>
      %dma_wait3A_1314 = arith.constant 0 : i32
      %dma_wait3A_1315 = arith.constant 0 : i32
      %dma_wait3A_1316 = tpu.memref_slice %arg7[%dma_wait3A_1306, %dma_wait3A_1314, %dma_wait3A_1315] : memref<8x32x128xf32, #tpu.memory_space<vmem>> -> memref<1x32x128xf32, #tpu.memory_space<vmem>>
      %dma_wait3A_1317 = tpu.memref_squeeze %dma_wait3A_1316 : memref<1x32x128xf32, #tpu.memory_space<vmem>> -> memref<32x128xf32, #tpu.memory_space<vmem>>
      %dma_wait3A_1318 = arith.constant 0 : i32
      %dma_wait3A_1319 = arith.constant 0 : i32
      %dma_wait3A_1320 = tpu.memref_slice %arg4[%dma_wait3A_1318, %dma_wait3A_1319] : memref<32x1000000xf32, #tpu.memory_space<hbm>> -> memref<32x128xf32, #tpu.memory_space<hbm>>
      tpu.wait_dma2 semaphore(%arg17 : memref<!tpu.dma_semaphore, #tpu.memory_space<semaphore_mem>>) src(%dma_wait3A_1320 : memref<32x128xf32, #tpu.memory_space<hbm>>) dst(%dma_wait3A_1317 : memref<32x128xf32, #tpu.memory_space<vmem>>)
      %dma_wait3A_1321 = arith.constant 4 : i32
      %dma_wait3A_1322 = arith.constant 0 : i32
      %dma_wait3A_1323 = arith.constant 0 : i32
      %dma_wait3A_1324 = tpu.memref_slice %arg8[%dma_wait3A_1321, %dma_wait3A_1322, %dma_wait3A_1323] : memref<8x32x128xf32, #tpu.memory_space<vmem>> -> memref<1x32x128xf32, #tpu.memory_space<vmem>>
      %dma_wait3A_1325 = tpu.memref_squeeze %dma_wait3A_1324 : memref<1x32x128xf32, #tpu.memory_space<vmem>> -> memref<32x128xf32, #tpu.memory_space<vmem>>
      %dma_wait3A_1326 = arith.constant 0 : i32
      %dma_wait3A_1327 = arith.constant 0 : i32
      %dma_wait3A_1328 = tpu.memref_slice %arg5[%dma_wait3A_1326, %dma_wait3A_1327] : memref<32x1000000xf32, #tpu.memory_space<hbm>> -> memref<32x128xf32, #tpu.memory_space<hbm>>
      %dma_wait3A_1329 = arith.constant 0 : i32
      %dma_wait3A_1330 = arith.constant 0 : i32
      %dma_wait3A_1331 = tpu.memref_slice %arg8[%dma_wait3A_1321, %dma_wait3A_1329, %dma_wait3A_1330] : memref<8x32x128xf32, #tpu.memory_space<vmem>> -> memref<1x32x128xf32, #tpu.memory_space<vmem>>
      %dma_wait3A_1332 = tpu.memref_squeeze %dma_wait3A_1331 : memref<1x32x128xf32, #tpu.memory_space<vmem>> -> memref<32x128xf32, #tpu.memory_space<vmem>>
      %dma_wait3A_1333 = arith.constant 0 : i32
      %dma_wait3A_1334 = arith.constant 0 : i32
      %dma_wait3A_1335 = tpu.memref_slice %arg5[%dma_wait3A_1333, %dma_wait3A_1334] : memref<32x1000000xf32, #tpu.memory_space<hbm>> -> memref<32x128xf32, #tpu.memory_space<hbm>>
      tpu.wait_dma2 semaphore(%arg25 : memref<!tpu.dma_semaphore, #tpu.memory_space<semaphore_mem>>) src(%dma_wait3A_1335 : memref<32x128xf32, #tpu.memory_space<hbm>>) dst(%dma_wait3A_1332 : memref<32x128xf32, #tpu.memory_space<vmem>>)
      %get3A_1336 = arith.index_cast %add3A_1305 : i32 to index
      %get3A_1337 = tpu.vector_load %arg11[%get3A_1336] {strides = array<i32>} : memref<528xi32, #tpu.memory_space<vmem>>, vector<16xi32>,
      %slice3A_1338 = vector.extract_strided_slice %get3A_1337 {offsets = [0], sizes = [1], strides = [1]} : vector<16xi32> to vector<1xi32>
      %squeeze3A_1339 = vector.extract %slice3A_1338[0] : i32 from vector<1xi32>
      %and3A_1340 = arith.constant 127 : i32
      %and3A_1341 = arith.andi %squeeze3A_1339, %and3A_1340 : i32
      %broadcast_in_dim3A_1342 = vector.broadcast %and3A_1341 : i32 to vector<16xi32>
      %get3A_1343 = arith.index_cast %add3A_1305 : i32 to index
      %get3A_1344 = tpu.vector_load %arg12[%get3A_1343] {strides = array<i32>} : memref<528xi32, #tpu.memory_space<vmem>>, vector<16xi32>,
      %slice3A_1345 = vector.extract_strided_slice %get3A_1344 {offsets = [0], sizes = [1], strides = [1]} : vector<16xi32> to vector<1xi32>
      %squeeze3A_1346 = vector.extract %slice3A_1345[0] : i32 from vector<1xi32>
      %and3A_1347 = arith.constant 127 : i32
      %and3A_1348 = arith.andi %squeeze3A_1346, %and3A_1347 : i32
      %broadcast_in_dim3A_1349 = vector.broadcast %and3A_1348 : i32 to vector<16xi32>
      %broadcast_in_dim3A_1350 = arith.constant 4 : i32
      %broadcast_in_dim3A_1351 = vector.broadcast %broadcast_in_dim3A_1350 : i32 to vector<16xi32>
      %gather3A_1352 = tpu.vector_load_idx %arg7[%broadcast_in_dim3A_1351, %iota3A, %broadcast_in_dim3A_1342] : memref<8x32x128xf32, #tpu.memory_space<vmem>>[vector<16xi32>, vector<16xi32>, vector<16xi32>], vector<16xf32>,
      %add3A_1353 = arith.constant 16 : i32
      %add3A_1354 = vector.broadcast %add3A_1353 : i32 to vector<16xi32>
      %add3A_1355 = arith.addi %iota3A, %add3A_1354 : vector<16xi32>
      %gather3A_1356 = tpu.vector_load_idx %arg7[%broadcast_in_dim3A_1351, %add3A_1355, %broadcast_in_dim3A_1342] : memref<8x32x128xf32, #tpu.memory_space<vmem>>[vector<16xi32>, vector<16xi32>, vector<16xi32>], vector<16xf32>,
      %gather3A_1357 = tpu.vector_load_idx %arg8[%broadcast_in_dim3A_1351, %iota3A, %broadcast_in_dim3A_1349] : memref<8x32x128xf32, #tpu.memory_space<vmem>>[vector<16xi32>, vector<16xi32>, vector<16xi32>], vector<16xf32>,
      %add3A_1358 = arith.constant 16 : i32
      %add3A_1359 = vector.broadcast %add3A_1358 : i32 to vector<16xi32>
      %add3A_1360 = arith.addi %iota3A, %add3A_1359 : vector<16xi32>
      %gather3A_1361 = tpu.vector_load_idx %arg8[%broadcast_in_dim3A_1351, %add3A_1360, %broadcast_in_dim3A_1349] : memref<8x32x128xf32, #tpu.memory_space<vmem>>[vector<16xi32>, vector<16xi32>, vector<16xi32>], vector<16xf32>,
      %mul3A_1362 = arith.mulf %gather3A_1352, %gather3A_1357 : vector<16xf32>
      %mul3A_1363 = arith.mulf %gather3A_1356, %gather3A_1361 : vector<16xf32>
      %add3A_1364 = arith.addf %mul3A_1362, %mul3A_1363 : vector<16xf32>
      %jit3A_1365 = arith.constant 2 : i32
      %eq3A_1366 = arith.constant 0 : i32
      %eq3A_1367 = arith.cmpi eq, %jit3A_1365, %eq3A_1366 : i32
      %jit3A_1368 = arith.constant 1 : i32
      %select_n3A_1369 = arith.select %eq3A_1367, %jit3A_1368, %jit3A_1365 : i32
      %rem3A_1370 = arith.remsi %add3A_949, %select_n3A_1369 : i32
      %ne3A_1371 = arith.constant 0 : i32
      %ne3A_1372 = arith.cmpi ne, %rem3A_1370, %ne3A_1371 : i32
      %lt3A_1373 = arith.constant 0 : i32
      %lt3A_1374 = arith.cmpi slt, %rem3A_1370, %lt3A_1373 : i32
      %lt3A_1375 = arith.constant 0 : i32
      %lt3A_1376 = arith.cmpi slt, %select_n3A_1369, %lt3A_1375 : i32
      %ne3A_1377 = arith.xori %lt3A_1374, %lt3A_1376 : i1
      %and3A_1378 = arith.andi %ne3A_1377, %ne3A_1372 : i1
      %add3A_1379 = arith.addi %rem3A_1370, %select_n3A_1369 : i32
      %select_n3A_1380 = arith.select %and3A_1378, %add3A_1379, %rem3A_1370 : i32
      %mul3A_1381 = arith.constant 8 : i32
      %mul3A_1382 = arith.muli %select_n3A_1380, %mul3A_1381 : i32
      %add3A_1383 = arith.constant 4 : i32
      %add3A_1384 = arith.addi %mul3A_1382, %add3A_1383 : i32
      %swap3A_1385 = arith.index_cast %add3A_1384 : i32 to index
      %swap3A_1386 = arith.constant 0 : index
      %swap3A_1387 = tpu.vector_load %arg9[%swap3A_1385, %swap3A_1386] {strides = array<i32>} : memref<16x16xf32, #tpu.memory_space<vmem>>, vector<16xf32>,
      tpu.vector_store %arg9[%swap3A_1385, %swap3A_1386], %add3A_1364 {strides = array<i32>} : memref<16x16xf32, #tpu.memory_space<vmem>>, vector<16xf32>,
      %lt3A_1388 = arith.constant 63 : i32
      %lt3A_1389 = arith.cmpi slt, %add3A_949, %lt3A_1388 : i32
      %convert_element_type3A_1390 = arith.extui %lt3A_1389 : i1 to i32
      %cond3A_1391 = arith.constant 0 : i32
      %cond3A_1392 = arith.cmpi ne, %convert_element_type3A_1390, %cond3A_1391 : i32
      scf.if %cond3A_1392 {
        %add3A_1687 = arith.constant 8 : i32
        %add3A_1688 = arith.addi %add3A_1305, %add3A_1687 : i32
        %get3A_1689 = arith.index_cast %add3A_1688 : i32 to index
        %get3A_1690 = tpu.vector_load %arg11[%get3A_1689] {strides = array<i32>} : memref<528xi32, #tpu.memory_space<vmem>>, vector<16xi32>,
        %slice3A_1691 = vector.extract_strided_slice %get3A_1690 {offsets = [0], sizes = [1], strides = [1]} : vector<16xi32> to vector<1xi32>
        %squeeze3A_1692 = vector.extract %slice3A_1691[0] : i32 from vector<1xi32>
        %get3A_1693 = arith.index_cast %add3A_1688 : i32 to index
        %get3A_1694 = tpu.vector_load %arg12[%get3A_1693] {strides = array<i32>} : memref<528xi32, #tpu.memory_space<vmem>>, vector<16xi32>,
        %slice3A_1695 = vector.extract_strided_slice %get3A_1694 {offsets = [0], sizes = [1], strides = [1]} : vector<16xi32> to vector<1xi32>
        %squeeze3A_1696 = vector.extract %slice3A_1695[0] : i32 from vector<1xi32>
        %and3A_1697 = arith.constant -128 : i32
        %and3A_1698 = arith.andi %squeeze3A_1692, %and3A_1697 : i32
        %multiple_of3A_1699 = tpu.assume_multiple %and3A_1698, 128 : i32
        %and3A_1700 = arith.constant -128 : i32
        %and3A_1701 = arith.andi %squeeze3A_1696, %and3A_1700 : i32
        %multiple_of3A_1702 = tpu.assume_multiple %and3A_1701, 128 : i32
        %dma_start3A_1703 = arith.constant 4 : i32
        %dma_start3A_1704 = arith.constant 0 : i32
        %dma_start3A_1705 = arith.constant 0 : i32
        %dma_start3A_1706 = tpu.memref_slice %arg7[%dma_start3A_1703, %dma_start3A_1704, %dma_start3A_1705] : memref<8x32x128xf32, #tpu.memory_space<vmem>> -> memref<1x8x128xf32, #tpu.memory_space<vmem>>
        %dma_start3A_1707 = tpu.memref_squeeze %dma_start3A_1706 : memref<1x8x128xf32, #tpu.memory_space<vmem>> -> memref<8x128xf32, #tpu.memory_space<vmem>>
        %dma_start3A_1708 = arith.constant 0 : i32
        %dma_start3A_1709 = tpu.memref_slice %arg4[%dma_start3A_1708, %multiple_of3A_1699] : memref<32x1000000xf32, #tpu.memory_space<hbm>> -> memref<8x128xf32, #tpu.memory_space<hbm>>
        %dma_start3A_1710 = arith.constant 0 : i32
        %dma_start3A_1711 = arith.constant 0 : i32
        %dma_start3A_1712 = tpu.memref_slice %arg7[%dma_start3A_1703, %dma_start3A_1710, %dma_start3A_1711] : memref<8x32x128xf32, #tpu.memory_space<vmem>> -> memref<1x8x128xf32, #tpu.memory_space<vmem>>
        %dma_start3A_1713 = tpu.memref_squeeze %dma_start3A_1712 : memref<1x8x128xf32, #tpu.memory_space<vmem>> -> memref<8x128xf32, #tpu.memory_space<vmem>>
        %dma_start3A_1714 = arith.constant 0 : i32
        %dma_start3A_1715 = tpu.memref_slice %arg4[%dma_start3A_1714, %multiple_of3A_1699] : memref<32x1000000xf32, #tpu.memory_space<hbm>> -> memref<8x128xf32, #tpu.memory_space<hbm>>
        tpu.enqueue_dma source(%dma_start3A_1715 : memref<8x128xf32, #tpu.memory_space<hbm>>) target(%dma_start3A_1713 : memref<8x128xf32, #tpu.memory_space<vmem>>) target_semaphore(%arg17 : memref<!tpu.dma_semaphore, #tpu.memory_space<semaphore_mem>>)
        %dma_start3A_1716 = arith.constant 4 : i32
        %dma_start3A_1717 = arith.constant 0 : i32
        %dma_start3A_1718 = arith.constant 0 : i32
        %dma_start3A_1719 = tpu.memref_slice %arg8[%dma_start3A_1716, %dma_start3A_1717, %dma_start3A_1718] : memref<8x32x128xf32, #tpu.memory_space<vmem>> -> memref<1x8x128xf32, #tpu.memory_space<vmem>>
        %dma_start3A_1720 = tpu.memref_squeeze %dma_start3A_1719 : memref<1x8x128xf32, #tpu.memory_space<vmem>> -> memref<8x128xf32, #tpu.memory_space<vmem>>
        %dma_start3A_1721 = arith.constant 0 : i32
        %dma_start3A_1722 = tpu.memref_slice %arg5[%dma_start3A_1721, %multiple_of3A_1702] : memref<32x1000000xf32, #tpu.memory_space<hbm>> -> memref<8x128xf32, #tpu.memory_space<hbm>>
        %dma_start3A_1723 = arith.constant 0 : i32
        %dma_start3A_1724 = arith.constant 0 : i32
        %dma_start3A_1725 = tpu.memref_slice %arg8[%dma_start3A_1716, %dma_start3A_1723, %dma_start3A_1724] : memref<8x32x128xf32, #tpu.memory_space<vmem>> -> memref<1x8x128xf32, #tpu.memory_space<vmem>>
        %dma_start3A_1726 = tpu.memref_squeeze %dma_start3A_1725 : memref<1x8x128xf32, #tpu.memory_space<vmem>> -> memref<8x128xf32, #tpu.memory_space<vmem>>
        %dma_start3A_1727 = arith.constant 0 : i32
        %dma_start3A_1728 = tpu.memref_slice %arg5[%dma_start3A_1727, %multiple_of3A_1702] : memref<32x1000000xf32, #tpu.memory_space<hbm>> -> memref<8x128xf32, #tpu.memory_space<hbm>>
        tpu.enqueue_dma source(%dma_start3A_1728 : memref<8x128xf32, #tpu.memory_space<hbm>>) target(%dma_start3A_1726 : memref<8x128xf32, #tpu.memory_space<vmem>>) target_semaphore(%arg25 : memref<!tpu.dma_semaphore, #tpu.memory_space<semaphore_mem>>)
        %dma_start3A_1729 = arith.constant 4 : i32
        %dma_start3A_1730 = arith.constant 8 : i32
        %dma_start3A_1731 = arith.constant 0 : i32
        %dma_start3A_1732 = tpu.memref_slice %arg7[%dma_start3A_1729, %dma_start3A_1730, %dma_start3A_1731] : memref<8x32x128xf32, #tpu.memory_space<vmem>> -> memref<1x8x128xf32, #tpu.memory_space<vmem>>
        %dma_start3A_1733 = tpu.memref_squeeze %dma_start3A_1732 : memref<1x8x128xf32, #tpu.memory_space<vmem>> -> memref<8x128xf32, #tpu.memory_space<vmem>>
        %dma_start3A_1734 = arith.constant 8 : i32
        %dma_start3A_1735 = tpu.memref_slice %arg4[%dma_start3A_1734, %multiple_of3A_1699] : memref<32x1000000xf32, #tpu.memory_space<hbm>> -> memref<8x128xf32, #tpu.memory_space<hbm>>
        %dma_start3A_1736 = arith.constant 8 : i32
        %dma_start3A_1737 = arith.constant 0 : i32
        %dma_start3A_1738 = tpu.memref_slice %arg7[%dma_start3A_1729, %dma_start3A_1736, %dma_start3A_1737] : memref<8x32x128xf32, #tpu.memory_space<vmem>> -> memref<1x8x128xf32, #tpu.memory_space<vmem>>
        %dma_start3A_1739 = tpu.memref_squeeze %dma_start3A_1738 : memref<1x8x128xf32, #tpu.memory_space<vmem>> -> memref<8x128xf32, #tpu.memory_space<vmem>>
        %dma_start3A_1740 = arith.constant 8 : i32
        %dma_start3A_1741 = tpu.memref_slice %arg4[%dma_start3A_1740, %multiple_of3A_1699] : memref<32x1000000xf32, #tpu.memory_space<hbm>> -> memref<8x128xf32, #tpu.memory_space<hbm>>
        tpu.enqueue_dma source(%dma_start3A_1741 : memref<8x128xf32, #tpu.memory_space<hbm>>) target(%dma_start3A_1739 : memref<8x128xf32, #tpu.memory_space<vmem>>) target_semaphore(%arg17 : memref<!tpu.dma_semaphore, #tpu.memory_space<semaphore_mem>>)
        %dma_start3A_1742 = arith.constant 4 : i32
        %dma_start3A_1743 = arith.constant 8 : i32
        %dma_start3A_1744 = arith.constant 0 : i32
        %dma_start3A_1745 = tpu.memref_slice %arg8[%dma_start3A_1742, %dma_start3A_1743, %dma_start3A_1744] : memref<8x32x128xf32, #tpu.memory_space<vmem>> -> memref<1x8x128xf32, #tpu.memory_space<vmem>>
        %dma_start3A_1746 = tpu.memref_squeeze %dma_start3A_1745 : memref<1x8x128xf32, #tpu.memory_space<vmem>> -> memref<8x128xf32, #tpu.memory_space<vmem>>
        %dma_start3A_1747 = arith.constant 8 : i32
        %dma_start3A_1748 = tpu.memref_slice %arg5[%dma_start3A_1747, %multiple_of3A_1702] : memref<32x1000000xf32, #tpu.memory_space<hbm>> -> memref<8x128xf32, #tpu.memory_space<hbm>>
        %dma_start3A_1749 = arith.constant 8 : i32
        %dma_start3A_1750 = arith.constant 0 : i32
        %dma_start3A_1751 = tpu.memref_slice %arg8[%dma_start3A_1742, %dma_start3A_1749, %dma_start3A_1750] : memref<8x32x128xf32, #tpu.memory_space<vmem>> -> memref<1x8x128xf32, #tpu.memory_space<vmem>>
        %dma_start3A_1752 = tpu.memref_squeeze %dma_start3A_1751 : memref<1x8x128xf32, #tpu.memory_space<vmem>> -> memref<8x128xf32, #tpu.memory_space<vmem>>
        %dma_start3A_1753 = arith.constant 8 : i32
        %dma_start3A_1754 = tpu.memref_slice %arg5[%dma_start3A_1753, %multiple_of3A_1702] : memref<32x1000000xf32, #tpu.memory_space<hbm>> -> memref<8x128xf32, #tpu.memory_space<hbm>>
        tpu.enqueue_dma source(%dma_start3A_1754 : memref<8x128xf32, #tpu.memory_space<hbm>>) target(%dma_start3A_1752 : memref<8x128xf32, #tpu.memory_space<vmem>>) target_semaphore(%arg25 : memref<!tpu.dma_semaphore, #tpu.memory_space<semaphore_mem>>)
        %dma_start3A_1755 = arith.constant 4 : i32
        %dma_start3A_1756 = arith.constant 16 : i32
        %dma_start3A_1757 = arith.constant 0 : i32
        %dma_start3A_1758 = tpu.memref_slice %arg7[%dma_start3A_1755, %dma_start3A_1756, %dma_start3A_1757] : memref<8x32x128xf32, #tpu.memory_space<vmem>> -> memref<1x8x128xf32, #tpu.memory_space<vmem>>
        %dma_start3A_1759 = tpu.memref_squeeze %dma_start3A_1758 : memref<1x8x128xf32, #tpu.memory_space<vmem>> -> memref<8x128xf32, #tpu.memory_space<vmem>>
        %dma_start3A_1760 = arith.constant 16 : i32
        %dma_start3A_1761 = tpu.memref_slice %arg4[%dma_start3A_1760, %multiple_of3A_1699] : memref<32x1000000xf32, #tpu.memory_space<hbm>> -> memref<8x128xf32, #tpu.memory_space<hbm>>
        %dma_start3A_1762 = arith.constant 16 : i32
        %dma_start3A_1763 = arith.constant 0 : i32
        %dma_start3A_1764 = tpu.memref_slice %arg7[%dma_start3A_1755, %dma_start3A_1762, %dma_start3A_1763] : memref<8x32x128xf32, #tpu.memory_space<vmem>> -> memref<1x8x128xf32, #tpu.memory_space<vmem>>
        %dma_start3A_1765 = tpu.memref_squeeze %dma_start3A_1764 : memref<1x8x128xf32, #tpu.memory_space<vmem>> -> memref<8x128xf32, #tpu.memory_space<vmem>>
        %dma_start3A_1766 = arith.constant 16 : i32
        %dma_start3A_1767 = tpu.memref_slice %arg4[%dma_start3A_1766, %multiple_of3A_1699] : memref<32x1000000xf32, #tpu.memory_space<hbm>> -> memref<8x128xf32, #tpu.memory_space<hbm>>
        tpu.enqueue_dma source(%dma_start3A_1767 : memref<8x128xf32, #tpu.memory_space<hbm>>) target(%dma_start3A_1765 : memref<8x128xf32, #tpu.memory_space<vmem>>) target_semaphore(%arg17 : memref<!tpu.dma_semaphore, #tpu.memory_space<semaphore_mem>>)
        %dma_start3A_1768 = arith.constant 4 : i32
        %dma_start3A_1769 = arith.constant 16 : i32
        %dma_start3A_1770 = arith.constant 0 : i32
        %dma_start3A_1771 = tpu.memref_slice %arg8[%dma_start3A_1768, %dma_start3A_1769, %dma_start3A_1770] : memref<8x32x128xf32, #tpu.memory_space<vmem>> -> memref<1x8x128xf32, #tpu.memory_space<vmem>>
        %dma_start3A_1772 = tpu.memref_squeeze %dma_start3A_1771 : memref<1x8x128xf32, #tpu.memory_space<vmem>> -> memref<8x128xf32, #tpu.memory_space<vmem>>
        %dma_start3A_1773 = arith.constant 16 : i32
        %dma_start3A_1774 = tpu.memref_slice %arg5[%dma_start3A_1773, %multiple_of3A_1702] : memref<32x1000000xf32, #tpu.memory_space<hbm>> -> memref<8x128xf32, #tpu.memory_space<hbm>>
        %dma_start3A_1775 = arith.constant 16 : i32
        %dma_start3A_1776 = arith.constant 0 : i32
        %dma_start3A_1777 = tpu.memref_slice %arg8[%dma_start3A_1768, %dma_start3A_1775, %dma_start3A_1776] : memref<8x32x128xf32, #tpu.memory_space<vmem>> -> memref<1x8x128xf32, #tpu.memory_space<vmem>>
        %dma_start3A_1778 = tpu.memref_squeeze %dma_start3A_1777 : memref<1x8x128xf32, #tpu.memory_space<vmem>> -> memref<8x128xf32, #tpu.memory_space<vmem>>
        %dma_start3A_1779 = arith.constant 16 : i32
        %dma_start3A_1780 = tpu.memref_slice %arg5[%dma_start3A_1779, %multiple_of3A_1702] : memref<32x1000000xf32, #tpu.memory_space<hbm>> -> memref<8x128xf32, #tpu.memory_space<hbm>>
        tpu.enqueue_dma source(%dma_start3A_1780 : memref<8x128xf32, #tpu.memory_space<hbm>>) target(%dma_start3A_1778 : memref<8x128xf32, #tpu.memory_space<vmem>>) target_semaphore(%arg25 : memref<!tpu.dma_semaphore, #tpu.memory_space<semaphore_mem>>)
        %dma_start3A_1781 = arith.constant 4 : i32
        %dma_start3A_1782 = arith.constant 24 : i32
        %dma_start3A_1783 = arith.constant 0 : i32
        %dma_start3A_1784 = tpu.memref_slice %arg7[%dma_start3A_1781, %dma_start3A_1782, %dma_start3A_1783] : memref<8x32x128xf32, #tpu.memory_space<vmem>> -> memref<1x8x128xf32, #tpu.memory_space<vmem>>
        %dma_start3A_1785 = tpu.memref_squeeze %dma_start3A_1784 : memref<1x8x128xf32, #tpu.memory_space<vmem>> -> memref<8x128xf32, #tpu.memory_space<vmem>>
        %dma_start3A_1786 = arith.constant 24 : i32
        %dma_start3A_1787 = tpu.memref_slice %arg4[%dma_start3A_1786, %multiple_of3A_1699] : memref<32x1000000xf32, #tpu.memory_space<hbm>> -> memref<8x128xf32, #tpu.memory_space<hbm>>
        %dma_start3A_1788 = arith.constant 24 : i32
        %dma_start3A_1789 = arith.constant 0 : i32
        %dma_start3A_1790 = tpu.memref_slice %arg7[%dma_start3A_1781, %dma_start3A_1788, %dma_start3A_1789] : memref<8x32x128xf32, #tpu.memory_space<vmem>> -> memref<1x8x128xf32, #tpu.memory_space<vmem>>
        %dma_start3A_1791 = tpu.memref_squeeze %dma_start3A_1790 : memref<1x8x128xf32, #tpu.memory_space<vmem>> -> memref<8x128xf32, #tpu.memory_space<vmem>>
        %dma_start3A_1792 = arith.constant 24 : i32
        %dma_start3A_1793 = tpu.memref_slice %arg4[%dma_start3A_1792, %multiple_of3A_1699] : memref<32x1000000xf32, #tpu.memory_space<hbm>> -> memref<8x128xf32, #tpu.memory_space<hbm>>
        tpu.enqueue_dma source(%dma_start3A_1793 : memref<8x128xf32, #tpu.memory_space<hbm>>) target(%dma_start3A_1791 : memref<8x128xf32, #tpu.memory_space<vmem>>) target_semaphore(%arg17 : memref<!tpu.dma_semaphore, #tpu.memory_space<semaphore_mem>>)
        %dma_start3A_1794 = arith.constant 4 : i32
        %dma_start3A_1795 = arith.constant 24 : i32
        %dma_start3A_1796 = arith.constant 0 : i32
        %dma_start3A_1797 = tpu.memref_slice %arg8[%dma_start3A_1794, %dma_start3A_1795, %dma_start3A_1796] : memref<8x32x128xf32, #tpu.memory_space<vmem>> -> memref<1x8x128xf32, #tpu.memory_space<vmem>>
        %dma_start3A_1798 = tpu.memref_squeeze %dma_start3A_1797 : memref<1x8x128xf32, #tpu.memory_space<vmem>> -> memref<8x128xf32, #tpu.memory_space<vmem>>
        %dma_start3A_1799 = arith.constant 24 : i32
        %dma_start3A_1800 = tpu.memref_slice %arg5[%dma_start3A_1799, %multiple_of3A_1702] : memref<32x1000000xf32, #tpu.memory_space<hbm>> -> memref<8x128xf32, #tpu.memory_space<hbm>>
        %dma_start3A_1801 = arith.constant 24 : i32
        %dma_start3A_1802 = arith.constant 0 : i32
        %dma_start3A_1803 = tpu.memref_slice %arg8[%dma_start3A_1794, %dma_start3A_1801, %dma_start3A_1802] : memref<8x32x128xf32, #tpu.memory_space<vmem>> -> memref<1x8x128xf32, #tpu.memory_space<vmem>>
        %dma_start3A_1804 = tpu.memref_squeeze %dma_start3A_1803 : memref<1x8x128xf32, #tpu.memory_space<vmem>> -> memref<8x128xf32, #tpu.memory_space<vmem>>
        %dma_start3A_1805 = arith.constant 24 : i32
        %dma_start3A_1806 = tpu.memref_slice %arg5[%dma_start3A_1805, %multiple_of3A_1702] : memref<32x1000000xf32, #tpu.memory_space<hbm>> -> memref<8x128xf32, #tpu.memory_space<hbm>>
        tpu.enqueue_dma source(%dma_start3A_1806 : memref<8x128xf32, #tpu.memory_space<hbm>>) target(%dma_start3A_1804 : memref<8x128xf32, #tpu.memory_space<vmem>>) target_semaphore(%arg25 : memref<!tpu.dma_semaphore, #tpu.memory_space<semaphore_mem>>)
      } else {
      }
      %mul3A_1393 = arith.constant 8 : i32
      %mul3A_1394 = arith.muli %add3A_949, %mul3A_1393 : i32
      %add3A_1395 = arith.constant 5 : i32
      %add3A_1396 = arith.addi %mul3A_1394, %add3A_1395 : i32
      %dma_wait3A_1397 = arith.constant 5 : i32
      %dma_wait3A_1398 = arith.constant 0 : i32
      %dma_wait3A_1399 = arith.constant 0 : i32
      %dma_wait3A_1400 = tpu.memref_slice %arg7[%dma_wait3A_1397, %dma_wait3A_1398, %dma_wait3A_1399] : memref<8x32x128xf32, #tpu.memory_space<vmem>> -> memref<1x32x128xf32, #tpu.memory_space<vmem>>
      %dma_wait3A_1401 = tpu.memref_squeeze %dma_wait3A_1400 : memref<1x32x128xf32, #tpu.memory_space<vmem>> -> memref<32x128xf32, #tpu.memory_space<vmem>>
      %dma_wait3A_1402 = arith.constant 0 : i32
      %dma_wait3A_1403 = arith.constant 0 : i32
      %dma_wait3A_1404 = tpu.memref_slice %arg4[%dma_wait3A_1402, %dma_wait3A_1403] : memref<32x1000000xf32, #tpu.memory_space<hbm>> -> memref<32x128xf32, #tpu.memory_space<hbm>>
      %dma_wait3A_1405 = arith.constant 0 : i32
      %dma_wait3A_1406 = arith.constant 0 : i32
      %dma_wait3A_1407 = tpu.memref_slice %arg7[%dma_wait3A_1397, %dma_wait3A_1405, %dma_wait3A_1406] : memref<8x32x128xf32, #tpu.memory_space<vmem>> -> memref<1x32x128xf32, #tpu.memory_space<vmem>>
      %dma_wait3A_1408 = tpu.memref_squeeze %dma_wait3A_1407 : memref<1x32x128xf32, #tpu.memory_space<vmem>> -> memref<32x128xf32, #tpu.memory_space<vmem>>
      %dma_wait3A_1409 = arith.constant 0 : i32
      %dma_wait3A_1410 = arith.constant 0 : i32
      %dma_wait3A_1411 = tpu.memref_slice %arg4[%dma_wait3A_1409, %dma_wait3A_1410] : memref<32x1000000xf32, #tpu.memory_space<hbm>> -> memref<32x128xf32, #tpu.memory_space<hbm>>
      tpu.wait_dma2 semaphore(%arg18 : memref<!tpu.dma_semaphore, #tpu.memory_space<semaphore_mem>>) src(%dma_wait3A_1411 : memref<32x128xf32, #tpu.memory_space<hbm>>) dst(%dma_wait3A_1408 : memref<32x128xf32, #tpu.memory_space<vmem>>)
      %dma_wait3A_1412 = arith.constant 5 : i32
      %dma_wait3A_1413 = arith.constant 0 : i32
      %dma_wait3A_1414 = arith.constant 0 : i32
      %dma_wait3A_1415 = tpu.memref_slice %arg8[%dma_wait3A_1412, %dma_wait3A_1413, %dma_wait3A_1414] : memref<8x32x128xf32, #tpu.memory_space<vmem>> -> memref<1x32x128xf32, #tpu.memory_space<vmem>>
      %dma_wait3A_1416 = tpu.memref_squeeze %dma_wait3A_1415 : memref<1x32x128xf32, #tpu.memory_space<vmem>> -> memref<32x128xf32, #tpu.memory_space<vmem>>
      %dma_wait3A_1417 = arith.constant 0 : i32
      %dma_wait3A_1418 = arith.constant 0 : i32
      %dma_wait3A_1419 = tpu.memref_slice %arg5[%dma_wait3A_1417, %dma_wait3A_1418] : memref<32x1000000xf32, #tpu.memory_space<hbm>> -> memref<32x128xf32, #tpu.memory_space<hbm>>
      %dma_wait3A_1420 = arith.constant 0 : i32
      %dma_wait3A_1421 = arith.constant 0 : i32
      %dma_wait3A_1422 = tpu.memref_slice %arg8[%dma_wait3A_1412, %dma_wait3A_1420, %dma_wait3A_1421] : memref<8x32x128xf32, #tpu.memory_space<vmem>> -> memref<1x32x128xf32, #tpu.memory_space<vmem>>
      %dma_wait3A_1423 = tpu.memref_squeeze %dma_wait3A_1422 : memref<1x32x128xf32, #tpu.memory_space<vmem>> -> memref<32x128xf32, #tpu.memory_space<vmem>>
      %dma_wait3A_1424 = arith.constant 0 : i32
      %dma_wait3A_1425 = arith.constant 0 : i32
      %dma_wait3A_1426 = tpu.memref_slice %arg5[%dma_wait3A_1424, %dma_wait3A_1425] : memref<32x1000000xf32, #tpu.memory_space<hbm>> -> memref<32x128xf32, #tpu.memory_space<hbm>>
      tpu.wait_dma2 semaphore(%arg26 : memref<!tpu.dma_semaphore, #tpu.memory_space<semaphore_mem>>) src(%dma_wait3A_1426 : memref<32x128xf32, #tpu.memory_space<hbm>>) dst(%dma_wait3A_1423 : memref<32x128xf32, #tpu.memory_space<vmem>>)
      %get3A_1427 = arith.index_cast %add3A_1396 : i32 to index
      %get3A_1428 = tpu.vector_load %arg11[%get3A_1427] {strides = array<i32>} : memref<528xi32, #tpu.memory_space<vmem>>, vector<16xi32>,
      %slice3A_1429 = vector.extract_strided_slice %get3A_1428 {offsets = [0], sizes = [1], strides = [1]} : vector<16xi32> to vector<1xi32>
      %squeeze3A_1430 = vector.extract %slice3A_1429[0] : i32 from vector<1xi32>
      %and3A_1431 = arith.constant 127 : i32
      %and3A_1432 = arith.andi %squeeze3A_1430, %and3A_1431 : i32
      %broadcast_in_dim3A_1433 = vector.broadcast %and3A_1432 : i32 to vector<16xi32>
      %get3A_1434 = arith.index_cast %add3A_1396 : i32 to index
      %get3A_1435 = tpu.vector_load %arg12[%get3A_1434] {strides = array<i32>} : memref<528xi32, #tpu.memory_space<vmem>>, vector<16xi32>,
      %slice3A_1436 = vector.extract_strided_slice %get3A_1435 {offsets = [0], sizes = [1], strides = [1]} : vector<16xi32> to vector<1xi32>
      %squeeze3A_1437 = vector.extract %slice3A_1436[0] : i32 from vector<1xi32>
      %and3A_1438 = arith.constant 127 : i32
      %and3A_1439 = arith.andi %squeeze3A_1437, %and3A_1438 : i32
      %broadcast_in_dim3A_1440 = vector.broadcast %and3A_1439 : i32 to vector<16xi32>
      %broadcast_in_dim3A_1441 = arith.constant 5 : i32
      %broadcast_in_dim3A_1442 = vector.broadcast %broadcast_in_dim3A_1441 : i32 to vector<16xi32>
      %gather3A_1443 = tpu.vector_load_idx %arg7[%broadcast_in_dim3A_1442, %iota3A, %broadcast_in_dim3A_1433] : memref<8x32x128xf32, #tpu.memory_space<vmem>>[vector<16xi32>, vector<16xi32>, vector<16xi32>], vector<16xf32>,
      %add3A_1444 = arith.constant 16 : i32
      %add3A_1445 = vector.broadcast %add3A_1444 : i32 to vector<16xi32>
      %add3A_1446 = arith.addi %iota3A, %add3A_1445 : vector<16xi32>
      %gather3A_1447 = tpu.vector_load_idx %arg7[%broadcast_in_dim3A_1442, %add3A_1446, %broadcast_in_dim3A_1433] : memref<8x32x128xf32, #tpu.memory_space<vmem>>[vector<16xi32>, vector<16xi32>, vector<16xi32>], vector<16xf32>,
      %gather3A_1448 = tpu.vector_load_idx %arg8[%broadcast_in_dim3A_1442, %iota3A, %broadcast_in_dim3A_1440] : memref<8x32x128xf32, #tpu.memory_space<vmem>>[vector<16xi32>, vector<16xi32>, vector<16xi32>], vector<16xf32>,
      %add3A_1449 = arith.constant 16 : i32
      %add3A_1450 = vector.broadcast %add3A_1449 : i32 to vector<16xi32>
      %add3A_1451 = arith.addi %iota3A, %add3A_1450 : vector<16xi32>
      %gather3A_1452 = tpu.vector_load_idx %arg8[%broadcast_in_dim3A_1442, %add3A_1451, %broadcast_in_dim3A_1440] : memref<8x32x128xf32, #tpu.memory_space<vmem>>[vector<16xi32>, vector<16xi32>, vector<16xi32>], vector<16xf32>,
      %mul3A_1453 = arith.mulf %gather3A_1443, %gather3A_1448 : vector<16xf32>
      %mul3A_1454 = arith.mulf %gather3A_1447, %gather3A_1452 : vector<16xf32>
      %add3A_1455 = arith.addf %mul3A_1453, %mul3A_1454 : vector<16xf32>
      %jit3A_1456 = arith.constant 2 : i32
      %eq3A_1457 = arith.constant 0 : i32
      %eq3A_1458 = arith.cmpi eq, %jit3A_1456, %eq3A_1457 : i32
      %jit3A_1459 = arith.constant 1 : i32
      %select_n3A_1460 = arith.select %eq3A_1458, %jit3A_1459, %jit3A_1456 : i32
      %rem3A_1461 = arith.remsi %add3A_949, %select_n3A_1460 : i32
      %ne3A_1462 = arith.constant 0 : i32
      %ne3A_1463 = arith.cmpi ne, %rem3A_1461, %ne3A_1462 : i32
      %lt3A_1464 = arith.constant 0 : i32
      %lt3A_1465 = arith.cmpi slt, %rem3A_1461, %lt3A_1464 : i32
      %lt3A_1466 = arith.constant 0 : i32
      %lt3A_1467 = arith.cmpi slt, %select_n3A_1460, %lt3A_1466 : i32
      %ne3A_1468 = arith.xori %lt3A_1465, %lt3A_1467 : i1
      %and3A_1469 = arith.andi %ne3A_1468, %ne3A_1463 : i1
      %add3A_1470 = arith.addi %rem3A_1461, %select_n3A_1460 : i32
      %select_n3A_1471 = arith.select %and3A_1469, %add3A_1470, %rem3A_1461 : i32
      %mul3A_1472 = arith.constant 8 : i32
      %mul3A_1473 = arith.muli %select_n3A_1471, %mul3A_1472 : i32
      %add3A_1474 = arith.constant 5 : i32
      %add3A_1475 = arith.addi %mul3A_1473, %add3A_1474 : i32
      %swap3A_1476 = arith.index_cast %add3A_1475 : i32 to index
      %swap3A_1477 = arith.constant 0 : index
      %swap3A_1478 = tpu.vector_load %arg9[%swap3A_1476, %swap3A_1477] {strides = array<i32>} : memref<16x16xf32, #tpu.memory_space<vmem>>, vector<16xf32>,
      tpu.vector_store %arg9[%swap3A_1476, %swap3A_1477], %add3A_1455 {strides = array<i32>} : memref<16x16xf32, #tpu.memory_space<vmem>>, vector<16xf32>,
      %lt3A_1479 = arith.constant 63 : i32
      %lt3A_1480 = arith.cmpi slt, %add3A_949, %lt3A_1479 : i32
      %convert_element_type3A_1481 = arith.extui %lt3A_1480 : i1 to i32
      %cond3A_1482 = arith.constant 0 : i32
      %cond3A_1483 = arith.cmpi ne, %convert_element_type3A_1481, %cond3A_1482 : i32
      scf.if %cond3A_1483 {
        %add3A_1687 = arith.constant 8 : i32
        %add3A_1688 = arith.addi %add3A_1396, %add3A_1687 : i32
        %get3A_1689 = arith.index_cast %add3A_1688 : i32 to index
        %get3A_1690 = tpu.vector_load %arg11[%get3A_1689] {strides = array<i32>} : memref<528xi32, #tpu.memory_space<vmem>>, vector<16xi32>,
        %slice3A_1691 = vector.extract_strided_slice %get3A_1690 {offsets = [0], sizes = [1], strides = [1]} : vector<16xi32> to vector<1xi32>
        %squeeze3A_1692 = vector.extract %slice3A_1691[0] : i32 from vector<1xi32>
        %get3A_1693 = arith.index_cast %add3A_1688 : i32 to index
        %get3A_1694 = tpu.vector_load %arg12[%get3A_1693] {strides = array<i32>} : memref<528xi32, #tpu.memory_space<vmem>>, vector<16xi32>,
        %slice3A_1695 = vector.extract_strided_slice %get3A_1694 {offsets = [0], sizes = [1], strides = [1]} : vector<16xi32> to vector<1xi32>
        %squeeze3A_1696 = vector.extract %slice3A_1695[0] : i32 from vector<1xi32>
        %and3A_1697 = arith.constant -128 : i32
        %and3A_1698 = arith.andi %squeeze3A_1692, %and3A_1697 : i32
        %multiple_of3A_1699 = tpu.assume_multiple %and3A_1698, 128 : i32
        %and3A_1700 = arith.constant -128 : i32
        %and3A_1701 = arith.andi %squeeze3A_1696, %and3A_1700 : i32
        %multiple_of3A_1702 = tpu.assume_multiple %and3A_1701, 128 : i32
        %dma_start3A_1703 = arith.constant 5 : i32
        %dma_start3A_1704 = arith.constant 0 : i32
        %dma_start3A_1705 = arith.constant 0 : i32
        %dma_start3A_1706 = tpu.memref_slice %arg7[%dma_start3A_1703, %dma_start3A_1704, %dma_start3A_1705] : memref<8x32x128xf32, #tpu.memory_space<vmem>> -> memref<1x8x128xf32, #tpu.memory_space<vmem>>
        %dma_start3A_1707 = tpu.memref_squeeze %dma_start3A_1706 : memref<1x8x128xf32, #tpu.memory_space<vmem>> -> memref<8x128xf32, #tpu.memory_space<vmem>>
        %dma_start3A_1708 = arith.constant 0 : i32
        %dma_start3A_1709 = tpu.memref_slice %arg4[%dma_start3A_1708, %multiple_of3A_1699] : memref<32x1000000xf32, #tpu.memory_space<hbm>> -> memref<8x128xf32, #tpu.memory_space<hbm>>
        %dma_start3A_1710 = arith.constant 0 : i32
        %dma_start3A_1711 = arith.constant 0 : i32
        %dma_start3A_1712 = tpu.memref_slice %arg7[%dma_start3A_1703, %dma_start3A_1710, %dma_start3A_1711] : memref<8x32x128xf32, #tpu.memory_space<vmem>> -> memref<1x8x128xf32, #tpu.memory_space<vmem>>
        %dma_start3A_1713 = tpu.memref_squeeze %dma_start3A_1712 : memref<1x8x128xf32, #tpu.memory_space<vmem>> -> memref<8x128xf32, #tpu.memory_space<vmem>>
        %dma_start3A_1714 = arith.constant 0 : i32
        %dma_start3A_1715 = tpu.memref_slice %arg4[%dma_start3A_1714, %multiple_of3A_1699] : memref<32x1000000xf32, #tpu.memory_space<hbm>> -> memref<8x128xf32, #tpu.memory_space<hbm>>
        tpu.enqueue_dma source(%dma_start3A_1715 : memref<8x128xf32, #tpu.memory_space<hbm>>) target(%dma_start3A_1713 : memref<8x128xf32, #tpu.memory_space<vmem>>) target_semaphore(%arg18 : memref<!tpu.dma_semaphore, #tpu.memory_space<semaphore_mem>>)
        %dma_start3A_1716 = arith.constant 5 : i32
        %dma_start3A_1717 = arith.constant 0 : i32
        %dma_start3A_1718 = arith.constant 0 : i32
        %dma_start3A_1719 = tpu.memref_slice %arg8[%dma_start3A_1716, %dma_start3A_1717, %dma_start3A_1718] : memref<8x32x128xf32, #tpu.memory_space<vmem>> -> memref<1x8x128xf32, #tpu.memory_space<vmem>>
        %dma_start3A_1720 = tpu.memref_squeeze %dma_start3A_1719 : memref<1x8x128xf32, #tpu.memory_space<vmem>> -> memref<8x128xf32, #tpu.memory_space<vmem>>
        %dma_start3A_1721 = arith.constant 0 : i32
        %dma_start3A_1722 = tpu.memref_slice %arg5[%dma_start3A_1721, %multiple_of3A_1702] : memref<32x1000000xf32, #tpu.memory_space<hbm>> -> memref<8x128xf32, #tpu.memory_space<hbm>>
        %dma_start3A_1723 = arith.constant 0 : i32
        %dma_start3A_1724 = arith.constant 0 : i32
        %dma_start3A_1725 = tpu.memref_slice %arg8[%dma_start3A_1716, %dma_start3A_1723, %dma_start3A_1724] : memref<8x32x128xf32, #tpu.memory_space<vmem>> -> memref<1x8x128xf32, #tpu.memory_space<vmem>>
        %dma_start3A_1726 = tpu.memref_squeeze %dma_start3A_1725 : memref<1x8x128xf32, #tpu.memory_space<vmem>> -> memref<8x128xf32, #tpu.memory_space<vmem>>
        %dma_start3A_1727 = arith.constant 0 : i32
        %dma_start3A_1728 = tpu.memref_slice %arg5[%dma_start3A_1727, %multiple_of3A_1702] : memref<32x1000000xf32, #tpu.memory_space<hbm>> -> memref<8x128xf32, #tpu.memory_space<hbm>>
        tpu.enqueue_dma source(%dma_start3A_1728 : memref<8x128xf32, #tpu.memory_space<hbm>>) target(%dma_start3A_1726 : memref<8x128xf32, #tpu.memory_space<vmem>>) target_semaphore(%arg26 : memref<!tpu.dma_semaphore, #tpu.memory_space<semaphore_mem>>)
        %dma_start3A_1729 = arith.constant 5 : i32
        %dma_start3A_1730 = arith.constant 8 : i32
        %dma_start3A_1731 = arith.constant 0 : i32
        %dma_start3A_1732 = tpu.memref_slice %arg7[%dma_start3A_1729, %dma_start3A_1730, %dma_start3A_1731] : memref<8x32x128xf32, #tpu.memory_space<vmem>> -> memref<1x8x128xf32, #tpu.memory_space<vmem>>
        %dma_start3A_1733 = tpu.memref_squeeze %dma_start3A_1732 : memref<1x8x128xf32, #tpu.memory_space<vmem>> -> memref<8x128xf32, #tpu.memory_space<vmem>>
        %dma_start3A_1734 = arith.constant 8 : i32
        %dma_start3A_1735 = tpu.memref_slice %arg4[%dma_start3A_1734, %multiple_of3A_1699] : memref<32x1000000xf32, #tpu.memory_space<hbm>> -> memref<8x128xf32, #tpu.memory_space<hbm>>
        %dma_start3A_1736 = arith.constant 8 : i32
        %dma_start3A_1737 = arith.constant 0 : i32
        %dma_start3A_1738 = tpu.memref_slice %arg7[%dma_start3A_1729, %dma_start3A_1736, %dma_start3A_1737] : memref<8x32x128xf32, #tpu.memory_space<vmem>> -> memref<1x8x128xf32, #tpu.memory_space<vmem>>
        %dma_start3A_1739 = tpu.memref_squeeze %dma_start3A_1738 : memref<1x8x128xf32, #tpu.memory_space<vmem>> -> memref<8x128xf32, #tpu.memory_space<vmem>>
        %dma_start3A_1740 = arith.constant 8 : i32
        %dma_start3A_1741 = tpu.memref_slice %arg4[%dma_start3A_1740, %multiple_of3A_1699] : memref<32x1000000xf32, #tpu.memory_space<hbm>> -> memref<8x128xf32, #tpu.memory_space<hbm>>
        tpu.enqueue_dma source(%dma_start3A_1741 : memref<8x128xf32, #tpu.memory_space<hbm>>) target(%dma_start3A_1739 : memref<8x128xf32, #tpu.memory_space<vmem>>) target_semaphore(%arg18 : memref<!tpu.dma_semaphore, #tpu.memory_space<semaphore_mem>>)
        %dma_start3A_1742 = arith.constant 5 : i32
        %dma_start3A_1743 = arith.constant 8 : i32
        %dma_start3A_1744 = arith.constant 0 : i32
        %dma_start3A_1745 = tpu.memref_slice %arg8[%dma_start3A_1742, %dma_start3A_1743, %dma_start3A_1744] : memref<8x32x128xf32, #tpu.memory_space<vmem>> -> memref<1x8x128xf32, #tpu.memory_space<vmem>>
        %dma_start3A_1746 = tpu.memref_squeeze %dma_start3A_1745 : memref<1x8x128xf32, #tpu.memory_space<vmem>> -> memref<8x128xf32, #tpu.memory_space<vmem>>
        %dma_start3A_1747 = arith.constant 8 : i32
        %dma_start3A_1748 = tpu.memref_slice %arg5[%dma_start3A_1747, %multiple_of3A_1702] : memref<32x1000000xf32, #tpu.memory_space<hbm>> -> memref<8x128xf32, #tpu.memory_space<hbm>>
        %dma_start3A_1749 = arith.constant 8 : i32
        %dma_start3A_1750 = arith.constant 0 : i32
        %dma_start3A_1751 = tpu.memref_slice %arg8[%dma_start3A_1742, %dma_start3A_1749, %dma_start3A_1750] : memref<8x32x128xf32, #tpu.memory_space<vmem>> -> memref<1x8x128xf32, #tpu.memory_space<vmem>>
        %dma_start3A_1752 = tpu.memref_squeeze %dma_start3A_1751 : memref<1x8x128xf32, #tpu.memory_space<vmem>> -> memref<8x128xf32, #tpu.memory_space<vmem>>
        %dma_start3A_1753 = arith.constant 8 : i32
        %dma_start3A_1754 = tpu.memref_slice %arg5[%dma_start3A_1753, %multiple_of3A_1702] : memref<32x1000000xf32, #tpu.memory_space<hbm>> -> memref<8x128xf32, #tpu.memory_space<hbm>>
        tpu.enqueue_dma source(%dma_start3A_1754 : memref<8x128xf32, #tpu.memory_space<hbm>>) target(%dma_start3A_1752 : memref<8x128xf32, #tpu.memory_space<vmem>>) target_semaphore(%arg26 : memref<!tpu.dma_semaphore, #tpu.memory_space<semaphore_mem>>)
        %dma_start3A_1755 = arith.constant 5 : i32
        %dma_start3A_1756 = arith.constant 16 : i32
        %dma_start3A_1757 = arith.constant 0 : i32
        %dma_start3A_1758 = tpu.memref_slice %arg7[%dma_start3A_1755, %dma_start3A_1756, %dma_start3A_1757] : memref<8x32x128xf32, #tpu.memory_space<vmem>> -> memref<1x8x128xf32, #tpu.memory_space<vmem>>
        %dma_start3A_1759 = tpu.memref_squeeze %dma_start3A_1758 : memref<1x8x128xf32, #tpu.memory_space<vmem>> -> memref<8x128xf32, #tpu.memory_space<vmem>>
        %dma_start3A_1760 = arith.constant 16 : i32
        %dma_start3A_1761 = tpu.memref_slice %arg4[%dma_start3A_1760, %multiple_of3A_1699] : memref<32x1000000xf32, #tpu.memory_space<hbm>> -> memref<8x128xf32, #tpu.memory_space<hbm>>
        %dma_start3A_1762 = arith.constant 16 : i32
        %dma_start3A_1763 = arith.constant 0 : i32
        %dma_start3A_1764 = tpu.memref_slice %arg7[%dma_start3A_1755, %dma_start3A_1762, %dma_start3A_1763] : memref<8x32x128xf32, #tpu.memory_space<vmem>> -> memref<1x8x128xf32, #tpu.memory_space<vmem>>
        %dma_start3A_1765 = tpu.memref_squeeze %dma_start3A_1764 : memref<1x8x128xf32, #tpu.memory_space<vmem>> -> memref<8x128xf32, #tpu.memory_space<vmem>>
        %dma_start3A_1766 = arith.constant 16 : i32
        %dma_start3A_1767 = tpu.memref_slice %arg4[%dma_start3A_1766, %multiple_of3A_1699] : memref<32x1000000xf32, #tpu.memory_space<hbm>> -> memref<8x128xf32, #tpu.memory_space<hbm>>
        tpu.enqueue_dma source(%dma_start3A_1767 : memref<8x128xf32, #tpu.memory_space<hbm>>) target(%dma_start3A_1765 : memref<8x128xf32, #tpu.memory_space<vmem>>) target_semaphore(%arg18 : memref<!tpu.dma_semaphore, #tpu.memory_space<semaphore_mem>>)
        %dma_start3A_1768 = arith.constant 5 : i32
        %dma_start3A_1769 = arith.constant 16 : i32
        %dma_start3A_1770 = arith.constant 0 : i32
        %dma_start3A_1771 = tpu.memref_slice %arg8[%dma_start3A_1768, %dma_start3A_1769, %dma_start3A_1770] : memref<8x32x128xf32, #tpu.memory_space<vmem>> -> memref<1x8x128xf32, #tpu.memory_space<vmem>>
        %dma_start3A_1772 = tpu.memref_squeeze %dma_start3A_1771 : memref<1x8x128xf32, #tpu.memory_space<vmem>> -> memref<8x128xf32, #tpu.memory_space<vmem>>
        %dma_start3A_1773 = arith.constant 16 : i32
        %dma_start3A_1774 = tpu.memref_slice %arg5[%dma_start3A_1773, %multiple_of3A_1702] : memref<32x1000000xf32, #tpu.memory_space<hbm>> -> memref<8x128xf32, #tpu.memory_space<hbm>>
        %dma_start3A_1775 = arith.constant 16 : i32
        %dma_start3A_1776 = arith.constant 0 : i32
        %dma_start3A_1777 = tpu.memref_slice %arg8[%dma_start3A_1768, %dma_start3A_1775, %dma_start3A_1776] : memref<8x32x128xf32, #tpu.memory_space<vmem>> -> memref<1x8x128xf32, #tpu.memory_space<vmem>>
        %dma_start3A_1778 = tpu.memref_squeeze %dma_start3A_1777 : memref<1x8x128xf32, #tpu.memory_space<vmem>> -> memref<8x128xf32, #tpu.memory_space<vmem>>
        %dma_start3A_1779 = arith.constant 16 : i32
        %dma_start3A_1780 = tpu.memref_slice %arg5[%dma_start3A_1779, %multiple_of3A_1702] : memref<32x1000000xf32, #tpu.memory_space<hbm>> -> memref<8x128xf32, #tpu.memory_space<hbm>>
        tpu.enqueue_dma source(%dma_start3A_1780 : memref<8x128xf32, #tpu.memory_space<hbm>>) target(%dma_start3A_1778 : memref<8x128xf32, #tpu.memory_space<vmem>>) target_semaphore(%arg26 : memref<!tpu.dma_semaphore, #tpu.memory_space<semaphore_mem>>)
        %dma_start3A_1781 = arith.constant 5 : i32
        %dma_start3A_1782 = arith.constant 24 : i32
        %dma_start3A_1783 = arith.constant 0 : i32
        %dma_start3A_1784 = tpu.memref_slice %arg7[%dma_start3A_1781, %dma_start3A_1782, %dma_start3A_1783] : memref<8x32x128xf32, #tpu.memory_space<vmem>> -> memref<1x8x128xf32, #tpu.memory_space<vmem>>
        %dma_start3A_1785 = tpu.memref_squeeze %dma_start3A_1784 : memref<1x8x128xf32, #tpu.memory_space<vmem>> -> memref<8x128xf32, #tpu.memory_space<vmem>>
        %dma_start3A_1786 = arith.constant 24 : i32
        %dma_start3A_1787 = tpu.memref_slice %arg4[%dma_start3A_1786, %multiple_of3A_1699] : memref<32x1000000xf32, #tpu.memory_space<hbm>> -> memref<8x128xf32, #tpu.memory_space<hbm>>
        %dma_start3A_1788 = arith.constant 24 : i32
        %dma_start3A_1789 = arith.constant 0 : i32
        %dma_start3A_1790 = tpu.memref_slice %arg7[%dma_start3A_1781, %dma_start3A_1788, %dma_start3A_1789] : memref<8x32x128xf32, #tpu.memory_space<vmem>> -> memref<1x8x128xf32, #tpu.memory_space<vmem>>
        %dma_start3A_1791 = tpu.memref_squeeze %dma_start3A_1790 : memref<1x8x128xf32, #tpu.memory_space<vmem>> -> memref<8x128xf32, #tpu.memory_space<vmem>>
        %dma_start3A_1792 = arith.constant 24 : i32
        %dma_start3A_1793 = tpu.memref_slice %arg4[%dma_start3A_1792, %multiple_of3A_1699] : memref<32x1000000xf32, #tpu.memory_space<hbm>> -> memref<8x128xf32, #tpu.memory_space<hbm>>
        tpu.enqueue_dma source(%dma_start3A_1793 : memref<8x128xf32, #tpu.memory_space<hbm>>) target(%dma_start3A_1791 : memref<8x128xf32, #tpu.memory_space<vmem>>) target_semaphore(%arg18 : memref<!tpu.dma_semaphore, #tpu.memory_space<semaphore_mem>>)
        %dma_start3A_1794 = arith.constant 5 : i32
        %dma_start3A_1795 = arith.constant 24 : i32
        %dma_start3A_1796 = arith.constant 0 : i32
        %dma_start3A_1797 = tpu.memref_slice %arg8[%dma_start3A_1794, %dma_start3A_1795, %dma_start3A_1796] : memref<8x32x128xf32, #tpu.memory_space<vmem>> -> memref<1x8x128xf32, #tpu.memory_space<vmem>>
        %dma_start3A_1798 = tpu.memref_squeeze %dma_start3A_1797 : memref<1x8x128xf32, #tpu.memory_space<vmem>> -> memref<8x128xf32, #tpu.memory_space<vmem>>
        %dma_start3A_1799 = arith.constant 24 : i32
        %dma_start3A_1800 = tpu.memref_slice %arg5[%dma_start3A_1799, %multiple_of3A_1702] : memref<32x1000000xf32, #tpu.memory_space<hbm>> -> memref<8x128xf32, #tpu.memory_space<hbm>>
        %dma_start3A_1801 = arith.constant 24 : i32
        %dma_start3A_1802 = arith.constant 0 : i32
        %dma_start3A_1803 = tpu.memref_slice %arg8[%dma_start3A_1794, %dma_start3A_1801, %dma_start3A_1802] : memref<8x32x128xf32, #tpu.memory_space<vmem>> -> memref<1x8x128xf32, #tpu.memory_space<vmem>>
        %dma_start3A_1804 = tpu.memref_squeeze %dma_start3A_1803 : memref<1x8x128xf32, #tpu.memory_space<vmem>> -> memref<8x128xf32, #tpu.memory_space<vmem>>
        %dma_start3A_1805 = arith.constant 24 : i32
        %dma_start3A_1806 = tpu.memref_slice %arg5[%dma_start3A_1805, %multiple_of3A_1702] : memref<32x1000000xf32, #tpu.memory_space<hbm>> -> memref<8x128xf32, #tpu.memory_space<hbm>>
        tpu.enqueue_dma source(%dma_start3A_1806 : memref<8x128xf32, #tpu.memory_space<hbm>>) target(%dma_start3A_1804 : memref<8x128xf32, #tpu.memory_space<vmem>>) target_semaphore(%arg26 : memref<!tpu.dma_semaphore, #tpu.memory_space<semaphore_mem>>)
      } else {
      }
      %mul3A_1484 = arith.constant 8 : i32
      %mul3A_1485 = arith.muli %add3A_949, %mul3A_1484 : i32
      %add3A_1486 = arith.constant 6 : i32
      %add3A_1487 = arith.addi %mul3A_1485, %add3A_1486 : i32
      %dma_wait3A_1488 = arith.constant 6 : i32
      %dma_wait3A_1489 = arith.constant 0 : i32
      %dma_wait3A_1490 = arith.constant 0 : i32
      %dma_wait3A_1491 = tpu.memref_slice %arg7[%dma_wait3A_1488, %dma_wait3A_1489, %dma_wait3A_1490] : memref<8x32x128xf32, #tpu.memory_space<vmem>> -> memref<1x32x128xf32, #tpu.memory_space<vmem>>
      %dma_wait3A_1492 = tpu.memref_squeeze %dma_wait3A_1491 : memref<1x32x128xf32, #tpu.memory_space<vmem>> -> memref<32x128xf32, #tpu.memory_space<vmem>>
      %dma_wait3A_1493 = arith.constant 0 : i32
      %dma_wait3A_1494 = arith.constant 0 : i32
      %dma_wait3A_1495 = tpu.memref_slice %arg4[%dma_wait3A_1493, %dma_wait3A_1494] : memref<32x1000000xf32, #tpu.memory_space<hbm>> -> memref<32x128xf32, #tpu.memory_space<hbm>>
      %dma_wait3A_1496 = arith.constant 0 : i32
      %dma_wait3A_1497 = arith.constant 0 : i32
      %dma_wait3A_1498 = tpu.memref_slice %arg7[%dma_wait3A_1488, %dma_wait3A_1496, %dma_wait3A_1497] : memref<8x32x128xf32, #tpu.memory_space<vmem>> -> memref<1x32x128xf32, #tpu.memory_space<vmem>>
      %dma_wait3A_1499 = tpu.memref_squeeze %dma_wait3A_1498 : memref<1x32x128xf32, #tpu.memory_space<vmem>> -> memref<32x128xf32, #tpu.memory_space<vmem>>
      %dma_wait3A_1500 = arith.constant 0 : i32
      %dma_wait3A_1501 = arith.constant 0 : i32
      %dma_wait3A_1502 = tpu.memref_slice %arg4[%dma_wait3A_1500, %dma_wait3A_1501] : memref<32x1000000xf32, #tpu.memory_space<hbm>> -> memref<32x128xf32, #tpu.memory_space<hbm>>
      tpu.wait_dma2 semaphore(%arg19 : memref<!tpu.dma_semaphore, #tpu.memory_space<semaphore_mem>>) src(%dma_wait3A_1502 : memref<32x128xf32, #tpu.memory_space<hbm>>) dst(%dma_wait3A_1499 : memref<32x128xf32, #tpu.memory_space<vmem>>)
      %dma_wait3A_1503 = arith.constant 6 : i32
      %dma_wait3A_1504 = arith.constant 0 : i32
      %dma_wait3A_1505 = arith.constant 0 : i32
      %dma_wait3A_1506 = tpu.memref_slice %arg8[%dma_wait3A_1503, %dma_wait3A_1504, %dma_wait3A_1505] : memref<8x32x128xf32, #tpu.memory_space<vmem>> -> memref<1x32x128xf32, #tpu.memory_space<vmem>>
      %dma_wait3A_1507 = tpu.memref_squeeze %dma_wait3A_1506 : memref<1x32x128xf32, #tpu.memory_space<vmem>> -> memref<32x128xf32, #tpu.memory_space<vmem>>
      %dma_wait3A_1508 = arith.constant 0 : i32
      %dma_wait3A_1509 = arith.constant 0 : i32
      %dma_wait3A_1510 = tpu.memref_slice %arg5[%dma_wait3A_1508, %dma_wait3A_1509] : memref<32x1000000xf32, #tpu.memory_space<hbm>> -> memref<32x128xf32, #tpu.memory_space<hbm>>
      %dma_wait3A_1511 = arith.constant 0 : i32
      %dma_wait3A_1512 = arith.constant 0 : i32
      %dma_wait3A_1513 = tpu.memref_slice %arg8[%dma_wait3A_1503, %dma_wait3A_1511, %dma_wait3A_1512] : memref<8x32x128xf32, #tpu.memory_space<vmem>> -> memref<1x32x128xf32, #tpu.memory_space<vmem>>
      %dma_wait3A_1514 = tpu.memref_squeeze %dma_wait3A_1513 : memref<1x32x128xf32, #tpu.memory_space<vmem>> -> memref<32x128xf32, #tpu.memory_space<vmem>>
      %dma_wait3A_1515 = arith.constant 0 : i32
      %dma_wait3A_1516 = arith.constant 0 : i32
      %dma_wait3A_1517 = tpu.memref_slice %arg5[%dma_wait3A_1515, %dma_wait3A_1516] : memref<32x1000000xf32, #tpu.memory_space<hbm>> -> memref<32x128xf32, #tpu.memory_space<hbm>>
      tpu.wait_dma2 semaphore(%arg27 : memref<!tpu.dma_semaphore, #tpu.memory_space<semaphore_mem>>) src(%dma_wait3A_1517 : memref<32x128xf32, #tpu.memory_space<hbm>>) dst(%dma_wait3A_1514 : memref<32x128xf32, #tpu.memory_space<vmem>>)
      %get3A_1518 = arith.index_cast %add3A_1487 : i32 to index
      %get3A_1519 = tpu.vector_load %arg11[%get3A_1518] {strides = array<i32>} : memref<528xi32, #tpu.memory_space<vmem>>, vector<16xi32>,
      %slice3A_1520 = vector.extract_strided_slice %get3A_1519 {offsets = [0], sizes = [1], strides = [1]} : vector<16xi32> to vector<1xi32>
      %squeeze3A_1521 = vector.extract %slice3A_1520[0] : i32 from vector<1xi32>
      %and3A_1522 = arith.constant 127 : i32
      %and3A_1523 = arith.andi %squeeze3A_1521, %and3A_1522 : i32
      %broadcast_in_dim3A_1524 = vector.broadcast %and3A_1523 : i32 to vector<16xi32>
      %get3A_1525 = arith.index_cast %add3A_1487 : i32 to index
      %get3A_1526 = tpu.vector_load %arg12[%get3A_1525] {strides = array<i32>} : memref<528xi32, #tpu.memory_space<vmem>>, vector<16xi32>,
      %slice3A_1527 = vector.extract_strided_slice %get3A_1526 {offsets = [0], sizes = [1], strides = [1]} : vector<16xi32> to vector<1xi32>
      %squeeze3A_1528 = vector.extract %slice3A_1527[0] : i32 from vector<1xi32>
      %and3A_1529 = arith.constant 127 : i32
      %and3A_1530 = arith.andi %squeeze3A_1528, %and3A_1529 : i32
      %broadcast_in_dim3A_1531 = vector.broadcast %and3A_1530 : i32 to vector<16xi32>
      %broadcast_in_dim3A_1532 = arith.constant 6 : i32
      %broadcast_in_dim3A_1533 = vector.broadcast %broadcast_in_dim3A_1532 : i32 to vector<16xi32>
      %gather3A_1534 = tpu.vector_load_idx %arg7[%broadcast_in_dim3A_1533, %iota3A, %broadcast_in_dim3A_1524] : memref<8x32x128xf32, #tpu.memory_space<vmem>>[vector<16xi32>, vector<16xi32>, vector<16xi32>], vector<16xf32>,
      %add3A_1535 = arith.constant 16 : i32
      %add3A_1536 = vector.broadcast %add3A_1535 : i32 to vector<16xi32>
      %add3A_1537 = arith.addi %iota3A, %add3A_1536 : vector<16xi32>
      %gather3A_1538 = tpu.vector_load_idx %arg7[%broadcast_in_dim3A_1533, %add3A_1537, %broadcast_in_dim3A_1524] : memref<8x32x128xf32, #tpu.memory_space<vmem>>[vector<16xi32>, vector<16xi32>, vector<16xi32>], vector<16xf32>,
      %gather3A_1539 = tpu.vector_load_idx %arg8[%broadcast_in_dim3A_1533, %iota3A, %broadcast_in_dim3A_1531] : memref<8x32x128xf32, #tpu.memory_space<vmem>>[vector<16xi32>, vector<16xi32>, vector<16xi32>], vector<16xf32>,
      %add3A_1540 = arith.constant 16 : i32
      %add3A_1541 = vector.broadcast %add3A_1540 : i32 to vector<16xi32>
      %add3A_1542 = arith.addi %iota3A, %add3A_1541 : vector<16xi32>
      %gather3A_1543 = tpu.vector_load_idx %arg8[%broadcast_in_dim3A_1533, %add3A_1542, %broadcast_in_dim3A_1531] : memref<8x32x128xf32, #tpu.memory_space<vmem>>[vector<16xi32>, vector<16xi32>, vector<16xi32>], vector<16xf32>,
      %mul3A_1544 = arith.mulf %gather3A_1534, %gather3A_1539 : vector<16xf32>
      %mul3A_1545 = arith.mulf %gather3A_1538, %gather3A_1543 : vector<16xf32>
      %add3A_1546 = arith.addf %mul3A_1544, %mul3A_1545 : vector<16xf32>
      %jit3A_1547 = arith.constant 2 : i32
      %eq3A_1548 = arith.constant 0 : i32
      %eq3A_1549 = arith.cmpi eq, %jit3A_1547, %eq3A_1548 : i32
      %jit3A_1550 = arith.constant 1 : i32
      %select_n3A_1551 = arith.select %eq3A_1549, %jit3A_1550, %jit3A_1547 : i32
      %rem3A_1552 = arith.remsi %add3A_949, %select_n3A_1551 : i32
      %ne3A_1553 = arith.constant 0 : i32
      %ne3A_1554 = arith.cmpi ne, %rem3A_1552, %ne3A_1553 : i32
      %lt3A_1555 = arith.constant 0 : i32
      %lt3A_1556 = arith.cmpi slt, %rem3A_1552, %lt3A_1555 : i32
      %lt3A_1557 = arith.constant 0 : i32
      %lt3A_1558 = arith.cmpi slt, %select_n3A_1551, %lt3A_1557 : i32
      %ne3A_1559 = arith.xori %lt3A_1556, %lt3A_1558 : i1
      %and3A_1560 = arith.andi %ne3A_1559, %ne3A_1554 : i1
      %add3A_1561 = arith.addi %rem3A_1552, %select_n3A_1551 : i32
      %select_n3A_1562 = arith.select %and3A_1560, %add3A_1561, %rem3A_1552 : i32
      %mul3A_1563 = arith.constant 8 : i32
      %mul3A_1564 = arith.muli %select_n3A_1562, %mul3A_1563 : i32
      %add3A_1565 = arith.constant 6 : i32
      %add3A_1566 = arith.addi %mul3A_1564, %add3A_1565 : i32
      %swap3A_1567 = arith.index_cast %add3A_1566 : i32 to index
      %swap3A_1568 = arith.constant 0 : index
      %swap3A_1569 = tpu.vector_load %arg9[%swap3A_1567, %swap3A_1568] {strides = array<i32>} : memref<16x16xf32, #tpu.memory_space<vmem>>, vector<16xf32>,
      tpu.vector_store %arg9[%swap3A_1567, %swap3A_1568], %add3A_1546 {strides = array<i32>} : memref<16x16xf32, #tpu.memory_space<vmem>>, vector<16xf32>,
      %lt3A_1570 = arith.constant 63 : i32
      %lt3A_1571 = arith.cmpi slt, %add3A_949, %lt3A_1570 : i32
      %convert_element_type3A_1572 = arith.extui %lt3A_1571 : i1 to i32
      %cond3A_1573 = arith.constant 0 : i32
      %cond3A_1574 = arith.cmpi ne, %convert_element_type3A_1572, %cond3A_1573 : i32
      scf.if %cond3A_1574 {
        %add3A_1687 = arith.constant 8 : i32
        %add3A_1688 = arith.addi %add3A_1487, %add3A_1687 : i32
        %get3A_1689 = arith.index_cast %add3A_1688 : i32 to index
        %get3A_1690 = tpu.vector_load %arg11[%get3A_1689] {strides = array<i32>} : memref<528xi32, #tpu.memory_space<vmem>>, vector<16xi32>,
        %slice3A_1691 = vector.extract_strided_slice %get3A_1690 {offsets = [0], sizes = [1], strides = [1]} : vector<16xi32> to vector<1xi32>
        %squeeze3A_1692 = vector.extract %slice3A_1691[0] : i32 from vector<1xi32>
        %get3A_1693 = arith.index_cast %add3A_1688 : i32 to index
        %get3A_1694 = tpu.vector_load %arg12[%get3A_1693] {strides = array<i32>} : memref<528xi32, #tpu.memory_space<vmem>>, vector<16xi32>,
        %slice3A_1695 = vector.extract_strided_slice %get3A_1694 {offsets = [0], sizes = [1], strides = [1]} : vector<16xi32> to vector<1xi32>
        %squeeze3A_1696 = vector.extract %slice3A_1695[0] : i32 from vector<1xi32>
        %and3A_1697 = arith.constant -128 : i32
        %and3A_1698 = arith.andi %squeeze3A_1692, %and3A_1697 : i32
        %multiple_of3A_1699 = tpu.assume_multiple %and3A_1698, 128 : i32
        %and3A_1700 = arith.constant -128 : i32
        %and3A_1701 = arith.andi %squeeze3A_1696, %and3A_1700 : i32
        %multiple_of3A_1702 = tpu.assume_multiple %and3A_1701, 128 : i32
        %dma_start3A_1703 = arith.constant 6 : i32
        %dma_start3A_1704 = arith.constant 0 : i32
        %dma_start3A_1705 = arith.constant 0 : i32
        %dma_start3A_1706 = tpu.memref_slice %arg7[%dma_start3A_1703, %dma_start3A_1704, %dma_start3A_1705] : memref<8x32x128xf32, #tpu.memory_space<vmem>> -> memref<1x8x128xf32, #tpu.memory_space<vmem>>
        %dma_start3A_1707 = tpu.memref_squeeze %dma_start3A_1706 : memref<1x8x128xf32, #tpu.memory_space<vmem>> -> memref<8x128xf32, #tpu.memory_space<vmem>>
        %dma_start3A_1708 = arith.constant 0 : i32
        %dma_start3A_1709 = tpu.memref_slice %arg4[%dma_start3A_1708, %multiple_of3A_1699] : memref<32x1000000xf32, #tpu.memory_space<hbm>> -> memref<8x128xf32, #tpu.memory_space<hbm>>
        %dma_start3A_1710 = arith.constant 0 : i32
        %dma_start3A_1711 = arith.constant 0 : i32
        %dma_start3A_1712 = tpu.memref_slice %arg7[%dma_start3A_1703, %dma_start3A_1710, %dma_start3A_1711] : memref<8x32x128xf32, #tpu.memory_space<vmem>> -> memref<1x8x128xf32, #tpu.memory_space<vmem>>
        %dma_start3A_1713 = tpu.memref_squeeze %dma_start3A_1712 : memref<1x8x128xf32, #tpu.memory_space<vmem>> -> memref<8x128xf32, #tpu.memory_space<vmem>>
        %dma_start3A_1714 = arith.constant 0 : i32
        %dma_start3A_1715 = tpu.memref_slice %arg4[%dma_start3A_1714, %multiple_of3A_1699] : memref<32x1000000xf32, #tpu.memory_space<hbm>> -> memref<8x128xf32, #tpu.memory_space<hbm>>
        tpu.enqueue_dma source(%dma_start3A_1715 : memref<8x128xf32, #tpu.memory_space<hbm>>) target(%dma_start3A_1713 : memref<8x128xf32, #tpu.memory_space<vmem>>) target_semaphore(%arg19 : memref<!tpu.dma_semaphore, #tpu.memory_space<semaphore_mem>>)
        %dma_start3A_1716 = arith.constant 6 : i32
        %dma_start3A_1717 = arith.constant 0 : i32
        %dma_start3A_1718 = arith.constant 0 : i32
        %dma_start3A_1719 = tpu.memref_slice %arg8[%dma_start3A_1716, %dma_start3A_1717, %dma_start3A_1718] : memref<8x32x128xf32, #tpu.memory_space<vmem>> -> memref<1x8x128xf32, #tpu.memory_space<vmem>>
        %dma_start3A_1720 = tpu.memref_squeeze %dma_start3A_1719 : memref<1x8x128xf32, #tpu.memory_space<vmem>> -> memref<8x128xf32, #tpu.memory_space<vmem>>
        %dma_start3A_1721 = arith.constant 0 : i32
        %dma_start3A_1722 = tpu.memref_slice %arg5[%dma_start3A_1721, %multiple_of3A_1702] : memref<32x1000000xf32, #tpu.memory_space<hbm>> -> memref<8x128xf32, #tpu.memory_space<hbm>>
        %dma_start3A_1723 = arith.constant 0 : i32
        %dma_start3A_1724 = arith.constant 0 : i32
        %dma_start3A_1725 = tpu.memref_slice %arg8[%dma_start3A_1716, %dma_start3A_1723, %dma_start3A_1724] : memref<8x32x128xf32, #tpu.memory_space<vmem>> -> memref<1x8x128xf32, #tpu.memory_space<vmem>>
        %dma_start3A_1726 = tpu.memref_squeeze %dma_start3A_1725 : memref<1x8x128xf32, #tpu.memory_space<vmem>> -> memref<8x128xf32, #tpu.memory_space<vmem>>
        %dma_start3A_1727 = arith.constant 0 : i32
        %dma_start3A_1728 = tpu.memref_slice %arg5[%dma_start3A_1727, %multiple_of3A_1702] : memref<32x1000000xf32, #tpu.memory_space<hbm>> -> memref<8x128xf32, #tpu.memory_space<hbm>>
        tpu.enqueue_dma source(%dma_start3A_1728 : memref<8x128xf32, #tpu.memory_space<hbm>>) target(%dma_start3A_1726 : memref<8x128xf32, #tpu.memory_space<vmem>>) target_semaphore(%arg27 : memref<!tpu.dma_semaphore, #tpu.memory_space<semaphore_mem>>)
        %dma_start3A_1729 = arith.constant 6 : i32
        %dma_start3A_1730 = arith.constant 8 : i32
        %dma_start3A_1731 = arith.constant 0 : i32
        %dma_start3A_1732 = tpu.memref_slice %arg7[%dma_start3A_1729, %dma_start3A_1730, %dma_start3A_1731] : memref<8x32x128xf32, #tpu.memory_space<vmem>> -> memref<1x8x128xf32, #tpu.memory_space<vmem>>
        %dma_start3A_1733 = tpu.memref_squeeze %dma_start3A_1732 : memref<1x8x128xf32, #tpu.memory_space<vmem>> -> memref<8x128xf32, #tpu.memory_space<vmem>>
        %dma_start3A_1734 = arith.constant 8 : i32
        %dma_start3A_1735 = tpu.memref_slice %arg4[%dma_start3A_1734, %multiple_of3A_1699] : memref<32x1000000xf32, #tpu.memory_space<hbm>> -> memref<8x128xf32, #tpu.memory_space<hbm>>
        %dma_start3A_1736 = arith.constant 8 : i32
        %dma_start3A_1737 = arith.constant 0 : i32
        %dma_start3A_1738 = tpu.memref_slice %arg7[%dma_start3A_1729, %dma_start3A_1736, %dma_start3A_1737] : memref<8x32x128xf32, #tpu.memory_space<vmem>> -> memref<1x8x128xf32, #tpu.memory_space<vmem>>
        %dma_start3A_1739 = tpu.memref_squeeze %dma_start3A_1738 : memref<1x8x128xf32, #tpu.memory_space<vmem>> -> memref<8x128xf32, #tpu.memory_space<vmem>>
        %dma_start3A_1740 = arith.constant 8 : i32
        %dma_start3A_1741 = tpu.memref_slice %arg4[%dma_start3A_1740, %multiple_of3A_1699] : memref<32x1000000xf32, #tpu.memory_space<hbm>> -> memref<8x128xf32, #tpu.memory_space<hbm>>
        tpu.enqueue_dma source(%dma_start3A_1741 : memref<8x128xf32, #tpu.memory_space<hbm>>) target(%dma_start3A_1739 : memref<8x128xf32, #tpu.memory_space<vmem>>) target_semaphore(%arg19 : memref<!tpu.dma_semaphore, #tpu.memory_space<semaphore_mem>>)
        %dma_start3A_1742 = arith.constant 6 : i32
        %dma_start3A_1743 = arith.constant 8 : i32
        %dma_start3A_1744 = arith.constant 0 : i32
        %dma_start3A_1745 = tpu.memref_slice %arg8[%dma_start3A_1742, %dma_start3A_1743, %dma_start3A_1744] : memref<8x32x128xf32, #tpu.memory_space<vmem>> -> memref<1x8x128xf32, #tpu.memory_space<vmem>>
        %dma_start3A_1746 = tpu.memref_squeeze %dma_start3A_1745 : memref<1x8x128xf32, #tpu.memory_space<vmem>> -> memref<8x128xf32, #tpu.memory_space<vmem>>
        %dma_start3A_1747 = arith.constant 8 : i32
        %dma_start3A_1748 = tpu.memref_slice %arg5[%dma_start3A_1747, %multiple_of3A_1702] : memref<32x1000000xf32, #tpu.memory_space<hbm>> -> memref<8x128xf32, #tpu.memory_space<hbm>>
        %dma_start3A_1749 = arith.constant 8 : i32
        %dma_start3A_1750 = arith.constant 0 : i32
        %dma_start3A_1751 = tpu.memref_slice %arg8[%dma_start3A_1742, %dma_start3A_1749, %dma_start3A_1750] : memref<8x32x128xf32, #tpu.memory_space<vmem>> -> memref<1x8x128xf32, #tpu.memory_space<vmem>>
        %dma_start3A_1752 = tpu.memref_squeeze %dma_start3A_1751 : memref<1x8x128xf32, #tpu.memory_space<vmem>> -> memref<8x128xf32, #tpu.memory_space<vmem>>
        %dma_start3A_1753 = arith.constant 8 : i32
        %dma_start3A_1754 = tpu.memref_slice %arg5[%dma_start3A_1753, %multiple_of3A_1702] : memref<32x1000000xf32, #tpu.memory_space<hbm>> -> memref<8x128xf32, #tpu.memory_space<hbm>>
        tpu.enqueue_dma source(%dma_start3A_1754 : memref<8x128xf32, #tpu.memory_space<hbm>>) target(%dma_start3A_1752 : memref<8x128xf32, #tpu.memory_space<vmem>>) target_semaphore(%arg27 : memref<!tpu.dma_semaphore, #tpu.memory_space<semaphore_mem>>)
        %dma_start3A_1755 = arith.constant 6 : i32
        %dma_start3A_1756 = arith.constant 16 : i32
        %dma_start3A_1757 = arith.constant 0 : i32
        %dma_start3A_1758 = tpu.memref_slice %arg7[%dma_start3A_1755, %dma_start3A_1756, %dma_start3A_1757] : memref<8x32x128xf32, #tpu.memory_space<vmem>> -> memref<1x8x128xf32, #tpu.memory_space<vmem>>
        %dma_start3A_1759 = tpu.memref_squeeze %dma_start3A_1758 : memref<1x8x128xf32, #tpu.memory_space<vmem>> -> memref<8x128xf32, #tpu.memory_space<vmem>>
        %dma_start3A_1760 = arith.constant 16 : i32
        %dma_start3A_1761 = tpu.memref_slice %arg4[%dma_start3A_1760, %multiple_of3A_1699] : memref<32x1000000xf32, #tpu.memory_space<hbm>> -> memref<8x128xf32, #tpu.memory_space<hbm>>
        %dma_start3A_1762 = arith.constant 16 : i32
        %dma_start3A_1763 = arith.constant 0 : i32
        %dma_start3A_1764 = tpu.memref_slice %arg7[%dma_start3A_1755, %dma_start3A_1762, %dma_start3A_1763] : memref<8x32x128xf32, #tpu.memory_space<vmem>> -> memref<1x8x128xf32, #tpu.memory_space<vmem>>
        %dma_start3A_1765 = tpu.memref_squeeze %dma_start3A_1764 : memref<1x8x128xf32, #tpu.memory_space<vmem>> -> memref<8x128xf32, #tpu.memory_space<vmem>>
        %dma_start3A_1766 = arith.constant 16 : i32
        %dma_start3A_1767 = tpu.memref_slice %arg4[%dma_start3A_1766, %multiple_of3A_1699] : memref<32x1000000xf32, #tpu.memory_space<hbm>> -> memref<8x128xf32, #tpu.memory_space<hbm>>
        tpu.enqueue_dma source(%dma_start3A_1767 : memref<8x128xf32, #tpu.memory_space<hbm>>) target(%dma_start3A_1765 : memref<8x128xf32, #tpu.memory_space<vmem>>) target_semaphore(%arg19 : memref<!tpu.dma_semaphore, #tpu.memory_space<semaphore_mem>>)
        %dma_start3A_1768 = arith.constant 6 : i32
        %dma_start3A_1769 = arith.constant 16 : i32
        %dma_start3A_1770 = arith.constant 0 : i32
        %dma_start3A_1771 = tpu.memref_slice %arg8[%dma_start3A_1768, %dma_start3A_1769, %dma_start3A_1770] : memref<8x32x128xf32, #tpu.memory_space<vmem>> -> memref<1x8x128xf32, #tpu.memory_space<vmem>>
        %dma_start3A_1772 = tpu.memref_squeeze %dma_start3A_1771 : memref<1x8x128xf32, #tpu.memory_space<vmem>> -> memref<8x128xf32, #tpu.memory_space<vmem>>
        %dma_start3A_1773 = arith.constant 16 : i32
        %dma_start3A_1774 = tpu.memref_slice %arg5[%dma_start3A_1773, %multiple_of3A_1702] : memref<32x1000000xf32, #tpu.memory_space<hbm>> -> memref<8x128xf32, #tpu.memory_space<hbm>>
        %dma_start3A_1775 = arith.constant 16 : i32
        %dma_start3A_1776 = arith.constant 0 : i32
        %dma_start3A_1777 = tpu.memref_slice %arg8[%dma_start3A_1768, %dma_start3A_1775, %dma_start3A_1776] : memref<8x32x128xf32, #tpu.memory_space<vmem>> -> memref<1x8x128xf32, #tpu.memory_space<vmem>>
        %dma_start3A_1778 = tpu.memref_squeeze %dma_start3A_1777 : memref<1x8x128xf32, #tpu.memory_space<vmem>> -> memref<8x128xf32, #tpu.memory_space<vmem>>
        %dma_start3A_1779 = arith.constant 16 : i32
        %dma_start3A_1780 = tpu.memref_slice %arg5[%dma_start3A_1779, %multiple_of3A_1702] : memref<32x1000000xf32, #tpu.memory_space<hbm>> -> memref<8x128xf32, #tpu.memory_space<hbm>>
        tpu.enqueue_dma source(%dma_start3A_1780 : memref<8x128xf32, #tpu.memory_space<hbm>>) target(%dma_start3A_1778 : memref<8x128xf32, #tpu.memory_space<vmem>>) target_semaphore(%arg27 : memref<!tpu.dma_semaphore, #tpu.memory_space<semaphore_mem>>)
        %dma_start3A_1781 = arith.constant 6 : i32
        %dma_start3A_1782 = arith.constant 24 : i32
        %dma_start3A_1783 = arith.constant 0 : i32
        %dma_start3A_1784 = tpu.memref_slice %arg7[%dma_start3A_1781, %dma_start3A_1782, %dma_start3A_1783] : memref<8x32x128xf32, #tpu.memory_space<vmem>> -> memref<1x8x128xf32, #tpu.memory_space<vmem>>
        %dma_start3A_1785 = tpu.memref_squeeze %dma_start3A_1784 : memref<1x8x128xf32, #tpu.memory_space<vmem>> -> memref<8x128xf32, #tpu.memory_space<vmem>>
        %dma_start3A_1786 = arith.constant 24 : i32
        %dma_start3A_1787 = tpu.memref_slice %arg4[%dma_start3A_1786, %multiple_of3A_1699] : memref<32x1000000xf32, #tpu.memory_space<hbm>> -> memref<8x128xf32, #tpu.memory_space<hbm>>
        %dma_start3A_1788 = arith.constant 24 : i32
        %dma_start3A_1789 = arith.constant 0 : i32
        %dma_start3A_1790 = tpu.memref_slice %arg7[%dma_start3A_1781, %dma_start3A_1788, %dma_start3A_1789] : memref<8x32x128xf32, #tpu.memory_space<vmem>> -> memref<1x8x128xf32, #tpu.memory_space<vmem>>
        %dma_start3A_1791 = tpu.memref_squeeze %dma_start3A_1790 : memref<1x8x128xf32, #tpu.memory_space<vmem>> -> memref<8x128xf32, #tpu.memory_space<vmem>>
        %dma_start3A_1792 = arith.constant 24 : i32
        %dma_start3A_1793 = tpu.memref_slice %arg4[%dma_start3A_1792, %multiple_of3A_1699] : memref<32x1000000xf32, #tpu.memory_space<hbm>> -> memref<8x128xf32, #tpu.memory_space<hbm>>
        tpu.enqueue_dma source(%dma_start3A_1793 : memref<8x128xf32, #tpu.memory_space<hbm>>) target(%dma_start3A_1791 : memref<8x128xf32, #tpu.memory_space<vmem>>) target_semaphore(%arg19 : memref<!tpu.dma_semaphore, #tpu.memory_space<semaphore_mem>>)
        %dma_start3A_1794 = arith.constant 6 : i32
        %dma_start3A_1795 = arith.constant 24 : i32
        %dma_start3A_1796 = arith.constant 0 : i32
        %dma_start3A_1797 = tpu.memref_slice %arg8[%dma_start3A_1794, %dma_start3A_1795, %dma_start3A_1796] : memref<8x32x128xf32, #tpu.memory_space<vmem>> -> memref<1x8x128xf32, #tpu.memory_space<vmem>>
        %dma_start3A_1798 = tpu.memref_squeeze %dma_start3A_1797 : memref<1x8x128xf32, #tpu.memory_space<vmem>> -> memref<8x128xf32, #tpu.memory_space<vmem>>
        %dma_start3A_1799 = arith.constant 24 : i32
        %dma_start3A_1800 = tpu.memref_slice %arg5[%dma_start3A_1799, %multiple_of3A_1702] : memref<32x1000000xf32, #tpu.memory_space<hbm>> -> memref<8x128xf32, #tpu.memory_space<hbm>>
        %dma_start3A_1801 = arith.constant 24 : i32
        %dma_start3A_1802 = arith.constant 0 : i32
        %dma_start3A_1803 = tpu.memref_slice %arg8[%dma_start3A_1794, %dma_start3A_1801, %dma_start3A_1802] : memref<8x32x128xf32, #tpu.memory_space<vmem>> -> memref<1x8x128xf32, #tpu.memory_space<vmem>>
        %dma_start3A_1804 = tpu.memref_squeeze %dma_start3A_1803 : memref<1x8x128xf32, #tpu.memory_space<vmem>> -> memref<8x128xf32, #tpu.memory_space<vmem>>
        %dma_start3A_1805 = arith.constant 24 : i32
        %dma_start3A_1806 = tpu.memref_slice %arg5[%dma_start3A_1805, %multiple_of3A_1702] : memref<32x1000000xf32, #tpu.memory_space<hbm>> -> memref<8x128xf32, #tpu.memory_space<hbm>>
        tpu.enqueue_dma source(%dma_start3A_1806 : memref<8x128xf32, #tpu.memory_space<hbm>>) target(%dma_start3A_1804 : memref<8x128xf32, #tpu.memory_space<vmem>>) target_semaphore(%arg27 : memref<!tpu.dma_semaphore, #tpu.memory_space<semaphore_mem>>)
      } else {
      }
      %mul3A_1575 = arith.constant 8 : i32
      %mul3A_1576 = arith.muli %add3A_949, %mul3A_1575 : i32
      %add3A_1577 = arith.constant 7 : i32
      %add3A_1578 = arith.addi %mul3A_1576, %add3A_1577 : i32
      %dma_wait3A_1579 = arith.constant 7 : i32
      %dma_wait3A_1580 = arith.constant 0 : i32
      %dma_wait3A_1581 = arith.constant 0 : i32
      %dma_wait3A_1582 = tpu.memref_slice %arg7[%dma_wait3A_1579, %dma_wait3A_1580, %dma_wait3A_1581] : memref<8x32x128xf32, #tpu.memory_space<vmem>> -> memref<1x32x128xf32, #tpu.memory_space<vmem>>
      %dma_wait3A_1583 = tpu.memref_squeeze %dma_wait3A_1582 : memref<1x32x128xf32, #tpu.memory_space<vmem>> -> memref<32x128xf32, #tpu.memory_space<vmem>>
      %dma_wait3A_1584 = arith.constant 0 : i32
      %dma_wait3A_1585 = arith.constant 0 : i32
      %dma_wait3A_1586 = tpu.memref_slice %arg4[%dma_wait3A_1584, %dma_wait3A_1585] : memref<32x1000000xf32, #tpu.memory_space<hbm>> -> memref<32x128xf32, #tpu.memory_space<hbm>>
      %dma_wait3A_1587 = arith.constant 0 : i32
      %dma_wait3A_1588 = arith.constant 0 : i32
      %dma_wait3A_1589 = tpu.memref_slice %arg7[%dma_wait3A_1579, %dma_wait3A_1587, %dma_wait3A_1588] : memref<8x32x128xf32, #tpu.memory_space<vmem>> -> memref<1x32x128xf32, #tpu.memory_space<vmem>>
      %dma_wait3A_1590 = tpu.memref_squeeze %dma_wait3A_1589 : memref<1x32x128xf32, #tpu.memory_space<vmem>> -> memref<32x128xf32, #tpu.memory_space<vmem>>
      %dma_wait3A_1591 = arith.constant 0 : i32
      %dma_wait3A_1592 = arith.constant 0 : i32
      %dma_wait3A_1593 = tpu.memref_slice %arg4[%dma_wait3A_1591, %dma_wait3A_1592] : memref<32x1000000xf32, #tpu.memory_space<hbm>> -> memref<32x128xf32, #tpu.memory_space<hbm>>
      tpu.wait_dma2 semaphore(%arg20 : memref<!tpu.dma_semaphore, #tpu.memory_space<semaphore_mem>>) src(%dma_wait3A_1593 : memref<32x128xf32, #tpu.memory_space<hbm>>) dst(%dma_wait3A_1590 : memref<32x128xf32, #tpu.memory_space<vmem>>)
      %dma_wait3A_1594 = arith.constant 7 : i32
      %dma_wait3A_1595 = arith.constant 0 : i32
      %dma_wait3A_1596 = arith.constant 0 : i32
      %dma_wait3A_1597 = tpu.memref_slice %arg8[%dma_wait3A_1594, %dma_wait3A_1595, %dma_wait3A_1596] : memref<8x32x128xf32, #tpu.memory_space<vmem>> -> memref<1x32x128xf32, #tpu.memory_space<vmem>>
      %dma_wait3A_1598 = tpu.memref_squeeze %dma_wait3A_1597 : memref<1x32x128xf32, #tpu.memory_space<vmem>> -> memref<32x128xf32, #tpu.memory_space<vmem>>
      %dma_wait3A_1599 = arith.constant 0 : i32
      %dma_wait3A_1600 = arith.constant 0 : i32
      %dma_wait3A_1601 = tpu.memref_slice %arg5[%dma_wait3A_1599, %dma_wait3A_1600] : memref<32x1000000xf32, #tpu.memory_space<hbm>> -> memref<32x128xf32, #tpu.memory_space<hbm>>
      %dma_wait3A_1602 = arith.constant 0 : i32
      %dma_wait3A_1603 = arith.constant 0 : i32
      %dma_wait3A_1604 = tpu.memref_slice %arg8[%dma_wait3A_1594, %dma_wait3A_1602, %dma_wait3A_1603] : memref<8x32x128xf32, #tpu.memory_space<vmem>> -> memref<1x32x128xf32, #tpu.memory_space<vmem>>
      %dma_wait3A_1605 = tpu.memref_squeeze %dma_wait3A_1604 : memref<1x32x128xf32, #tpu.memory_space<vmem>> -> memref<32x128xf32, #tpu.memory_space<vmem>>
      %dma_wait3A_1606 = arith.constant 0 : i32
      %dma_wait3A_1607 = arith.constant 0 : i32
      %dma_wait3A_1608 = tpu.memref_slice %arg5[%dma_wait3A_1606, %dma_wait3A_1607] : memref<32x1000000xf32, #tpu.memory_space<hbm>> -> memref<32x128xf32, #tpu.memory_space<hbm>>
      tpu.wait_dma2 semaphore(%arg28 : memref<!tpu.dma_semaphore, #tpu.memory_space<semaphore_mem>>) src(%dma_wait3A_1608 : memref<32x128xf32, #tpu.memory_space<hbm>>) dst(%dma_wait3A_1605 : memref<32x128xf32, #tpu.memory_space<vmem>>)
      %get3A_1609 = arith.index_cast %add3A_1578 : i32 to index
      %get3A_1610 = tpu.vector_load %arg11[%get3A_1609] {strides = array<i32>} : memref<528xi32, #tpu.memory_space<vmem>>, vector<16xi32>,
      %slice3A_1611 = vector.extract_strided_slice %get3A_1610 {offsets = [0], sizes = [1], strides = [1]} : vector<16xi32> to vector<1xi32>
      %squeeze3A_1612 = vector.extract %slice3A_1611[0] : i32 from vector<1xi32>
      %and3A_1613 = arith.constant 127 : i32
      %and3A_1614 = arith.andi %squeeze3A_1612, %and3A_1613 : i32
      %broadcast_in_dim3A_1615 = vector.broadcast %and3A_1614 : i32 to vector<16xi32>
      %get3A_1616 = arith.index_cast %add3A_1578 : i32 to index
      %get3A_1617 = tpu.vector_load %arg12[%get3A_1616] {strides = array<i32>} : memref<528xi32, #tpu.memory_space<vmem>>, vector<16xi32>,
      %slice3A_1618 = vector.extract_strided_slice %get3A_1617 {offsets = [0], sizes = [1], strides = [1]} : vector<16xi32> to vector<1xi32>
      %squeeze3A_1619 = vector.extract %slice3A_1618[0] : i32 from vector<1xi32>
      %and3A_1620 = arith.constant 127 : i32
      %and3A_1621 = arith.andi %squeeze3A_1619, %and3A_1620 : i32
      %broadcast_in_dim3A_1622 = vector.broadcast %and3A_1621 : i32 to vector<16xi32>
      %broadcast_in_dim3A_1623 = arith.constant 7 : i32
      %broadcast_in_dim3A_1624 = vector.broadcast %broadcast_in_dim3A_1623 : i32 to vector<16xi32>
      %gather3A_1625 = tpu.vector_load_idx %arg7[%broadcast_in_dim3A_1624, %iota3A, %broadcast_in_dim3A_1615] : memref<8x32x128xf32, #tpu.memory_space<vmem>>[vector<16xi32>, vector<16xi32>, vector<16xi32>], vector<16xf32>,
      %add3A_1626 = arith.constant 16 : i32
      %add3A_1627 = vector.broadcast %add3A_1626 : i32 to vector<16xi32>
      %add3A_1628 = arith.addi %iota3A, %add3A_1627 : vector<16xi32>
      %gather3A_1629 = tpu.vector_load_idx %arg7[%broadcast_in_dim3A_1624, %add3A_1628, %broadcast_in_dim3A_1615] : memref<8x32x128xf32, #tpu.memory_space<vmem>>[vector<16xi32>, vector<16xi32>, vector<16xi32>], vector<16xf32>,
      %gather3A_1630 = tpu.vector_load_idx %arg8[%broadcast_in_dim3A_1624, %iota3A, %broadcast_in_dim3A_1622] : memref<8x32x128xf32, #tpu.memory_space<vmem>>[vector<16xi32>, vector<16xi32>, vector<16xi32>], vector<16xf32>,
      %add3A_1631 = arith.constant 16 : i32
      %add3A_1632 = vector.broadcast %add3A_1631 : i32 to vector<16xi32>
      %add3A_1633 = arith.addi %iota3A, %add3A_1632 : vector<16xi32>
      %gather3A_1634 = tpu.vector_load_idx %arg8[%broadcast_in_dim3A_1624, %add3A_1633, %broadcast_in_dim3A_1622] : memref<8x32x128xf32, #tpu.memory_space<vmem>>[vector<16xi32>, vector<16xi32>, vector<16xi32>], vector<16xf32>,
      %mul3A_1635 = arith.mulf %gather3A_1625, %gather3A_1630 : vector<16xf32>
      %mul3A_1636 = arith.mulf %gather3A_1629, %gather3A_1634 : vector<16xf32>
      %add3A_1637 = arith.addf %mul3A_1635, %mul3A_1636 : vector<16xf32>
      %jit3A_1638 = arith.constant 2 : i32
      %eq3A_1639 = arith.constant 0 : i32
      %eq3A_1640 = arith.cmpi eq, %jit3A_1638, %eq3A_1639 : i32
      %jit3A_1641 = arith.constant 1 : i32
      %select_n3A_1642 = arith.select %eq3A_1640, %jit3A_1641, %jit3A_1638 : i32
      %rem3A_1643 = arith.remsi %add3A_949, %select_n3A_1642 : i32
      %ne3A_1644 = arith.constant 0 : i32
      %ne3A_1645 = arith.cmpi ne, %rem3A_1643, %ne3A_1644 : i32
      %lt3A_1646 = arith.constant 0 : i32
      %lt3A_1647 = arith.cmpi slt, %rem3A_1643, %lt3A_1646 : i32
      %lt3A_1648 = arith.constant 0 : i32
      %lt3A_1649 = arith.cmpi slt, %select_n3A_1642, %lt3A_1648 : i32
      %ne3A_1650 = arith.xori %lt3A_1647, %lt3A_1649 : i1
      %and3A_1651 = arith.andi %ne3A_1650, %ne3A_1645 : i1
      %add3A_1652 = arith.addi %rem3A_1643, %select_n3A_1642 : i32
      %select_n3A_1653 = arith.select %and3A_1651, %add3A_1652, %rem3A_1643 : i32
      %mul3A_1654 = arith.constant 8 : i32
      %mul3A_1655 = arith.muli %select_n3A_1653, %mul3A_1654 : i32
      %add3A_1656 = arith.constant 7 : i32
      %add3A_1657 = arith.addi %mul3A_1655, %add3A_1656 : i32
      %swap3A_1658 = arith.index_cast %add3A_1657 : i32 to index
      %swap3A_1659 = arith.constant 0 : index
      %swap3A_1660 = tpu.vector_load %arg9[%swap3A_1658, %swap3A_1659] {strides = array<i32>} : memref<16x16xf32, #tpu.memory_space<vmem>>, vector<16xf32>,
      tpu.vector_store %arg9[%swap3A_1658, %swap3A_1659], %add3A_1637 {strides = array<i32>} : memref<16x16xf32, #tpu.memory_space<vmem>>, vector<16xf32>,
      %lt3A_1661 = arith.constant 63 : i32
      %lt3A_1662 = arith.cmpi slt, %add3A_949, %lt3A_1661 : i32
      %convert_element_type3A_1663 = arith.extui %lt3A_1662 : i1 to i32
      %cond3A_1664 = arith.constant 0 : i32
      %cond3A_1665 = arith.cmpi ne, %convert_element_type3A_1663, %cond3A_1664 : i32
      scf.if %cond3A_1665 {
        %add3A_1687 = arith.constant 8 : i32
        %add3A_1688 = arith.addi %add3A_1578, %add3A_1687 : i32
        %get3A_1689 = arith.index_cast %add3A_1688 : i32 to index
        %get3A_1690 = tpu.vector_load %arg11[%get3A_1689] {strides = array<i32>} : memref<528xi32, #tpu.memory_space<vmem>>, vector<16xi32>,
        %slice3A_1691 = vector.extract_strided_slice %get3A_1690 {offsets = [0], sizes = [1], strides = [1]} : vector<16xi32> to vector<1xi32>
        %squeeze3A_1692 = vector.extract %slice3A_1691[0] : i32 from vector<1xi32>
        %get3A_1693 = arith.index_cast %add3A_1688 : i32 to index
        %get3A_1694 = tpu.vector_load %arg12[%get3A_1693] {strides = array<i32>} : memref<528xi32, #tpu.memory_space<vmem>>, vector<16xi32>,
        %slice3A_1695 = vector.extract_strided_slice %get3A_1694 {offsets = [0], sizes = [1], strides = [1]} : vector<16xi32> to vector<1xi32>
        %squeeze3A_1696 = vector.extract %slice3A_1695[0] : i32 from vector<1xi32>
        %and3A_1697 = arith.constant -128 : i32
        %and3A_1698 = arith.andi %squeeze3A_1692, %and3A_1697 : i32
        %multiple_of3A_1699 = tpu.assume_multiple %and3A_1698, 128 : i32
        %and3A_1700 = arith.constant -128 : i32
        %and3A_1701 = arith.andi %squeeze3A_1696, %and3A_1700 : i32
        %multiple_of3A_1702 = tpu.assume_multiple %and3A_1701, 128 : i32
        %dma_start3A_1703 = arith.constant 7 : i32
        %dma_start3A_1704 = arith.constant 0 : i32
        %dma_start3A_1705 = arith.constant 0 : i32
        %dma_start3A_1706 = tpu.memref_slice %arg7[%dma_start3A_1703, %dma_start3A_1704, %dma_start3A_1705] : memref<8x32x128xf32, #tpu.memory_space<vmem>> -> memref<1x8x128xf32, #tpu.memory_space<vmem>>
        %dma_start3A_1707 = tpu.memref_squeeze %dma_start3A_1706 : memref<1x8x128xf32, #tpu.memory_space<vmem>> -> memref<8x128xf32, #tpu.memory_space<vmem>>
        %dma_start3A_1708 = arith.constant 0 : i32
        %dma_start3A_1709 = tpu.memref_slice %arg4[%dma_start3A_1708, %multiple_of3A_1699] : memref<32x1000000xf32, #tpu.memory_space<hbm>> -> memref<8x128xf32, #tpu.memory_space<hbm>>
        %dma_start3A_1710 = arith.constant 0 : i32
        %dma_start3A_1711 = arith.constant 0 : i32
        %dma_start3A_1712 = tpu.memref_slice %arg7[%dma_start3A_1703, %dma_start3A_1710, %dma_start3A_1711] : memref<8x32x128xf32, #tpu.memory_space<vmem>> -> memref<1x8x128xf32, #tpu.memory_space<vmem>>
        %dma_start3A_1713 = tpu.memref_squeeze %dma_start3A_1712 : memref<1x8x128xf32, #tpu.memory_space<vmem>> -> memref<8x128xf32, #tpu.memory_space<vmem>>
        %dma_start3A_1714 = arith.constant 0 : i32
        %dma_start3A_1715 = tpu.memref_slice %arg4[%dma_start3A_1714, %multiple_of3A_1699] : memref<32x1000000xf32, #tpu.memory_space<hbm>> -> memref<8x128xf32, #tpu.memory_space<hbm>>
        tpu.enqueue_dma source(%dma_start3A_1715 : memref<8x128xf32, #tpu.memory_space<hbm>>) target(%dma_start3A_1713 : memref<8x128xf32, #tpu.memory_space<vmem>>) target_semaphore(%arg20 : memref<!tpu.dma_semaphore, #tpu.memory_space<semaphore_mem>>)
        %dma_start3A_1716 = arith.constant 7 : i32
        %dma_start3A_1717 = arith.constant 0 : i32
        %dma_start3A_1718 = arith.constant 0 : i32
        %dma_start3A_1719 = tpu.memref_slice %arg8[%dma_start3A_1716, %dma_start3A_1717, %dma_start3A_1718] : memref<8x32x128xf32, #tpu.memory_space<vmem>> -> memref<1x8x128xf32, #tpu.memory_space<vmem>>
        %dma_start3A_1720 = tpu.memref_squeeze %dma_start3A_1719 : memref<1x8x128xf32, #tpu.memory_space<vmem>> -> memref<8x128xf32, #tpu.memory_space<vmem>>
        %dma_start3A_1721 = arith.constant 0 : i32
        %dma_start3A_1722 = tpu.memref_slice %arg5[%dma_start3A_1721, %multiple_of3A_1702] : memref<32x1000000xf32, #tpu.memory_space<hbm>> -> memref<8x128xf32, #tpu.memory_space<hbm>>
        %dma_start3A_1723 = arith.constant 0 : i32
        %dma_start3A_1724 = arith.constant 0 : i32
        %dma_start3A_1725 = tpu.memref_slice %arg8[%dma_start3A_1716, %dma_start3A_1723, %dma_start3A_1724] : memref<8x32x128xf32, #tpu.memory_space<vmem>> -> memref<1x8x128xf32, #tpu.memory_space<vmem>>
        %dma_start3A_1726 = tpu.memref_squeeze %dma_start3A_1725 : memref<1x8x128xf32, #tpu.memory_space<vmem>> -> memref<8x128xf32, #tpu.memory_space<vmem>>
        %dma_start3A_1727 = arith.constant 0 : i32
        %dma_start3A_1728 = tpu.memref_slice %arg5[%dma_start3A_1727, %multiple_of3A_1702] : memref<32x1000000xf32, #tpu.memory_space<hbm>> -> memref<8x128xf32, #tpu.memory_space<hbm>>
        tpu.enqueue_dma source(%dma_start3A_1728 : memref<8x128xf32, #tpu.memory_space<hbm>>) target(%dma_start3A_1726 : memref<8x128xf32, #tpu.memory_space<vmem>>) target_semaphore(%arg28 : memref<!tpu.dma_semaphore, #tpu.memory_space<semaphore_mem>>)
        %dma_start3A_1729 = arith.constant 7 : i32
        %dma_start3A_1730 = arith.constant 8 : i32
        %dma_start3A_1731 = arith.constant 0 : i32
        %dma_start3A_1732 = tpu.memref_slice %arg7[%dma_start3A_1729, %dma_start3A_1730, %dma_start3A_1731] : memref<8x32x128xf32, #tpu.memory_space<vmem>> -> memref<1x8x128xf32, #tpu.memory_space<vmem>>
        %dma_start3A_1733 = tpu.memref_squeeze %dma_start3A_1732 : memref<1x8x128xf32, #tpu.memory_space<vmem>> -> memref<8x128xf32, #tpu.memory_space<vmem>>
        %dma_start3A_1734 = arith.constant 8 : i32
        %dma_start3A_1735 = tpu.memref_slice %arg4[%dma_start3A_1734, %multiple_of3A_1699] : memref<32x1000000xf32, #tpu.memory_space<hbm>> -> memref<8x128xf32, #tpu.memory_space<hbm>>
        %dma_start3A_1736 = arith.constant 8 : i32
        %dma_start3A_1737 = arith.constant 0 : i32
        %dma_start3A_1738 = tpu.memref_slice %arg7[%dma_start3A_1729, %dma_start3A_1736, %dma_start3A_1737] : memref<8x32x128xf32, #tpu.memory_space<vmem>> -> memref<1x8x128xf32, #tpu.memory_space<vmem>>
        %dma_start3A_1739 = tpu.memref_squeeze %dma_start3A_1738 : memref<1x8x128xf32, #tpu.memory_space<vmem>> -> memref<8x128xf32, #tpu.memory_space<vmem>>
        %dma_start3A_1740 = arith.constant 8 : i32
        %dma_start3A_1741 = tpu.memref_slice %arg4[%dma_start3A_1740, %multiple_of3A_1699] : memref<32x1000000xf32, #tpu.memory_space<hbm>> -> memref<8x128xf32, #tpu.memory_space<hbm>>
        tpu.enqueue_dma source(%dma_start3A_1741 : memref<8x128xf32, #tpu.memory_space<hbm>>) target(%dma_start3A_1739 : memref<8x128xf32, #tpu.memory_space<vmem>>) target_semaphore(%arg20 : memref<!tpu.dma_semaphore, #tpu.memory_space<semaphore_mem>>)
        %dma_start3A_1742 = arith.constant 7 : i32
        %dma_start3A_1743 = arith.constant 8 : i32
        %dma_start3A_1744 = arith.constant 0 : i32
        %dma_start3A_1745 = tpu.memref_slice %arg8[%dma_start3A_1742, %dma_start3A_1743, %dma_start3A_1744] : memref<8x32x128xf32, #tpu.memory_space<vmem>> -> memref<1x8x128xf32, #tpu.memory_space<vmem>>
        %dma_start3A_1746 = tpu.memref_squeeze %dma_start3A_1745 : memref<1x8x128xf32, #tpu.memory_space<vmem>> -> memref<8x128xf32, #tpu.memory_space<vmem>>
        %dma_start3A_1747 = arith.constant 8 : i32
        %dma_start3A_1748 = tpu.memref_slice %arg5[%dma_start3A_1747, %multiple_of3A_1702] : memref<32x1000000xf32, #tpu.memory_space<hbm>> -> memref<8x128xf32, #tpu.memory_space<hbm>>
        %dma_start3A_1749 = arith.constant 8 : i32
        %dma_start3A_1750 = arith.constant 0 : i32
        %dma_start3A_1751 = tpu.memref_slice %arg8[%dma_start3A_1742, %dma_start3A_1749, %dma_start3A_1750] : memref<8x32x128xf32, #tpu.memory_space<vmem>> -> memref<1x8x128xf32, #tpu.memory_space<vmem>>
        %dma_start3A_1752 = tpu.memref_squeeze %dma_start3A_1751 : memref<1x8x128xf32, #tpu.memory_space<vmem>> -> memref<8x128xf32, #tpu.memory_space<vmem>>
        %dma_start3A_1753 = arith.constant 8 : i32
        %dma_start3A_1754 = tpu.memref_slice %arg5[%dma_start3A_1753, %multiple_of3A_1702] : memref<32x1000000xf32, #tpu.memory_space<hbm>> -> memref<8x128xf32, #tpu.memory_space<hbm>>
        tpu.enqueue_dma source(%dma_start3A_1754 : memref<8x128xf32, #tpu.memory_space<hbm>>) target(%dma_start3A_1752 : memref<8x128xf32, #tpu.memory_space<vmem>>) target_semaphore(%arg28 : memref<!tpu.dma_semaphore, #tpu.memory_space<semaphore_mem>>)
        %dma_start3A_1755 = arith.constant 7 : i32
        %dma_start3A_1756 = arith.constant 16 : i32
        %dma_start3A_1757 = arith.constant 0 : i32
        %dma_start3A_1758 = tpu.memref_slice %arg7[%dma_start3A_1755, %dma_start3A_1756, %dma_start3A_1757] : memref<8x32x128xf32, #tpu.memory_space<vmem>> -> memref<1x8x128xf32, #tpu.memory_space<vmem>>
        %dma_start3A_1759 = tpu.memref_squeeze %dma_start3A_1758 : memref<1x8x128xf32, #tpu.memory_space<vmem>> -> memref<8x128xf32, #tpu.memory_space<vmem>>
        %dma_start3A_1760 = arith.constant 16 : i32
        %dma_start3A_1761 = tpu.memref_slice %arg4[%dma_start3A_1760, %multiple_of3A_1699] : memref<32x1000000xf32, #tpu.memory_space<hbm>> -> memref<8x128xf32, #tpu.memory_space<hbm>>
        %dma_start3A_1762 = arith.constant 16 : i32
        %dma_start3A_1763 = arith.constant 0 : i32
        %dma_start3A_1764 = tpu.memref_slice %arg7[%dma_start3A_1755, %dma_start3A_1762, %dma_start3A_1763] : memref<8x32x128xf32, #tpu.memory_space<vmem>> -> memref<1x8x128xf32, #tpu.memory_space<vmem>>
        %dma_start3A_1765 = tpu.memref_squeeze %dma_start3A_1764 : memref<1x8x128xf32, #tpu.memory_space<vmem>> -> memref<8x128xf32, #tpu.memory_space<vmem>>
        %dma_start3A_1766 = arith.constant 16 : i32
        %dma_start3A_1767 = tpu.memref_slice %arg4[%dma_start3A_1766, %multiple_of3A_1699] : memref<32x1000000xf32, #tpu.memory_space<hbm>> -> memref<8x128xf32, #tpu.memory_space<hbm>>
        tpu.enqueue_dma source(%dma_start3A_1767 : memref<8x128xf32, #tpu.memory_space<hbm>>) target(%dma_start3A_1765 : memref<8x128xf32, #tpu.memory_space<vmem>>) target_semaphore(%arg20 : memref<!tpu.dma_semaphore, #tpu.memory_space<semaphore_mem>>)
        %dma_start3A_1768 = arith.constant 7 : i32
        %dma_start3A_1769 = arith.constant 16 : i32
        %dma_start3A_1770 = arith.constant 0 : i32
        %dma_start3A_1771 = tpu.memref_slice %arg8[%dma_start3A_1768, %dma_start3A_1769, %dma_start3A_1770] : memref<8x32x128xf32, #tpu.memory_space<vmem>> -> memref<1x8x128xf32, #tpu.memory_space<vmem>>
        %dma_start3A_1772 = tpu.memref_squeeze %dma_start3A_1771 : memref<1x8x128xf32, #tpu.memory_space<vmem>> -> memref<8x128xf32, #tpu.memory_space<vmem>>
        %dma_start3A_1773 = arith.constant 16 : i32
        %dma_start3A_1774 = tpu.memref_slice %arg5[%dma_start3A_1773, %multiple_of3A_1702] : memref<32x1000000xf32, #tpu.memory_space<hbm>> -> memref<8x128xf32, #tpu.memory_space<hbm>>
        %dma_start3A_1775 = arith.constant 16 : i32
        %dma_start3A_1776 = arith.constant 0 : i32
        %dma_start3A_1777 = tpu.memref_slice %arg8[%dma_start3A_1768, %dma_start3A_1775, %dma_start3A_1776] : memref<8x32x128xf32, #tpu.memory_space<vmem>> -> memref<1x8x128xf32, #tpu.memory_space<vmem>>
        %dma_start3A_1778 = tpu.memref_squeeze %dma_start3A_1777 : memref<1x8x128xf32, #tpu.memory_space<vmem>> -> memref<8x128xf32, #tpu.memory_space<vmem>>
        %dma_start3A_1779 = arith.constant 16 : i32
        %dma_start3A_1780 = tpu.memref_slice %arg5[%dma_start3A_1779, %multiple_of3A_1702] : memref<32x1000000xf32, #tpu.memory_space<hbm>> -> memref<8x128xf32, #tpu.memory_space<hbm>>
        tpu.enqueue_dma source(%dma_start3A_1780 : memref<8x128xf32, #tpu.memory_space<hbm>>) target(%dma_start3A_1778 : memref<8x128xf32, #tpu.memory_space<vmem>>) target_semaphore(%arg28 : memref<!tpu.dma_semaphore, #tpu.memory_space<semaphore_mem>>)
        %dma_start3A_1781 = arith.constant 7 : i32
        %dma_start3A_1782 = arith.constant 24 : i32
        %dma_start3A_1783 = arith.constant 0 : i32
        %dma_start3A_1784 = tpu.memref_slice %arg7[%dma_start3A_1781, %dma_start3A_1782, %dma_start3A_1783] : memref<8x32x128xf32, #tpu.memory_space<vmem>> -> memref<1x8x128xf32, #tpu.memory_space<vmem>>
        %dma_start3A_1785 = tpu.memref_squeeze %dma_start3A_1784 : memref<1x8x128xf32, #tpu.memory_space<vmem>> -> memref<8x128xf32, #tpu.memory_space<vmem>>
        %dma_start3A_1786 = arith.constant 24 : i32
        %dma_start3A_1787 = tpu.memref_slice %arg4[%dma_start3A_1786, %multiple_of3A_1699] : memref<32x1000000xf32, #tpu.memory_space<hbm>> -> memref<8x128xf32, #tpu.memory_space<hbm>>
        %dma_start3A_1788 = arith.constant 24 : i32
        %dma_start3A_1789 = arith.constant 0 : i32
        %dma_start3A_1790 = tpu.memref_slice %arg7[%dma_start3A_1781, %dma_start3A_1788, %dma_start3A_1789] : memref<8x32x128xf32, #tpu.memory_space<vmem>> -> memref<1x8x128xf32, #tpu.memory_space<vmem>>
        %dma_start3A_1791 = tpu.memref_squeeze %dma_start3A_1790 : memref<1x8x128xf32, #tpu.memory_space<vmem>> -> memref<8x128xf32, #tpu.memory_space<vmem>>
        %dma_start3A_1792 = arith.constant 24 : i32
        %dma_start3A_1793 = tpu.memref_slice %arg4[%dma_start3A_1792, %multiple_of3A_1699] : memref<32x1000000xf32, #tpu.memory_space<hbm>> -> memref<8x128xf32, #tpu.memory_space<hbm>>
        tpu.enqueue_dma source(%dma_start3A_1793 : memref<8x128xf32, #tpu.memory_space<hbm>>) target(%dma_start3A_1791 : memref<8x128xf32, #tpu.memory_space<vmem>>) target_semaphore(%arg20 : memref<!tpu.dma_semaphore, #tpu.memory_space<semaphore_mem>>)
        %dma_start3A_1794 = arith.constant 7 : i32
        %dma_start3A_1795 = arith.constant 24 : i32
        %dma_start3A_1796 = arith.constant 0 : i32
        %dma_start3A_1797 = tpu.memref_slice %arg8[%dma_start3A_1794, %dma_start3A_1795, %dma_start3A_1796] : memref<8x32x128xf32, #tpu.memory_space<vmem>> -> memref<1x8x128xf32, #tpu.memory_space<vmem>>
        %dma_start3A_1798 = tpu.memref_squeeze %dma_start3A_1797 : memref<1x8x128xf32, #tpu.memory_space<vmem>> -> memref<8x128xf32, #tpu.memory_space<vmem>>
        %dma_start3A_1799 = arith.constant 24 : i32
        %dma_start3A_1800 = tpu.memref_slice %arg5[%dma_start3A_1799, %multiple_of3A_1702] : memref<32x1000000xf32, #tpu.memory_space<hbm>> -> memref<8x128xf32, #tpu.memory_space<hbm>>
        %dma_start3A_1801 = arith.constant 24 : i32
        %dma_start3A_1802 = arith.constant 0 : i32
        %dma_start3A_1803 = tpu.memref_slice %arg8[%dma_start3A_1794, %dma_start3A_1801, %dma_start3A_1802] : memref<8x32x128xf32, #tpu.memory_space<vmem>> -> memref<1x8x128xf32, #tpu.memory_space<vmem>>
        %dma_start3A_1804 = tpu.memref_squeeze %dma_start3A_1803 : memref<1x8x128xf32, #tpu.memory_space<vmem>> -> memref<8x128xf32, #tpu.memory_space<vmem>>
        %dma_start3A_1805 = arith.constant 24 : i32
        %dma_start3A_1806 = tpu.memref_slice %arg5[%dma_start3A_1805, %multiple_of3A_1702] : memref<32x1000000xf32, #tpu.memory_space<hbm>> -> memref<8x128xf32, #tpu.memory_space<hbm>>
        tpu.enqueue_dma source(%dma_start3A_1806 : memref<8x128xf32, #tpu.memory_space<hbm>>) target(%dma_start3A_1804 : memref<8x128xf32, #tpu.memory_space<vmem>>) target_semaphore(%arg28 : memref<!tpu.dma_semaphore, #tpu.memory_space<semaphore_mem>>)
      } else {
      }
      %jit3A_1666 = arith.constant 2 : i32
      %eq3A_1667 = arith.constant 0 : i32
      %eq3A_1668 = arith.cmpi eq, %jit3A_1666, %eq3A_1667 : i32
      %jit3A_1669 = arith.constant 1 : i32
      %select_n3A_1670 = arith.select %eq3A_1668, %jit3A_1669, %jit3A_1666 : i32
      %rem3A_1671 = arith.remsi %add3A_949, %select_n3A_1670 : i32
      %ne3A_1672 = arith.constant 0 : i32
      %ne3A_1673 = arith.cmpi ne, %rem3A_1671, %ne3A_1672 : i32
      %lt3A_1674 = arith.constant 0 : i32
      %lt3A_1675 = arith.cmpi slt, %rem3A_1671, %lt3A_1674 : i32
      %lt3A_1676 = arith.constant 0 : i32
      %lt3A_1677 = arith.cmpi slt, %select_n3A_1670, %lt3A_1676 : i32
      %ne3A_1678 = arith.xori %lt3A_1675, %lt3A_1677 : i1
      %and3A_1679 = arith.andi %ne3A_1678, %ne3A_1673 : i1
      %add3A_1680 = arith.addi %rem3A_1671, %select_n3A_1670 : i32
      %select_n3A_1681 = arith.select %and3A_1679, %add3A_1680, %rem3A_1671 : i32
      %eq3A_1682 = arith.constant 1 : i32
      %eq3A_1683 = arith.cmpi eq, %select_n3A_1681, %eq3A_1682 : i32
      %convert_element_type3A_1684 = arith.extui %eq3A_1683 : i1 to i32
      %cond3A_1685 = arith.constant 0 : i32
      %cond3A_1686 = arith.cmpi ne, %convert_element_type3A_1684, %cond3A_1685 : i32
      scf.if %cond3A_1686 {
        %broadcast_in_dim3A_1687 = arith.constant 0.000000e+00 : f32
        %broadcast_in_dim3A_1688 = vector.broadcast %broadcast_in_dim3A_1687 : f32 to vector<16xf32>
        %broadcast_in_dim3A_1689 = arith.constant 0 : i32
        %broadcast_in_dim3A_1690 = vector.broadcast %broadcast_in_dim3A_1689 : i32 to vector<16xi32>
        %gather3A_1691 = tpu.vector_load_idx %arg9[%iota3A, %broadcast_in_dim3A_1690] : memref<16x16xf32, #tpu.memory_space<vmem>>[vector<16xi32>, vector<16xi32>], vector<16xf32>,
        %add3A_1692 = arith.addf %broadcast_in_dim3A_1688, %gather3A_1691 : vector<16xf32>
        %broadcast_in_dim3A_1693 = arith.constant 1 : i32
        %broadcast_in_dim3A_1694 = vector.broadcast %broadcast_in_dim3A_1693 : i32 to vector<16xi32>
        %gather3A_1695 = tpu.vector_load_idx %arg9[%iota3A, %broadcast_in_dim3A_1694] : memref<16x16xf32, #tpu.memory_space<vmem>>[vector<16xi32>, vector<16xi32>], vector<16xf32>,
        %add3A_1696 = arith.addf %add3A_1692, %gather3A_1695 : vector<16xf32>
        %broadcast_in_dim3A_1697 = arith.constant 2 : i32
        %broadcast_in_dim3A_1698 = vector.broadcast %broadcast_in_dim3A_1697 : i32 to vector<16xi32>
        %gather3A_1699 = tpu.vector_load_idx %arg9[%iota3A, %broadcast_in_dim3A_1698] : memref<16x16xf32, #tpu.memory_space<vmem>>[vector<16xi32>, vector<16xi32>], vector<16xf32>,
        %add3A_1700 = arith.addf %add3A_1696, %gather3A_1699 : vector<16xf32>
        %broadcast_in_dim3A_1701 = arith.constant 3 : i32
        %broadcast_in_dim3A_1702 = vector.broadcast %broadcast_in_dim3A_1701 : i32 to vector<16xi32>
        %gather3A_1703 = tpu.vector_load_idx %arg9[%iota3A, %broadcast_in_dim3A_1702] : memref<16x16xf32, #tpu.memory_space<vmem>>[vector<16xi32>, vector<16xi32>], vector<16xf32>,
        %add3A_1704 = arith.addf %add3A_1700, %gather3A_1703 : vector<16xf32>
        %broadcast_in_dim3A_1705 = arith.constant 4 : i32
        %broadcast_in_dim3A_1706 = vector.broadcast %broadcast_in_dim3A_1705 : i32 to vector<16xi32>
        %gather3A_1707 = tpu.vector_load_idx %arg9[%iota3A, %broadcast_in_dim3A_1706] : memref<16x16xf32, #tpu.memory_space<vmem>>[vector<16xi32>, vector<16xi32>], vector<16xf32>,
        %add3A_1708 = arith.addf %add3A_1704, %gather3A_1707 : vector<16xf32>
        %broadcast_in_dim3A_1709 = arith.constant 5 : i32
        %broadcast_in_dim3A_1710 = vector.broadcast %broadcast_in_dim3A_1709 : i32 to vector<16xi32>
        %gather3A_1711 = tpu.vector_load_idx %arg9[%iota3A, %broadcast_in_dim3A_1710] : memref<16x16xf32, #tpu.memory_space<vmem>>[vector<16xi32>, vector<16xi32>], vector<16xf32>,
        %add3A_1712 = arith.addf %add3A_1708, %gather3A_1711 : vector<16xf32>
        %broadcast_in_dim3A_1713 = arith.constant 6 : i32
        %broadcast_in_dim3A_1714 = vector.broadcast %broadcast_in_dim3A_1713 : i32 to vector<16xi32>
        %gather3A_1715 = tpu.vector_load_idx %arg9[%iota3A, %broadcast_in_dim3A_1714] : memref<16x16xf32, #tpu.memory_space<vmem>>[vector<16xi32>, vector<16xi32>], vector<16xf32>,
        %add3A_1716 = arith.addf %add3A_1712, %gather3A_1715 : vector<16xf32>
        %broadcast_in_dim3A_1717 = arith.constant 7 : i32
        %broadcast_in_dim3A_1718 = vector.broadcast %broadcast_in_dim3A_1717 : i32 to vector<16xi32>
        %gather3A_1719 = tpu.vector_load_idx %arg9[%iota3A, %broadcast_in_dim3A_1718] : memref<16x16xf32, #tpu.memory_space<vmem>>[vector<16xi32>, vector<16xi32>], vector<16xf32>,
        %add3A_1720 = arith.addf %add3A_1716, %gather3A_1719 : vector<16xf32>
        %broadcast_in_dim3A_1721 = arith.constant 8 : i32
        %broadcast_in_dim3A_1722 = vector.broadcast %broadcast_in_dim3A_1721 : i32 to vector<16xi32>
        %gather3A_1723 = tpu.vector_load_idx %arg9[%iota3A, %broadcast_in_dim3A_1722] : memref<16x16xf32, #tpu.memory_space<vmem>>[vector<16xi32>, vector<16xi32>], vector<16xf32>,
        %add3A_1724 = arith.addf %add3A_1720, %gather3A_1723 : vector<16xf32>
        %broadcast_in_dim3A_1725 = arith.constant 9 : i32
        %broadcast_in_dim3A_1726 = vector.broadcast %broadcast_in_dim3A_1725 : i32 to vector<16xi32>
        %gather3A_1727 = tpu.vector_load_idx %arg9[%iota3A, %broadcast_in_dim3A_1726] : memref<16x16xf32, #tpu.memory_space<vmem>>[vector<16xi32>, vector<16xi32>], vector<16xf32>,
        %add3A_1728 = arith.addf %add3A_1724, %gather3A_1727 : vector<16xf32>
        %broadcast_in_dim3A_1729 = arith.constant 10 : i32
        %broadcast_in_dim3A_1730 = vector.broadcast %broadcast_in_dim3A_1729 : i32 to vector<16xi32>
        %gather3A_1731 = tpu.vector_load_idx %arg9[%iota3A, %broadcast_in_dim3A_1730] : memref<16x16xf32, #tpu.memory_space<vmem>>[vector<16xi32>, vector<16xi32>], vector<16xf32>,
        %add3A_1732 = arith.addf %add3A_1728, %gather3A_1731 : vector<16xf32>
        %broadcast_in_dim3A_1733 = arith.constant 11 : i32
        %broadcast_in_dim3A_1734 = vector.broadcast %broadcast_in_dim3A_1733 : i32 to vector<16xi32>
        %gather3A_1735 = tpu.vector_load_idx %arg9[%iota3A, %broadcast_in_dim3A_1734] : memref<16x16xf32, #tpu.memory_space<vmem>>[vector<16xi32>, vector<16xi32>], vector<16xf32>,
        %add3A_1736 = arith.addf %add3A_1732, %gather3A_1735 : vector<16xf32>
        %broadcast_in_dim3A_1737 = arith.constant 12 : i32
        %broadcast_in_dim3A_1738 = vector.broadcast %broadcast_in_dim3A_1737 : i32 to vector<16xi32>
        %gather3A_1739 = tpu.vector_load_idx %arg9[%iota3A, %broadcast_in_dim3A_1738] : memref<16x16xf32, #tpu.memory_space<vmem>>[vector<16xi32>, vector<16xi32>], vector<16xf32>,
        %add3A_1740 = arith.addf %add3A_1736, %gather3A_1739 : vector<16xf32>
        %broadcast_in_dim3A_1741 = arith.constant 13 : i32
        %broadcast_in_dim3A_1742 = vector.broadcast %broadcast_in_dim3A_1741 : i32 to vector<16xi32>
        %gather3A_1743 = tpu.vector_load_idx %arg9[%iota3A, %broadcast_in_dim3A_1742] : memref<16x16xf32, #tpu.memory_space<vmem>>[vector<16xi32>, vector<16xi32>], vector<16xf32>,
        %add3A_1744 = arith.addf %add3A_1740, %gather3A_1743 : vector<16xf32>
        %broadcast_in_dim3A_1745 = arith.constant 14 : i32
        %broadcast_in_dim3A_1746 = vector.broadcast %broadcast_in_dim3A_1745 : i32 to vector<16xi32>
        %gather3A_1747 = tpu.vector_load_idx %arg9[%iota3A, %broadcast_in_dim3A_1746] : memref<16x16xf32, #tpu.memory_space<vmem>>[vector<16xi32>, vector<16xi32>], vector<16xf32>,
        %add3A_1748 = arith.addf %add3A_1744, %gather3A_1747 : vector<16xf32>
        %broadcast_in_dim3A_1749 = arith.constant 15 : i32
        %broadcast_in_dim3A_1750 = vector.broadcast %broadcast_in_dim3A_1749 : i32 to vector<16xi32>
        %gather3A_1751 = tpu.vector_load_idx %arg9[%iota3A, %broadcast_in_dim3A_1750] : memref<16x16xf32, #tpu.memory_space<vmem>>[vector<16xi32>, vector<16xi32>], vector<16xf32>,
        %add3A_1752 = arith.addf %add3A_1748, %gather3A_1751 : vector<16xf32>
        %sub3A = arith.constant 1 : i32
        %sub3A_1753 = arith.subi %add3A_949, %sub3A : i32
        %mul3A_1754 = arith.constant 8 : i32
        %mul3A_1755 = arith.muli %sub3A_1753, %mul3A_1754 : i32
        %swap3A_1756 = arith.index_cast %mul3A_1755 : i32 to index
        %swap3A_1757 = tpu.vector_load %arg10[%swap3A_1756] {strides = array<i32>} : memref<512xf32, #tpu.memory_space<vmem>>, vector<16xf32>,
        tpu.vector_store %arg10[%swap3A_1756], %add3A_1752 {strides = array<i32>} : memref<512xf32, #tpu.memory_space<vmem>>, vector<16xf32>,
      } else {
      }
    }
    %scan3A_944 = arith.constant 64 : i32
    "tpu.region"() ({
      %run_scoped3A = tpu.sem_alloc : memref<!tpu.dma_semaphore, #tpu.memory_space<semaphore_mem>>
      %dma_start3A_945 = tpu.memref_slice %arg6[%mul3A_2] : memref<16384xf32, #tpu.memory_space<hbm>> -> memref<512xf32, #tpu.memory_space<hbm>>
      %dma_start3A_946 = tpu.memref_slice %arg6[%mul3A_2] : memref<16384xf32, #tpu.memory_space<hbm>> -> memref<512xf32, #tpu.memory_space<hbm>>
      tpu.enqueue_dma source(%arg10 : memref<512xf32, #tpu.memory_space<vmem>>) target(%dma_start3A_946 : memref<512xf32, #tpu.memory_space<hbm>>) target_semaphore(%run_scoped3A : memref<!tpu.dma_semaphore, #tpu.memory_space<semaphore_mem>>)
      %dma_wait3A = tpu.memref_slice %arg6[%mul3A_2] : memref<16384xf32, #tpu.memory_space<hbm>> -> memref<512xf32, #tpu.memory_space<hbm>>
      %dma_wait3A_947 = tpu.memref_slice %arg6[%mul3A_2] : memref<16384xf32, #tpu.memory_space<hbm>> -> memref<512xf32, #tpu.memory_space<hbm>>
      tpu.wait_dma2 semaphore(%run_scoped3A : memref<!tpu.dma_semaphore, #tpu.memory_space<semaphore_mem>>) src(%arg10 : memref<512xf32, #tpu.memory_space<vmem>>) dst(%dma_wait3A_947 : memref<512xf32, #tpu.memory_space<hbm>>)
      tpu.yield
    }) : () -> ()
    return
  }
}

</mosaic_0001>

<sc_bundles>
// kernel: kernel.3.cloned.1.call-start
scs
__scs_entry_jumppad:
0x0: {  	(pc) =	sbr.rel $0x88, $3  }
0x1: {  	(tag) =	ssettag $0x0;
	lr =	simm.s32 $0x1  }
0x2: {  	[smem:$0x3F9D] =	sst lr;
	_ =	strace $0xD0000000  }
0x3: {  	_ = 	snop  }
0x4: {  	_ = 	snop  }
0x5: {  	_ = 	snop  }
0x6: {  	_ = 	snop  }
0x7: {  	_ = 	snop  }
__scs_overlays_trampoline_lowered:
0x8: {  	[smem:$0x3FAC] =	sst s0  }
0x9: {  	[smem:$0x3FAD] =	sst s1  }
0xa: {  	[smem:$0x3FAE] =	sst s2  }
0xb: {  	[smem:$0x3FAF] =	sst s3  }
0xc: {  	[smem:$0x3FB0] =	sst s4  }
0xd: {  	[smem:$0x3FB1] =	sst s5  }
0xe: {  	[smem:$0x3FB2] =	sst s6  }
0xf: {  	[smem:$0x3FB3] =	sst s7  }
0x10: {  	[smem:$0x3FB4] =	sst s8  }
0x11: {  	[smem:$0x3FB5] =	sst s9;
	s0 =	simm.s32 @!p0 $0x0  }
0x12: {  	s1 =	sld [smem:$0x3F9B];
	s0 =	simm.s32 @p0 $0x1  }
0x13: {  	[smem:$0x3FB6] =	sst s0;
	s0 =	simm.s32 @!p1 $0x0  }
0x14: {  	s2 =	sld [smem:$0x3F9A];
	s0 =	simm.s32 @p1 $0x1  }
0x15: {  	[smem:$0x3FB7] =	sst s0;
	s0 =	simm.s32 @!p2 $0x0  }
0x16: {  	s3 =	sld [smem:$0x3FDB];
	s0 =	simm.s32 @p2 $0x1  }
0x17: {  	s4 =	simm.s32 $0x1BF5;
	[smem:$0x3FB9] =	sst s0  }
0x18: {  	s0 =	sld [smem:$0x3F9C];
	_ =	swait.ge [sflag:s4], $0x0  }
0x19: {  	s7 =	sld [smem:$0x3F9D]  }
0x1a: {  	s8 =	sadd.s32 $0xFFFFE003, lr  }
0x1b: {  	s9 =	sadd.s32 $0xFFFFFEF7, lr;
	s5 =	simm.s32 $0xFFFFFFFF;
	p2 =	slt.u32 s8, $0xFFFFF086  }
0x1c: {  	p1 =	slt.u32 s9, $0xF7A;
	s5 =	simm.s32 @!p2 $0x0  }
0x1d: {  	s5 =	simm.s32 @p1 $0x1;
	p0 =	seq.s32 s7, s2  }
0x1e: {  	s7 =	smul.u32 @!p0 $0xF7A, s2;
	p2 =	seq.s32 @!p0 s5, $0x0  }
0x1f: {  	s9 =	smul.u32 $0xF7A, s1;
	s8 =	simm.s32 @!p0 $0x1BF5;
	p2 =	por !p2, p0  }
0x20: {  	[sflag:s8] =	ssyncset.s32 @!p0 $0xFFFFF086;
	s6 =	sadd.s32 @!p0 s3, s7;
	s7 =	simm.s32 @!p0 $0x108  }
0x21: {  	s3 =	sadd.s32 s3, s9;
	s6 =	sadd.s32 @!p0 $0x88, s6;
	s7 =	simm.s32 @p2 $0x1082  }
0x22: {  	[simem:s7], [sflag:s8] =	dma.local @!p0 [hbm:s6], $0xF7A  }
0x23: {  	s9 =	sor.u32 $0xD0000000, s2;
	s6 =	simm.s32 $0x108;
	_ =	swait.ge @!p0 [sflag:s8], $0x0  }
0x24: {  	s3 =	sadd.s32 $0x88, s3;
	s6 =	simm.s32 @!p1 $0x1082;
	[sflag:s4] =	ssyncset.s32 $0xFFFFF086  }
0x25: {  	[simem:s6], [sflag:s4] =	dma.local [hbm:s3], $0xF7A  }
0x26: {  	[smem:$0x3F9D] =	sst s1;
	(tag) =	ssettag s2;
	_ =	strace s9  }
0x27: {  	s1 =	sld [smem:$0x3FAD]  }
0x28: {  	s2 =	sld [smem:$0x3FAE]  }
0x29: {  	s4 =	sld [smem:$0x3FB0]  }
0x2a: {  	p0 =	seq.s32 s5, $0x0;
	s5 =	sld [smem:$0x3FB1]  }
0x2b: {  	s6 =	sld [smem:$0x3FB2]  }
0x2c: {  	s7 =	sld [smem:$0x3FB3]  }
0x2d: {  	s3 =	simm.s32 $0x108;
	s8 =	sld [smem:$0x3FB4]  }
0x2e: {  	s3 =	simm.s32 @!p0 $0x1082;
	s9 =	sld [smem:$0x3FB5]  }
0x2f: {  	lr =	sadd.s32 s0, s3;
	s0 =	sld [smem:$0x3FAC]  }
0x30: {  	s3 =	sld [smem:$0x3FAF]  }
0x31: {  	[smem:$0x3FB8] =	sst s10  }
0x32: {  	s10 =	sld [smem:$0x3FB6];
	_ =	sdelay $0x3  }
0x33: {  	p0 =	seq.s32 s10, $0x1;
	s10 =	sld [smem:$0x3FB8];
	_ =	sdelay $0x3  }
0x34: {  	[smem:$0x3FB8] =	sst s10  }
0x35: {  	s10 =	sld [smem:$0x3FB7];
	_ =	sdelay $0x3  }
0x36: {  	p1 =	seq.s32 s10, $0x1;
	s10 =	sld [smem:$0x3FB8];
	_ =	sdelay $0x3  }
0x37: {  	[smem:$0x3FB8] =	sst s10  }
0x38: {  	s10 =	sld [smem:$0x3FB9]  }
0x39: {  	_ = 	snop;
	(pc) =	sbr.ind lr, $3  }
0x3a: {  	_ = 	snop  }
0x3b: {  	_ = 	snop  }
0x3c: {  	p2 =	seq.s32 s10, $0x1;
	s10 =	sld [smem:$0x3FB8]  }
0x3d: {  	_ =	shalt  }
0x3e: {  	_ =	shalt  }
0x3f: {  	_ =	shalt  }
0x40: {  	_ =	shalt  }
0x41: {  	_ =	shalt  }
0x42: {  	_ =	shalt  }
0x43: {  	_ =	shalt  }
0x44: {  	_ =	shalt  }
0x45: {  	_ =	shalt  }
0x46: {  	_ =	shalt  }
0x47: {  	_ =	shalt  }
0x48: {  	_ =	shalt  }
0x49: {  	_ =	shalt  }
0x4a: {  	_ =	shalt  }
0x4b: {  	_ =	shalt  }
0x4c: {  	_ =	shalt  }
0x4d: {  	_ =	shalt  }
0x4e: {  	_ =	shalt  }
0x4f: {  	_ =	shalt  }
0x50: {  	_ =	shalt  }
0x51: {  	_ =	shalt  }
0x52: {  	_ =	shalt  }
0x53: {  	_ =	shalt  }
0x54: {  	_ =	shalt  }
0x55: {  	_ =	shalt  }
0x56: {  	_ =	shalt  }
0x57: {  	_ =	shalt  }
0x58: {  	_ =	shalt  }
0x59: {  	_ =	shalt  }
0x5a: {  	_ =	shalt  }
0x5b: {  	_ =	shalt  }
0x5c: {  	_ =	shalt  }
0x5d: {  	_ =	shalt  }
0x5e: {  	_ =	shalt  }
0x5f: {  	_ =	shalt  }
0x60: {  	_ =	shalt  }
0x61: {  	_ =	shalt  }
0x62: {  	_ =	shalt  }
0x63: {  	_ =	shalt  }
0x64: {  	_ =	shalt  }
0x65: {  	_ =	shalt  }
0x66: {  	_ =	shalt  }
0x67: {  	_ =	shalt  }
0x68: {  	_ =	shalt  }
0x69: {  	_ =	shalt  }
0x6a: {  	_ =	shalt  }
0x6b: {  	_ =	shalt  }
0x6c: {  	_ =	shalt  }
0x6d: {  	_ =	shalt  }
0x6e: {  	_ =	shalt  }
0x6f: {  	_ =	shalt  }
0x70: {  	_ =	shalt  }
0x71: {  	_ =	shalt  }
0x72: {  	_ =	shalt  }
0x73: {  	_ =	shalt  }
0x74: {  	_ =	shalt  }
0x75: {  	_ =	shalt  }
0x76: {  	_ =	shalt  }
0x77: {  	_ =	shalt  }
0x78: {  	_ =	shalt  }
0x79: {  	_ =	shalt  }
0x7a: {  	_ =	shalt  }
0x7b: {  	_ =	shalt  }
0x7c: {  	_ =	shalt  }
0x7d: {  	_ =	shalt  }
0x7e: {  	_ =	shalt  }
0x7f: {  	_ =	shalt  }
0x80: {  	_ =	shalt  }
0x81: {  	_ =	shalt  }
0x82: {  	_ =	shalt  }
0x83: {  	_ =	shalt  }
0x84: {  	_ =	shalt  }
0x85: {  	_ =	shalt  }
0x86: {  	_ =	shalt  }
0x87: {  	_ =	shalt  }
.Lfunc_end0:
.L_simem_size_0:
called_computation_lowered:
.L_overlay_start_0:
0x88: {  	s2 =	sld [smem:$0x3FD9]  }
0x89: {  	s3 =	sld [smem:$0x3FFE];
	_ =	sdelay $0x1  }
0x8a: {  	s1 =	srdreg.scid  }
0x8b: {  	s0 =	sand.u32 $0x1, s1  }
0x8c: {  	s18 =	sshll.u32 s0, $0xA;
	s2 =	sadd.s32 s3, s2  }
0x8d: {  	s2 =	sadd.s32 s2, s18  }
0x8e: {  	[smem:$0x3FC4] =	sst s2  }
0x8f: {  	_ = 	snop  }
0x90: {  	s2 =	sld [smem:$0x3FC9]  }
0x91: {  	s19 =	sld [smem:$0x3FC8]  }
0x92: {  	s4 =	sld [smem:$0x3FC7]  }
0x93: {  	s5 =	sld [smem:$0x3FC6]  }
0x94: {  	s6 =	sld [smem:$0x3FD0];
	(tm) =	ssettm $0x1  }
0x95: {  	s7 =	sld [smem:$0x3FFB];
	_ =	sdelay $0x3  }
0x96: {  	_ =	strace s7  }
0x97: {  	s7 =	sld [smem:$0x3FFC];
	_ =	sdelay $0x3  }
0x98: {  	_ =	strace s7  }
0x99: {  	s7 =	sld [smem:$0x3FFD];
	_ =	sdelay $0x3  }
0x9a: {  	_ =	strace s7  }
0x9b: {  	_ =	strace $0x8FFFFFFF  }
0x9c: {  	s20 =	sld [smem:$0x3FDB];
	_ =	sdelay $0x1  }
0x9d: {  	s8 =	simm.s32 $_scs_section_size  }
0x9e: {  	s9 =	simm.s32 $_size__tile_overlayer_lowered;
	s10 =	simm.s32 $_tile_overlayer_lowered  }
0x9f: {  	s23 =	simm.s32 $0x1BFF;
	s22 =	sshll.u32 s10, $0x1;
	s7 =	sadd.s32 s8, s20  }
0xa0: {  	s11 =	simm.s32 $0x0;
	s21 =	sshll.u32 s9, $0x1;
	s9 =	sadd.s32 s22, s7  }
0xa1: {  	[timem:s11], [sflag:s23] =	dma.local [hbm:s9], s21  }
0xa2: {  	_ =	swait.ge [sflag:s23], s21  }
0xa3: {  	s8 =	ssub.s32 $0x0, s21;
	[sflag:s23] =	ssyncset.done $0x0  }
0xa4: {  	[sflag:s23] =	ssyncadd.s32 s8;
	_ =	sdelay $0x1  }
0xa5: {  	s24 =	simm.s32 $0x1B8B  }
0xa6: {  	_ =	swait.ge [sflag:s24], $0x1  }
0xa7: {  	[sflag:s24] =	ssyncset.done $0x0  }
0xa8: {  	s25 =	simm.s32 $0x1B8E;
	[sflag:s24] =	ssyncadd.s32 $0xFFFFFFFF  }
0xa9: {  	s26 =	simm.s32 $execute0_lowered;
	[smem:$0x3FD2] =	sst s25  }
0xaa: {  	s8 =	sshll.u32 s26, $0x1;
	_ =	strace $0x80000046;
	[dreg:$0x1] =	wrdreg $0xFFFFFFFF  }
0xab: {  	s28 =	simm.s32 $_size_execute0_lowered;
	s7 =	sadd.s32 s7, s8;
	[dreg:$0x0] =	wrdreg $0x0  }
0xac: {  	s8 =	sshll.u32 s28, $0x1;
	[dreg:$0x2] =	wrdreg s7  }
0xad: {  	[dreg:$0x3] =	wrdreg s8  }
0xae: {  	[dreg:$0x4] =	wrdreg $0xC0  }
0xaf: {  	_ =	task [dreg:s11], $0x5FFFF  }
0xb0: {  	[dreg:$0x1] =	wrdreg $0xFFFFFFFF  }
0xb1: {  	[dreg:$0x0] =	wrdreg $0x60  }
0xb2: {  	[dreg:$0x2] =	wrdreg s2  }
0xb3: {  	[dreg:$0x3] =	wrdreg s19  }
0xb4: {  	[dreg:$0x4] =	wrdreg s4  }
0xb5: {  	[dreg:$0x5] =	wrdreg s5  }
0xb6: {  	[dreg:$0x6] =	wrdreg s6  }
0xb7: {  	[dreg:$0x7] =	wrdreg $0x9  }
0xb8: {  	_ =	task.clear_ibuf [dreg:s11], $0x8FFFF;
	_ =	strace $0x90000046  }
0xb9: {  	s29 =	simm.s32 $0x9;
	_ =	strace $0x80000048  }
0xba: {  	_ =	swait.ge [sflag:s29], $0x1  }
0xbb: {  	[sflag:s29] =	ssyncadd.s32 $0xFFFFFFFF  }
0xbc: {  	_ =	strace $0x90000048  }
0xbd: {  	_ =	sfence  }
0xbe: {  	s30 =	sld [smem:$0x0];
	_ =	sdelay $0x2  }
0xbf: {  	s31 =	sshll.u32 s1, $0xD;
	s1 =	sshrl.u32 s1, $0x2  }
0xc0: {  	s3 =	sand.u32 $0x4000, s31;
	s1 =	sadd.s32 s1, s30  }
0xc1: {  	s0 =	sor.u32 s3, s0;
	s1 =	sshll.u32 s1, $0x11  }
0xc2: {  	s0 =	sor.u32 s1, s0  }
0xc3: {  	s0 =	sadd.s32 $0x8F2B, s0  }
0xc4: {  	[sflag:s0] =	ssyncadd.remote.s32 $0x1  }
0xc5: {  	_ =	sfence.sel $0xFFFF  }
0xc6: {  	[dreg:$0x0] =	wrdreg $0xFFFFFFFF;
	(pc) =	sbr.abs _section_cstart, $3  }
0xc7: {  	[dreg:$0x1] =	wrdreg $0xFFFFFFFF  }
0xc8: {  	_ =	task.clear_ibuf [dreg:s11], $0x2FFFF;
	_ =	strace $0x9FFFFFFF  }
0xc9: {  	(tm) =	ssettm $0x7FFFFFFF  }
tec
execute0_lowered:
.L_overlay_start_1:
0x0: {  	(tag) =	ssettag $0x1  }
0x1: {  	s0 =	rddreg [dreg:$0x0]  }
0x2: {  	s3 =	rddreg [dreg:$0x1]  }
0x3: {  	s1 =	rddreg [dreg:$0x2]  }
0x4: {  	s2 =	rddreg [dreg:$0x3]  }
0x5: {  	s5 =	rddreg [dreg:$0x4]  }
0x6: {  	s4 =	simm.s32 $0x0;
	s6 =	srdreg.scid;
	s8 =	stileid.u32;
	v0 =	vlaneseq.u32  }
0x7: {  	s12 =	simm.s32 $0x8000;
	s11 =	simm.s32 $0xA;
	s13 =	simm.s32 $0x3;
	v0 =	vmul.u32 $0x80, v0  }
0x8: {  	s14 =	simm.s32 $0xB;
	s15 =	simm.s32 $0x4;
	s16 =	simm.s32 $0xC  }
0x9: {  	s17 =	simm.s32 $0x5;
	s18 =	simm.s32 $0xD;
	s19 =	simm.s32 $0x6;
	v1 =	vor.u32 $0x800, v0;
	v2 =	vor.u32 $0x1000, v0;
	v3 =	vor.u32 $0x1800, v0  }
0xa: {  	s20 =	simm.s32 $0xE;
	s21 =	simm.s32 $0x7;
	s22 =	simm.s32 $0xF;
	v4 =	vor.u32 $0x2000, v0;
	v5 =	vor.u32 $0x2800, v0;
	v6 =	vor.u32 $0x3000, v0  }
0xb: {  	s23 =	simm.s32 $0x8;
	s24 =	simm.s32 $0x10;
	s6 =	sand.u32 $0x1, s6;
	v7 =	vor.u32 $0x3800, v0;
	v8 =	vor.u32 $0x4000, v0;
	v9 =	vor.u32 $0x4800, v0  }
0xc: {  	s8 =	sshll.u32 s8, $0x7;
	s7 =	ssub.s32 $0x2, s6;
	s6 =	sshll.u32 s6, $0x6;
	v10 =	vor.u32 $0x5000, v0;
	v11 =	vor.u32 $0x5800, v0;
	v12 =	vor.u32 $0x6000, v0  }
0xd: {  	s26 =	simm.s32 $0x10000;
	[smem:$0x7FF] =	sst s4;
	s6 =	sor.u32 s6, s8;
	v13 =	vor.u32 $0x6800, v0;
	v14 =	vor.u32 $0x7000, v0;
	v15 =	vor.u32 $0x7800, v0  }
0xe: {  	_ =	strace $0x80000047;
	s9 =	sshrl.u32 s7, $0x1;
	v16 =	vor.u32 $0x1, v0;
	v17 =	vor.u32 $0x2, v0;
	v18 =	vor.u32 $0x3, v0;
	s0 =	sadd.s32 s0, s6  }
0xf: {  	v19 =	vor.u32 $0x4, v0;
	v20 =	vor.u32 $0x5, v0;
	v21 =	vor.u32 $0x6, v0;
	s7 =	ssub.s32 s7, s9;
	s29 =	sadd.s32 s3, s6;
	[dreg:$0x6] =	wrdreg s0  }
0x10: {  	v22 =	vor.u32 $0x7, v0;
	v23 =	vor.u32 $0x8, v0;
	v24 =	vor.u32 $0x9, v0;
	s30 =	sadd.s32 s5, s6;
	s6 =	simm.s32 $0x11;
	[dreg:$0x7] =	wrdreg s29  }
0x11: {  	v25 =	vor.u32 $0xA, v0;
	v26 =	vor.u32 $0xB, v0;
	v27 =	vor.u32 $0xC, v0;
	s3 =	simm.s32 $0x9;
	[dreg:$0x8] =	wrdreg s30;
	s31 =	smax.u32 s7, $0x1  }
0x12: {  	v28 =	vor.u32 $0xD, v0;
	v29 =	vor.u32 $0xE, v0;
	v30 =	vor.u32 $0xF, v0;
	s9 =	simm.s32 $0x2;
	s5 =	simm.s32 $0x0;
	[dreg:$0x9] =	wrdreg s31  }
.LBB2_1:
0x13: {  	[dreg:$0xa] =	wrdreg s5  }
0x14: {  	s0 =	rddreg [dreg:$0x6];
	s28 =	simm.s32 $0x10A00  }
0x15: {  	[tilespmem:s28], [sflag:$0x11] =	stream.linear.gather [hbm4b:s0+s4], $0x200, $0x38;
	[tilespmem:$0x10F00] =	vst v63  }
0x16: {  	_ =	swait.ge [sflag:s6], $0x200  }
0x17: {  	[sflag:s6] =	ssyncset.done $0x0  }
0x18: {  	s8 =	simm.s32 $0x10C80;
	s7 =	rddreg [dreg:$0x7];
	[sflag:s6] =	ssyncadd.s32 $0xFFFFFE00  }
0x19: {  	[tilespmem:s8], [sflag:$0x11] =	stream.linear.gather [hbm4b:s7+s4], $0x200, $0x38;
	[tilespmem:$0x10F00] =	vst v63  }
0x1a: {  	_ =	swait.ge [sflag:s6], $0x200  }
0x1b: {  	[sflag:s6] =	ssyncset.done $0x0  }
0x1c: {  	[sflag:s6] =	ssyncadd.s32 $0xFFFFFE00  }
0x1d: {  	v31 =	vld [tilespmem:$0x10A00]  }
0x1e: {  	v32 =	vld [tilespmem:$0x10C80];
	_ =	sdelay $0x3  }
0x1f: {  	(v2sf) =	vpush v31, $0x0  }
0x20: {  	(v2sf) =	vpush v32, $0x0;
	_ =	sdelay $0xd  }
0x21: {  	s10 =	spop (v2sf)  }
0x22: {  	s5 =	sand.u32 $0xFFFFF80, s10;
	s25 =	spop (v2sf)  }
0x23: {  	s5 =	sadd.s32 s1, s5;
	s6 =	sand.u32 $0xFFFFF80, s25  }
0x24: {  	[tilespmem:s4], [sflag:$0x1] =	stream.linear.gather [hbm4b:s5+s4], $0x400, $0x38;
	[tilespmem:$0x10F00] =	vst v63  }
0x25: {  	s6 =	sadd.s32 s2, s6  }
0x26: {  	[tilespmem:s12], [sflag:$0x9] =	stream.linear.gather [hbm4b:s6+s4], $0x400, $0x38;
	[tilespmem:$0x10F00] =	vst v63  }
0x27: {  	s28 =	simm.s32 $0x400;
	s7 =	sadd.s32 $0xF4280, s5  }
0x28: {  	[tilespmem:s28], [sflag:$0x1] =	stream.linear.gather [hbm4b:s7+s4], $0x400, $0x38;
	[tilespmem:$0x10F00] =	vst v63  }
0x29: {  	s10 =	simm.s32 $0x8400;
	s8 =	sadd.s32 $0xF4280, s6  }
0x2a: {  	[tilespmem:s10], [sflag:$0x9] =	stream.linear.gather [hbm4b:s8+s4], $0x400, $0x38;
	[tilespmem:$0x10F00] =	vst v63  }
0x2b: {  	s25 =	sadd.s32 $0x1E8500, s5;
	s28 =	simm.s32 $0x800  }
0x2c: {  	[tilespmem:s28], [sflag:$0x1] =	stream.linear.gather [hbm4b:s25+s4], $0x400, $0x38;
	[tilespmem:$0x10F00] =	vst v63  }
0x2d: {  	s0 =	sadd.s32 $0x1E8500, s6;
	s8 =	simm.s32 $0x8800  }
0x2e: {  	[tilespmem:s8], [sflag:$0x9] =	stream.linear.gather [hbm4b:s0+s4], $0x400, $0x38;
	[tilespmem:$0x10F00] =	vst v63  }
0x2f: {  	s5 =	sadd.s32 $0x2DC780, s5;
	s10 =	simm.s32 $0xC00  }
0x30: {  	[tilespmem:s10], [sflag:$0x1] =	stream.linear.gather [hbm4b:s5+s4], $0x400, $0x38;
	[tilespmem:$0x10F00] =	vst v63  }
0x31: {  	s25 =	sadd.s32 $0x2DC780, s6;
	s28 =	simm.s32 $0x8C00  }
0x32: {  	[tilespmem:s28], [sflag:$0x9] =	stream.linear.gather [hbm4b:s25+s4], $0x400, $0x38;
	[tilespmem:$0x10F00] =	vst v63  }
0x33: {  	v31 =	vld [tilespmem:$0x10A01]  }
0x34: {  	v57 =	vld [tilespmem:$0x10C81];
	_ =	sdelay $0x3  }
0x35: {  	(v2sf) =	vpush v31, $0x0  }
0x36: {  	(v2sf) =	vpush v57, $0x0;
	_ =	sdelay $0xd  }
0x37: {  	s6 =	spop (v2sf)  }
0x38: {  	s5 =	sand.u32 $0xFFFFF80, s6;
	s7 =	spop (v2sf)  }
0x39: {  	s8 =	simm.s32 $0x1000;
	s5 =	sadd.s32 s1, s5;
	s6 =	sand.u32 $0xFFFFF80, s7  }
0x3a: {  	[tilespmem:s8], [sflag:$0x2] =	stream.linear.gather [hbm4b:s5+s4], $0x400, $0x38;
	[tilespmem:$0x10F00] =	vst v63  }
0x3b: {  	s10 =	simm.s32 $0x9000;
	s6 =	sadd.s32 s2, s6  }
0x3c: {  	[tilespmem:s10], [sflag:$0xA] =	stream.linear.gather [hbm4b:s6+s4], $0x400, $0x38;
	[tilespmem:$0x10F00] =	vst v63  }
0x3d: {  	s28 =	simm.s32 $0x1400;
	s25 =	sadd.s32 $0xF4280, s5  }
0x3e: {  	[tilespmem:s28], [sflag:$0x2] =	stream.linear.gather [hbm4b:s25+s4], $0x400, $0x38;
	[tilespmem:$0x10F00] =	vst v63  }
0x3f: {  	s8 =	sadd.s32 $0xF4280, s6;
	s10 =	simm.s32 $0x9400  }
0x40: {  	[tilespmem:s10], [sflag:$0xA] =	stream.linear.gather [hbm4b:s8+s4], $0x400, $0x38;
	[tilespmem:$0x10F00] =	vst v63  }
0x41: {  	s25 =	sadd.s32 $0x1E8500, s5;
	s28 =	simm.s32 $0x1800  }
0x42: {  	[tilespmem:s28], [sflag:$0x2] =	stream.linear.gather [hbm4b:s25+s4], $0x400, $0x38;
	[tilespmem:$0x10F00] =	vst v63  }
0x43: {  	s0 =	sadd.s32 $0x1E8500, s6;
	s8 =	simm.s32 $0x9800  }
0x44: {  	[tilespmem:s8], [sflag:$0xA] =	stream.linear.gather [hbm4b:s0+s4], $0x400, $0x38;
	[tilespmem:$0x10F00] =	vst v63  }
0x45: {  	s5 =	sadd.s32 $0x2DC780, s5;
	s10 =	simm.s32 $0x1C00  }
0x46: {  	[tilespmem:s10], [sflag:$0x2] =	stream.linear.gather [hbm4b:s5+s4], $0x400, $0x38;
	[tilespmem:$0x10F00] =	vst v63  }
0x47: {  	s25 =	sadd.s32 $0x2DC780, s6;
	s28 =	simm.s32 $0x9C00  }
0x48: {  	[tilespmem:s28], [sflag:$0xA] =	stream.linear.gather [hbm4b:s25+s4], $0x400, $0x38;
	[tilespmem:$0x10F00] =	vst v63  }
0x49: {  	v31 =	vld [tilespmem:$0x10A02]  }
0x4a: {  	v58 =	vld [tilespmem:$0x10C82];
	_ =	sdelay $0x3  }
0x4b: {  	(v2sf) =	vpush v31, $0x0  }
0x4c: {  	(v2sf) =	vpush v58, $0x0;
	_ =	sdelay $0xd  }
0x4d: {  	s6 =	spop (v2sf)  }
0x4e: {  	s5 =	sand.u32 $0xFFFFF80, s6;
	s7 =	spop (v2sf)  }
0x4f: {  	s8 =	simm.s32 $0x2000;
	s5 =	sadd.s32 s1, s5;
	s6 =	sand.u32 $0xFFFFF80, s7  }
0x50: {  	[tilespmem:s8], [sflag:$0x3] =	stream.linear.gather [hbm4b:s5+s4], $0x400, $0x38;
	[tilespmem:$0x10F00] =	vst v63  }
0x51: {  	s10 =	simm.s32 $0xA000;
	s6 =	sadd.s32 s2, s6  }
0x52: {  	[tilespmem:s10], [sflag:$0xB] =	stream.linear.gather [hbm4b:s6+s4], $0x400, $0x38;
	[tilespmem:$0x10F00] =	vst v63  }
0x53: {  	s28 =	simm.s32 $0x2400;
	s25 =	sadd.s32 $0xF4280, s5  }
0x54: {  	[tilespmem:s28], [sflag:$0x3] =	stream.linear.gather [hbm4b:s25+s4], $0x400, $0x38;
	[tilespmem:$0x10F00] =	vst v63  }
0x55: {  	s8 =	sadd.s32 $0xF4280, s6;
	s10 =	simm.s32 $0xA400  }
0x56: {  	[tilespmem:s10], [sflag:$0xB] =	stream.linear.gather [hbm4b:s8+s4], $0x400, $0x38;
	[tilespmem:$0x10F00] =	vst v63  }
0x57: {  	s25 =	sadd.s32 $0x1E8500, s5;
	s28 =	simm.s32 $0x2800  }
0x58: {  	[tilespmem:s28], [sflag:$0x3] =	stream.linear.gather [hbm4b:s25+s4], $0x400, $0x38;
	[tilespmem:$0x10F00] =	vst v63  }
0x59: {  	s0 =	sadd.s32 $0x1E8500, s6;
	s8 =	simm.s32 $0xA800  }
0x5a: {  	[tilespmem:s8], [sflag:$0xB] =	stream.linear.gather [hbm4b:s0+s4], $0x400, $0x38;
	[tilespmem:$0x10F00] =	vst v63  }
0x5b: {  	s5 =	sadd.s32 $0x2DC780, s5;
	s10 =	simm.s32 $0x2C00  }
0x5c: {  	[tilespmem:s10], [sflag:$0x3] =	stream.linear.gather [hbm4b:s5+s4], $0x400, $0x38;
	[tilespmem:$0x10F00] =	vst v63  }
0x5d: {  	s25 =	sadd.s32 $0x2DC780, s6;
	s28 =	simm.s32 $0xAC00  }
0x5e: {  	[tilespmem:s28], [sflag:$0xB] =	stream.linear.gather [hbm4b:s25+s4], $0x400, $0x38;
	[tilespmem:$0x10F00] =	vst v63  }
0x5f: {  	v31 =	vld [tilespmem:$0x10A03]  }
0x60: {  	v59 =	vld [tilespmem:$0x10C83];
	_ =	sdelay $0x3  }
0x61: {  	(v2sf) =	vpush v31, $0x0  }
0x62: {  	(v2sf) =	vpush v59, $0x0;
	_ =	sdelay $0xd  }
0x63: {  	s6 =	spop (v2sf)  }
0x64: {  	s5 =	sand.u32 $0xFFFFF80, s6;
	s7 =	spop (v2sf)  }
0x65: {  	s8 =	simm.s32 $0x3000;
	s5 =	sadd.s32 s1, s5;
	s6 =	sand.u32 $0xFFFFF80, s7  }
0x66: {  	[tilespmem:s8], [sflag:$0x4] =	stream.linear.gather [hbm4b:s5+s4], $0x400, $0x38;
	[tilespmem:$0x10F00] =	vst v63  }
0x67: {  	s10 =	simm.s32 $0xB000;
	s6 =	sadd.s32 s2, s6  }
0x68: {  	[tilespmem:s10], [sflag:$0xC] =	stream.linear.gather [hbm4b:s6+s4], $0x400, $0x38;
	[tilespmem:$0x10F00] =	vst v63  }
0x69: {  	s28 =	simm.s32 $0x3400;
	s25 =	sadd.s32 $0xF4280, s5  }
0x6a: {  	[tilespmem:s28], [sflag:$0x4] =	stream.linear.gather [hbm4b:s25+s4], $0x400, $0x38;
	[tilespmem:$0x10F00] =	vst v63  }
0x6b: {  	s8 =	sadd.s32 $0xF4280, s6;
	s10 =	simm.s32 $0xB400  }
0x6c: {  	[tilespmem:s10], [sflag:$0xC] =	stream.linear.gather [hbm4b:s8+s4], $0x400, $0x38;
	[tilespmem:$0x10F00] =	vst v63  }
0x6d: {  	s25 =	sadd.s32 $0x1E8500, s5;
	s28 =	simm.s32 $0x3800  }
0x6e: {  	[tilespmem:s28], [sflag:$0x4] =	stream.linear.gather [hbm4b:s25+s4], $0x400, $0x38;
	[tilespmem:$0x10F00] =	vst v63  }
0x6f: {  	s0 =	sadd.s32 $0x1E8500, s6;
	s8 =	simm.s32 $0xB800  }
0x70: {  	[tilespmem:s8], [sflag:$0xC] =	stream.linear.gather [hbm4b:s0+s4], $0x400, $0x38;
	[tilespmem:$0x10F00] =	vst v63  }
0x71: {  	s5 =	sadd.s32 $0x2DC780, s5;
	s10 =	simm.s32 $0x3C00  }
0x72: {  	[tilespmem:s10], [sflag:$0x4] =	stream.linear.gather [hbm4b:s5+s4], $0x400, $0x38;
	[tilespmem:$0x10F00] =	vst v63  }
0x73: {  	s25 =	sadd.s32 $0x2DC780, s6;
	s28 =	simm.s32 $0xBC00  }
0x74: {  	[tilespmem:s28], [sflag:$0xC] =	stream.linear.gather [hbm4b:s25+s4], $0x400, $0x38;
	[tilespmem:$0x10F00] =	vst v63  }
0x75: {  	v31 =	vld [tilespmem:$0x10A04]  }
0x76: {  	v60 =	vld [tilespmem:$0x10C84];
	_ =	sdelay $0x3  }
0x77: {  	(v2sf) =	vpush v31, $0x0  }
0x78: {  	(v2sf) =	vpush v60, $0x0;
	_ =	sdelay $0xd  }
0x79: {  	s6 =	spop (v2sf)  }
0x7a: {  	s5 =	sand.u32 $0xFFFFF80, s6;
	s7 =	spop (v2sf)  }
0x7b: {  	s8 =	simm.s32 $0x4000;
	s5 =	sadd.s32 s1, s5;
	s6 =	sand.u32 $0xFFFFF80, s7  }
0x7c: {  	[tilespmem:s8], [sflag:$0x5] =	stream.linear.gather [hbm4b:s5+s4], $0x400, $0x38;
	[tilespmem:$0x10F00] =	vst v63  }
0x7d: {  	s10 =	simm.s32 $0xC000;
	s6 =	sadd.s32 s2, s6  }
0x7e: {  	[tilespmem:s10], [sflag:$0xD] =	stream.linear.gather [hbm4b:s6+s4], $0x400, $0x38;
	[tilespmem:$0x10F00] =	vst v63  }
0x7f: {  	s28 =	simm.s32 $0x4400;
	s25 =	sadd.s32 $0xF4280, s5  }
0x80: {  	[tilespmem:s28], [sflag:$0x5] =	stream.linear.gather [hbm4b:s25+s4], $0x400, $0x38;
	[tilespmem:$0x10F00] =	vst v63  }
0x81: {  	s8 =	sadd.s32 $0xF4280, s6;
	s10 =	simm.s32 $0xC400  }
0x82: {  	[tilespmem:s10], [sflag:$0xD] =	stream.linear.gather [hbm4b:s8+s4], $0x400, $0x38;
	[tilespmem:$0x10F00] =	vst v63  }
0x83: {  	s25 =	sadd.s32 $0x1E8500, s5;
	s28 =	simm.s32 $0x4800  }
0x84: {  	[tilespmem:s28], [sflag:$0x5] =	stream.linear.gather [hbm4b:s25+s4], $0x400, $0x38;
	[tilespmem:$0x10F00] =	vst v63  }
0x85: {  	s0 =	sadd.s32 $0x1E8500, s6;
	s8 =	simm.s32 $0xC800  }
0x86: {  	[tilespmem:s8], [sflag:$0xD] =	stream.linear.gather [hbm4b:s0+s4], $0x400, $0x38;
	[tilespmem:$0x10F00] =	vst v63  }
0x87: {  	s5 =	sadd.s32 $0x2DC780, s5;
	s10 =	simm.s32 $0x4C00  }
0x88: {  	[tilespmem:s10], [sflag:$0x5] =	stream.linear.gather [hbm4b:s5+s4], $0x400, $0x38;
	[tilespmem:$0x10F00] =	vst v63  }
0x89: {  	s25 =	sadd.s32 $0x2DC780, s6;
	s28 =	simm.s32 $0xCC00  }
0x8a: {  	[tilespmem:s28], [sflag:$0xD] =	stream.linear.gather [hbm4b:s25+s4], $0x400, $0x38;
	[tilespmem:$0x10F00] =	vst v63  }
0x8b: {  	v31 =	vld [tilespmem:$0x10A05]  }
0x8c: {  	v61 =	vld [tilespmem:$0x10C85];
	_ =	sdelay $0x3  }
0x8d: {  	(v2sf) =	vpush v31, $0x0  }
0x8e: {  	(v2sf) =	vpush v61, $0x0;
	_ =	sdelay $0xd  }
0x8f: {  	s6 =	spop (v2sf)  }
0x90: {  	s5 =	sand.u32 $0xFFFFF80, s6;
	s7 =	spop (v2sf)  }
0x91: {  	s8 =	simm.s32 $0x5000;
	s5 =	sadd.s32 s1, s5;
	s6 =	sand.u32 $0xFFFFF80, s7  }
0x92: {  	[tilespmem:s8], [sflag:$0x6] =	stream.linear.gather [hbm4b:s5+s4], $0x400, $0x38;
	[tilespmem:$0x10F00] =	vst v63  }
0x93: {  	s10 =	simm.s32 $0xD000;
	s6 =	sadd.s32 s2, s6  }
0x94: {  	[tilespmem:s10], [sflag:$0xE] =	stream.linear.gather [hbm4b:s6+s4], $0x400, $0x38;
	[tilespmem:$0x10F00] =	vst v63  }
0x95: {  	s28 =	simm.s32 $0x5400;
	s25 =	sadd.s32 $0xF4280, s5  }
0x96: {  	[tilespmem:s28], [sflag:$0x6] =	stream.linear.gather [hbm4b:s25+s4], $0x400, $0x38;
	[tilespmem:$0x10F00] =	vst v63  }
0x97: {  	s8 =	sadd.s32 $0xF4280, s6;
	s10 =	simm.s32 $0xD400  }
0x98: {  	[tilespmem:s10], [sflag:$0xE] =	stream.linear.gather [hbm4b:s8+s4], $0x400, $0x38;
	[tilespmem:$0x10F00] =	vst v63  }
0x99: {  	s25 =	sadd.s32 $0x1E8500, s5;
	s28 =	simm.s32 $0x5800  }
0x9a: {  	[tilespmem:s28], [sflag:$0x6] =	stream.linear.gather [hbm4b:s25+s4], $0x400, $0x38;
	[tilespmem:$0x10F00] =	vst v63  }
0x9b: {  	s0 =	sadd.s32 $0x1E8500, s6;
	s8 =	simm.s32 $0xD800  }
0x9c: {  	[tilespmem:s8], [sflag:$0xE] =	stream.linear.gather [hbm4b:s0+s4], $0x400, $0x38;
	[tilespmem:$0x10F00] =	vst v63  }
0x9d: {  	s5 =	sadd.s32 $0x2DC780, s5;
	s10 =	simm.s32 $0x5C00  }
0x9e: {  	[tilespmem:s10], [sflag:$0x6] =	stream.linear.gather [hbm4b:s5+s4], $0x400, $0x38;
	[tilespmem:$0x10F00] =	vst v63  }
0x9f: {  	s25 =	sadd.s32 $0x2DC780, s6;
	s28 =	simm.s32 $0xDC00  }
0xa0: {  	[tilespmem:s28], [sflag:$0xE] =	stream.linear.gather [hbm4b:s25+s4], $0x400, $0x38;
	[tilespmem:$0x10F00] =	vst v63  }
0xa1: {  	v31 =	vld [tilespmem:$0x10A06]  }
0xa2: {  	v62 =	vld [tilespmem:$0x10C86];
	_ =	sdelay $0x3  }
0xa3: {  	(v2sf) =	vpush v31, $0x0  }
0xa4: {  	(v2sf) =	vpush v62, $0x0;
	_ =	sdelay $0xd  }
0xa5: {  	s6 =	spop (v2sf)  }
0xa6: {  	s5 =	sand.u32 $0xFFFFF80, s6;
	s7 =	spop (v2sf)  }
0xa7: {  	s8 =	simm.s32 $0x6000;
	s5 =	sadd.s32 s1, s5;
	s6 =	sand.u32 $0xFFFFF80, s7  }
0xa8: {  	[tilespmem:s8], [sflag:$0x7] =	stream.linear.gather [hbm4b:s5+s4], $0x400, $0x38;
	[tilespmem:$0x10F00] =	vst v63  }
0xa9: {  	s10 =	simm.s32 $0xE000;
	s6 =	sadd.s32 s2, s6  }
0xaa: {  	[tilespmem:s10], [sflag:$0xF] =	stream.linear.gather [hbm4b:s6+s4], $0x400, $0x38;
	[tilespmem:$0x10F00] =	vst v63  }
0xab: {  	s28 =	simm.s32 $0x6400;
	s25 =	sadd.s32 $0xF4280, s5  }
0xac: {  	[tilespmem:s28], [sflag:$0x7] =	stream.linear.gather [hbm4b:s25+s4], $0x400, $0x38;
	[tilespmem:$0x10F00] =	vst v63  }
0xad: {  	s8 =	sadd.s32 $0xF4280, s6;
	s10 =	simm.s32 $0xE400  }
0xae: {  	[tilespmem:s10], [sflag:$0xF] =	stream.linear.gather [hbm4b:s8+s4], $0x400, $0x38;
	[tilespmem:$0x10F00] =	vst v63  }
0xaf: {  	s25 =	sadd.s32 $0x1E8500, s5;
	s28 =	simm.s32 $0x6800  }
0xb0: {  	[tilespmem:s28], [sflag:$0x7] =	stream.linear.gather [hbm4b:s25+s4], $0x400, $0x38;
	[tilespmem:$0x10F00] =	vst v63  }
0xb1: {  	s0 =	sadd.s32 $0x1E8500, s6;
	s8 =	simm.s32 $0xE800  }
0xb2: {  	[tilespmem:s8], [sflag:$0xF] =	stream.linear.gather [hbm4b:s0+s4], $0x400, $0x38;
	[tilespmem:$0x10F00] =	vst v63  }
0xb3: {  	s5 =	sadd.s32 $0x2DC780, s5;
	s10 =	simm.s32 $0x6C00  }
0xb4: {  	[tilespmem:s10], [sflag:$0x7] =	stream.linear.gather [hbm4b:s5+s4], $0x400, $0x38;
	[tilespmem:$0x10F00] =	vst v63  }
0xb5: {  	s25 =	sadd.s32 $0x2DC780, s6;
	s28 =	simm.s32 $0xEC00  }
0xb6: {  	[tilespmem:s28], [sflag:$0xF] =	stream.linear.gather [hbm4b:s25+s4], $0x400, $0x38;
	[tilespmem:$0x10F00] =	vst v63  }
0xb7: {  	v31 =	vld [tilespmem:$0x10A07]  }
0xb8: {  	v63 =	vld [tilespmem:$0x10C87];
	_ =	sdelay $0x3  }
0xb9: {  	(v2sf) =	vpush v31, $0x0  }
0xba: {  	(v2sf) =	vpush v63, $0x0;
	_ =	sdelay $0xd  }
0xbb: {  	s6 =	spop (v2sf)  }
0xbc: {  	s5 =	sand.u32 $0xFFFFF80, s6;
	s7 =	spop (v2sf)  }
0xbd: {  	s8 =	simm.s32 $0x7000;
	s5 =	sadd.s32 s1, s5;
	s6 =	sand.u32 $0xFFFFF80, s7  }
0xbe: {  	[tilespmem:s8], [sflag:$0x8] =	stream.linear.gather [hbm4b:s5+s4], $0x400, $0x38;
	[tilespmem:$0x10F00] =	vst v63  }
0xbf: {  	s10 =	simm.s32 $0xF000;
	s6 =	sadd.s32 s2, s6  }
0xc0: {  	[tilespmem:s10], [sflag:$0x10] =	stream.linear.gather [hbm4b:s6+s4], $0x400, $0x38;
	[tilespmem:$0x10F00] =	vst v63  }
0xc1: {  	s28 =	simm.s32 $0x7400;
	s25 =	sadd.s32 $0xF4280, s5  }
0xc2: {  	[tilespmem:s28], [sflag:$0x8] =	stream.linear.gather [hbm4b:s25+s4], $0x400, $0x38;
	[tilespmem:$0x10F00] =	vst v63  }
0xc3: {  	s8 =	sadd.s32 $0xF4280, s6;
	s10 =	simm.s32 $0xF400  }
0xc4: {  	[tilespmem:s10], [sflag:$0x10] =	stream.linear.gather [hbm4b:s8+s4], $0x400, $0x38;
	[tilespmem:$0x10F00] =	vst v63  }
0xc5: {  	s25 =	sadd.s32 $0x1E8500, s5;
	s28 =	simm.s32 $0x7800  }
0xc6: {  	[tilespmem:s28], [sflag:$0x8] =	stream.linear.gather [hbm4b:s25+s4], $0x400, $0x38;
	[tilespmem:$0x10F00] =	vst v63  }
0xc7: {  	s0 =	sadd.s32 $0x1E8500, s6;
	s8 =	simm.s32 $0xF800  }
0xc8: {  	[tilespmem:s8], [sflag:$0x10] =	stream.linear.gather [hbm4b:s0+s4], $0x400, $0x38;
	[tilespmem:$0x10F00] =	vst v63  }
0xc9: {  	s5 =	sadd.s32 $0x2DC780, s5;
	s10 =	simm.s32 $0x7C00  }
0xca: {  	[tilespmem:s10], [sflag:$0x8] =	stream.linear.gather [hbm4b:s5+s4], $0x400, $0x38;
	[tilespmem:$0x10F00] =	vst v63  }
0xcb: {  	s29 =	simm.s32 $0x107F8;
	s25 =	sadd.s32 $0x2DC780, s6;
	s28 =	simm.s32 $0xFC00  }
0xcc: {  	[tilespmem:s28], [sflag:$0x10] =	stream.linear.gather [hbm4b:s25+s4], $0x400, $0x38;
	[tilespmem:$0x10F00] =	vst v63  }
0xcd: {  	s30 =	simm.s32 $0x10C88;
	s31 =	simm.s32 $0x10A08;
	s25 =	simm.s32 $0x0  }
.LBB2_2:
0xce: {  	s0 =	simm.s32 $0x1  }
0xcf: {  	_ =	swait.ge [sflag:s0], $0x1000  }
0xd0: {  	[sflag:s0] =	ssyncset.done $0x0  }
0xd1: {  	[sflag:s0] =	ssyncadd.s32 $0xFFFFF000  }
0xd2: {  	_ =	swait.ge [sflag:s3], $0x1000  }
0xd3: {  	[sflag:s3] =	ssyncset.done $0x0  }
0xd4: {  	[sflag:s3] =	ssyncadd.s32 $0xFFFFF000  }
0xd5: {  	v31 =	vld [tilespmem:s31+$0xFFFFFFF8];
	_ =	sdelay $0x1  }
0xd6: {  	v32 =	vld [tilespmem:s30+$0xFFFFFFF8];
	_ =	sdelay $0x2  }
0xd7: {  	(v2sf) =	vpush v31, $0x0;
	_ =	sdelay $0x1  }
0xd8: {  	(v2sf) =	vpush v32, $0x0;
	_ =	sdelay $0xc  }
0xd9: {  	s5 =	spop (v2sf)  }
0xda: {  	s5 =	sand.u32 $0x7F, s5  }
0xdb: {  	s6 =	spop (v2sf);
	v31 =	vor.u32 s5, v0  }
0xdc: {  	s6 =	sand.u32 $0x7F, s6;
	v63 =	vor.u32 s5, v1  }
0xdd: {  	v33 =	vor.u32 s6, v0  }
0xde: {  	v34 =	vor.u32 s6, v1;
	_ =	sdelay $0x1  }
0xdf: {  	v31 =	vld.idx.msk [tilespmem:v31+s4+$0x0], $0xffff  }
0xe0: {  	v32 =	vld.idx.msk [tilespmem:v63+s4+$0x0], $0xffff  }
0xe1: {  	v33 =	vld.idx.msk [tilespmem:v33+s12+$0x0], $0xffff  }
0xe2: {  	v34 =	vld.idx.msk [tilespmem:v34+s12+$0x0], $0xffff;
	_ =	sdelay $0x4  }
0xe3: {  	v31 =	vmul.f32 v33, v31;
	v32 =	vmul.f32 v34, v32;
	_ =	sdelay $0x1  }
0xe4: {  	s5 =	sand.u32 $0x1, s25;
	v31 =	vadd.f32 v32, v31  }
0xe5: {  	s7 =	sshll.u32 s5, $0xA  }
0xe6: {  	p0 =	seq.s32 s25, $0x3F;
	[tilespmem:s7+$0x10000] =	vst v31  }
0xe7: {  	v31 =	vld @!p0 [tilespmem:s31+$0x0]  }
0xe8: {  	v32 =	vld @!p0 [tilespmem:s30+$0x0];
	_ =	sdelay $0x3  }
0xe9: {  	(v2sf) =	vpush @!p0 v31, $0x0  }
0xea: {  	(v2sf) =	vpush @!p0 v32, $0x0;
	_ =	sdelay $0xd  }
0xeb: {  	s6 =	spop @!p0 (v2sf)  }
0xec: {  	s6 =	sand.u32 @!p0 $0xFFFFF80, s6;
	s8 =	spop @!p0 (v2sf)  }
0xed: {  	s10 =	sadd.s32 @!p0 s1, s6;
	s6 =	simm.s32 @!p0 $0x0;
	s8 =	sand.u32 @!p0 $0xFFFFF80, s8  }
0xee: {  	[tilespmem:s6], [sflag:$0x1] =	stream.linear.gather @!p0 [hbm4b:s10+s6], $0x400, $0x38;
	[tilespmem:$0x10F00] =	vst v63  }
0xef: {  	s28 =	simm.s32 @!p0 $0x8000;
	s8 =	sadd.s32 @!p0 s2, s8  }
0xf0: {  	[tilespmem:s28], [sflag:$0x9] =	stream.linear.gather @!p0 [hbm4b:s8+s6], $0x400, $0x38;
	[tilespmem:$0x10F00] =	vst v63  }
0xf1: {  	s0 =	simm.s32 @!p0 $0x400;
	s28 =	sadd.s32 @!p0 $0xF4280, s10  }
0xf2: {  	[tilespmem:s0], [sflag:$0x1] =	stream.linear.gather @!p0 [hbm4b:s28+s6], $0x400, $0x38;
	[tilespmem:$0x10F00] =	vst v63  }
0xf3: {  	s0 =	sadd.s32 @!p0 $0xF4280, s8;
	s28 =	simm.s32 @!p0 $0x8400  }
0xf4: {  	[tilespmem:s28], [sflag:$0x9] =	stream.linear.gather @!p0 [hbm4b:s0+s6], $0x400, $0x38;
	[tilespmem:$0x10F00] =	vst v63  }
0xf5: {  	s0 =	sadd.s32 @!p0 $0x1E8500, s10;
	s28 =	simm.s32 @!p0 $0x800  }
0xf6: {  	[tilespmem:s28], [sflag:$0x1] =	stream.linear.gather @!p0 [hbm4b:s0+s6], $0x400, $0x38;
	[tilespmem:$0x10F00] =	vst v63  }
0xf7: {  	s0 =	sadd.s32 @!p0 $0x1E8500, s8;
	s28 =	simm.s32 @!p0 $0x8800  }
0xf8: {  	[tilespmem:s28], [sflag:$0x9] =	stream.linear.gather @!p0 [hbm4b:s0+s6], $0x400, $0x38;
	[tilespmem:$0x10F00] =	vst v63  }
0xf9: {  	s0 =	sadd.s32 @!p0 $0x2DC780, s10;
	s10 =	simm.s32 @!p0 $0xC00  }
0xfa: {  	[tilespmem:s10], [sflag:$0x1] =	stream.linear.gather @!p0 [hbm4b:s0+s6], $0x400, $0x38;
	[tilespmem:$0x10F00] =	vst v63  }
0xfb: {  	s0 =	sadd.s32 @!p0 $0x2DC780, s8;
	s8 =	simm.s32 @!p0 $0x8C00  }
0xfc: {  	[tilespmem:s8], [sflag:$0x9] =	stream.linear.gather @!p0 [hbm4b:s0+s6], $0x400, $0x38;
	[tilespmem:$0x10F00] =	vst v63  }
0xfd: {  	_ =	swait.ge [sflag:s9], $0x1000  }
0xfe: {  	[sflag:s9] =	ssyncset.done $0x0  }
0xff: {  	[sflag:s9] =	ssyncadd.s32 $0xFFFFF000  }
0x100: {  	_ =	swait.ge [sflag:s11], $0x1000  }
0x101: {  	[sflag:s11] =	ssyncset.done $0x0  }
0x102: {  	[sflag:s11] =	ssyncadd.s32 $0xFFFFF000  }
0x103: {  	v31 =	vld [tilespmem:s31+$0xFFFFFFF9];
	_ =	sdelay $0x1  }
0x104: {  	v36 =	vld [tilespmem:s30+$0xFFFFFFF9];
	_ =	sdelay $0x2  }
0x105: {  	(v2sf) =	vpush v31, $0x0;
	_ =	sdelay $0x1  }
0x106: {  	(v2sf) =	vpush v36, $0x0;
	_ =	sdelay $0xc  }
0x107: {  	s10 =	spop (v2sf)  }
0x108: {  	s0 =	sand.u32 $0x7F, s10  }
0x109: {  	s28 =	spop (v2sf);
	v31 =	vor.u32 s0, v2  }
0x10a: {  	s8 =	sand.u32 $0x7F, s28;
	v37 =	vor.u32 s0, v3  }
0x10b: {  	v38 =	vor.u32 s8, v2  }
0x10c: {  	v39 =	vor.u32 s8, v3;
	_ =	sdelay $0x1  }
0x10d: {  	v31 =	vld.idx.msk [tilespmem:v31+s4+$0x0], $0xffff  }
0x10e: {  	v32 =	vld.idx.msk [tilespmem:v37+s4+$0x0], $0xffff  }
0x10f: {  	v33 =	vld.idx.msk [tilespmem:v38+s12+$0x0], $0xffff  }
0x110: {  	v34 =	vld.idx.msk [tilespmem:v39+s12+$0x0], $0xffff;
	_ =	sdelay $0x4  }
0x111: {  	v31 =	vmul.f32 v33, v31;
	v32 =	vmul.f32 v34, v32;
	_ =	sdelay $0x1  }
0x112: {  	v31 =	vadd.f32 v32, v31;
	_ =	sdelay $0x1  }
0x113: {  	[tilespmem:s7+$0x10080] =	vst v31  }
0x114: {  	v31 =	vld @!p0 [tilespmem:s31+$0x1]  }
0x115: {  	v32 =	vld @!p0 [tilespmem:s30+$0x1];
	_ =	sdelay $0x3  }
0x116: {  	(v2sf) =	vpush @!p0 v31, $0x0  }
0x117: {  	(v2sf) =	vpush @!p0 v32, $0x0;
	_ =	sdelay $0xd  }
0x118: {  	s0 =	spop @!p0 (v2sf)  }
0x119: {  	s0 =	sand.u32 @!p0 $0xFFFFF80, s0;
	s8 =	spop @!p0 (v2sf)  }
0x11a: {  	s10 =	simm.s32 @!p0 $0x1000;
	s0 =	sadd.s32 @!p0 s1, s0;
	s8 =	sand.u32 @!p0 $0xFFFFF80, s8  }
0x11b: {  	[tilespmem:s10], [sflag:$0x2] =	stream.linear.gather @!p0 [hbm4b:s0+s6], $0x400, $0x38;
	[tilespmem:$0x10F00] =	vst v63  }
0x11c: {  	s8 =	sadd.s32 @!p0 s2, s8;
	s10 =	simm.s32 @!p0 $0x9000  }
0x11d: {  	[tilespmem:s10], [sflag:$0xA] =	stream.linear.gather @!p0 [hbm4b:s8+s6], $0x400, $0x38;
	[tilespmem:$0x10F00] =	vst v63  }
0x11e: {  	s28 =	simm.s32 @!p0 $0x1400;
	s10 =	sadd.s32 @!p0 $0xF4280, s0  }
0x11f: {  	[tilespmem:s28], [sflag:$0x2] =	stream.linear.gather @!p0 [hbm4b:s10+s6], $0x400, $0x38;
	[tilespmem:$0x10F00] =	vst v63  }
0x120: {  	s10 =	sadd.s32 @!p0 $0xF4280, s8;
	s28 =	simm.s32 @!p0 $0x9400  }
0x121: {  	[tilespmem:s28], [sflag:$0xA] =	stream.linear.gather @!p0 [hbm4b:s10+s6], $0x400, $0x38;
	[tilespmem:$0x10F00] =	vst v63  }
0x122: {  	s10 =	sadd.s32 @!p0 $0x1E8500, s0;
	s28 =	simm.s32 @!p0 $0x1800  }
0x123: {  	[tilespmem:s28], [sflag:$0x2] =	stream.linear.gather @!p0 [hbm4b:s10+s6], $0x400, $0x38;
	[tilespmem:$0x10F00] =	vst v63  }
0x124: {  	s10 =	sadd.s32 @!p0 $0x1E8500, s8;
	s28 =	simm.s32 @!p0 $0x9800  }
0x125: {  	[tilespmem:s28], [sflag:$0xA] =	stream.linear.gather @!p0 [hbm4b:s10+s6], $0x400, $0x38;
	[tilespmem:$0x10F00] =	vst v63  }
0x126: {  	s0 =	sadd.s32 @!p0 $0x2DC780, s0;
	s10 =	simm.s32 @!p0 $0x1C00  }
0x127: {  	[tilespmem:s10], [sflag:$0x2] =	stream.linear.gather @!p0 [hbm4b:s0+s6], $0x400, $0x38;
	[tilespmem:$0x10F00] =	vst v63  }
0x128: {  	s0 =	sadd.s32 @!p0 $0x2DC780, s8;
	s8 =	simm.s32 @!p0 $0x9C00  }
0x129: {  	[tilespmem:s8], [sflag:$0xA] =	stream.linear.gather @!p0 [hbm4b:s0+s6], $0x400, $0x38;
	[tilespmem:$0x10F00] =	vst v63  }
0x12a: {  	_ =	swait.ge [sflag:s13], $0x1000  }
0x12b: {  	[sflag:s13] =	ssyncset.done $0x0  }
0x12c: {  	[sflag:s13] =	ssyncadd.s32 $0xFFFFF000  }
0x12d: {  	_ =	swait.ge [sflag:s14], $0x1000  }
0x12e: {  	[sflag:s14] =	ssyncset.done $0x0  }
0x12f: {  	[sflag:s14] =	ssyncadd.s32 $0xFFFFF000  }
0x130: {  	v31 =	vld [tilespmem:s31+$0xFFFFFFFA];
	_ =	sdelay $0x1  }
0x131: {  	v40 =	vld [tilespmem:s30+$0xFFFFFFFA];
	_ =	sdelay $0x2  }
0x132: {  	(v2sf) =	vpush v31, $0x0;
	_ =	sdelay $0x1  }
0x133: {  	(v2sf) =	vpush v40, $0x0;
	_ =	sdelay $0xc  }
0x134: {  	s10 =	spop (v2sf)  }
0x135: {  	s0 =	sand.u32 $0x7F, s10  }
0x136: {  	s28 =	spop (v2sf);
	v31 =	vor.u32 s0, v4  }
0x137: {  	s8 =	sand.u32 $0x7F, s28;
	v41 =	vor.u32 s0, v5  }
0x138: {  	v42 =	vor.u32 s8, v4  }
0x139: {  	v43 =	vor.u32 s8, v5;
	_ =	sdelay $0x1  }
0x13a: {  	v31 =	vld.idx.msk [tilespmem:v31+s4+$0x0], $0xffff  }
0x13b: {  	v32 =	vld.idx.msk [tilespmem:v41+s4+$0x0], $0xffff  }
0x13c: {  	v33 =	vld.idx.msk [tilespmem:v42+s12+$0x0], $0xffff  }
0x13d: {  	v34 =	vld.idx.msk [tilespmem:v43+s12+$0x0], $0xffff;
	_ =	sdelay $0x4  }
0x13e: {  	v31 =	vmul.f32 v33, v31;
	v32 =	vmul.f32 v34, v32;
	_ =	sdelay $0x1  }
0x13f: {  	v31 =	vadd.f32 v32, v31;
	_ =	sdelay $0x1  }
0x140: {  	[tilespmem:s7+$0x10100] =	vst v31  }
0x141: {  	v31 =	vld @!p0 [tilespmem:s31+$0x2]  }
0x142: {  	v32 =	vld @!p0 [tilespmem:s30+$0x2];
	_ =	sdelay $0x3  }
0x143: {  	(v2sf) =	vpush @!p0 v31, $0x0  }
0x144: {  	(v2sf) =	vpush @!p0 v32, $0x0;
	_ =	sdelay $0xd  }
0x145: {  	s0 =	spop @!p0 (v2sf)  }
0x146: {  	s0 =	sand.u32 @!p0 $0xFFFFF80, s0;
	s8 =	spop @!p0 (v2sf)  }
0x147: {  	s10 =	simm.s32 @!p0 $0x2000;
	s0 =	sadd.s32 @!p0 s1, s0;
	s8 =	sand.u32 @!p0 $0xFFFFF80, s8  }
0x148: {  	[tilespmem:s10], [sflag:$0x3] =	stream.linear.gather @!p0 [hbm4b:s0+s6], $0x400, $0x38;
	[tilespmem:$0x10F00] =	vst v63  }
0x149: {  	s8 =	sadd.s32 @!p0 s2, s8;
	s10 =	simm.s32 @!p0 $0xA000  }
0x14a: {  	[tilespmem:s10], [sflag:$0xB] =	stream.linear.gather @!p0 [hbm4b:s8+s6], $0x400, $0x38;
	[tilespmem:$0x10F00] =	vst v63  }
0x14b: {  	s28 =	simm.s32 @!p0 $0x2400;
	s10 =	sadd.s32 @!p0 $0xF4280, s0  }
0x14c: {  	[tilespmem:s28], [sflag:$0x3] =	stream.linear.gather @!p0 [hbm4b:s10+s6], $0x400, $0x38;
	[tilespmem:$0x10F00] =	vst v63  }
0x14d: {  	s10 =	sadd.s32 @!p0 $0xF4280, s8;
	s28 =	simm.s32 @!p0 $0xA400  }
0x14e: {  	[tilespmem:s28], [sflag:$0xB] =	stream.linear.gather @!p0 [hbm4b:s10+s6], $0x400, $0x38;
	[tilespmem:$0x10F00] =	vst v63  }
0x14f: {  	s10 =	sadd.s32 @!p0 $0x1E8500, s0;
	s28 =	simm.s32 @!p0 $0x2800  }
0x150: {  	[tilespmem:s28], [sflag:$0x3] =	stream.linear.gather @!p0 [hbm4b:s10+s6], $0x400, $0x38;
	[tilespmem:$0x10F00] =	vst v63  }
0x151: {  	s10 =	sadd.s32 @!p0 $0x1E8500, s8;
	s28 =	simm.s32 @!p0 $0xA800  }
0x152: {  	[tilespmem:s28], [sflag:$0xB] =	stream.linear.gather @!p0 [hbm4b:s10+s6], $0x400, $0x38;
	[tilespmem:$0x10F00] =	vst v63  }
0x153: {  	s0 =	sadd.s32 @!p0 $0x2DC780, s0;
	s10 =	simm.s32 @!p0 $0x2C00  }
0x154: {  	[tilespmem:s10], [sflag:$0x3] =	stream.linear.gather @!p0 [hbm4b:s0+s6], $0x400, $0x38;
	[tilespmem:$0x10F00] =	vst v63  }
0x155: {  	s0 =	sadd.s32 @!p0 $0x2DC780, s8;
	s8 =	simm.s32 @!p0 $0xAC00  }
0x156: {  	[tilespmem:s8], [sflag:$0xB] =	stream.linear.gather @!p0 [hbm4b:s0+s6], $0x400, $0x38;
	[tilespmem:$0x10F00] =	vst v63  }
0x157: {  	_ =	swait.ge [sflag:s15], $0x1000  }
0x158: {  	[sflag:s15] =	ssyncset.done $0x0  }
0x159: {  	[sflag:s15] =	ssyncadd.s32 $0xFFFFF000  }
0x15a: {  	_ =	swait.ge [sflag:s16], $0x1000  }
0x15b: {  	[sflag:s16] =	ssyncset.done $0x0  }
0x15c: {  	[sflag:s16] =	ssyncadd.s32 $0xFFFFF000  }
0x15d: {  	v31 =	vld [tilespmem:s31+$0xFFFFFFFB];
	_ =	sdelay $0x1  }
0x15e: {  	v44 =	vld [tilespmem:s30+$0xFFFFFFFB];
	_ =	sdelay $0x2  }
0x15f: {  	(v2sf) =	vpush v31, $0x0;
	_ =	sdelay $0x1  }
0x160: {  	(v2sf) =	vpush v44, $0x0;
	_ =	sdelay $0xc  }
0x161: {  	s10 =	spop (v2sf)  }
0x162: {  	s0 =	sand.u32 $0x7F, s10  }
0x163: {  	s28 =	spop (v2sf);
	v31 =	vor.u32 s0, v6  }
0x164: {  	s8 =	sand.u32 $0x7F, s28;
	v45 =	vor.u32 s0, v7  }
0x165: {  	v46 =	vor.u32 s8, v6  }
0x166: {  	v47 =	vor.u32 s8, v7;
	_ =	sdelay $0x1  }
0x167: {  	v31 =	vld.idx.msk [tilespmem:v31+s4+$0x0], $0xffff  }
0x168: {  	v32 =	vld.idx.msk [tilespmem:v45+s4+$0x0], $0xffff  }
0x169: {  	v33 =	vld.idx.msk [tilespmem:v46+s12+$0x0], $0xffff  }
0x16a: {  	v34 =	vld.idx.msk [tilespmem:v47+s12+$0x0], $0xffff;
	_ =	sdelay $0x4  }
0x16b: {  	v31 =	vmul.f32 v33, v31;
	v32 =	vmul.f32 v34, v32;
	_ =	sdelay $0x1  }
0x16c: {  	v31 =	vadd.f32 v32, v31;
	_ =	sdelay $0x1  }
0x16d: {  	[tilespmem:s7+$0x10180] =	vst v31  }
0x16e: {  	v31 =	vld @!p0 [tilespmem:s31+$0x3]  }
0x16f: {  	v32 =	vld @!p0 [tilespmem:s30+$0x3];
	_ =	sdelay $0x3  }
0x170: {  	(v2sf) =	vpush @!p0 v31, $0x0  }
0x171: {  	(v2sf) =	vpush @!p0 v32, $0x0;
	_ =	sdelay $0xd  }
0x172: {  	s0 =	spop @!p0 (v2sf)  }
0x173: {  	s0 =	sand.u32 @!p0 $0xFFFFF80, s0;
	s8 =	spop @!p0 (v2sf)  }
0x174: {  	s10 =	simm.s32 @!p0 $0x3000;
	s0 =	sadd.s32 @!p0 s1, s0;
	s8 =	sand.u32 @!p0 $0xFFFFF80, s8  }
0x175: {  	[tilespmem:s10], [sflag:$0x4] =	stream.linear.gather @!p0 [hbm4b:s0+s6], $0x400, $0x38;
	[tilespmem:$0x10F00] =	vst v63  }
0x176: {  	s8 =	sadd.s32 @!p0 s2, s8;
	s10 =	simm.s32 @!p0 $0xB000  }
0x177: {  	[tilespmem:s10], [sflag:$0xC] =	stream.linear.gather @!p0 [hbm4b:s8+s6], $0x400, $0x38;
	[tilespmem:$0x10F00] =	vst v63  }
0x178: {  	s28 =	simm.s32 @!p0 $0x3400;
	s10 =	sadd.s32 @!p0 $0xF4280, s0  }
0x179: {  	[tilespmem:s28], [sflag:$0x4] =	stream.linear.gather @!p0 [hbm4b:s10+s6], $0x400, $0x38;
	[tilespmem:$0x10F00] =	vst v63  }
0x17a: {  	s10 =	sadd.s32 @!p0 $0xF4280, s8;
	s28 =	simm.s32 @!p0 $0xB400  }
0x17b: {  	[tilespmem:s28], [sflag:$0xC] =	stream.linear.gather @!p0 [hbm4b:s10+s6], $0x400, $0x38;
	[tilespmem:$0x10F00] =	vst v63  }
0x17c: {  	s10 =	sadd.s32 @!p0 $0x1E8500, s0;
	s28 =	simm.s32 @!p0 $0x3800  }
0x17d: {  	[tilespmem:s28], [sflag:$0x4] =	stream.linear.gather @!p0 [hbm4b:s10+s6], $0x400, $0x38;
	[tilespmem:$0x10F00] =	vst v63  }
0x17e: {  	s10 =	sadd.s32 @!p0 $0x1E8500, s8;
	s28 =	simm.s32 @!p0 $0xB800  }
0x17f: {  	[tilespmem:s28], [sflag:$0xC] =	stream.linear.gather @!p0 [hbm4b:s10+s6], $0x400, $0x38;
	[tilespmem:$0x10F00] =	vst v63  }
0x180: {  	s0 =	sadd.s32 @!p0 $0x2DC780, s0;
	s10 =	simm.s32 @!p0 $0x3C00  }
0x181: {  	[tilespmem:s10], [sflag:$0x4] =	stream.linear.gather @!p0 [hbm4b:s0+s6], $0x400, $0x38;
	[tilespmem:$0x10F00] =	vst v63  }
0x182: {  	s0 =	sadd.s32 @!p0 $0x2DC780, s8;
	s8 =	simm.s32 @!p0 $0xBC00  }
0x183: {  	[tilespmem:s8], [sflag:$0xC] =	stream.linear.gather @!p0 [hbm4b:s0+s6], $0x400, $0x38;
	[tilespmem:$0x10F00] =	vst v63  }
0x184: {  	_ =	swait.ge [sflag:s17], $0x1000  }
0x185: {  	[sflag:s17] =	ssyncset.done $0x0  }
0x186: {  	[sflag:s17] =	ssyncadd.s32 $0xFFFFF000  }
0x187: {  	_ =	swait.ge [sflag:s18], $0x1000  }
0x188: {  	[sflag:s18] =	ssyncset.done $0x0  }
0x189: {  	[sflag:s18] =	ssyncadd.s32 $0xFFFFF000  }
0x18a: {  	v31 =	vld [tilespmem:s31+$0xFFFFFFFC];
	_ =	sdelay $0x1  }
0x18b: {  	v48 =	vld [tilespmem:s30+$0xFFFFFFFC];
	_ =	sdelay $0x2  }
0x18c: {  	(v2sf) =	vpush v31, $0x0;
	_ =	sdelay $0x1  }
0x18d: {  	(v2sf) =	vpush v48, $0x0;
	_ =	sdelay $0xc  }
0x18e: {  	s10 =	spop (v2sf)  }
0x18f: {  	s0 =	sand.u32 $0x7F, s10  }
0x190: {  	s28 =	spop (v2sf);
	v31 =	vor.u32 s0, v8  }
0x191: {  	s8 =	sand.u32 $0x7F, s28;
	v49 =	vor.u32 s0, v9  }
0x192: {  	v50 =	vor.u32 s8, v8  }
0x193: {  	v51 =	vor.u32 s8, v9;
	_ =	sdelay $0x1  }
0x194: {  	v31 =	vld.idx.msk [tilespmem:v31+s4+$0x0], $0xffff  }
0x195: {  	v32 =	vld.idx.msk [tilespmem:v49+s4+$0x0], $0xffff  }
0x196: {  	v33 =	vld.idx.msk [tilespmem:v50+s12+$0x0], $0xffff  }
0x197: {  	v34 =	vld.idx.msk [tilespmem:v51+s12+$0x0], $0xffff;
	_ =	sdelay $0x4  }
0x198: {  	v31 =	vmul.f32 v33, v31;
	v32 =	vmul.f32 v34, v32;
	_ =	sdelay $0x1  }
0x199: {  	v31 =	vadd.f32 v32, v31;
	_ =	sdelay $0x1  }
0x19a: {  	[tilespmem:s7+$0x10200] =	vst v31  }
0x19b: {  	v31 =	vld @!p0 [tilespmem:s31+$0x4]  }
0x19c: {  	v32 =	vld @!p0 [tilespmem:s30+$0x4];
	_ =	sdelay $0x3  }
0x19d: {  	(v2sf) =	vpush @!p0 v31, $0x0  }
0x19e: {  	(v2sf) =	vpush @!p0 v32, $0x0;
	_ =	sdelay $0xd  }
0x19f: {  	s0 =	spop @!p0 (v2sf)  }
0x1a0: {  	s0 =	sand.u32 @!p0 $0xFFFFF80, s0;
	s8 =	spop @!p0 (v2sf)  }
0x1a1: {  	s10 =	simm.s32 @!p0 $0x4000;
	s0 =	sadd.s32 @!p0 s1, s0;
	s8 =	sand.u32 @!p0 $0xFFFFF80, s8  }
0x1a2: {  	[tilespmem:s10], [sflag:$0x5] =	stream.linear.gather @!p0 [hbm4b:s0+s6], $0x400, $0x38;
	[tilespmem:$0x10F00] =	vst v63  }
0x1a3: {  	s8 =	sadd.s32 @!p0 s2, s8;
	s10 =	simm.s32 @!p0 $0xC000  }
0x1a4: {  	[tilespmem:s10], [sflag:$0xD] =	stream.linear.gather @!p0 [hbm4b:s8+s6], $0x400, $0x38;
	[tilespmem:$0x10F00] =	vst v63  }
0x1a5: {  	s28 =	simm.s32 @!p0 $0x4400;
	s10 =	sadd.s32 @!p0 $0xF4280, s0  }
0x1a6: {  	[tilespmem:s28], [sflag:$0x5] =	stream.linear.gather @!p0 [hbm4b:s10+s6], $0x400, $0x38;
	[tilespmem:$0x10F00] =	vst v63  }
0x1a7: {  	s10 =	sadd.s32 @!p0 $0xF4280, s8;
	s28 =	simm.s32 @!p0 $0xC400  }
0x1a8: {  	[tilespmem:s28], [sflag:$0xD] =	stream.linear.gather @!p0 [hbm4b:s10+s6], $0x400, $0x38;
	[tilespmem:$0x10F00] =	vst v63  }
0x1a9: {  	s10 =	sadd.s32 @!p0 $0x1E8500, s0;
	s28 =	simm.s32 @!p0 $0x4800  }
0x1aa: {  	[tilespmem:s28], [sflag:$0x5] =	stream.linear.gather @!p0 [hbm4b:s10+s6], $0x400, $0x38;
	[tilespmem:$0x10F00] =	vst v63  }
0x1ab: {  	s10 =	sadd.s32 @!p0 $0x1E8500, s8;
	s28 =	simm.s32 @!p0 $0xC800  }
0x1ac: {  	[tilespmem:s28], [sflag:$0xD] =	stream.linear.gather @!p0 [hbm4b:s10+s6], $0x400, $0x38;
	[tilespmem:$0x10F00] =	vst v63  }
0x1ad: {  	s0 =	sadd.s32 @!p0 $0x2DC780, s0;
	s10 =	simm.s32 @!p0 $0x4C00  }
0x1ae: {  	[tilespmem:s10], [sflag:$0x5] =	stream.linear.gather @!p0 [hbm4b:s0+s6], $0x400, $0x38;
	[tilespmem:$0x10F00] =	vst v63  }
0x1af: {  	s0 =	sadd.s32 @!p0 $0x2DC780, s8;
	s8 =	simm.s32 @!p0 $0xCC00  }
0x1b0: {  	[tilespmem:s8], [sflag:$0xD] =	stream.linear.gather @!p0 [hbm4b:s0+s6], $0x400, $0x38;
	[tilespmem:$0x10F00] =	vst v63  }
0x1b1: {  	_ =	swait.ge [sflag:s19], $0x1000  }
0x1b2: {  	[sflag:s19] =	ssyncset.done $0x0  }
0x1b3: {  	[sflag:s19] =	ssyncadd.s32 $0xFFFFF000  }
0x1b4: {  	_ =	swait.ge [sflag:s20], $0x1000  }
0x1b5: {  	[sflag:s20] =	ssyncset.done $0x0  }
0x1b6: {  	[sflag:s20] =	ssyncadd.s32 $0xFFFFF000  }
0x1b7: {  	v31 =	vld [tilespmem:s31+$0xFFFFFFFD];
	_ =	sdelay $0x1  }
0x1b8: {  	v52 =	vld [tilespmem:s30+$0xFFFFFFFD];
	_ =	sdelay $0x2  }
0x1b9: {  	(v2sf) =	vpush v31, $0x0;
	_ =	sdelay $0x1  }
0x1ba: {  	(v2sf) =	vpush v52, $0x0;
	_ =	sdelay $0xc  }
0x1bb: {  	s10 =	spop (v2sf)  }
0x1bc: {  	s0 =	sand.u32 $0x7F, s10  }
0x1bd: {  	s28 =	spop (v2sf);
	v31 =	vor.u32 s0, v10  }
0x1be: {  	s8 =	sand.u32 $0x7F, s28;
	v53 =	vor.u32 s0, v11  }
0x1bf: {  	v54 =	vor.u32 s8, v10  }
0x1c0: {  	v55 =	vor.u32 s8, v11;
	_ =	sdelay $0x1  }
0x1c1: {  	v31 =	vld.idx.msk [tilespmem:v31+s4+$0x0], $0xffff  }
0x1c2: {  	v32 =	vld.idx.msk [tilespmem:v53+s4+$0x0], $0xffff  }
0x1c3: {  	v33 =	vld.idx.msk [tilespmem:v54+s12+$0x0], $0xffff  }
0x1c4: {  	v34 =	vld.idx.msk [tilespmem:v55+s12+$0x0], $0xffff;
	_ =	sdelay $0x4  }
0x1c5: {  	v31 =	vmul.f32 v33, v31;
	v32 =	vmul.f32 v34, v32;
	_ =	sdelay $0x1  }
0x1c6: {  	v31 =	vadd.f32 v32, v31;
	_ =	sdelay $0x1  }
0x1c7: {  	[tilespmem:s7+$0x10280] =	vst v31  }
0x1c8: {  	v31 =	vld @!p0 [tilespmem:s31+$0x5]  }
0x1c9: {  	v32 =	vld @!p0 [tilespmem:s30+$0x5];
	_ =	sdelay $0x3  }
0x1ca: {  	(v2sf) =	vpush @!p0 v31, $0x0  }
0x1cb: {  	(v2sf) =	vpush @!p0 v32, $0x0;
	_ =	sdelay $0xd  }
0x1cc: {  	s0 =	spop @!p0 (v2sf)  }
0x1cd: {  	s0 =	sand.u32 @!p0 $0xFFFFF80, s0;
	s8 =	spop @!p0 (v2sf)  }
0x1ce: {  	s10 =	simm.s32 @!p0 $0x5000;
	s0 =	sadd.s32 @!p0 s1, s0;
	s8 =	sand.u32 @!p0 $0xFFFFF80, s8  }
0x1cf: {  	[tilespmem:s10], [sflag:$0x6] =	stream.linear.gather @!p0 [hbm4b:s0+s6], $0x400, $0x38;
	[tilespmem:$0x10F00] =	vst v63  }
0x1d0: {  	s8 =	sadd.s32 @!p0 s2, s8;
	s10 =	simm.s32 @!p0 $0xD000  }
0x1d1: {  	[tilespmem:s10], [sflag:$0xE] =	stream.linear.gather @!p0 [hbm4b:s8+s6], $0x400, $0x38;
	[tilespmem:$0x10F00] =	vst v63  }
0x1d2: {  	s28 =	simm.s32 @!p0 $0x5400;
	s10 =	sadd.s32 @!p0 $0xF4280, s0  }
0x1d3: {  	[tilespmem:s28], [sflag:$0x6] =	stream.linear.gather @!p0 [hbm4b:s10+s6], $0x400, $0x38;
	[tilespmem:$0x10F00] =	vst v63  }
0x1d4: {  	s10 =	sadd.s32 @!p0 $0xF4280, s8;
	s28 =	simm.s32 @!p0 $0xD400  }
0x1d5: {  	[tilespmem:s28], [sflag:$0xE] =	stream.linear.gather @!p0 [hbm4b:s10+s6], $0x400, $0x38;
	[tilespmem:$0x10F00] =	vst v63  }
0x1d6: {  	s10 =	sadd.s32 @!p0 $0x1E8500, s0;
	s28 =	simm.s32 @!p0 $0x5800  }
0x1d7: {  	[tilespmem:s28], [sflag:$0x6] =	stream.linear.gather @!p0 [hbm4b:s10+s6], $0x400, $0x38;
	[tilespmem:$0x10F00] =	vst v63  }
0x1d8: {  	s10 =	sadd.s32 @!p0 $0x1E8500, s8;
	s28 =	simm.s32 @!p0 $0xD800  }
0x1d9: {  	[tilespmem:s28], [sflag:$0xE] =	stream.linear.gather @!p0 [hbm4b:s10+s6], $0x400, $0x38;
	[tilespmem:$0x10F00] =	vst v63  }
0x1da: {  	s0 =	sadd.s32 @!p0 $0x2DC780, s0;
	s10 =	simm.s32 @!p0 $0x5C00  }
0x1db: {  	[tilespmem:s10], [sflag:$0x6] =	stream.linear.gather @!p0 [hbm4b:s0+s6], $0x400, $0x38;
	[tilespmem:$0x10F00] =	vst v63  }
0x1dc: {  	s0 =	sadd.s32 @!p0 $0x2DC780, s8;
	s8 =	simm.s32 @!p0 $0xDC00  }
0x1dd: {  	[tilespmem:s8], [sflag:$0xE] =	stream.linear.gather @!p0 [hbm4b:s0+s6], $0x400, $0x38;
	[tilespmem:$0x10F00] =	vst v63  }
0x1de: {  	_ =	swait.ge [sflag:s21], $0x1000  }
0x1df: {  	[sflag:s21] =	ssyncset.done $0x0  }
0x1e0: {  	[sflag:s21] =	ssyncadd.s32 $0xFFFFF000  }
0x1e1: {  	_ =	swait.ge [sflag:s22], $0x1000  }
0x1e2: {  	[sflag:s22] =	ssyncset.done $0x0  }
0x1e3: {  	[sflag:s22] =	ssyncadd.s32 $0xFFFFF000  }
0x1e4: {  	v31 =	vld [tilespmem:s31+$0xFFFFFFFE];
	_ =	sdelay $0x1  }
0x1e5: {  	v56 =	vld [tilespmem:s30+$0xFFFFFFFE];
	_ =	sdelay $0x2  }
0x1e6: {  	(v2sf) =	vpush v31, $0x0;
	_ =	sdelay $0x1  }
0x1e7: {  	(v2sf) =	vpush v56, $0x0;
	_ =	sdelay $0xc  }
0x1e8: {  	s10 =	spop (v2sf)  }
0x1e9: {  	s0 =	sand.u32 $0x7F, s10  }
0x1ea: {  	s28 =	spop (v2sf);
	v31 =	vor.u32 s0, v12  }
0x1eb: {  	s8 =	sand.u32 $0x7F, s28;
	v57 =	vor.u32 s0, v13  }
0x1ec: {  	v58 =	vor.u32 s8, v12  }
0x1ed: {  	v59 =	vor.u32 s8, v13;
	_ =	sdelay $0x1  }
0x1ee: {  	v31 =	vld.idx.msk [tilespmem:v31+s4+$0x0], $0xffff  }
0x1ef: {  	v32 =	vld.idx.msk [tilespmem:v57+s4+$0x0], $0xffff  }
0x1f0: {  	v33 =	vld.idx.msk [tilespmem:v58+s12+$0x0], $0xffff  }
0x1f1: {  	v34 =	vld.idx.msk [tilespmem:v59+s12+$0x0], $0xffff;
	_ =	sdelay $0x4  }
0x1f2: {  	v31 =	vmul.f32 v33, v31;
	v32 =	vmul.f32 v34, v32;
	_ =	sdelay $0x1  }
0x1f3: {  	v31 =	vadd.f32 v32, v31;
	_ =	sdelay $0x1  }
0x1f4: {  	[tilespmem:s7+$0x10300] =	vst v31  }
0x1f5: {  	v31 =	vld @!p0 [tilespmem:s31+$0x6]  }
0x1f6: {  	v32 =	vld @!p0 [tilespmem:s30+$0x6];
	_ =	sdelay $0x3  }
0x1f7: {  	(v2sf) =	vpush @!p0 v31, $0x0  }
0x1f8: {  	(v2sf) =	vpush @!p0 v32, $0x0;
	_ =	sdelay $0xd  }
0x1f9: {  	s0 =	spop @!p0 (v2sf)  }
0x1fa: {  	s0 =	sand.u32 @!p0 $0xFFFFF80, s0;
	s8 =	spop @!p0 (v2sf)  }
0x1fb: {  	s10 =	simm.s32 @!p0 $0x6000;
	s0 =	sadd.s32 @!p0 s1, s0;
	s8 =	sand.u32 @!p0 $0xFFFFF80, s8  }
0x1fc: {  	[tilespmem:s10], [sflag:$0x7] =	stream.linear.gather @!p0 [hbm4b:s0+s6], $0x400, $0x38;
	[tilespmem:$0x10F00] =	vst v63  }
0x1fd: {  	s8 =	sadd.s32 @!p0 s2, s8;
	s10 =	simm.s32 @!p0 $0xE000  }
0x1fe: {  	[tilespmem:s10], [sflag:$0xF] =	stream.linear.gather @!p0 [hbm4b:s8+s6], $0x400, $0x38;
	[tilespmem:$0x10F00] =	vst v63  }
0x1ff: {  	s28 =	simm.s32 @!p0 $0x6400;
	s10 =	sadd.s32 @!p0 $0xF4280, s0  }
0x200: {  	[tilespmem:s28], [sflag:$0x7] =	stream.linear.gather @!p0 [hbm4b:s10+s6], $0x400, $0x38;
	[tilespmem:$0x10F00] =	vst v63  }
0x201: {  	s10 =	sadd.s32 @!p0 $0xF4280, s8;
	s28 =	simm.s32 @!p0 $0xE400  }
0x202: {  	[tilespmem:s28], [sflag:$0xF] =	stream.linear.gather @!p0 [hbm4b:s10+s6], $0x400, $0x38;
	[tilespmem:$0x10F00] =	vst v63  }
0x203: {  	s10 =	sadd.s32 @!p0 $0x1E8500, s0;
	s28 =	simm.s32 @!p0 $0x6800  }
0x204: {  	[tilespmem:s28], [sflag:$0x7] =	stream.linear.gather @!p0 [hbm4b:s10+s6], $0x400, $0x38;
	[tilespmem:$0x10F00] =	vst v63  }
0x205: {  	s10 =	sadd.s32 @!p0 $0x1E8500, s8;
	s28 =	simm.s32 @!p0 $0xE800  }
0x206: {  	[tilespmem:s28], [sflag:$0xF] =	stream.linear.gather @!p0 [hbm4b:s10+s6], $0x400, $0x38;
	[tilespmem:$0x10F00] =	vst v63  }
0x207: {  	s0 =	sadd.s32 @!p0 $0x2DC780, s0;
	s10 =	simm.s32 @!p0 $0x6C00  }
0x208: {  	[tilespmem:s10], [sflag:$0x7] =	stream.linear.gather @!p0 [hbm4b:s0+s6], $0x400, $0x38;
	[tilespmem:$0x10F00] =	vst v63  }
0x209: {  	s0 =	sadd.s32 @!p0 $0x2DC780, s8;
	s8 =	simm.s32 @!p0 $0xEC00  }
0x20a: {  	[tilespmem:s8], [sflag:$0xF] =	stream.linear.gather @!p0 [hbm4b:s0+s6], $0x400, $0x38;
	[tilespmem:$0x10F00] =	vst v63  }
0x20b: {  	_ =	swait.ge [sflag:s23], $0x1000  }
0x20c: {  	[sflag:s23] =	ssyncset.done $0x0  }
0x20d: {  	[sflag:s23] =	ssyncadd.s32 $0xFFFFF000  }
0x20e: {  	_ =	swait.ge [sflag:s24], $0x1000  }
0x20f: {  	[sflag:s24] =	ssyncset.done $0x0  }
0x210: {  	[sflag:s24] =	ssyncadd.s32 $0xFFFFF000  }
0x211: {  	v31 =	vld [tilespmem:s31+$0xFFFFFFFF];
	_ =	sdelay $0x1  }
0x212: {  	v60 =	vld [tilespmem:s30+$0xFFFFFFFF];
	_ =	sdelay $0x2  }
0x213: {  	(v2sf) =	vpush v31, $0x0;
	_ =	sdelay $0x1  }
0x214: {  	(v2sf) =	vpush v60, $0x0;
	_ =	sdelay $0xc  }
0x215: {  	s10 =	spop (v2sf)  }
0x216: {  	s0 =	sand.u32 $0x7F, s10  }
0x217: {  	s28 =	spop (v2sf);
	v31 =	vor.u32 s0, v14  }
0x218: {  	s8 =	sand.u32 $0x7F, s28;
	v61 =	vor.u32 s0, v15  }
0x219: {  	v62 =	vor.u32 s8, v14  }
0x21a: {  	v63 =	vor.u32 s8, v15;
	_ =	sdelay $0x1  }
0x21b: {  	v31 =	vld.idx.msk [tilespmem:v31+s4+$0x0], $0xffff  }
0x21c: {  	v32 =	vld.idx.msk [tilespmem:v61+s4+$0x0], $0xffff  }
0x21d: {  	v33 =	vld.idx.msk [tilespmem:v62+s12+$0x0], $0xffff  }
0x21e: {  	v34 =	vld.idx.msk [tilespmem:v63+s12+$0x0], $0xffff;
	_ =	sdelay $0x4  }
0x21f: {  	v31 =	vmul.f32 v33, v31;
	v32 =	vmul.f32 v34, v32;
	_ =	sdelay $0x1  }
0x220: {  	v31 =	vadd.f32 v32, v31;
	_ =	sdelay $0x1  }
0x221: {  	[tilespmem:s7+$0x10380] =	vst v31  }
0x222: {  	v31 =	vld @!p0 [tilespmem:s31+$0x7]  }
0x223: {  	v32 =	vld @!p0 [tilespmem:s30+$0x7];
	_ =	sdelay $0x3  }
0x224: {  	(v2sf) =	vpush @!p0 v31, $0x0  }
0x225: {  	(v2sf) =	vpush @!p0 v32, $0x0;
	_ =	sdelay $0xd  }
0x226: {  	s0 =	spop @!p0 (v2sf)  }
0x227: {  	s0 =	sand.u32 @!p0 $0xFFFFF80, s0;
	s7 =	spop @!p0 (v2sf)  }
0x228: {  	s8 =	simm.s32 @!p0 $0x7000;
	s0 =	sadd.s32 @!p0 s1, s0;
	s7 =	sand.u32 @!p0 $0xFFFFF80, s7  }
0x229: {  	[tilespmem:s8], [sflag:$0x8] =	stream.linear.gather @!p0 [hbm4b:s0+s6], $0x400, $0x38;
	[tilespmem:$0x10F00] =	vst v63  }
0x22a: {  	s7 =	sadd.s32 @!p0 s2, s7;
	s8 =	simm.s32 @!p0 $0xF000  }
0x22b: {  	[tilespmem:s8], [sflag:$0x10] =	stream.linear.gather @!p0 [hbm4b:s7+s6], $0x400, $0x38;
	[tilespmem:$0x10F00] =	vst v63  }
0x22c: {  	s10 =	simm.s32 @!p0 $0x7400;
	s8 =	sadd.s32 @!p0 $0xF4280, s0  }
0x22d: {  	[tilespmem:s10], [sflag:$0x8] =	stream.linear.gather @!p0 [hbm4b:s8+s6], $0x400, $0x38;
	[tilespmem:$0x10F00] =	vst v63  }
0x22e: {  	s8 =	sadd.s32 @!p0 $0xF4280, s7;
	s10 =	simm.s32 @!p0 $0xF400  }
0x22f: {  	[tilespmem:s10], [sflag:$0x10] =	stream.linear.gather @!p0 [hbm4b:s8+s6], $0x400, $0x38;
	[tilespmem:$0x10F00] =	vst v63  }
0x230: {  	s8 =	sadd.s32 @!p0 $0x1E8500, s0;
	s10 =	simm.s32 @!p0 $0x7800  }
0x231: {  	[tilespmem:s10], [sflag:$0x8] =	stream.linear.gather @!p0 [hbm4b:s8+s6], $0x400, $0x38;
	[tilespmem:$0x10F00] =	vst v63  }
0x232: {  	s8 =	sadd.s32 @!p0 $0x1E8500, s7;
	s10 =	simm.s32 @!p0 $0xF800  }
0x233: {  	[tilespmem:s10], [sflag:$0x10] =	stream.linear.gather @!p0 [hbm4b:s8+s6], $0x400, $0x38;
	[tilespmem:$0x10F00] =	vst v63  }
0x234: {  	s0 =	sadd.s32 @!p0 $0x2DC780, s0;
	s8 =	simm.s32 @!p0 $0x7C00  }
0x235: {  	[tilespmem:s8], [sflag:$0x8] =	stream.linear.gather @!p0 [hbm4b:s0+s6], $0x400, $0x38;
	[tilespmem:$0x10F00] =	vst v63  }
0x236: {  	p1 =	seq.s32 @!p0 s5, $0x0;
	s0 =	sadd.s32 @!p0 $0x2DC780, s7;
	s7 =	simm.s32 @!p0 $0xFC00  }
0x237: {  	[tilespmem:s7], [sflag:$0x10] =	stream.linear.gather @!p0 [hbm4b:s0+s6], $0x400, $0x38;
	[tilespmem:$0x10F00] =	vst v63  }
0x238: {  	p0 =	por p0, !p1  }
0x239: {  	v31 =	vld.idx.msk @p0 [tilespmem:v0+s26+$0x0], $0xffff;
	_ =	sdelay $0x1  }
0x23a: {  	v32 =	vld.idx.msk @p0 [tilespmem:v16+s26+$0x0], $0xffff;
	_ =	sdelay $0x1  }
0x23b: {  	v33 =	vld.idx.msk @p0 [tilespmem:v17+s26+$0x0], $0xffff  }
0x23c: {  	v31 =	vadd.f32 @p0 $0.0e+00, v31  }
0x23d: {  	v34 =	vld.idx.msk @p0 [tilespmem:v18+s26+$0x0], $0xffff  }
0x23e: {  	v31 =	vadd.f32 @p0 v32, v31  }
0x23f: {  	v32 =	vld.idx.msk @p0 [tilespmem:v19+s26+$0x0], $0xffff  }
0x240: {  	v31 =	vadd.f32 @p0 v33, v31  }
0x241: {  	v33 =	vld.idx.msk @p0 [tilespmem:v20+s26+$0x0], $0xffff  }
0x242: {  	v31 =	vadd.f32 @p0 v34, v31  }
0x243: {  	v34 =	vld.idx.msk @p0 [tilespmem:v21+s26+$0x0], $0xffff  }
0x244: {  	v31 =	vadd.f32 @p0 v32, v31  }
0x245: {  	v32 =	vld.idx.msk @p0 [tilespmem:v22+s26+$0x0], $0xffff  }
0x246: {  	v31 =	vadd.f32 @p0 v33, v31  }
0x247: {  	v33 =	vld.idx.msk @p0 [tilespmem:v23+s26+$0x0], $0xffff  }
0x248: {  	v31 =	vadd.f32 @p0 v34, v31  }
0x249: {  	v34 =	vld.idx.msk @p0 [tilespmem:v24+s26+$0x0], $0xffff  }
0x24a: {  	v31 =	vadd.f32 @p0 v32, v31  }
0x24b: {  	v32 =	vld.idx.msk @p0 [tilespmem:v25+s26+$0x0], $0xffff  }
0x24c: {  	v31 =	vadd.f32 @p0 v33, v31  }
0x24d: {  	v33 =	vld.idx.msk @p0 [tilespmem:v26+s26+$0x0], $0xffff  }
0x24e: {  	v31 =	vadd.f32 @p0 v34, v31  }
0x24f: {  	v34 =	vld.idx.msk @p0 [tilespmem:v27+s26+$0x0], $0xffff  }
0x250: {  	v31 =	vadd.f32 @p0 v32, v31  }
0x251: {  	v32 =	vld.idx.msk @p0 [tilespmem:v28+s26+$0x0], $0xffff  }
0x252: {  	v31 =	vadd.f32 @p0 v33, v31  }
0x253: {  	v33 =	vld.idx.msk @p0 [tilespmem:v29+s26+$0x0], $0xffff  }
0x254: {  	v31 =	vadd.f32 @p0 v34, v31  }
0x255: {  	v34 =	vld.idx.msk @p0 [tilespmem:v30+s26+$0x0], $0xffff  }
0x256: {  	v31 =	vadd.f32 @p0 v32, v31;
	_ =	sdelay $0x1  }
0x257: {  	v31 =	vadd.f32 @p0 v33, v31;
	_ =	sdelay $0x1  }
0x258: {  	v31 =	vadd.f32 @p0 v34, v31  }
0x259: {  	s25 =	sadd.s32 $0x1, s25  }
0x25a: {  	[tilespmem:s29+$0x0] =	vst @p0 v31;
	p0 =	sne.s32 s25, $0x40  }
.Ltmp0:
0x25b: {  	_ = 	snop;
	(pc) =	sbr.rel @p0 .LBB2_2-.Ltmp0, $2  }
0x25c: {  	_ =	sdelay $0x2  }
0x25d: {  	s30 =	sadd.s32 $0x8, s30;
	s31 =	sadd.s32 $0x8, s31;
	s29 =	sadd.s32 $0x8, s29  }
0x25e: {  	s0 =	rddreg [dreg:$0x8];
	s5 =	simm.s32 $0x10800;
	s6 =	simm.s32 $0x11  }
0x25f: {  	[hbm4b:s0+s4] =	stream.linear.scatter [tilespmem:s5], [sflag:$0x11], $0x200, $0x38;
	[tilespmem:$0x10F00] =	vst v63  }
0x260: {  	_ =	swait.ge [sflag:s6], $0x200  }
0x261: {  	s30 =	rddreg [dreg:$0xa]  }
0x262: {  	s31 =	rddreg [dreg:$0x9];
	s5 =	sadd.s32 $0x1, s30  }
0x263: {  	p0 =	sne.s32 s5, s31  }
.Ltmp1:
0x264: {  	_ = 	snop;
	(pc) =	sbr.rel @p0 .LBB2_1-.Ltmp1, $3  }
0x265: {  	_ =	sdelay $0x1  }
0x266: {  	[sflag:s6] =	ssyncset.done $0x0  }
0x267: {  	[sflag:s6] =	ssyncadd.s32 $0xFFFFFE00  }
0x268: {  	_ =	sfence.sel $0x180000  }
0x269: {  	[bflag:$0x0] =	sbarrier.arrive $0xFFFF  }
0x26a: {  	_ =	strace $0x90000047  }
0x26b: {  	s0 =	stileid.u32;
	[bflag:$0x2] =	sbarrier.arrive $0xFFFF  }
0x26c: {  	p0 =	sne.s32 s0, $0x0;
	s0 =	rddreg [dreg:$0x5]  }
0x26d: {  	s0 =	sadd.s32 @!p0 $0x100000, s0  }
0x26e: {  	[sflag:s0] =	ssyncadd.tile.s32 @!p0 $0x1;
	_ =	shalt  }
.Lfunc_end2:
_tile_overlayer_lowered:
.L_overlay_start_2:
0x26f: {  	(tag) =	ssettag $0x2  }
0x270: {  	s0 =	rddreg [dreg:$0x0];
	s2 =	stileid.u32  }
0x271: {  	s1 =	rddreg [dreg:$0x1];
	p0 =	sne.s32 s2, $0x0  }
0x272: {  	s3 =	rddreg [dreg:$0x2];
	[bflag:$0x3] =	sbarrier.arrive $0xFFFF;
	s2 =	simm.s32 @!p0 $0x1C11  }
0x273: {  	[timem:s3], [sflag:s2] =	dma.local @!p0 [hbm:s0], s1  }
0x274: {  	s0 =	simm.s32 @!p0 $0x11  }
0x275: {  	_ =	swait.ge @!p0 [sflag:s0], s1  }
0x276: {  	s1 =	ssub.s32 @!p0 $0x0, s1;
	[sflag:s0] =	ssyncset.done @!p0 $0x0  }
0x277: {  	[sflag:s0] =	ssyncadd.s32 @!p0 s1  }
0x278: {  	[bflag:$0x3] =	sbarrier.arrive $0xFFFF  }
0x279: {  	_ =	shalt  }

</sc_bundles>
